<compile_context>
chip_gen: v7x
topology: tpu7x:2x2x1
jax: 0.10.2.dev20260603
libtpu: 0.0.44.dev20260713+nightly
codegen_flags: <defaults>
</compile_context>

<pallas_src>
import functools

import jax
import jax.numpy as jnp
from jax import lax
from jax.experimental import pallas as pl
from jax.experimental.pallas import tpu as pltpu
from jax.experimental.pallas import tpu_sc as plsc

_K = 20
_LANES = 16
_G = 128


_DN0 = (((0,), (0,)), ((), ()))


def _topk_kernel(n, c, xs_ref, x_ref, wt_ref, idx_ref, pt_ref, qt_ref):
    xrow = xs_ref[0]
    xb = x_ref[0]
    w1 = wt_ref[:c, :]
    w2 = wt_ref[c:, :]
    qt_ref[...] = lax.dot_general(xrow, w1, _DN0,
                                  preferred_element_type=jnp.float32)
    pt_ref[...] = lax.dot_general(xrow, w1 + w2, _DN0,
                                  preferred_element_type=jnp.float32)
    s = 2.0 * lax.dot_general(xrow, xb, _DN0,
                              preferred_element_type=jnp.float32)
    s = s - jnp.sum(xb * xb, axis=0, keepdims=True)
    y = lax.bitcast_convert_type(s, jnp.int32)
    colc = lax.broadcasted_iota(jnp.int32, s.shape, 1)
    key = lax.bitcast_convert_type(
        (y & jnp.int32(~(n - 1))) | (jnp.int32(n - 1) - colc), jnp.float32)
    base = pl.program_id(0) * n
    neginf = jnp.float32(-jnp.inf)
    nm1 = jnp.int32(n - 1)
    for k in range(_K):
        m = jnp.max(key, axis=1, keepdims=True)
        mb = lax.bitcast_convert_type(m, jnp.int32)
        idx_ref[0, :, k:k + 1] = (nm1 - (mb & nm1)) + base
        key = jnp.where(key == m, neginf, key)


def _make_sc_gather(bn, out_c, nc, ns):
    nw = nc * ns
    pw = bn // nw
    ch = 32
    nchunk = pw // ch
    rpc = ch * _K
    ng = rpc // _G
    nv = out_c // _LANES
    mesh = plsc.VectorSubcoreMesh(
        core_axis_name="c", subcore_axis_name="s", num_cores=nc)

    @functools.partial(
        pl.kernel, mesh=mesh,
        compiler_params=pltpu.CompilerParams(use_tc_tiling_on_sc=False),
        out_type=(
            jax.ShapeDtypeStruct((bn, out_c), jnp.float32),
            jax.ShapeDtypeStruct((bn, out_c), jnp.float32),
            jax.ShapeDtypeStruct((nw, 2 * out_c), jnp.float32),
        ),
        scratch_types=[
            pltpu.VMEM((2 * rpc,), jnp.int32),
            pltpu.VMEM((2 * rpc, out_c), jnp.float32),
            pltpu.VMEM((2 * ch, out_c), jnp.float32),
            pltpu.VMEM((2 * ch, out_c), jnp.float32),
            pltpu.VMEM((2 * ch, out_c), jnp.float32),
            pltpu.VMEM((2 * out_c,), jnp.float32),
            pltpu.SemaphoreType.DMA,
            pltpu.SemaphoreType.DMA,
            pltpu.SemaphoreType.DMA,
            pltpu.SemaphoreType.DMA,
            pltpu.SemaphoreType.DMA,
        ],
    )
    def sc_gather(idx_hbm, qt_hbm, pt_hbm, minq_hbm, maxq_hbm, part_hbm,
                  idx_v, rows_v, p_v, min_v, max_v, acc_v,
                  sem_i, sem_p, sem_g, sem_o0, sem_o1):
        wid = lax.axis_index("s") * nc + lax.axis_index("c")
        for i in range(2 * nv):
            acc_v[pl.ds(i * _LANES, _LANES)] = jnp.zeros((_LANES,), jnp.float32)

        def fire_idx(cb):
            par = (cb % 2) * rpc
            row0 = wid * pw + cb * ch
            pltpu.async_copy(idx_hbm.at[pl.ds(row0 * _K, rpc)],
                             idx_v.at[pl.ds(par, rpc)], sem_i)

        def wait_idx(cb):
            par = (cb % 2) * rpc
            row0 = wid * pw + cb * ch
            pltpu.make_async_copy(idx_hbm.at[pl.ds(row0 * _K, rpc)],
                                  idx_v.at[pl.ds(par, rpc)], sem_i).wait()

        def fire_p(cb):
            par = (cb % 2) * ch
            row0 = wid * pw + cb * ch
            pltpu.async_copy(pt_hbm.at[pl.ds(row0, ch)],
                             p_v.at[pl.ds(par, ch)], sem_p)

        def wait_p(cb):
            par = (cb % 2) * ch
            row0 = wid * pw + cb * ch
            pltpu.make_async_copy(pt_hbm.at[pl.ds(row0, ch)],
                                  p_v.at[pl.ds(par, ch)], sem_p).wait()

        def fire_gathers(cb):
            par = (cb % 2) * rpc
            for j in range(ng):
                pltpu.async_copy(
                    qt_hbm.at[idx_v.at[pl.ds(par + j * _G, _G)]],
                    rows_v.at[pl.ds(par + j * _G, _G)], sem_g)

        def wait_gathers(cb):
            par = (cb % 2) * rpc
            pltpu.make_async_copy(qt_hbm.at[pl.ds(0, rpc)],
                                  rows_v.at[pl.ds(par, rpc)], sem_g).wait()

        def fire_out(cb):
            par = (cb % 2) * ch
            row0 = wid * pw + cb * ch

            @pl.when(cb % 2 == 0)
            def _():
                pltpu.async_copy(min_v.at[pl.ds(par, ch)],
                                 minq_hbm.at[pl.ds(row0, ch)], sem_o0)
                pltpu.async_copy(max_v.at[pl.ds(par, ch)],
                                 maxq_hbm.at[pl.ds(row0, ch)], sem_o0)

            @pl.when(cb % 2 == 1)
            def _():
                pltpu.async_copy(min_v.at[pl.ds(par, ch)],
                                 minq_hbm.at[pl.ds(row0, ch)], sem_o1)
                pltpu.async_copy(max_v.at[pl.ds(par, ch)],
                                 maxq_hbm.at[pl.ds(row0, ch)], sem_o1)

        def wait_out(cb):
            par = (cb % 2) * ch
            row0 = wid * pw + cb * ch

            @pl.when(cb % 2 == 0)
            def _():
                pltpu.make_async_copy(min_v.at[pl.ds(par, ch)],
                                      minq_hbm.at[pl.ds(row0, ch)],
                                      sem_o0).wait()
                pltpu.make_async_copy(max_v.at[pl.ds(par, ch)],
                                      maxq_hbm.at[pl.ds(row0, ch)],
                                      sem_o0).wait()

            @pl.when(cb % 2 == 1)
            def _():
                pltpu.make_async_copy(min_v.at[pl.ds(par, ch)],
                                      minq_hbm.at[pl.ds(row0, ch)],
                                      sem_o1).wait()
                pltpu.make_async_copy(max_v.at[pl.ds(par, ch)],
                                      maxq_hbm.at[pl.ds(row0, ch)],
                                      sem_o1).wait()

        fire_idx(0)
        wait_idx(0)
        fire_gathers(0)
        fire_idx(1)
        fire_p(0)

        def chunk_body(cb, carry):
            par = cb % 2
            row0 = wid * pw + cb * ch
            wait_gathers(cb)
            wait_p(cb)

            @pl.when(cb + 1 < nchunk)
            def _():
                wait_idx(cb + 1)
                fire_gathers(cb + 1)
                fire_p(cb + 1)

            @pl.when(cb + 2 < nchunk)
            def _():
                fire_idx(cb + 2)

            @pl.when(cb >= 2)
            def _():
                wait_out(cb - 2)

            def point_body(p, carry2):
                rb = par * rpc + p * _K
                pb = par * ch + p
                for ci in range(nv):
                    sl = pl.ds(ci * _LANES, _LANES)
                    v = rows_v[rb, sl]
                    mn = v
                    mx = v
                    sv = v
                    qv = v * v
                    for kk in range(1, _K):
                        v = rows_v[rb + kk, sl]
                        mn = jnp.minimum(mn, v)
                        mx = jnp.maximum(mx, v)
                        sv = sv + v
                        qv = qv + v * v
                    min_v[pb, sl] = mn
                    max_v[pb, sl] = mx
                    pv = p_v[pb, sl]
                    a0 = pl.ds(ci * _LANES, _LANES)
                    a1 = pl.ds(out_c + ci * _LANES, _LANES)
                    kf = jnp.float32(_K)
                    acc_v[a0] = acc_v[a0] + (kf * pv - sv)
                    acc_v[a1] = acc_v[a1] + (kf * pv * pv - 2.0 * pv * sv + qv)
                return carry2

            lax.fori_loop(0, ch, point_body, 0)
            fire_out(cb)
            return carry

        lax.fori_loop(0, nchunk, chunk_body, 0)
        wait_out(nchunk - 2)
        wait_out(nchunk - 1)
        pltpu.sync_copy(acc_v, part_hbm.at[wid])

    return sc_gather


def _final_kernel(count, out_c, pt_ref, mn_ref, mx_ref, part_ref,
                  g_ref, b_ref, out_ref):
    part = part_ref[...]
    s0 = jnp.sum(part[:, :out_c], axis=0, keepdims=True)
    s1 = jnp.sum(part[:, out_c:], axis=0, keepdims=True)
    mean = s0 / count
    var = s1 / count - mean * mean
    rstd = lax.rsqrt(var + 1e-5)
    scale = g_ref[...] * rstd
    shift = b_ref[...] - mean * scale
    p = pt_ref[...]
    z = jnp.where(scale >= 0.0, p - mn_ref[...], p - mx_ref[...])
    o = z * scale + shift
    o = jnp.where(o > 0.0, o, 0.2 * o)
    out_ref[0] = jnp.transpose(o, (1, 0))


def kernel(x, W, gamma, beta):
    b, c, n = x.shape
    out_c = W.shape[0]
    bn = b * n

    info = plsc.get_sparse_core_info()
    nc, ns = info.num_cores, info.num_subcores
    nw = nc * ns

    rt = 512
    nt = n // rt
    nh = 2
    bh = b // nh
    wt = W.T
    halves = []
    parts = []
    for h in range(nh):
        b0 = h * bh
        idxg, pt, qt = pl.pallas_call(
            functools.partial(_topk_kernel, n, c),
            grid=(bh, nt),
            in_specs=[
                pl.BlockSpec((1, c, rt), lambda bi, t, b0=b0: (b0 + bi, 0, t)),
                pl.BlockSpec((1, c, n), lambda bi, t, b0=b0: (b0 + bi, 0, 0)),
                pl.BlockSpec((2 * c, out_c), lambda bi, t: (0, 0)),
            ],
            out_specs=[
                pl.BlockSpec((1, rt, _K), lambda bi, t: (bi, t, 0)),
                pl.BlockSpec((rt, out_c), lambda bi, t: (bi * nt + t, 0)),
                pl.BlockSpec((rt, out_c), lambda bi, t: (bi * nt + t, 0)),
            ],
            out_shape=[
                jax.ShapeDtypeStruct((bh, n, _K), jnp.int32),
                jax.ShapeDtypeStruct((bh * n, out_c), jnp.float32),
                jax.ShapeDtypeStruct((bh * n, out_c), jnp.float32),
            ],
        )(x, x, wt)
        idx_r = idxg.reshape(bh * n * _K)
        minq, maxq, part = _make_sc_gather(bh * n, out_c, nc, ns)(
            idx_r, qt, pt)
        halves.append((pt, minq, maxq))
        parts.append(part)

    part_all = jnp.concatenate(parts, axis=0)
    outs = []
    for h in range(nh):
        pt, minq, maxq = halves[h]
        outs.append(pl.pallas_call(
            functools.partial(_final_kernel, float(bn * _K), out_c),
            grid=(bh,),
            in_specs=[
                pl.BlockSpec((n, out_c), lambda i: (i, 0)),
                pl.BlockSpec((n, out_c), lambda i: (i, 0)),
                pl.BlockSpec((n, out_c), lambda i: (i, 0)),
                pl.BlockSpec((nh * nw, 2 * out_c), lambda i: (0, 0)),
                pl.BlockSpec((1, out_c), lambda i: (0, 0)),
                pl.BlockSpec((1, out_c), lambda i: (0, 0)),
            ],
            out_specs=pl.BlockSpec((1, out_c, n), lambda i: (i, 0, 0)),
            out_shape=jax.ShapeDtypeStruct((bh, out_c, n), jnp.float32),
        )(pt, minq, maxq, part_all,
          gamma.reshape(1, out_c), beta.reshape(1, out_c)))
    return jnp.concatenate(outs, axis=0)

# --- scband reference (transcript-rebuilt; emitter-appended) ---
"""Pipeline reference for scband-onnxcompatible-edge-conv-64896955842761 (READ-ONLY COPY).

The authoritative reference and input builder live on the scoring server;
editing this copy changes nothing except your own understanding.
"""

import jax, jax.numpy as jnp
import numpy as np

B, C, N, OUT, K = 8, 64, 2048, 64, 20

def setup_inputs(seed: int = 0) -> dict:
    key = jax.random.key(seed)
    k1, k2 = jax.random.split(key, 2)
    x = jax.random.normal(k1, (B, C, N), dtype=jnp.float32)
    W = jax.random.normal(k2, (OUT, 2 * C), dtype=jnp.float32) * 0.05
    gamma = jnp.ones((OUT,), dtype=jnp.float32)
    beta = jnp.zeros((OUT,), dtype=jnp.float32)
    return {"x": x, "W": W, "gamma": gamma, "beta": beta}

def reference(x, W, gamma, beta):
    b, c, n = x.shape
    xt = jnp.transpose(x, (0, 2, 1))              # [B,N,C]
    inner = -2.0 * jnp.matmul(xt, x)              # [B,N,N]
    xx = jnp.sum(x ** 2, axis=1, keepdims=True)   # [B,1,N]
    pairwise = -jnp.transpose(xx, (0, 2, 1)) - inner - xx  # [B,N,N]
    idx = jax.lax.top_k(pairwise, K)[1]           # [B,N,K] int32
    # gather neighbor features per batch
    gathered = jax.vmap(lambda xb, ib: xb[ib])(xt, idx)    # [B,N,K,C]
    x_neighbors = jnp.transpose(gathered, (0, 3, 1, 2))    # [B,C,N,K]
    x_center = jnp.broadcast_to(x[..., None], (b, c, n, K))
    feature = jnp.concatenate([x_center - x_neighbors, x_center], axis=1)  # [B,2C,N,K]
    # 1x1 Conv2d (no bias)
    y = jnp.einsum('oc,bcnk->bonk', W, feature)   # [B,OUT,N,K]
    # BatchNorm2d in training mode (batch statistics)
    mean = jnp.mean(y, axis=(0, 2, 3), keepdims=True)
    var = jnp.var(y, axis=(0, 2, 3), keepdims=True)
    yhat = (y - mean) / jnp.sqrt(var + 1e-5)
    y = yhat * gamma[None, :, None, None] + beta[None, :, None, None]
    # LeakyReLU(0.2)
    y = jnp.where(y > 0, y, 0.2 * y)
    # max over neighbors
    return jnp.max(y, axis=-1)                    # [B,OUT,N]

if __name__ == "__main__":
    import jax
    _d = setup_inputs()
    print(jax.jit(kernel)(*tuple(_d.values())))

</pallas_src>

<mosaic_0001>
#map = affine_map<(d0, d1) -> (0)>
#map1 = affine_map<(d0, d1) -> (0, 0)>
module attributes {stable_mosaic.version = 14 : i64} {
  func.func @sc_gather(%arg0: i32, %arg1: i32, %arg2: memref<163840xi32, #tpu.memory_space<hbm>>, %arg3: memref<8192x64xf32, #tpu.memory_space<hbm>>, %arg4: memref<8192x64xf32, #tpu.memory_space<hbm>>, %arg5: memref<8192x64xf32, #tpu.memory_space<hbm>>, %arg6: memref<8192x64xf32, #tpu.memory_space<hbm>>, %arg7: memref<32x128xf32, #tpu.memory_space<hbm>>, %arg8: memref<1280xi32, #tpu.memory_space<vmem>>, %arg9: memref<1280x64xf32, #tpu.memory_space<vmem>>, %arg10: memref<64x64xf32, #tpu.memory_space<vmem>>, %arg11: memref<64x64xf32, #tpu.memory_space<vmem>>, %arg12: memref<64x64xf32, #tpu.memory_space<vmem>>, %arg13: memref<128xf32, #tpu.memory_space<vmem>>, %arg14: memref<!tpu.dma_semaphore, #tpu.memory_space<semaphore_mem>>, %arg15: memref<!tpu.dma_semaphore, #tpu.memory_space<semaphore_mem>>, %arg16: memref<!tpu.dma_semaphore, #tpu.memory_space<semaphore_mem>>, %arg17: memref<!tpu.dma_semaphore, #tpu.memory_space<semaphore_mem>>, %arg18: memref<!tpu.dma_semaphore, #tpu.memory_space<semaphore_mem>>) attributes {dimension_semantics = [#tpu.dimension_semantics<core_parallel>, #tpu.dimension_semantics<subcore_parallel>], iteration_bounds = array<i64: 2, 16>, scalar_prefetch = 0 : i64, scratch_operands = 11 : i64, tpu.core_type = #tpu.core_type<sc_vector_subcore>, window_params = [{transform_indices = #map}, {transform_indices = #map1}, {transform_indices = #map1}, {transform_indices = #map1}, {transform_indices = #map1}, {transform_indices = #map1}]} {
    %mul3A = arith.constant 2 : i32
    %mul3A_0 = arith.muli %arg1, %mul3A : i32
    %add3A = arith.addi %mul3A_0, %arg0 : i32
    %broadcast_in_dim3A = arith.constant 0.000000e+00 : f32
    %broadcast_in_dim3A_1 = vector.broadcast %broadcast_in_dim3A : f32 to vector<16xf32>
    %swap3A = arith.constant 0 : index
    %swap3A_2 = tpu.vector_load %arg13[%swap3A] {strides = array<i32>} : memref<128xf32, #tpu.memory_space<vmem>>, vector<16xf32>,
    %swap3A_3 = vector.shape_cast %swap3A_2 : vector<16xf32> to vector<16xf32>
    %swap3A_4 = vector.shape_cast %broadcast_in_dim3A_1 : vector<16xf32> to vector<16xf32>
    tpu.vector_store %arg13[%swap3A], %swap3A_4 {strides = array<i32>} : memref<128xf32, #tpu.memory_space<vmem>>, vector<16xf32>,
    %broadcast_in_dim3A_5 = arith.constant 0.000000e+00 : f32
    %broadcast_in_dim3A_6 = vector.broadcast %broadcast_in_dim3A_5 : f32 to vector<16xf32>
    %swap3A_7 = arith.constant 16 : index
    %swap3A_8 = tpu.vector_load %arg13[%swap3A_7] {strides = array<i32>} : memref<128xf32, #tpu.memory_space<vmem>>, vector<16xf32>,
    %swap3A_9 = vector.shape_cast %swap3A_8 : vector<16xf32> to vector<16xf32>
    %swap3A_10 = vector.shape_cast %broadcast_in_dim3A_6 : vector<16xf32> to vector<16xf32>
    tpu.vector_store %arg13[%swap3A_7], %swap3A_10 {strides = array<i32>} : memref<128xf32, #tpu.memory_space<vmem>>, vector<16xf32>,
    %broadcast_in_dim3A_11 = arith.constant 0.000000e+00 : f32
    %broadcast_in_dim3A_12 = vector.broadcast %broadcast_in_dim3A_11 : f32 to vector<16xf32>
    %swap3A_13 = arith.constant 32 : index
    %swap3A_14 = tpu.vector_load %arg13[%swap3A_13] {strides = array<i32>} : memref<128xf32, #tpu.memory_space<vmem>>, vector<16xf32>,
    %swap3A_15 = vector.shape_cast %swap3A_14 : vector<16xf32> to vector<16xf32>
    %swap3A_16 = vector.shape_cast %broadcast_in_dim3A_12 : vector<16xf32> to vector<16xf32>
    tpu.vector_store %arg13[%swap3A_13], %swap3A_16 {strides = array<i32>} : memref<128xf32, #tpu.memory_space<vmem>>, vector<16xf32>,
    %broadcast_in_dim3A_17 = arith.constant 0.000000e+00 : f32
    %broadcast_in_dim3A_18 = vector.broadcast %broadcast_in_dim3A_17 : f32 to vector<16xf32>
    %swap3A_19 = arith.constant 48 : index
    %swap3A_20 = tpu.vector_load %arg13[%swap3A_19] {strides = array<i32>} : memref<128xf32, #tpu.memory_space<vmem>>, vector<16xf32>,
    %swap3A_21 = vector.shape_cast %swap3A_20 : vector<16xf32> to vector<16xf32>
    %swap3A_22 = vector.shape_cast %broadcast_in_dim3A_18 : vector<16xf32> to vector<16xf32>
    tpu.vector_store %arg13[%swap3A_19], %swap3A_22 {strides = array<i32>} : memref<128xf32, #tpu.memory_space<vmem>>, vector<16xf32>,
    %broadcast_in_dim3A_23 = arith.constant 0.000000e+00 : f32
    %broadcast_in_dim3A_24 = vector.broadcast %broadcast_in_dim3A_23 : f32 to vector<16xf32>
    %swap3A_25 = arith.constant 64 : index
    %swap3A_26 = tpu.vector_load %arg13[%swap3A_25] {strides = array<i32>} : memref<128xf32, #tpu.memory_space<vmem>>, vector<16xf32>,
    %swap3A_27 = vector.shape_cast %swap3A_26 : vector<16xf32> to vector<16xf32>
    %swap3A_28 = vector.shape_cast %broadcast_in_dim3A_24 : vector<16xf32> to vector<16xf32>
    tpu.vector_store %arg13[%swap3A_25], %swap3A_28 {strides = array<i32>} : memref<128xf32, #tpu.memory_space<vmem>>, vector<16xf32>,
    %broadcast_in_dim3A_29 = arith.constant 0.000000e+00 : f32
    %broadcast_in_dim3A_30 = vector.broadcast %broadcast_in_dim3A_29 : f32 to vector<16xf32>
    %swap3A_31 = arith.constant 80 : index
    %swap3A_32 = tpu.vector_load %arg13[%swap3A_31] {strides = array<i32>} : memref<128xf32, #tpu.memory_space<vmem>>, vector<16xf32>,
    %swap3A_33 = vector.shape_cast %swap3A_32 : vector<16xf32> to vector<16xf32>
    %swap3A_34 = vector.shape_cast %broadcast_in_dim3A_30 : vector<16xf32> to vector<16xf32>
    tpu.vector_store %arg13[%swap3A_31], %swap3A_34 {strides = array<i32>} : memref<128xf32, #tpu.memory_space<vmem>>, vector<16xf32>,
    %broadcast_in_dim3A_35 = arith.constant 0.000000e+00 : f32
    %broadcast_in_dim3A_36 = vector.broadcast %broadcast_in_dim3A_35 : f32 to vector<16xf32>
    %swap3A_37 = arith.constant 96 : index
    %swap3A_38 = tpu.vector_load %arg13[%swap3A_37] {strides = array<i32>} : memref<128xf32, #tpu.memory_space<vmem>>, vector<16xf32>,
    %swap3A_39 = vector.shape_cast %swap3A_38 : vector<16xf32> to vector<16xf32>
    %swap3A_40 = vector.shape_cast %broadcast_in_dim3A_36 : vector<16xf32> to vector<16xf32>
    tpu.vector_store %arg13[%swap3A_37], %swap3A_40 {strides = array<i32>} : memref<128xf32, #tpu.memory_space<vmem>>, vector<16xf32>,
    %broadcast_in_dim3A_41 = arith.constant 0.000000e+00 : f32
    %broadcast_in_dim3A_42 = vector.broadcast %broadcast_in_dim3A_41 : f32 to vector<16xf32>
    %swap3A_43 = arith.constant 112 : index
    %swap3A_44 = tpu.vector_load %arg13[%swap3A_43] {strides = array<i32>} : memref<128xf32, #tpu.memory_space<vmem>>, vector<16xf32>,
    %swap3A_45 = vector.shape_cast %swap3A_44 : vector<16xf32> to vector<16xf32>
    %swap3A_46 = vector.shape_cast %broadcast_in_dim3A_42 : vector<16xf32> to vector<16xf32>
    tpu.vector_store %arg13[%swap3A_43], %swap3A_46 {strides = array<i32>} : memref<128xf32, #tpu.memory_space<vmem>>, vector<16xf32>,
    %mul3A_47 = arith.constant 256 : i32
    %mul3A_48 = arith.muli %add3A, %mul3A_47 : i32
    %add3A_49 = arith.constant 0 : i32
    %add3A_50 = arith.addi %mul3A_48, %add3A_49 : i32
    %mul3A_51 = arith.constant 20 : i32
    %mul3A_52 = arith.muli %add3A_50, %mul3A_51 : i32
    %dma_start3A = arith.constant 0 : i32
    %dma_start3A_53 = tpu.memref_slice %arg8[%dma_start3A] : memref<1280xi32, #tpu.memory_space<vmem>> -> memref<640xi32, #tpu.memory_space<vmem>>
    %dma_start3A_54 = tpu.memref_slice %arg2[%mul3A_52] : memref<163840xi32, #tpu.memory_space<hbm>> -> memref<640xi32, #tpu.memory_space<hbm>>
    %dma_start3A_55 = arith.constant 0 : i32
    %dma_start3A_56 = tpu.memref_slice %arg8[%dma_start3A_55] : memref<1280xi32, #tpu.memory_space<vmem>> -> memref<640xi32, #tpu.memory_space<vmem>>
    %dma_start3A_57 = tpu.memref_slice %arg2[%mul3A_52] : memref<163840xi32, #tpu.memory_space<hbm>> -> memref<640xi32, #tpu.memory_space<hbm>>
    tpu.enqueue_dma source(%dma_start3A_57 : memref<640xi32, #tpu.memory_space<hbm>>) target(%dma_start3A_56 : memref<640xi32, #tpu.memory_space<vmem>>) target_semaphore(%arg14 : memref<!tpu.dma_semaphore, #tpu.memory_space<semaphore_mem>>)
    %mul3A_58 = arith.constant 256 : i32
    %mul3A_59 = arith.muli %add3A, %mul3A_58 : i32
    %add3A_60 = arith.constant 0 : i32
    %add3A_61 = arith.addi %mul3A_59, %add3A_60 : i32
    %mul3A_62 = arith.constant 20 : i32
    %mul3A_63 = arith.muli %add3A_61, %mul3A_62 : i32
    %dma_wait3A = arith.constant 0 : i32
    %dma_wait3A_64 = tpu.memref_slice %arg8[%dma_wait3A] : memref<1280xi32, #tpu.memory_space<vmem>> -> memref<640xi32, #tpu.memory_space<vmem>>
    %dma_wait3A_65 = tpu.memref_slice %arg2[%mul3A_63] : memref<163840xi32, #tpu.memory_space<hbm>> -> memref<640xi32, #tpu.memory_space<hbm>>
    %dma_wait3A_66 = arith.constant 0 : i32
    %dma_wait3A_67 = tpu.memref_slice %arg8[%dma_wait3A_66] : memref<1280xi32, #tpu.memory_space<vmem>> -> memref<640xi32, #tpu.memory_space<vmem>>
    %dma_wait3A_68 = tpu.memref_slice %arg2[%mul3A_63] : memref<163840xi32, #tpu.memory_space<hbm>> -> memref<640xi32, #tpu.memory_space<hbm>>
    tpu.wait_dma2 semaphore(%arg14 : memref<!tpu.dma_semaphore, #tpu.memory_space<semaphore_mem>>) src(%dma_wait3A_68 : memref<640xi32, #tpu.memory_space<hbm>>) dst(%dma_wait3A_67 : memref<640xi32, #tpu.memory_space<vmem>>)
    %dma_start3A_69 = arith.constant 0 : i32
    %dma_start3A_70 = arith.constant 0 : i32
    %dma_start3A_71 = tpu.memref_slice %arg9[%dma_start3A_69, %dma_start3A_70] : memref<1280x64xf32, #tpu.memory_space<vmem>> -> memref<128x64xf32, #tpu.memory_space<vmem>>
    %dma_start3A_72 = arith.constant 0 : i32
    %dma_start3A_73 = tpu.memref_slice %arg8[%dma_start3A_72] : memref<1280xi32, #tpu.memory_space<vmem>> -> memref<128xi32, #tpu.memory_space<vmem>>
    %dma_start3A_74 = arith.constant 0 : i32
    %dma_start3A_75 = arith.constant 0 : i32
    %dma_start3A_76 = tpu.memref_slice %arg3[%dma_start3A_74, %dma_start3A_75] : memref<8192x64xf32, #tpu.memory_space<hbm>> -> memref<8192x64xf32, #tpu.memory_space<hbm>>
    tpu.enqueue_indirect_dma source(%dma_start3A_76 : memref<8192x64xf32, #tpu.memory_space<hbm>>) target(%dma_start3A_71 : memref<128x64xf32, #tpu.memory_space<vmem>>) offsets(%dma_start3A_73 : memref<128xi32, #tpu.memory_space<vmem>>) semaphore(%arg16 : memref<!tpu.dma_semaphore, #tpu.memory_space<semaphore_mem>>)
    %dma_start3A_77 = arith.constant 128 : i32
    %dma_start3A_78 = arith.constant 0 : i32
    %dma_start3A_79 = tpu.memref_slice %arg9[%dma_start3A_77, %dma_start3A_78] : memref<1280x64xf32, #tpu.memory_space<vmem>> -> memref<128x64xf32, #tpu.memory_space<vmem>>
    %dma_start3A_80 = arith.constant 128 : i32
    %dma_start3A_81 = tpu.memref_slice %arg8[%dma_start3A_80] : memref<1280xi32, #tpu.memory_space<vmem>> -> memref<128xi32, #tpu.memory_space<vmem>>
    %dma_start3A_82 = arith.constant 0 : i32
    %dma_start3A_83 = arith.constant 0 : i32
    %dma_start3A_84 = tpu.memref_slice %arg3[%dma_start3A_82, %dma_start3A_83] : memref<8192x64xf32, #tpu.memory_space<hbm>> -> memref<8192x64xf32, #tpu.memory_space<hbm>>
    tpu.enqueue_indirect_dma source(%dma_start3A_84 : memref<8192x64xf32, #tpu.memory_space<hbm>>) target(%dma_start3A_79 : memref<128x64xf32, #tpu.memory_space<vmem>>) offsets(%dma_start3A_81 : memref<128xi32, #tpu.memory_space<vmem>>) semaphore(%arg16 : memref<!tpu.dma_semaphore, #tpu.memory_space<semaphore_mem>>)
    %dma_start3A_85 = arith.constant 256 : i32
    %dma_start3A_86 = arith.constant 0 : i32
    %dma_start3A_87 = tpu.memref_slice %arg9[%dma_start3A_85, %dma_start3A_86] : memref<1280x64xf32, #tpu.memory_space<vmem>> -> memref<128x64xf32, #tpu.memory_space<vmem>>
    %dma_start3A_88 = arith.constant 256 : i32
    %dma_start3A_89 = tpu.memref_slice %arg8[%dma_start3A_88] : memref<1280xi32, #tpu.memory_space<vmem>> -> memref<128xi32, #tpu.memory_space<vmem>>
    %dma_start3A_90 = arith.constant 0 : i32
    %dma_start3A_91 = arith.constant 0 : i32
    %dma_start3A_92 = tpu.memref_slice %arg3[%dma_start3A_90, %dma_start3A_91] : memref<8192x64xf32, #tpu.memory_space<hbm>> -> memref<8192x64xf32, #tpu.memory_space<hbm>>
    tpu.enqueue_indirect_dma source(%dma_start3A_92 : memref<8192x64xf32, #tpu.memory_space<hbm>>) target(%dma_start3A_87 : memref<128x64xf32, #tpu.memory_space<vmem>>) offsets(%dma_start3A_89 : memref<128xi32, #tpu.memory_space<vmem>>) semaphore(%arg16 : memref<!tpu.dma_semaphore, #tpu.memory_space<semaphore_mem>>)
    %dma_start3A_93 = arith.constant 384 : i32
    %dma_start3A_94 = arith.constant 0 : i32
    %dma_start3A_95 = tpu.memref_slice %arg9[%dma_start3A_93, %dma_start3A_94] : memref<1280x64xf32, #tpu.memory_space<vmem>> -> memref<128x64xf32, #tpu.memory_space<vmem>>
    %dma_start3A_96 = arith.constant 384 : i32
    %dma_start3A_97 = tpu.memref_slice %arg8[%dma_start3A_96] : memref<1280xi32, #tpu.memory_space<vmem>> -> memref<128xi32, #tpu.memory_space<vmem>>
    %dma_start3A_98 = arith.constant 0 : i32
    %dma_start3A_99 = arith.constant 0 : i32
    %dma_start3A_100 = tpu.memref_slice %arg3[%dma_start3A_98, %dma_start3A_99] : memref<8192x64xf32, #tpu.memory_space<hbm>> -> memref<8192x64xf32, #tpu.memory_space<hbm>>
    tpu.enqueue_indirect_dma source(%dma_start3A_100 : memref<8192x64xf32, #tpu.memory_space<hbm>>) target(%dma_start3A_95 : memref<128x64xf32, #tpu.memory_space<vmem>>) offsets(%dma_start3A_97 : memref<128xi32, #tpu.memory_space<vmem>>) semaphore(%arg16 : memref<!tpu.dma_semaphore, #tpu.memory_space<semaphore_mem>>)
    %dma_start3A_101 = arith.constant 512 : i32
    %dma_start3A_102 = arith.constant 0 : i32
    %dma_start3A_103 = tpu.memref_slice %arg9[%dma_start3A_101, %dma_start3A_102] : memref<1280x64xf32, #tpu.memory_space<vmem>> -> memref<128x64xf32, #tpu.memory_space<vmem>>
    %dma_start3A_104 = arith.constant 512 : i32
    %dma_start3A_105 = tpu.memref_slice %arg8[%dma_start3A_104] : memref<1280xi32, #tpu.memory_space<vmem>> -> memref<128xi32, #tpu.memory_space<vmem>>
    %dma_start3A_106 = arith.constant 0 : i32
    %dma_start3A_107 = arith.constant 0 : i32
    %dma_start3A_108 = tpu.memref_slice %arg3[%dma_start3A_106, %dma_start3A_107] : memref<8192x64xf32, #tpu.memory_space<hbm>> -> memref<8192x64xf32, #tpu.memory_space<hbm>>
    tpu.enqueue_indirect_dma source(%dma_start3A_108 : memref<8192x64xf32, #tpu.memory_space<hbm>>) target(%dma_start3A_103 : memref<128x64xf32, #tpu.memory_space<vmem>>) offsets(%dma_start3A_105 : memref<128xi32, #tpu.memory_space<vmem>>) semaphore(%arg16 : memref<!tpu.dma_semaphore, #tpu.memory_space<semaphore_mem>>)
    %mul3A_109 = arith.constant 256 : i32
    %mul3A_110 = arith.muli %add3A, %mul3A_109 : i32
    %add3A_111 = arith.constant 32 : i32
    %add3A_112 = arith.addi %mul3A_110, %add3A_111 : i32
    %mul3A_113 = arith.constant 20 : i32
    %mul3A_114 = arith.muli %add3A_112, %mul3A_113 : i32
    %dma_start3A_115 = arith.constant 640 : i32
    %dma_start3A_116 = tpu.memref_slice %arg8[%dma_start3A_115] : memref<1280xi32, #tpu.memory_space<vmem>> -> memref<640xi32, #tpu.memory_space<vmem>>
    %dma_start3A_117 = tpu.memref_slice %arg2[%mul3A_114] : memref<163840xi32, #tpu.memory_space<hbm>> -> memref<640xi32, #tpu.memory_space<hbm>>
    %dma_start3A_118 = arith.constant 640 : i32
    %dma_start3A_119 = tpu.memref_slice %arg8[%dma_start3A_118] : memref<1280xi32, #tpu.memory_space<vmem>> -> memref<640xi32, #tpu.memory_space<vmem>>
    %dma_start3A_120 = tpu.memref_slice %arg2[%mul3A_114] : memref<163840xi32, #tpu.memory_space<hbm>> -> memref<640xi32, #tpu.memory_space<hbm>>
    tpu.enqueue_dma source(%dma_start3A_120 : memref<640xi32, #tpu.memory_space<hbm>>) target(%dma_start3A_119 : memref<640xi32, #tpu.memory_space<vmem>>) target_semaphore(%arg14 : memref<!tpu.dma_semaphore, #tpu.memory_space<semaphore_mem>>)
    %mul3A_121 = arith.constant 256 : i32
    %mul3A_122 = arith.muli %add3A, %mul3A_121 : i32
    %add3A_123 = arith.constant 0 : i32
    %add3A_124 = arith.addi %mul3A_122, %add3A_123 : i32
    %dma_start3A_125 = arith.constant 0 : i32
    %dma_start3A_126 = arith.constant 0 : i32
    %dma_start3A_127 = tpu.memref_slice %arg10[%dma_start3A_125, %dma_start3A_126] : memref<64x64xf32, #tpu.memory_space<vmem>> -> memref<32x64xf32, #tpu.memory_space<vmem>>
    %dma_start3A_128 = arith.constant 0 : i32
    %dma_start3A_129 = tpu.memref_slice %arg4[%add3A_124, %dma_start3A_128] : memref<8192x64xf32, #tpu.memory_space<hbm>> -> memref<32x64xf32, #tpu.memory_space<hbm>>
    %dma_start3A_130 = arith.constant 0 : i32
    %dma_start3A_131 = arith.constant 0 : i32
    %dma_start3A_132 = tpu.memref_slice %arg10[%dma_start3A_130, %dma_start3A_131] : memref<64x64xf32, #tpu.memory_space<vmem>> -> memref<32x64xf32, #tpu.memory_space<vmem>>
    %dma_start3A_133 = arith.constant 0 : i32
    %dma_start3A_134 = tpu.memref_slice %arg4[%add3A_124, %dma_start3A_133] : memref<8192x64xf32, #tpu.memory_space<hbm>> -> memref<32x64xf32, #tpu.memory_space<hbm>>
    tpu.enqueue_dma source(%dma_start3A_134 : memref<32x64xf32, #tpu.memory_space<hbm>>) target(%dma_start3A_132 : memref<32x64xf32, #tpu.memory_space<vmem>>) target_semaphore(%arg15 : memref<!tpu.dma_semaphore, #tpu.memory_space<semaphore_mem>>)
    %scan3A = arith.constant 0 : i32
    %scan3A_135 = arith.constant 0 : i32
    %scan3A_136 = arith.constant 8 : i32
    %scan3A_137 = arith.addi %scan3A_135, %scan3A_136 : i32
    %scan3A_138 = arith.constant 1 : i32
    scf.for %scan3A_188 = %scan3A_135 to %scan3A_137 step %scan3A_138  : i32 {
      %jit3A = arith.constant 2 : i32
      %eq3A = arith.constant 0 : i32
      %eq3A_189 = arith.cmpi eq, %jit3A, %eq3A : i32
      %jit3A_190 = arith.constant 1 : i32
      %select_n3A = arith.select %eq3A_189, %jit3A_190, %jit3A : i32
      %rem3A = arith.remsi %scan3A_188, %select_n3A : i32
      %ne3A = arith.constant 0 : i32
      %ne3A_191 = arith.cmpi ne, %rem3A, %ne3A : i32
      %lt3A = arith.constant 0 : i32
      %lt3A_192 = arith.cmpi slt, %rem3A, %lt3A : i32
      %lt3A_193 = arith.constant 0 : i32
      %lt3A_194 = arith.cmpi slt, %select_n3A, %lt3A_193 : i32
      %ne3A_195 = arith.xori %lt3A_192, %lt3A_194 : i1
      %and3A = arith.andi %ne3A_195, %ne3A_191 : i1
      %add3A_196 = arith.addi %rem3A, %select_n3A : i32
      %select_n3A_197 = arith.select %and3A, %add3A_196, %rem3A : i32
      %mul3A_198 = arith.constant 256 : i32
      %mul3A_199 = arith.muli %add3A, %mul3A_198 : i32
      %mul3A_200 = arith.constant 32 : i32
      %mul3A_201 = arith.muli %scan3A_188, %mul3A_200 : i32
      %add3A_202 = arith.addi %mul3A_199, %mul3A_201 : i32
      %jit3A_203 = arith.constant 2 : i32
      %eq3A_204 = arith.constant 0 : i32
      %eq3A_205 = arith.cmpi eq, %jit3A_203, %eq3A_204 : i32
      %jit3A_206 = arith.constant 1 : i32
      %select_n3A_207 = arith.select %eq3A_205, %jit3A_206, %jit3A_203 : i32
      %rem3A_208 = arith.remsi %scan3A_188, %select_n3A_207 : i32
      %ne3A_209 = arith.constant 0 : i32
      %ne3A_210 = arith.cmpi ne, %rem3A_208, %ne3A_209 : i32
      %lt3A_211 = arith.constant 0 : i32
      %lt3A_212 = arith.cmpi slt, %rem3A_208, %lt3A_211 : i32
      %lt3A_213 = arith.constant 0 : i32
      %lt3A_214 = arith.cmpi slt, %select_n3A_207, %lt3A_213 : i32
      %ne3A_215 = arith.xori %lt3A_212, %lt3A_214 : i1
      %and3A_216 = arith.andi %ne3A_215, %ne3A_210 : i1
      %add3A_217 = arith.addi %rem3A_208, %select_n3A_207 : i32
      %select_n3A_218 = arith.select %and3A_216, %add3A_217, %rem3A_208 : i32
      %mul3A_219 = arith.constant 640 : i32
      %mul3A_220 = arith.muli %select_n3A_218, %mul3A_219 : i32
      %dma_wait3A_221 = arith.constant 0 : i32
      %dma_wait3A_222 = tpu.memref_slice %arg9[%mul3A_220, %dma_wait3A_221] : memref<1280x64xf32, #tpu.memory_space<vmem>> -> memref<640x64xf32, #tpu.memory_space<vmem>>
      %dma_wait3A_223 = arith.constant 0 : i32
      %dma_wait3A_224 = arith.constant 0 : i32
      %dma_wait3A_225 = tpu.memref_slice %arg3[%dma_wait3A_223, %dma_wait3A_224] : memref<8192x64xf32, #tpu.memory_space<hbm>> -> memref<640x64xf32, #tpu.memory_space<hbm>>
      %dma_wait3A_226 = arith.constant 0 : i32
      %dma_wait3A_227 = tpu.memref_slice %arg9[%mul3A_220, %dma_wait3A_226] : memref<1280x64xf32, #tpu.memory_space<vmem>> -> memref<640x64xf32, #tpu.memory_space<vmem>>
      %dma_wait3A_228 = arith.constant 0 : i32
      %dma_wait3A_229 = arith.constant 0 : i32
      %dma_wait3A_230 = tpu.memref_slice %arg3[%dma_wait3A_228, %dma_wait3A_229] : memref<8192x64xf32, #tpu.memory_space<hbm>> -> memref<640x64xf32, #tpu.memory_space<hbm>>
      tpu.wait_dma2 semaphore(%arg16 : memref<!tpu.dma_semaphore, #tpu.memory_space<semaphore_mem>>) src(%dma_wait3A_230 : memref<640x64xf32, #tpu.memory_space<hbm>>) dst(%dma_wait3A_227 : memref<640x64xf32, #tpu.memory_space<vmem>>)
      %jit3A_231 = arith.constant 2 : i32
      %eq3A_232 = arith.constant 0 : i32
      %eq3A_233 = arith.cmpi eq, %jit3A_231, %eq3A_232 : i32
      %jit3A_234 = arith.constant 1 : i32
      %select_n3A_235 = arith.select %eq3A_233, %jit3A_234, %jit3A_231 : i32
      %rem3A_236 = arith.remsi %scan3A_188, %select_n3A_235 : i32
      %ne3A_237 = arith.constant 0 : i32
      %ne3A_238 = arith.cmpi ne, %rem3A_236, %ne3A_237 : i32
      %lt3A_239 = arith.constant 0 : i32
      %lt3A_240 = arith.cmpi slt, %rem3A_236, %lt3A_239 : i32
      %lt3A_241 = arith.constant 0 : i32
      %lt3A_242 = arith.cmpi slt, %select_n3A_235, %lt3A_241 : i32
      %ne3A_243 = arith.xori %lt3A_240, %lt3A_242 : i1
      %and3A_244 = arith.andi %ne3A_243, %ne3A_238 : i1
      %add3A_245 = arith.addi %rem3A_236, %select_n3A_235 : i32
      %select_n3A_246 = arith.select %and3A_244, %add3A_245, %rem3A_236 : i32
      %mul3A_247 = arith.constant 32 : i32
      %mul3A_248 = arith.muli %select_n3A_246, %mul3A_247 : i32
      %mul3A_249 = arith.constant 256 : i32
      %mul3A_250 = arith.muli %add3A, %mul3A_249 : i32
      %mul3A_251 = arith.constant 32 : i32
      %mul3A_252 = arith.muli %scan3A_188, %mul3A_251 : i32
      %add3A_253 = arith.addi %mul3A_250, %mul3A_252 : i32
      %dma_wait3A_254 = arith.constant 0 : i32
      %dma_wait3A_255 = tpu.memref_slice %arg10[%mul3A_248, %dma_wait3A_254] : memref<64x64xf32, #tpu.memory_space<vmem>> -> memref<32x64xf32, #tpu.memory_space<vmem>>
      %dma_wait3A_256 = arith.constant 0 : i32
      %dma_wait3A_257 = tpu.memref_slice %arg4[%add3A_253, %dma_wait3A_256] : memref<8192x64xf32, #tpu.memory_space<hbm>> -> memref<32x64xf32, #tpu.memory_space<hbm>>
      %dma_wait3A_258 = arith.constant 0 : i32
      %dma_wait3A_259 = tpu.memref_slice %arg10[%mul3A_248, %dma_wait3A_258] : memref<64x64xf32, #tpu.memory_space<vmem>> -> memref<32x64xf32, #tpu.memory_space<vmem>>
      %dma_wait3A_260 = arith.constant 0 : i32
      %dma_wait3A_261 = tpu.memref_slice %arg4[%add3A_253, %dma_wait3A_260] : memref<8192x64xf32, #tpu.memory_space<hbm>> -> memref<32x64xf32, #tpu.memory_space<hbm>>
      tpu.wait_dma2 semaphore(%arg15 : memref<!tpu.dma_semaphore, #tpu.memory_space<semaphore_mem>>) src(%dma_wait3A_261 : memref<32x64xf32, #tpu.memory_space<hbm>>) dst(%dma_wait3A_259 : memref<32x64xf32, #tpu.memory_space<vmem>>)
      %add3A_262 = arith.constant 1 : i32
      %add3A_263 = arith.addi %scan3A_188, %add3A_262 : i32
      %lt3A_264 = arith.constant 8 : i32
      %lt3A_265 = arith.cmpi slt, %add3A_263, %lt3A_264 : i32
      %convert_element_type3A = arith.extui %lt3A_265 : i1 to i32
      %cond3A = arith.constant 0 : i32
      %cond3A_266 = arith.cmpi ne, %convert_element_type3A, %cond3A : i32
      scf.if %cond3A_266 {
        %add3A_349 = arith.constant 1 : i32
        %add3A_350 = arith.addi %scan3A_188, %add3A_349 : i32
        %jit3A_351 = arith.constant 2 : i32
        %eq3A_352 = arith.constant 0 : i32
        %eq3A_353 = arith.cmpi eq, %jit3A_351, %eq3A_352 : i32
        %jit3A_354 = arith.constant 1 : i32
        %select_n3A_355 = arith.select %eq3A_353, %jit3A_354, %jit3A_351 : i32
        %rem3A_356 = arith.remsi %add3A_350, %select_n3A_355 : i32
        %ne3A_357 = arith.constant 0 : i32
        %ne3A_358 = arith.cmpi ne, %rem3A_356, %ne3A_357 : i32
        %lt3A_359 = arith.constant 0 : i32
        %lt3A_360 = arith.cmpi slt, %rem3A_356, %lt3A_359 : i32
        %lt3A_361 = arith.constant 0 : i32
        %lt3A_362 = arith.cmpi slt, %select_n3A_355, %lt3A_361 : i32
        %ne3A_363 = arith.xori %lt3A_360, %lt3A_362 : i1
        %and3A_364 = arith.andi %ne3A_363, %ne3A_358 : i1
        %add3A_365 = arith.addi %rem3A_356, %select_n3A_355 : i32
        %select_n3A_366 = arith.select %and3A_364, %add3A_365, %rem3A_356 : i32
        %mul3A_367 = arith.constant 640 : i32
        %mul3A_368 = arith.muli %select_n3A_366, %mul3A_367 : i32
        %mul3A_369 = arith.constant 256 : i32
        %mul3A_370 = arith.muli %add3A, %mul3A_369 : i32
        %mul3A_371 = arith.constant 32 : i32
        %mul3A_372 = arith.muli %add3A_350, %mul3A_371 : i32
        %add3A_373 = arith.addi %mul3A_370, %mul3A_372 : i32
        %mul3A_374 = arith.constant 20 : i32
        %mul3A_375 = arith.muli %add3A_373, %mul3A_374 : i32
        %dma_wait3A_376 = tpu.memref_slice %arg8[%mul3A_368] : memref<1280xi32, #tpu.memory_space<vmem>> -> memref<640xi32, #tpu.memory_space<vmem>>
        %dma_wait3A_377 = tpu.memref_slice %arg2[%mul3A_375] : memref<163840xi32, #tpu.memory_space<hbm>> -> memref<640xi32, #tpu.memory_space<hbm>>
        %dma_wait3A_378 = tpu.memref_slice %arg8[%mul3A_368] : memref<1280xi32, #tpu.memory_space<vmem>> -> memref<640xi32, #tpu.memory_space<vmem>>
        %dma_wait3A_379 = tpu.memref_slice %arg2[%mul3A_375] : memref<163840xi32, #tpu.memory_space<hbm>> -> memref<640xi32, #tpu.memory_space<hbm>>
        tpu.wait_dma2 semaphore(%arg14 : memref<!tpu.dma_semaphore, #tpu.memory_space<semaphore_mem>>) src(%dma_wait3A_379 : memref<640xi32, #tpu.memory_space<hbm>>) dst(%dma_wait3A_378 : memref<640xi32, #tpu.memory_space<vmem>>)
        %add3A_380 = arith.constant 1 : i32
        %add3A_381 = arith.addi %scan3A_188, %add3A_380 : i32
        %jit3A_382 = arith.constant 2 : i32
        %eq3A_383 = arith.constant 0 : i32
        %eq3A_384 = arith.cmpi eq, %jit3A_382, %eq3A_383 : i32
        %jit3A_385 = arith.constant 1 : i32
        %select_n3A_386 = arith.select %eq3A_384, %jit3A_385, %jit3A_382 : i32
        %rem3A_387 = arith.remsi %add3A_381, %select_n3A_386 : i32
        %ne3A_388 = arith.constant 0 : i32
        %ne3A_389 = arith.cmpi ne, %rem3A_387, %ne3A_388 : i32
        %lt3A_390 = arith.constant 0 : i32
        %lt3A_391 = arith.cmpi slt, %rem3A_387, %lt3A_390 : i32
        %lt3A_392 = arith.constant 0 : i32
        %lt3A_393 = arith.cmpi slt, %select_n3A_386, %lt3A_392 : i32
        %ne3A_394 = arith.xori %lt3A_391, %lt3A_393 : i1
        %and3A_395 = arith.andi %ne3A_394, %ne3A_389 : i1
        %add3A_396 = arith.addi %rem3A_387, %select_n3A_386 : i32
        %select_n3A_397 = arith.select %and3A_395, %add3A_396, %rem3A_387 : i32
        %mul3A_398 = arith.constant 640 : i32
        %mul3A_399 = arith.muli %select_n3A_397, %mul3A_398 : i32
        %add3A_400 = arith.constant 0 : i32
        %add3A_401 = arith.addi %mul3A_399, %add3A_400 : i32
        %add3A_402 = arith.constant 0 : i32
        %add3A_403 = arith.addi %mul3A_399, %add3A_402 : i32
        %dma_start3A_404 = arith.constant 0 : i32
        %dma_start3A_405 = tpu.memref_slice %arg9[%add3A_403, %dma_start3A_404] : memref<1280x64xf32, #tpu.memory_space<vmem>> -> memref<128x64xf32, #tpu.memory_space<vmem>>
        %dma_start3A_406 = tpu.memref_slice %arg8[%add3A_401] : memref<1280xi32, #tpu.memory_space<vmem>> -> memref<128xi32, #tpu.memory_space<vmem>>
        %dma_start3A_407 = arith.constant 0 : i32
        %dma_start3A_408 = arith.constant 0 : i32
        %dma_start3A_409 = tpu.memref_slice %arg3[%dma_start3A_407, %dma_start3A_408] : memref<8192x64xf32, #tpu.memory_space<hbm>> -> memref<8192x64xf32, #tpu.memory_space<hbm>>
        tpu.enqueue_indirect_dma source(%dma_start3A_409 : memref<8192x64xf32, #tpu.memory_space<hbm>>) target(%dma_start3A_405 : memref<128x64xf32, #tpu.memory_space<vmem>>) offsets(%dma_start3A_406 : memref<128xi32, #tpu.memory_space<vmem>>) semaphore(%arg16 : memref<!tpu.dma_semaphore, #tpu.memory_space<semaphore_mem>>)
        %add3A_410 = arith.constant 128 : i32
        %add3A_411 = arith.addi %mul3A_399, %add3A_410 : i32
        %add3A_412 = arith.constant 128 : i32
        %add3A_413 = arith.addi %mul3A_399, %add3A_412 : i32
        %dma_start3A_414 = arith.constant 0 : i32
        %dma_start3A_415 = tpu.memref_slice %arg9[%add3A_413, %dma_start3A_414] : memref<1280x64xf32, #tpu.memory_space<vmem>> -> memref<128x64xf32, #tpu.memory_space<vmem>>
        %dma_start3A_416 = tpu.memref_slice %arg8[%add3A_411] : memref<1280xi32, #tpu.memory_space<vmem>> -> memref<128xi32, #tpu.memory_space<vmem>>
        %dma_start3A_417 = arith.constant 0 : i32
        %dma_start3A_418 = arith.constant 0 : i32
        %dma_start3A_419 = tpu.memref_slice %arg3[%dma_start3A_417, %dma_start3A_418] : memref<8192x64xf32, #tpu.memory_space<hbm>> -> memref<8192x64xf32, #tpu.memory_space<hbm>>
        tpu.enqueue_indirect_dma source(%dma_start3A_419 : memref<8192x64xf32, #tpu.memory_space<hbm>>) target(%dma_start3A_415 : memref<128x64xf32, #tpu.memory_space<vmem>>) offsets(%dma_start3A_416 : memref<128xi32, #tpu.memory_space<vmem>>) semaphore(%arg16 : memref<!tpu.dma_semaphore, #tpu.memory_space<semaphore_mem>>)
        %add3A_420 = arith.constant 256 : i32
        %add3A_421 = arith.addi %mul3A_399, %add3A_420 : i32
        %add3A_422 = arith.constant 256 : i32
        %add3A_423 = arith.addi %mul3A_399, %add3A_422 : i32
        %dma_start3A_424 = arith.constant 0 : i32
        %dma_start3A_425 = tpu.memref_slice %arg9[%add3A_423, %dma_start3A_424] : memref<1280x64xf32, #tpu.memory_space<vmem>> -> memref<128x64xf32, #tpu.memory_space<vmem>>
        %dma_start3A_426 = tpu.memref_slice %arg8[%add3A_421] : memref<1280xi32, #tpu.memory_space<vmem>> -> memref<128xi32, #tpu.memory_space<vmem>>
        %dma_start3A_427 = arith.constant 0 : i32
        %dma_start3A_428 = arith.constant 0 : i32
        %dma_start3A_429 = tpu.memref_slice %arg3[%dma_start3A_427, %dma_start3A_428] : memref<8192x64xf32, #tpu.memory_space<hbm>> -> memref<8192x64xf32, #tpu.memory_space<hbm>>
        tpu.enqueue_indirect_dma source(%dma_start3A_429 : memref<8192x64xf32, #tpu.memory_space<hbm>>) target(%dma_start3A_425 : memref<128x64xf32, #tpu.memory_space<vmem>>) offsets(%dma_start3A_426 : memref<128xi32, #tpu.memory_space<vmem>>) semaphore(%arg16 : memref<!tpu.dma_semaphore, #tpu.memory_space<semaphore_mem>>)
        %add3A_430 = arith.constant 384 : i32
        %add3A_431 = arith.addi %mul3A_399, %add3A_430 : i32
        %add3A_432 = arith.constant 384 : i32
        %add3A_433 = arith.addi %mul3A_399, %add3A_432 : i32
        %dma_start3A_434 = arith.constant 0 : i32
        %dma_start3A_435 = tpu.memref_slice %arg9[%add3A_433, %dma_start3A_434] : memref<1280x64xf32, #tpu.memory_space<vmem>> -> memref<128x64xf32, #tpu.memory_space<vmem>>
        %dma_start3A_436 = tpu.memref_slice %arg8[%add3A_431] : memref<1280xi32, #tpu.memory_space<vmem>> -> memref<128xi32, #tpu.memory_space<vmem>>
        %dma_start3A_437 = arith.constant 0 : i32
        %dma_start3A_438 = arith.constant 0 : i32
        %dma_start3A_439 = tpu.memref_slice %arg3[%dma_start3A_437, %dma_start3A_438] : memref<8192x64xf32, #tpu.memory_space<hbm>> -> memref<8192x64xf32, #tpu.memory_space<hbm>>
        tpu.enqueue_indirect_dma source(%dma_start3A_439 : memref<8192x64xf32, #tpu.memory_space<hbm>>) target(%dma_start3A_435 : memref<128x64xf32, #tpu.memory_space<vmem>>) offsets(%dma_start3A_436 : memref<128xi32, #tpu.memory_space<vmem>>) semaphore(%arg16 : memref<!tpu.dma_semaphore, #tpu.memory_space<semaphore_mem>>)
        %add3A_440 = arith.constant 512 : i32
        %add3A_441 = arith.addi %mul3A_399, %add3A_440 : i32
        %add3A_442 = arith.constant 512 : i32
        %add3A_443 = arith.addi %mul3A_399, %add3A_442 : i32
        %dma_start3A_444 = arith.constant 0 : i32
        %dma_start3A_445 = tpu.memref_slice %arg9[%add3A_443, %dma_start3A_444] : memref<1280x64xf32, #tpu.memory_space<vmem>> -> memref<128x64xf32, #tpu.memory_space<vmem>>
        %dma_start3A_446 = tpu.memref_slice %arg8[%add3A_441] : memref<1280xi32, #tpu.memory_space<vmem>> -> memref<128xi32, #tpu.memory_space<vmem>>
        %dma_start3A_447 = arith.constant 0 : i32
        %dma_start3A_448 = arith.constant 0 : i32
        %dma_start3A_449 = tpu.memref_slice %arg3[%dma_start3A_447, %dma_start3A_448] : memref<8192x64xf32, #tpu.memory_space<hbm>> -> memref<8192x64xf32, #tpu.memory_space<hbm>>
        tpu.enqueue_indirect_dma source(%dma_start3A_449 : memref<8192x64xf32, #tpu.memory_space<hbm>>) target(%dma_start3A_445 : memref<128x64xf32, #tpu.memory_space<vmem>>) offsets(%dma_start3A_446 : memref<128xi32, #tpu.memory_space<vmem>>) semaphore(%arg16 : memref<!tpu.dma_semaphore, #tpu.memory_space<semaphore_mem>>)
        %add3A_450 = arith.constant 1 : i32
        %add3A_451 = arith.addi %scan3A_188, %add3A_450 : i32
        %jit3A_452 = arith.constant 2 : i32
        %eq3A_453 = arith.constant 0 : i32
        %eq3A_454 = arith.cmpi eq, %jit3A_452, %eq3A_453 : i32
        %jit3A_455 = arith.constant 1 : i32
        %select_n3A_456 = arith.select %eq3A_454, %jit3A_455, %jit3A_452 : i32
        %rem3A_457 = arith.remsi %add3A_451, %select_n3A_456 : i32
        %ne3A_458 = arith.constant 0 : i32
        %ne3A_459 = arith.cmpi ne, %rem3A_457, %ne3A_458 : i32
        %lt3A_460 = arith.constant 0 : i32
        %lt3A_461 = arith.cmpi slt, %rem3A_457, %lt3A_460 : i32
        %lt3A_462 = arith.constant 0 : i32
        %lt3A_463 = arith.cmpi slt, %select_n3A_456, %lt3A_462 : i32
        %ne3A_464 = arith.xori %lt3A_461, %lt3A_463 : i1
        %and3A_465 = arith.andi %ne3A_464, %ne3A_459 : i1
        %add3A_466 = arith.addi %rem3A_457, %select_n3A_456 : i32
        %select_n3A_467 = arith.select %and3A_465, %add3A_466, %rem3A_457 : i32
        %mul3A_468 = arith.constant 32 : i32
        %mul3A_469 = arith.muli %select_n3A_467, %mul3A_468 : i32
        %mul3A_470 = arith.constant 256 : i32
        %mul3A_471 = arith.muli %add3A, %mul3A_470 : i32
        %mul3A_472 = arith.constant 32 : i32
        %mul3A_473 = arith.muli %add3A_451, %mul3A_472 : i32
        %add3A_474 = arith.addi %mul3A_471, %mul3A_473 : i32
        %dma_start3A_475 = arith.constant 0 : i32
        %dma_start3A_476 = tpu.memref_slice %arg10[%mul3A_469, %dma_start3A_475] : memref<64x64xf32, #tpu.memory_space<vmem>> -> memref<32x64xf32, #tpu.memory_space<vmem>>
        %dma_start3A_477 = arith.constant 0 : i32
        %dma_start3A_478 = tpu.memref_slice %arg4[%add3A_474, %dma_start3A_477] : memref<8192x64xf32, #tpu.memory_space<hbm>> -> memref<32x64xf32, #tpu.memory_space<hbm>>
        %dma_start3A_479 = arith.constant 0 : i32
        %dma_start3A_480 = tpu.memref_slice %arg10[%mul3A_469, %dma_start3A_479] : memref<64x64xf32, #tpu.memory_space<vmem>> -> memref<32x64xf32, #tpu.memory_space<vmem>>
        %dma_start3A_481 = arith.constant 0 : i32
        %dma_start3A_482 = tpu.memref_slice %arg4[%add3A_474, %dma_start3A_481] : memref<8192x64xf32, #tpu.memory_space<hbm>> -> memref<32x64xf32, #tpu.memory_space<hbm>>
        tpu.enqueue_dma source(%dma_start3A_482 : memref<32x64xf32, #tpu.memory_space<hbm>>) target(%dma_start3A_480 : memref<32x64xf32, #tpu.memory_space<vmem>>) target_semaphore(%arg15 : memref<!tpu.dma_semaphore, #tpu.memory_space<semaphore_mem>>)
      } else {
      }
      %add3A_267 = arith.constant 2 : i32
      %add3A_268 = arith.addi %scan3A_188, %add3A_267 : i32
      %lt3A_269 = arith.constant 8 : i32
      %lt3A_270 = arith.cmpi slt, %add3A_268, %lt3A_269 : i32
      %convert_element_type3A_271 = arith.extui %lt3A_270 : i1 to i32
      %cond3A_272 = arith.constant 0 : i32
      %cond3A_273 = arith.cmpi ne, %convert_element_type3A_271, %cond3A_272 : i32
      scf.if %cond3A_273 {
        %add3A_349 = arith.constant 2 : i32
        %add3A_350 = arith.addi %scan3A_188, %add3A_349 : i32
        %jit3A_351 = arith.constant 2 : i32
        %eq3A_352 = arith.constant 0 : i32
        %eq3A_353 = arith.cmpi eq, %jit3A_351, %eq3A_352 : i32
        %jit3A_354 = arith.constant 1 : i32
        %select_n3A_355 = arith.select %eq3A_353, %jit3A_354, %jit3A_351 : i32
        %rem3A_356 = arith.remsi %add3A_350, %select_n3A_355 : i32
        %ne3A_357 = arith.constant 0 : i32
        %ne3A_358 = arith.cmpi ne, %rem3A_356, %ne3A_357 : i32
        %lt3A_359 = arith.constant 0 : i32
        %lt3A_360 = arith.cmpi slt, %rem3A_356, %lt3A_359 : i32
        %lt3A_361 = arith.constant 0 : i32
        %lt3A_362 = arith.cmpi slt, %select_n3A_355, %lt3A_361 : i32
        %ne3A_363 = arith.xori %lt3A_360, %lt3A_362 : i1
        %and3A_364 = arith.andi %ne3A_363, %ne3A_358 : i1
        %add3A_365 = arith.addi %rem3A_356, %select_n3A_355 : i32
        %select_n3A_366 = arith.select %and3A_364, %add3A_365, %rem3A_356 : i32
        %mul3A_367 = arith.constant 640 : i32
        %mul3A_368 = arith.muli %select_n3A_366, %mul3A_367 : i32
        %mul3A_369 = arith.constant 256 : i32
        %mul3A_370 = arith.muli %add3A, %mul3A_369 : i32
        %mul3A_371 = arith.constant 32 : i32
        %mul3A_372 = arith.muli %add3A_350, %mul3A_371 : i32
        %add3A_373 = arith.addi %mul3A_370, %mul3A_372 : i32
        %mul3A_374 = arith.constant 20 : i32
        %mul3A_375 = arith.muli %add3A_373, %mul3A_374 : i32
        %dma_start3A_376 = tpu.memref_slice %arg8[%mul3A_368] : memref<1280xi32, #tpu.memory_space<vmem>> -> memref<640xi32, #tpu.memory_space<vmem>>
        %dma_start3A_377 = tpu.memref_slice %arg2[%mul3A_375] : memref<163840xi32, #tpu.memory_space<hbm>> -> memref<640xi32, #tpu.memory_space<hbm>>
        %dma_start3A_378 = tpu.memref_slice %arg8[%mul3A_368] : memref<1280xi32, #tpu.memory_space<vmem>> -> memref<640xi32, #tpu.memory_space<vmem>>
        %dma_start3A_379 = tpu.memref_slice %arg2[%mul3A_375] : memref<163840xi32, #tpu.memory_space<hbm>> -> memref<640xi32, #tpu.memory_space<hbm>>
        tpu.enqueue_dma source(%dma_start3A_379 : memref<640xi32, #tpu.memory_space<hbm>>) target(%dma_start3A_378 : memref<640xi32, #tpu.memory_space<vmem>>) target_semaphore(%arg14 : memref<!tpu.dma_semaphore, #tpu.memory_space<semaphore_mem>>)
      } else {
      }
      %ge3A = arith.constant 2 : i32
      %ge3A_274 = arith.cmpi sge, %scan3A_188, %ge3A : i32
      %convert_element_type3A_275 = arith.extui %ge3A_274 : i1 to i32
      %cond3A_276 = arith.constant 0 : i32
      %cond3A_277 = arith.cmpi ne, %convert_element_type3A_275, %cond3A_276 : i32
      scf.if %cond3A_277 {
        %sub3A = arith.constant 2 : i32
        %sub3A_349 = arith.subi %scan3A_188, %sub3A : i32
        %jit3A_350 = arith.constant 2 : i32
        %eq3A_351 = arith.constant 0 : i32
        %eq3A_352 = arith.cmpi eq, %jit3A_350, %eq3A_351 : i32
        %jit3A_353 = arith.constant 1 : i32
        %select_n3A_354 = arith.select %eq3A_352, %jit3A_353, %jit3A_350 : i32
        %rem3A_355 = arith.remsi %sub3A_349, %select_n3A_354 : i32
        %ne3A_356 = arith.constant 0 : i32
        %ne3A_357 = arith.cmpi ne, %rem3A_355, %ne3A_356 : i32
        %lt3A_358 = arith.constant 0 : i32
        %lt3A_359 = arith.cmpi slt, %rem3A_355, %lt3A_358 : i32
        %lt3A_360 = arith.constant 0 : i32
        %lt3A_361 = arith.cmpi slt, %select_n3A_354, %lt3A_360 : i32
        %ne3A_362 = arith.xori %lt3A_359, %lt3A_361 : i1
        %and3A_363 = arith.andi %ne3A_362, %ne3A_357 : i1
        %add3A_364 = arith.addi %rem3A_355, %select_n3A_354 : i32
        %select_n3A_365 = arith.select %and3A_363, %add3A_364, %rem3A_355 : i32
        %mul3A_366 = arith.constant 32 : i32
        %mul3A_367 = arith.muli %select_n3A_365, %mul3A_366 : i32
        %mul3A_368 = arith.constant 256 : i32
        %mul3A_369 = arith.muli %add3A, %mul3A_368 : i32
        %mul3A_370 = arith.constant 32 : i32
        %mul3A_371 = arith.muli %sub3A_349, %mul3A_370 : i32
        %add3A_372 = arith.addi %mul3A_369, %mul3A_371 : i32
        %jit3A_373 = arith.constant 2 : i32
        %eq3A_374 = arith.constant 0 : i32
        %eq3A_375 = arith.cmpi eq, %jit3A_373, %eq3A_374 : i32
        %jit3A_376 = arith.constant 1 : i32
        %select_n3A_377 = arith.select %eq3A_375, %jit3A_376, %jit3A_373 : i32
        %rem3A_378 = arith.remsi %sub3A_349, %select_n3A_377 : i32
        %ne3A_379 = arith.constant 0 : i32
        %ne3A_380 = arith.cmpi ne, %rem3A_378, %ne3A_379 : i32
        %lt3A_381 = arith.constant 0 : i32
        %lt3A_382 = arith.cmpi slt, %rem3A_378, %lt3A_381 : i32
        %lt3A_383 = arith.constant 0 : i32
        %lt3A_384 = arith.cmpi slt, %select_n3A_377, %lt3A_383 : i32
        %ne3A_385 = arith.xori %lt3A_382, %lt3A_384 : i1
        %and3A_386 = arith.andi %ne3A_385, %ne3A_380 : i1
        %add3A_387 = arith.addi %rem3A_378, %select_n3A_377 : i32
        %select_n3A_388 = arith.select %and3A_386, %add3A_387, %rem3A_378 : i32
        %eq3A_389 = arith.constant 0 : i32
        %eq3A_390 = arith.cmpi eq, %select_n3A_388, %eq3A_389 : i32
        %convert_element_type3A_391 = arith.extui %eq3A_390 : i1 to i32
        %cond3A_392 = arith.constant 0 : i32
        %cond3A_393 = arith.cmpi ne, %convert_element_type3A_391, %cond3A_392 : i32
        scf.if %cond3A_393 {
          %dma_wait3A_415 = arith.constant 0 : i32
          %dma_wait3A_416 = tpu.memref_slice %arg11[%mul3A_367, %dma_wait3A_415] : memref<64x64xf32, #tpu.memory_space<vmem>> -> memref<32x64xf32, #tpu.memory_space<vmem>>
          %dma_wait3A_417 = arith.constant 0 : i32
          %dma_wait3A_418 = tpu.memref_slice %arg5[%add3A_372, %dma_wait3A_417] : memref<8192x64xf32, #tpu.memory_space<hbm>> -> memref<32x64xf32, #tpu.memory_space<hbm>>
          %dma_wait3A_419 = arith.constant 0 : i32
          %dma_wait3A_420 = tpu.memref_slice %arg5[%add3A_372, %dma_wait3A_419] : memref<8192x64xf32, #tpu.memory_space<hbm>> -> memref<32x64xf32, #tpu.memory_space<hbm>>
          %dma_wait3A_421 = arith.constant 0 : i32
          %dma_wait3A_422 = tpu.memref_slice %arg11[%mul3A_367, %dma_wait3A_421] : memref<64x64xf32, #tpu.memory_space<vmem>> -> memref<32x64xf32, #tpu.memory_space<vmem>>
          tpu.wait_dma2 semaphore(%arg17 : memref<!tpu.dma_semaphore, #tpu.memory_space<semaphore_mem>>) src(%dma_wait3A_422 : memref<32x64xf32, #tpu.memory_space<vmem>>) dst(%dma_wait3A_420 : memref<32x64xf32, #tpu.memory_space<hbm>>)
          %dma_wait3A_423 = arith.constant 0 : i32
          %dma_wait3A_424 = tpu.memref_slice %arg12[%mul3A_367, %dma_wait3A_423] : memref<64x64xf32, #tpu.memory_space<vmem>> -> memref<32x64xf32, #tpu.memory_space<vmem>>
          %dma_wait3A_425 = arith.constant 0 : i32
          %dma_wait3A_426 = tpu.memref_slice %arg6[%add3A_372, %dma_wait3A_425] : memref<8192x64xf32, #tpu.memory_space<hbm>> -> memref<32x64xf32, #tpu.memory_space<hbm>>
          %dma_wait3A_427 = arith.constant 0 : i32
          %dma_wait3A_428 = tpu.memref_slice %arg6[%add3A_372, %dma_wait3A_427] : memref<8192x64xf32, #tpu.memory_space<hbm>> -> memref<32x64xf32, #tpu.memory_space<hbm>>
          %dma_wait3A_429 = arith.constant 0 : i32
          %dma_wait3A_430 = tpu.memref_slice %arg12[%mul3A_367, %dma_wait3A_429] : memref<64x64xf32, #tpu.memory_space<vmem>> -> memref<32x64xf32, #tpu.memory_space<vmem>>
          tpu.wait_dma2 semaphore(%arg17 : memref<!tpu.dma_semaphore, #tpu.memory_space<semaphore_mem>>) src(%dma_wait3A_430 : memref<32x64xf32, #tpu.memory_space<vmem>>) dst(%dma_wait3A_428 : memref<32x64xf32, #tpu.memory_space<hbm>>)
        } else {
        }
        %jit3A_394 = arith.constant 2 : i32
        %eq3A_395 = arith.constant 0 : i32
        %eq3A_396 = arith.cmpi eq, %jit3A_394, %eq3A_395 : i32
        %jit3A_397 = arith.constant 1 : i32
        %select_n3A_398 = arith.select %eq3A_396, %jit3A_397, %jit3A_394 : i32
        %rem3A_399 = arith.remsi %sub3A_349, %select_n3A_398 : i32
        %ne3A_400 = arith.constant 0 : i32
        %ne3A_401 = arith.cmpi ne, %rem3A_399, %ne3A_400 : i32
        %lt3A_402 = arith.constant 0 : i32
        %lt3A_403 = arith.cmpi slt, %rem3A_399, %lt3A_402 : i32
        %lt3A_404 = arith.constant 0 : i32
        %lt3A_405 = arith.cmpi slt, %select_n3A_398, %lt3A_404 : i32
        %ne3A_406 = arith.xori %lt3A_403, %lt3A_405 : i1
        %and3A_407 = arith.andi %ne3A_406, %ne3A_401 : i1
        %add3A_408 = arith.addi %rem3A_399, %select_n3A_398 : i32
        %select_n3A_409 = arith.select %and3A_407, %add3A_408, %rem3A_399 : i32
        %eq3A_410 = arith.constant 1 : i32
        %eq3A_411 = arith.cmpi eq, %select_n3A_409, %eq3A_410 : i32
        %convert_element_type3A_412 = arith.extui %eq3A_411 : i1 to i32
        %cond3A_413 = arith.constant 0 : i32
        %cond3A_414 = arith.cmpi ne, %convert_element_type3A_412, %cond3A_413 : i32
        scf.if %cond3A_414 {
          %dma_wait3A_415 = arith.constant 0 : i32
          %dma_wait3A_416 = tpu.memref_slice %arg11[%mul3A_367, %dma_wait3A_415] : memref<64x64xf32, #tpu.memory_space<vmem>> -> memref<32x64xf32, #tpu.memory_space<vmem>>
          %dma_wait3A_417 = arith.constant 0 : i32
          %dma_wait3A_418 = tpu.memref_slice %arg5[%add3A_372, %dma_wait3A_417] : memref<8192x64xf32, #tpu.memory_space<hbm>> -> memref<32x64xf32, #tpu.memory_space<hbm>>
          %dma_wait3A_419 = arith.constant 0 : i32
          %dma_wait3A_420 = tpu.memref_slice %arg5[%add3A_372, %dma_wait3A_419] : memref<8192x64xf32, #tpu.memory_space<hbm>> -> memref<32x64xf32, #tpu.memory_space<hbm>>
          %dma_wait3A_421 = arith.constant 0 : i32
          %dma_wait3A_422 = tpu.memref_slice %arg11[%mul3A_367, %dma_wait3A_421] : memref<64x64xf32, #tpu.memory_space<vmem>> -> memref<32x64xf32, #tpu.memory_space<vmem>>
          tpu.wait_dma2 semaphore(%arg18 : memref<!tpu.dma_semaphore, #tpu.memory_space<semaphore_mem>>) src(%dma_wait3A_422 : memref<32x64xf32, #tpu.memory_space<vmem>>) dst(%dma_wait3A_420 : memref<32x64xf32, #tpu.memory_space<hbm>>)
          %dma_wait3A_423 = arith.constant 0 : i32
          %dma_wait3A_424 = tpu.memref_slice %arg12[%mul3A_367, %dma_wait3A_423] : memref<64x64xf32, #tpu.memory_space<vmem>> -> memref<32x64xf32, #tpu.memory_space<vmem>>
          %dma_wait3A_425 = arith.constant 0 : i32
          %dma_wait3A_426 = tpu.memref_slice %arg6[%add3A_372, %dma_wait3A_425] : memref<8192x64xf32, #tpu.memory_space<hbm>> -> memref<32x64xf32, #tpu.memory_space<hbm>>
          %dma_wait3A_427 = arith.constant 0 : i32
          %dma_wait3A_428 = tpu.memref_slice %arg6[%add3A_372, %dma_wait3A_427] : memref<8192x64xf32, #tpu.memory_space<hbm>> -> memref<32x64xf32, #tpu.memory_space<hbm>>
          %dma_wait3A_429 = arith.constant 0 : i32
          %dma_wait3A_430 = tpu.memref_slice %arg12[%mul3A_367, %dma_wait3A_429] : memref<64x64xf32, #tpu.memory_space<vmem>> -> memref<32x64xf32, #tpu.memory_space<vmem>>
          tpu.wait_dma2 semaphore(%arg18 : memref<!tpu.dma_semaphore, #tpu.memory_space<semaphore_mem>>) src(%dma_wait3A_430 : memref<32x64xf32, #tpu.memory_space<vmem>>) dst(%dma_wait3A_428 : memref<32x64xf32, #tpu.memory_space<hbm>>)
        } else {
        }
      } else {
      }
      %scan3A_278 = arith.constant 0 : i32
      %scan3A_279 = arith.constant 0 : i32
      %scan3A_280 = arith.constant 32 : i32
      %scan3A_281 = arith.addi %scan3A_279, %scan3A_280 : i32
      %scan3A_282 = arith.constant 1 : i32
      scf.for %scan3A_349 = %scan3A_279 to %scan3A_281 step %scan3A_282  : i32 {
        %mul3A_350 = arith.constant 640 : i32
        %mul3A_351 = arith.muli %select_n3A_197, %mul3A_350 : i32
        %mul3A_352 = arith.constant 20 : i32
        %mul3A_353 = arith.muli %scan3A_349, %mul3A_352 : i32
        %add3A_354 = arith.addi %mul3A_351, %mul3A_353 : i32
        %mul3A_355 = arith.constant 32 : i32
        %mul3A_356 = arith.muli %select_n3A_197, %mul3A_355 : i32
        %add3A_357 = arith.addi %mul3A_356, %scan3A_349 : i32
        %get3A = arith.index_cast %add3A_354 : i32 to index
        %get3A_358 = arith.constant 0 : index
        %get3A_359 = tpu.vector_load %arg9[%get3A, %get3A_358] {strides = array<i32>} : memref<1280x64xf32, #tpu.memory_space<vmem>>, vector<1x16xf32>,
        %get3A_360 = vector.shape_cast %get3A_359 : vector<1x16xf32> to vector<16xf32>
        %mul3A_361 = arith.mulf %get3A_360, %get3A_360 : vector<16xf32>
        %add3A_362 = arith.constant 1 : i32
        %add3A_363 = arith.addi %add3A_354, %add3A_362 : i32
        %get3A_364 = arith.index_cast %add3A_363 : i32 to index
        %get3A_365 = arith.constant 0 : index
        %get3A_366 = tpu.vector_load %arg9[%get3A_364, %get3A_365] {strides = array<i32>} : memref<1280x64xf32, #tpu.memory_space<vmem>>, vector<1x16xf32>,
        %get3A_367 = vector.shape_cast %get3A_366 : vector<1x16xf32> to vector<16xf32>
        %min3A = arith.minimumf %get3A_360, %get3A_367 : vector<16xf32>
        %max3A = arith.maximumf %get3A_360, %get3A_367 : vector<16xf32>
        %add3A_368 = arith.addf %get3A_360, %get3A_367 : vector<16xf32>
        %mul3A_369 = arith.mulf %get3A_367, %get3A_367 : vector<16xf32>
        %add3A_370 = arith.addf %mul3A_361, %mul3A_369 : vector<16xf32>
        %add3A_371 = arith.constant 2 : i32
        %add3A_372 = arith.addi %add3A_354, %add3A_371 : i32
        %get3A_373 = arith.index_cast %add3A_372 : i32 to index
        %get3A_374 = arith.constant 0 : index
        %get3A_375 = tpu.vector_load %arg9[%get3A_373, %get3A_374] {strides = array<i32>} : memref<1280x64xf32, #tpu.memory_space<vmem>>, vector<1x16xf32>,
        %get3A_376 = vector.shape_cast %get3A_375 : vector<1x16xf32> to vector<16xf32>
        %min3A_377 = arith.minimumf %min3A, %get3A_376 : vector<16xf32>
        %max3A_378 = arith.maximumf %max3A, %get3A_376 : vector<16xf32>
        %add3A_379 = arith.addf %add3A_368, %get3A_376 : vector<16xf32>
        %mul3A_380 = arith.mulf %get3A_376, %get3A_376 : vector<16xf32>
        %add3A_381 = arith.addf %add3A_370, %mul3A_380 : vector<16xf32>
        %add3A_382 = arith.constant 3 : i32
        %add3A_383 = arith.addi %add3A_354, %add3A_382 : i32
        %get3A_384 = arith.index_cast %add3A_383 : i32 to index
        %get3A_385 = arith.constant 0 : index
        %get3A_386 = tpu.vector_load %arg9[%get3A_384, %get3A_385] {strides = array<i32>} : memref<1280x64xf32, #tpu.memory_space<vmem>>, vector<1x16xf32>,
        %get3A_387 = vector.shape_cast %get3A_386 : vector<1x16xf32> to vector<16xf32>
        %min3A_388 = arith.minimumf %min3A_377, %get3A_387 : vector<16xf32>
        %max3A_389 = arith.maximumf %max3A_378, %get3A_387 : vector<16xf32>
        %add3A_390 = arith.addf %add3A_379, %get3A_387 : vector<16xf32>
        %mul3A_391 = arith.mulf %get3A_387, %get3A_387 : vector<16xf32>
        %add3A_392 = arith.addf %add3A_381, %mul3A_391 : vector<16xf32>
        %add3A_393 = arith.constant 4 : i32
        %add3A_394 = arith.addi %add3A_354, %add3A_393 : i32
        %get3A_395 = arith.index_cast %add3A_394 : i32 to index
        %get3A_396 = arith.constant 0 : index
        %get3A_397 = tpu.vector_load %arg9[%get3A_395, %get3A_396] {strides = array<i32>} : memref<1280x64xf32, #tpu.memory_space<vmem>>, vector<1x16xf32>,
        %get3A_398 = vector.shape_cast %get3A_397 : vector<1x16xf32> to vector<16xf32>
        %min3A_399 = arith.minimumf %min3A_388, %get3A_398 : vector<16xf32>
        %max3A_400 = arith.maximumf %max3A_389, %get3A_398 : vector<16xf32>
        %add3A_401 = arith.addf %add3A_390, %get3A_398 : vector<16xf32>
        %mul3A_402 = arith.mulf %get3A_398, %get3A_398 : vector<16xf32>
        %add3A_403 = arith.addf %add3A_392, %mul3A_402 : vector<16xf32>
        %add3A_404 = arith.constant 5 : i32
        %add3A_405 = arith.addi %add3A_354, %add3A_404 : i32
        %get3A_406 = arith.index_cast %add3A_405 : i32 to index
        %get3A_407 = arith.constant 0 : index
        %get3A_408 = tpu.vector_load %arg9[%get3A_406, %get3A_407] {strides = array<i32>} : memref<1280x64xf32, #tpu.memory_space<vmem>>, vector<1x16xf32>,
        %get3A_409 = vector.shape_cast %get3A_408 : vector<1x16xf32> to vector<16xf32>
        %min3A_410 = arith.minimumf %min3A_399, %get3A_409 : vector<16xf32>
        %max3A_411 = arith.maximumf %max3A_400, %get3A_409 : vector<16xf32>
        %add3A_412 = arith.addf %add3A_401, %get3A_409 : vector<16xf32>
        %mul3A_413 = arith.mulf %get3A_409, %get3A_409 : vector<16xf32>
        %add3A_414 = arith.addf %add3A_403, %mul3A_413 : vector<16xf32>
        %add3A_415 = arith.constant 6 : i32
        %add3A_416 = arith.addi %add3A_354, %add3A_415 : i32
        %get3A_417 = arith.index_cast %add3A_416 : i32 to index
        %get3A_418 = arith.constant 0 : index
        %get3A_419 = tpu.vector_load %arg9[%get3A_417, %get3A_418] {strides = array<i32>} : memref<1280x64xf32, #tpu.memory_space<vmem>>, vector<1x16xf32>,
        %get3A_420 = vector.shape_cast %get3A_419 : vector<1x16xf32> to vector<16xf32>
        %min3A_421 = arith.minimumf %min3A_410, %get3A_420 : vector<16xf32>
        %max3A_422 = arith.maximumf %max3A_411, %get3A_420 : vector<16xf32>
        %add3A_423 = arith.addf %add3A_412, %get3A_420 : vector<16xf32>
        %mul3A_424 = arith.mulf %get3A_420, %get3A_420 : vector<16xf32>
        %add3A_425 = arith.addf %add3A_414, %mul3A_424 : vector<16xf32>
        %add3A_426 = arith.constant 7 : i32
        %add3A_427 = arith.addi %add3A_354, %add3A_426 : i32
        %get3A_428 = arith.index_cast %add3A_427 : i32 to index
        %get3A_429 = arith.constant 0 : index
        %get3A_430 = tpu.vector_load %arg9[%get3A_428, %get3A_429] {strides = array<i32>} : memref<1280x64xf32, #tpu.memory_space<vmem>>, vector<1x16xf32>,
        %get3A_431 = vector.shape_cast %get3A_430 : vector<1x16xf32> to vector<16xf32>
        %min3A_432 = arith.minimumf %min3A_421, %get3A_431 : vector<16xf32>
        %max3A_433 = arith.maximumf %max3A_422, %get3A_431 : vector<16xf32>
        %add3A_434 = arith.addf %add3A_423, %get3A_431 : vector<16xf32>
        %mul3A_435 = arith.mulf %get3A_431, %get3A_431 : vector<16xf32>
        %add3A_436 = arith.addf %add3A_425, %mul3A_435 : vector<16xf32>
        %add3A_437 = arith.constant 8 : i32
        %add3A_438 = arith.addi %add3A_354, %add3A_437 : i32
        %get3A_439 = arith.index_cast %add3A_438 : i32 to index
        %get3A_440 = arith.constant 0 : index
        %get3A_441 = tpu.vector_load %arg9[%get3A_439, %get3A_440] {strides = array<i32>} : memref<1280x64xf32, #tpu.memory_space<vmem>>, vector<1x16xf32>,
        %get3A_442 = vector.shape_cast %get3A_441 : vector<1x16xf32> to vector<16xf32>
        %min3A_443 = arith.minimumf %min3A_432, %get3A_442 : vector<16xf32>
        %max3A_444 = arith.maximumf %max3A_433, %get3A_442 : vector<16xf32>
        %add3A_445 = arith.addf %add3A_434, %get3A_442 : vector<16xf32>
        %mul3A_446 = arith.mulf %get3A_442, %get3A_442 : vector<16xf32>
        %add3A_447 = arith.addf %add3A_436, %mul3A_446 : vector<16xf32>
        %add3A_448 = arith.constant 9 : i32
        %add3A_449 = arith.addi %add3A_354, %add3A_448 : i32
        %get3A_450 = arith.index_cast %add3A_449 : i32 to index
        %get3A_451 = arith.constant 0 : index
        %get3A_452 = tpu.vector_load %arg9[%get3A_450, %get3A_451] {strides = array<i32>} : memref<1280x64xf32, #tpu.memory_space<vmem>>, vector<1x16xf32>,
        %get3A_453 = vector.shape_cast %get3A_452 : vector<1x16xf32> to vector<16xf32>
        %min3A_454 = arith.minimumf %min3A_443, %get3A_453 : vector<16xf32>
        %max3A_455 = arith.maximumf %max3A_444, %get3A_453 : vector<16xf32>
        %add3A_456 = arith.addf %add3A_445, %get3A_453 : vector<16xf32>
        %mul3A_457 = arith.mulf %get3A_453, %get3A_453 : vector<16xf32>
        %add3A_458 = arith.addf %add3A_447, %mul3A_457 : vector<16xf32>
        %add3A_459 = arith.constant 10 : i32
        %add3A_460 = arith.addi %add3A_354, %add3A_459 : i32
        %get3A_461 = arith.index_cast %add3A_460 : i32 to index
        %get3A_462 = arith.constant 0 : index
        %get3A_463 = tpu.vector_load %arg9[%get3A_461, %get3A_462] {strides = array<i32>} : memref<1280x64xf32, #tpu.memory_space<vmem>>, vector<1x16xf32>,
        %get3A_464 = vector.shape_cast %get3A_463 : vector<1x16xf32> to vector<16xf32>
        %min3A_465 = arith.minimumf %min3A_454, %get3A_464 : vector<16xf32>
        %max3A_466 = arith.maximumf %max3A_455, %get3A_464 : vector<16xf32>
        %add3A_467 = arith.addf %add3A_456, %get3A_464 : vector<16xf32>
        %mul3A_468 = arith.mulf %get3A_464, %get3A_464 : vector<16xf32>
        %add3A_469 = arith.addf %add3A_458, %mul3A_468 : vector<16xf32>
        %add3A_470 = arith.constant 11 : i32
        %add3A_471 = arith.addi %add3A_354, %add3A_470 : i32
        %get3A_472 = arith.index_cast %add3A_471 : i32 to index
        %get3A_473 = arith.constant 0 : index
        %get3A_474 = tpu.vector_load %arg9[%get3A_472, %get3A_473] {strides = array<i32>} : memref<1280x64xf32, #tpu.memory_space<vmem>>, vector<1x16xf32>,
        %get3A_475 = vector.shape_cast %get3A_474 : vector<1x16xf32> to vector<16xf32>
        %min3A_476 = arith.minimumf %min3A_465, %get3A_475 : vector<16xf32>
        %max3A_477 = arith.maximumf %max3A_466, %get3A_475 : vector<16xf32>
        %add3A_478 = arith.addf %add3A_467, %get3A_475 : vector<16xf32>
        %mul3A_479 = arith.mulf %get3A_475, %get3A_475 : vector<16xf32>
        %add3A_480 = arith.addf %add3A_469, %mul3A_479 : vector<16xf32>
        %add3A_481 = arith.constant 12 : i32
        %add3A_482 = arith.addi %add3A_354, %add3A_481 : i32
        %get3A_483 = arith.index_cast %add3A_482 : i32 to index
        %get3A_484 = arith.constant 0 : index
        %get3A_485 = tpu.vector_load %arg9[%get3A_483, %get3A_484] {strides = array<i32>} : memref<1280x64xf32, #tpu.memory_space<vmem>>, vector<1x16xf32>,
        %get3A_486 = vector.shape_cast %get3A_485 : vector<1x16xf32> to vector<16xf32>
        %min3A_487 = arith.minimumf %min3A_476, %get3A_486 : vector<16xf32>
        %max3A_488 = arith.maximumf %max3A_477, %get3A_486 : vector<16xf32>
        %add3A_489 = arith.addf %add3A_478, %get3A_486 : vector<16xf32>
        %mul3A_490 = arith.mulf %get3A_486, %get3A_486 : vector<16xf32>
        %add3A_491 = arith.addf %add3A_480, %mul3A_490 : vector<16xf32>
        %add3A_492 = arith.constant 13 : i32
        %add3A_493 = arith.addi %add3A_354, %add3A_492 : i32
        %get3A_494 = arith.index_cast %add3A_493 : i32 to index
        %get3A_495 = arith.constant 0 : index
        %get3A_496 = tpu.vector_load %arg9[%get3A_494, %get3A_495] {strides = array<i32>} : memref<1280x64xf32, #tpu.memory_space<vmem>>, vector<1x16xf32>,
        %get3A_497 = vector.shape_cast %get3A_496 : vector<1x16xf32> to vector<16xf32>
        %min3A_498 = arith.minimumf %min3A_487, %get3A_497 : vector<16xf32>
        %max3A_499 = arith.maximumf %max3A_488, %get3A_497 : vector<16xf32>
        %add3A_500 = arith.addf %add3A_489, %get3A_497 : vector<16xf32>
        %mul3A_501 = arith.mulf %get3A_497, %get3A_497 : vector<16xf32>
        %add3A_502 = arith.addf %add3A_491, %mul3A_501 : vector<16xf32>
        %add3A_503 = arith.constant 14 : i32
        %add3A_504 = arith.addi %add3A_354, %add3A_503 : i32
        %get3A_505 = arith.index_cast %add3A_504 : i32 to index
        %get3A_506 = arith.constant 0 : index
        %get3A_507 = tpu.vector_load %arg9[%get3A_505, %get3A_506] {strides = array<i32>} : memref<1280x64xf32, #tpu.memory_space<vmem>>, vector<1x16xf32>,
        %get3A_508 = vector.shape_cast %get3A_507 : vector<1x16xf32> to vector<16xf32>
        %min3A_509 = arith.minimumf %min3A_498, %get3A_508 : vector<16xf32>
        %max3A_510 = arith.maximumf %max3A_499, %get3A_508 : vector<16xf32>
        %add3A_511 = arith.addf %add3A_500, %get3A_508 : vector<16xf32>
        %mul3A_512 = arith.mulf %get3A_508, %get3A_508 : vector<16xf32>
        %add3A_513 = arith.addf %add3A_502, %mul3A_512 : vector<16xf32>
        %add3A_514 = arith.constant 15 : i32
        %add3A_515 = arith.addi %add3A_354, %add3A_514 : i32
        %get3A_516 = arith.index_cast %add3A_515 : i32 to index
        %get3A_517 = arith.constant 0 : index
        %get3A_518 = tpu.vector_load %arg9[%get3A_516, %get3A_517] {strides = array<i32>} : memref<1280x64xf32, #tpu.memory_space<vmem>>, vector<1x16xf32>,
        %get3A_519 = vector.shape_cast %get3A_518 : vector<1x16xf32> to vector<16xf32>
        %min3A_520 = arith.minimumf %min3A_509, %get3A_519 : vector<16xf32>
        %max3A_521 = arith.maximumf %max3A_510, %get3A_519 : vector<16xf32>
        %add3A_522 = arith.addf %add3A_511, %get3A_519 : vector<16xf32>
        %mul3A_523 = arith.mulf %get3A_519, %get3A_519 : vector<16xf32>
        %add3A_524 = arith.addf %add3A_513, %mul3A_523 : vector<16xf32>
        %add3A_525 = arith.constant 16 : i32
        %add3A_526 = arith.addi %add3A_354, %add3A_525 : i32
        %get3A_527 = arith.index_cast %add3A_526 : i32 to index
        %get3A_528 = arith.constant 0 : index
        %get3A_529 = tpu.vector_load %arg9[%get3A_527, %get3A_528] {strides = array<i32>} : memref<1280x64xf32, #tpu.memory_space<vmem>>, vector<1x16xf32>,
        %get3A_530 = vector.shape_cast %get3A_529 : vector<1x16xf32> to vector<16xf32>
        %min3A_531 = arith.minimumf %min3A_520, %get3A_530 : vector<16xf32>
        %max3A_532 = arith.maximumf %max3A_521, %get3A_530 : vector<16xf32>
        %add3A_533 = arith.addf %add3A_522, %get3A_530 : vector<16xf32>
        %mul3A_534 = arith.mulf %get3A_530, %get3A_530 : vector<16xf32>
        %add3A_535 = arith.addf %add3A_524, %mul3A_534 : vector<16xf32>
        %add3A_536 = arith.constant 17 : i32
        %add3A_537 = arith.addi %add3A_354, %add3A_536 : i32
        %get3A_538 = arith.index_cast %add3A_537 : i32 to index
        %get3A_539 = arith.constant 0 : index
        %get3A_540 = tpu.vector_load %arg9[%get3A_538, %get3A_539] {strides = array<i32>} : memref<1280x64xf32, #tpu.memory_space<vmem>>, vector<1x16xf32>,
        %get3A_541 = vector.shape_cast %get3A_540 : vector<1x16xf32> to vector<16xf32>
        %min3A_542 = arith.minimumf %min3A_531, %get3A_541 : vector<16xf32>
        %max3A_543 = arith.maximumf %max3A_532, %get3A_541 : vector<16xf32>
        %add3A_544 = arith.addf %add3A_533, %get3A_541 : vector<16xf32>
        %mul3A_545 = arith.mulf %get3A_541, %get3A_541 : vector<16xf32>
        %add3A_546 = arith.addf %add3A_535, %mul3A_545 : vector<16xf32>
        %add3A_547 = arith.constant 18 : i32
        %add3A_548 = arith.addi %add3A_354, %add3A_547 : i32
        %get3A_549 = arith.index_cast %add3A_548 : i32 to index
        %get3A_550 = arith.constant 0 : index
        %get3A_551 = tpu.vector_load %arg9[%get3A_549, %get3A_550] {strides = array<i32>} : memref<1280x64xf32, #tpu.memory_space<vmem>>, vector<1x16xf32>,
        %get3A_552 = vector.shape_cast %get3A_551 : vector<1x16xf32> to vector<16xf32>
        %min3A_553 = arith.minimumf %min3A_542, %get3A_552 : vector<16xf32>
        %max3A_554 = arith.maximumf %max3A_543, %get3A_552 : vector<16xf32>
        %add3A_555 = arith.addf %add3A_544, %get3A_552 : vector<16xf32>
        %mul3A_556 = arith.mulf %get3A_552, %get3A_552 : vector<16xf32>
        %add3A_557 = arith.addf %add3A_546, %mul3A_556 : vector<16xf32>
        %add3A_558 = arith.constant 19 : i32
        %add3A_559 = arith.addi %add3A_354, %add3A_558 : i32
        %get3A_560 = arith.index_cast %add3A_559 : i32 to index
        %get3A_561 = arith.constant 0 : index
        %get3A_562 = tpu.vector_load %arg9[%get3A_560, %get3A_561] {strides = array<i32>} : memref<1280x64xf32, #tpu.memory_space<vmem>>, vector<1x16xf32>,
        %get3A_563 = vector.shape_cast %get3A_562 : vector<1x16xf32> to vector<16xf32>
        %min3A_564 = arith.minimumf %min3A_553, %get3A_563 : vector<16xf32>
        %max3A_565 = arith.maximumf %max3A_554, %get3A_563 : vector<16xf32>
        %add3A_566 = arith.addf %add3A_555, %get3A_563 : vector<16xf32>
        %mul3A_567 = arith.mulf %get3A_563, %get3A_563 : vector<16xf32>
        %add3A_568 = arith.addf %add3A_557, %mul3A_567 : vector<16xf32>
        %swap3A_569 = arith.index_cast %add3A_357 : i32 to index
        %swap3A_570 = arith.constant 0 : index
        %swap3A_571 = tpu.vector_load %arg11[%swap3A_569, %swap3A_570] {strides = array<i32>} : memref<64x64xf32, #tpu.memory_space<vmem>>, vector<1x16xf32>,
        %swap3A_572 = vector.shape_cast %swap3A_571 : vector<1x16xf32> to vector<16xf32>
        %swap3A_573 = vector.shape_cast %min3A_564 : vector<16xf32> to vector<1x16xf32>
        tpu.vector_store %arg11[%swap3A_569, %swap3A_570], %swap3A_573 {strides = array<i32>} : memref<64x64xf32, #tpu.memory_space<vmem>>, vector<1x16xf32>,
        %swap3A_574 = arith.index_cast %add3A_357 : i32 to index
        %swap3A_575 = arith.constant 0 : index
        %swap3A_576 = tpu.vector_load %arg12[%swap3A_574, %swap3A_575] {strides = array<i32>} : memref<64x64xf32, #tpu.memory_space<vmem>>, vector<1x16xf32>,
        %swap3A_577 = vector.shape_cast %swap3A_576 : vector<1x16xf32> to vector<16xf32>
        %swap3A_578 = vector.shape_cast %max3A_565 : vector<16xf32> to vector<1x16xf32>
        tpu.vector_store %arg12[%swap3A_574, %swap3A_575], %swap3A_578 {strides = array<i32>} : memref<64x64xf32, #tpu.memory_space<vmem>>, vector<1x16xf32>,
        %get3A_579 = arith.index_cast %add3A_357 : i32 to index
        %get3A_580 = arith.constant 0 : index
        %get3A_581 = tpu.vector_load %arg10[%get3A_579, %get3A_580] {strides = array<i32>} : memref<64x64xf32, #tpu.memory_space<vmem>>, vector<1x16xf32>,
        %get3A_582 = vector.shape_cast %get3A_581 : vector<1x16xf32> to vector<16xf32>
        %get3A_583 = arith.constant 0 : index
        %get3A_584 = tpu.vector_load %arg13[%get3A_583] {strides = array<i32>} : memref<128xf32, #tpu.memory_space<vmem>>, vector<16xf32>,
        %get3A_585 = vector.shape_cast %get3A_584 : vector<16xf32> to vector<16xf32>
        %mul3A_586 = arith.constant 2.000000e+01 : f32
        %mul3A_587 = vector.broadcast %mul3A_586 : f32 to vector<16xf32>
        %mul3A_588 = arith.mulf %mul3A_587, %get3A_582 : vector<16xf32>
        %sub3A = arith.subf %mul3A_588, %add3A_566 : vector<16xf32>
        %add3A_589 = arith.addf %get3A_585, %sub3A : vector<16xf32>
        %swap3A_590 = arith.constant 0 : index
        %swap3A_591 = tpu.vector_load %arg13[%swap3A_590] {strides = array<i32>} : memref<128xf32, #tpu.memory_space<vmem>>, vector<16xf32>,
        %swap3A_592 = vector.shape_cast %swap3A_591 : vector<16xf32> to vector<16xf32>
        %swap3A_593 = vector.shape_cast %add3A_589 : vector<16xf32> to vector<16xf32>
        tpu.vector_store %arg13[%swap3A_590], %swap3A_593 {strides = array<i32>} : memref<128xf32, #tpu.memory_space<vmem>>, vector<16xf32>,
        %get3A_594 = arith.constant 64 : index
        %get3A_595 = tpu.vector_load %arg13[%get3A_594] {strides = array<i32>} : memref<128xf32, #tpu.memory_space<vmem>>, vector<16xf32>,
        %get3A_596 = vector.shape_cast %get3A_595 : vector<16xf32> to vector<16xf32>
        %mul3A_597 = arith.constant 2.000000e+01 : f32
        %mul3A_598 = vector.broadcast %mul3A_597 : f32 to vector<16xf32>
        %mul3A_599 = arith.mulf %mul3A_598, %get3A_582 : vector<16xf32>
        %mul3A_600 = arith.mulf %mul3A_599, %get3A_582 : vector<16xf32>
        %mul3A_601 = arith.constant 2.000000e+00 : f32
        %mul3A_602 = vector.broadcast %mul3A_601 : f32 to vector<16xf32>
        %mul3A_603 = arith.mulf %mul3A_602, %get3A_582 : vector<16xf32>
        %mul3A_604 = arith.mulf %mul3A_603, %add3A_566 : vector<16xf32>
        %sub3A_605 = arith.subf %mul3A_600, %mul3A_604 : vector<16xf32>
        %add3A_606 = arith.addf %sub3A_605, %add3A_568 : vector<16xf32>
        %add3A_607 = arith.addf %get3A_596, %add3A_606 : vector<16xf32>
        %swap3A_608 = arith.constant 64 : index
        %swap3A_609 = tpu.vector_load %arg13[%swap3A_608] {strides = array<i32>} : memref<128xf32, #tpu.memory_space<vmem>>, vector<16xf32>,
        %swap3A_610 = vector.shape_cast %swap3A_609 : vector<16xf32> to vector<16xf32>
        %swap3A_611 = vector.shape_cast %add3A_607 : vector<16xf32> to vector<16xf32>
        tpu.vector_store %arg13[%swap3A_608], %swap3A_611 {strides = array<i32>} : memref<128xf32, #tpu.memory_space<vmem>>, vector<16xf32>,
        %get3A_612 = arith.index_cast %add3A_354 : i32 to index
        %get3A_613 = arith.constant 16 : index
        %get3A_614 = tpu.vector_load %arg9[%get3A_612, %get3A_613] {strides = array<i32>} : memref<1280x64xf32, #tpu.memory_space<vmem>>, vector<1x16xf32>,
        %get3A_615 = vector.shape_cast %get3A_614 : vector<1x16xf32> to vector<16xf32>
        %mul3A_616 = arith.mulf %get3A_615, %get3A_615 : vector<16xf32>
        %add3A_617 = arith.constant 1 : i32
        %add3A_618 = arith.addi %add3A_354, %add3A_617 : i32
        %get3A_619 = arith.index_cast %add3A_618 : i32 to index
        %get3A_620 = arith.constant 16 : index
        %get3A_621 = tpu.vector_load %arg9[%get3A_619, %get3A_620] {strides = array<i32>} : memref<1280x64xf32, #tpu.memory_space<vmem>>, vector<1x16xf32>,
        %get3A_622 = vector.shape_cast %get3A_621 : vector<1x16xf32> to vector<16xf32>
        %min3A_623 = arith.minimumf %get3A_615, %get3A_622 : vector<16xf32>
        %max3A_624 = arith.maximumf %get3A_615, %get3A_622 : vector<16xf32>
        %add3A_625 = arith.addf %get3A_615, %get3A_622 : vector<16xf32>
        %mul3A_626 = arith.mulf %get3A_622, %get3A_622 : vector<16xf32>
        %add3A_627 = arith.addf %mul3A_616, %mul3A_626 : vector<16xf32>
        %add3A_628 = arith.constant 2 : i32
        %add3A_629 = arith.addi %add3A_354, %add3A_628 : i32
        %get3A_630 = arith.index_cast %add3A_629 : i32 to index
        %get3A_631 = arith.constant 16 : index
        %get3A_632 = tpu.vector_load %arg9[%get3A_630, %get3A_631] {strides = array<i32>} : memref<1280x64xf32, #tpu.memory_space<vmem>>, vector<1x16xf32>,
        %get3A_633 = vector.shape_cast %get3A_632 : vector<1x16xf32> to vector<16xf32>
        %min3A_634 = arith.minimumf %min3A_623, %get3A_633 : vector<16xf32>
        %max3A_635 = arith.maximumf %max3A_624, %get3A_633 : vector<16xf32>
        %add3A_636 = arith.addf %add3A_625, %get3A_633 : vector<16xf32>
        %mul3A_637 = arith.mulf %get3A_633, %get3A_633 : vector<16xf32>
        %add3A_638 = arith.addf %add3A_627, %mul3A_637 : vector<16xf32>
        %add3A_639 = arith.constant 3 : i32
        %add3A_640 = arith.addi %add3A_354, %add3A_639 : i32
        %get3A_641 = arith.index_cast %add3A_640 : i32 to index
        %get3A_642 = arith.constant 16 : index
        %get3A_643 = tpu.vector_load %arg9[%get3A_641, %get3A_642] {strides = array<i32>} : memref<1280x64xf32, #tpu.memory_space<vmem>>, vector<1x16xf32>,
        %get3A_644 = vector.shape_cast %get3A_643 : vector<1x16xf32> to vector<16xf32>
        %min3A_645 = arith.minimumf %min3A_634, %get3A_644 : vector<16xf32>
        %max3A_646 = arith.maximumf %max3A_635, %get3A_644 : vector<16xf32>
        %add3A_647 = arith.addf %add3A_636, %get3A_644 : vector<16xf32>
        %mul3A_648 = arith.mulf %get3A_644, %get3A_644 : vector<16xf32>
        %add3A_649 = arith.addf %add3A_638, %mul3A_648 : vector<16xf32>
        %add3A_650 = arith.constant 4 : i32
        %add3A_651 = arith.addi %add3A_354, %add3A_650 : i32
        %get3A_652 = arith.index_cast %add3A_651 : i32 to index
        %get3A_653 = arith.constant 16 : index
        %get3A_654 = tpu.vector_load %arg9[%get3A_652, %get3A_653] {strides = array<i32>} : memref<1280x64xf32, #tpu.memory_space<vmem>>, vector<1x16xf32>,
        %get3A_655 = vector.shape_cast %get3A_654 : vector<1x16xf32> to vector<16xf32>
        %min3A_656 = arith.minimumf %min3A_645, %get3A_655 : vector<16xf32>
        %max3A_657 = arith.maximumf %max3A_646, %get3A_655 : vector<16xf32>
        %add3A_658 = arith.addf %add3A_647, %get3A_655 : vector<16xf32>
        %mul3A_659 = arith.mulf %get3A_655, %get3A_655 : vector<16xf32>
        %add3A_660 = arith.addf %add3A_649, %mul3A_659 : vector<16xf32>
        %add3A_661 = arith.constant 5 : i32
        %add3A_662 = arith.addi %add3A_354, %add3A_661 : i32
        %get3A_663 = arith.index_cast %add3A_662 : i32 to index
        %get3A_664 = arith.constant 16 : index
        %get3A_665 = tpu.vector_load %arg9[%get3A_663, %get3A_664] {strides = array<i32>} : memref<1280x64xf32, #tpu.memory_space<vmem>>, vector<1x16xf32>,
        %get3A_666 = vector.shape_cast %get3A_665 : vector<1x16xf32> to vector<16xf32>
        %min3A_667 = arith.minimumf %min3A_656, %get3A_666 : vector<16xf32>
        %max3A_668 = arith.maximumf %max3A_657, %get3A_666 : vector<16xf32>
        %add3A_669 = arith.addf %add3A_658, %get3A_666 : vector<16xf32>
        %mul3A_670 = arith.mulf %get3A_666, %get3A_666 : vector<16xf32>
        %add3A_671 = arith.addf %add3A_660, %mul3A_670 : vector<16xf32>
        %add3A_672 = arith.constant 6 : i32
        %add3A_673 = arith.addi %add3A_354, %add3A_672 : i32
        %get3A_674 = arith.index_cast %add3A_673 : i32 to index
        %get3A_675 = arith.constant 16 : index
        %get3A_676 = tpu.vector_load %arg9[%get3A_674, %get3A_675] {strides = array<i32>} : memref<1280x64xf32, #tpu.memory_space<vmem>>, vector<1x16xf32>,
        %get3A_677 = vector.shape_cast %get3A_676 : vector<1x16xf32> to vector<16xf32>
        %min3A_678 = arith.minimumf %min3A_667, %get3A_677 : vector<16xf32>
        %max3A_679 = arith.maximumf %max3A_668, %get3A_677 : vector<16xf32>
        %add3A_680 = arith.addf %add3A_669, %get3A_677 : vector<16xf32>
        %mul3A_681 = arith.mulf %get3A_677, %get3A_677 : vector<16xf32>
        %add3A_682 = arith.addf %add3A_671, %mul3A_681 : vector<16xf32>
        %add3A_683 = arith.constant 7 : i32
        %add3A_684 = arith.addi %add3A_354, %add3A_683 : i32
        %get3A_685 = arith.index_cast %add3A_684 : i32 to index
        %get3A_686 = arith.constant 16 : index
        %get3A_687 = tpu.vector_load %arg9[%get3A_685, %get3A_686] {strides = array<i32>} : memref<1280x64xf32, #tpu.memory_space<vmem>>, vector<1x16xf32>,
        %get3A_688 = vector.shape_cast %get3A_687 : vector<1x16xf32> to vector<16xf32>
        %min3A_689 = arith.minimumf %min3A_678, %get3A_688 : vector<16xf32>
        %max3A_690 = arith.maximumf %max3A_679, %get3A_688 : vector<16xf32>
        %add3A_691 = arith.addf %add3A_680, %get3A_688 : vector<16xf32>
        %mul3A_692 = arith.mulf %get3A_688, %get3A_688 : vector<16xf32>
        %add3A_693 = arith.addf %add3A_682, %mul3A_692 : vector<16xf32>
        %add3A_694 = arith.constant 8 : i32
        %add3A_695 = arith.addi %add3A_354, %add3A_694 : i32
        %get3A_696 = arith.index_cast %add3A_695 : i32 to index
        %get3A_697 = arith.constant 16 : index
        %get3A_698 = tpu.vector_load %arg9[%get3A_696, %get3A_697] {strides = array<i32>} : memref<1280x64xf32, #tpu.memory_space<vmem>>, vector<1x16xf32>,
        %get3A_699 = vector.shape_cast %get3A_698 : vector<1x16xf32> to vector<16xf32>
        %min3A_700 = arith.minimumf %min3A_689, %get3A_699 : vector<16xf32>
        %max3A_701 = arith.maximumf %max3A_690, %get3A_699 : vector<16xf32>
        %add3A_702 = arith.addf %add3A_691, %get3A_699 : vector<16xf32>
        %mul3A_703 = arith.mulf %get3A_699, %get3A_699 : vector<16xf32>
        %add3A_704 = arith.addf %add3A_693, %mul3A_703 : vector<16xf32>
        %add3A_705 = arith.constant 9 : i32
        %add3A_706 = arith.addi %add3A_354, %add3A_705 : i32
        %get3A_707 = arith.index_cast %add3A_706 : i32 to index
        %get3A_708 = arith.constant 16 : index
        %get3A_709 = tpu.vector_load %arg9[%get3A_707, %get3A_708] {strides = array<i32>} : memref<1280x64xf32, #tpu.memory_space<vmem>>, vector<1x16xf32>,
        %get3A_710 = vector.shape_cast %get3A_709 : vector<1x16xf32> to vector<16xf32>
        %min3A_711 = arith.minimumf %min3A_700, %get3A_710 : vector<16xf32>
        %max3A_712 = arith.maximumf %max3A_701, %get3A_710 : vector<16xf32>
        %add3A_713 = arith.addf %add3A_702, %get3A_710 : vector<16xf32>
        %mul3A_714 = arith.mulf %get3A_710, %get3A_710 : vector<16xf32>
        %add3A_715 = arith.addf %add3A_704, %mul3A_714 : vector<16xf32>
        %add3A_716 = arith.constant 10 : i32
        %add3A_717 = arith.addi %add3A_354, %add3A_716 : i32
        %get3A_718 = arith.index_cast %add3A_717 : i32 to index
        %get3A_719 = arith.constant 16 : index
        %get3A_720 = tpu.vector_load %arg9[%get3A_718, %get3A_719] {strides = array<i32>} : memref<1280x64xf32, #tpu.memory_space<vmem>>, vector<1x16xf32>,
        %get3A_721 = vector.shape_cast %get3A_720 : vector<1x16xf32> to vector<16xf32>
        %min3A_722 = arith.minimumf %min3A_711, %get3A_721 : vector<16xf32>
        %max3A_723 = arith.maximumf %max3A_712, %get3A_721 : vector<16xf32>
        %add3A_724 = arith.addf %add3A_713, %get3A_721 : vector<16xf32>
        %mul3A_725 = arith.mulf %get3A_721, %get3A_721 : vector<16xf32>
        %add3A_726 = arith.addf %add3A_715, %mul3A_725 : vector<16xf32>
        %add3A_727 = arith.constant 11 : i32
        %add3A_728 = arith.addi %add3A_354, %add3A_727 : i32
        %get3A_729 = arith.index_cast %add3A_728 : i32 to index
        %get3A_730 = arith.constant 16 : index
        %get3A_731 = tpu.vector_load %arg9[%get3A_729, %get3A_730] {strides = array<i32>} : memref<1280x64xf32, #tpu.memory_space<vmem>>, vector<1x16xf32>,
        %get3A_732 = vector.shape_cast %get3A_731 : vector<1x16xf32> to vector<16xf32>
        %min3A_733 = arith.minimumf %min3A_722, %get3A_732 : vector<16xf32>
        %max3A_734 = arith.maximumf %max3A_723, %get3A_732 : vector<16xf32>
        %add3A_735 = arith.addf %add3A_724, %get3A_732 : vector<16xf32>
        %mul3A_736 = arith.mulf %get3A_732, %get3A_732 : vector<16xf32>
        %add3A_737 = arith.addf %add3A_726, %mul3A_736 : vector<16xf32>
        %add3A_738 = arith.constant 12 : i32
        %add3A_739 = arith.addi %add3A_354, %add3A_738 : i32
        %get3A_740 = arith.index_cast %add3A_739 : i32 to index
        %get3A_741 = arith.constant 16 : index
        %get3A_742 = tpu.vector_load %arg9[%get3A_740, %get3A_741] {strides = array<i32>} : memref<1280x64xf32, #tpu.memory_space<vmem>>, vector<1x16xf32>,
        %get3A_743 = vector.shape_cast %get3A_742 : vector<1x16xf32> to vector<16xf32>
        %min3A_744 = arith.minimumf %min3A_733, %get3A_743 : vector<16xf32>
        %max3A_745 = arith.maximumf %max3A_734, %get3A_743 : vector<16xf32>
        %add3A_746 = arith.addf %add3A_735, %get3A_743 : vector<16xf32>
        %mul3A_747 = arith.mulf %get3A_743, %get3A_743 : vector<16xf32>
        %add3A_748 = arith.addf %add3A_737, %mul3A_747 : vector<16xf32>
        %add3A_749 = arith.constant 13 : i32
        %add3A_750 = arith.addi %add3A_354, %add3A_749 : i32
        %get3A_751 = arith.index_cast %add3A_750 : i32 to index
        %get3A_752 = arith.constant 16 : index
        %get3A_753 = tpu.vector_load %arg9[%get3A_751, %get3A_752] {strides = array<i32>} : memref<1280x64xf32, #tpu.memory_space<vmem>>, vector<1x16xf32>,
        %get3A_754 = vector.shape_cast %get3A_753 : vector<1x16xf32> to vector<16xf32>
        %min3A_755 = arith.minimumf %min3A_744, %get3A_754 : vector<16xf32>
        %max3A_756 = arith.maximumf %max3A_745, %get3A_754 : vector<16xf32>
        %add3A_757 = arith.addf %add3A_746, %get3A_754 : vector<16xf32>
        %mul3A_758 = arith.mulf %get3A_754, %get3A_754 : vector<16xf32>
        %add3A_759 = arith.addf %add3A_748, %mul3A_758 : vector<16xf32>
        %add3A_760 = arith.constant 14 : i32
        %add3A_761 = arith.addi %add3A_354, %add3A_760 : i32
        %get3A_762 = arith.index_cast %add3A_761 : i32 to index
        %get3A_763 = arith.constant 16 : index
        %get3A_764 = tpu.vector_load %arg9[%get3A_762, %get3A_763] {strides = array<i32>} : memref<1280x64xf32, #tpu.memory_space<vmem>>, vector<1x16xf32>,
        %get3A_765 = vector.shape_cast %get3A_764 : vector<1x16xf32> to vector<16xf32>
        %min3A_766 = arith.minimumf %min3A_755, %get3A_765 : vector<16xf32>
        %max3A_767 = arith.maximumf %max3A_756, %get3A_765 : vector<16xf32>
        %add3A_768 = arith.addf %add3A_757, %get3A_765 : vector<16xf32>
        %mul3A_769 = arith.mulf %get3A_765, %get3A_765 : vector<16xf32>
        %add3A_770 = arith.addf %add3A_759, %mul3A_769 : vector<16xf32>
        %add3A_771 = arith.constant 15 : i32
        %add3A_772 = arith.addi %add3A_354, %add3A_771 : i32
        %get3A_773 = arith.index_cast %add3A_772 : i32 to index
        %get3A_774 = arith.constant 16 : index
        %get3A_775 = tpu.vector_load %arg9[%get3A_773, %get3A_774] {strides = array<i32>} : memref<1280x64xf32, #tpu.memory_space<vmem>>, vector<1x16xf32>,
        %get3A_776 = vector.shape_cast %get3A_775 : vector<1x16xf32> to vector<16xf32>
        %min3A_777 = arith.minimumf %min3A_766, %get3A_776 : vector<16xf32>
        %max3A_778 = arith.maximumf %max3A_767, %get3A_776 : vector<16xf32>
        %add3A_779 = arith.addf %add3A_768, %get3A_776 : vector<16xf32>
        %mul3A_780 = arith.mulf %get3A_776, %get3A_776 : vector<16xf32>
        %add3A_781 = arith.addf %add3A_770, %mul3A_780 : vector<16xf32>
        %add3A_782 = arith.constant 16 : i32
        %add3A_783 = arith.addi %add3A_354, %add3A_782 : i32
        %get3A_784 = arith.index_cast %add3A_783 : i32 to index
        %get3A_785 = arith.constant 16 : index
        %get3A_786 = tpu.vector_load %arg9[%get3A_784, %get3A_785] {strides = array<i32>} : memref<1280x64xf32, #tpu.memory_space<vmem>>, vector<1x16xf32>,
        %get3A_787 = vector.shape_cast %get3A_786 : vector<1x16xf32> to vector<16xf32>
        %min3A_788 = arith.minimumf %min3A_777, %get3A_787 : vector<16xf32>
        %max3A_789 = arith.maximumf %max3A_778, %get3A_787 : vector<16xf32>
        %add3A_790 = arith.addf %add3A_779, %get3A_787 : vector<16xf32>
        %mul3A_791 = arith.mulf %get3A_787, %get3A_787 : vector<16xf32>
        %add3A_792 = arith.addf %add3A_781, %mul3A_791 : vector<16xf32>
        %add3A_793 = arith.constant 17 : i32
        %add3A_794 = arith.addi %add3A_354, %add3A_793 : i32
        %get3A_795 = arith.index_cast %add3A_794 : i32 to index
        %get3A_796 = arith.constant 16 : index
        %get3A_797 = tpu.vector_load %arg9[%get3A_795, %get3A_796] {strides = array<i32>} : memref<1280x64xf32, #tpu.memory_space<vmem>>, vector<1x16xf32>,
        %get3A_798 = vector.shape_cast %get3A_797 : vector<1x16xf32> to vector<16xf32>
        %min3A_799 = arith.minimumf %min3A_788, %get3A_798 : vector<16xf32>
        %max3A_800 = arith.maximumf %max3A_789, %get3A_798 : vector<16xf32>
        %add3A_801 = arith.addf %add3A_790, %get3A_798 : vector<16xf32>
        %mul3A_802 = arith.mulf %get3A_798, %get3A_798 : vector<16xf32>
        %add3A_803 = arith.addf %add3A_792, %mul3A_802 : vector<16xf32>
        %add3A_804 = arith.constant 18 : i32
        %add3A_805 = arith.addi %add3A_354, %add3A_804 : i32
        %get3A_806 = arith.index_cast %add3A_805 : i32 to index
        %get3A_807 = arith.constant 16 : index
        %get3A_808 = tpu.vector_load %arg9[%get3A_806, %get3A_807] {strides = array<i32>} : memref<1280x64xf32, #tpu.memory_space<vmem>>, vector<1x16xf32>,
        %get3A_809 = vector.shape_cast %get3A_808 : vector<1x16xf32> to vector<16xf32>
        %min3A_810 = arith.minimumf %min3A_799, %get3A_809 : vector<16xf32>
        %max3A_811 = arith.maximumf %max3A_800, %get3A_809 : vector<16xf32>
        %add3A_812 = arith.addf %add3A_801, %get3A_809 : vector<16xf32>
        %mul3A_813 = arith.mulf %get3A_809, %get3A_809 : vector<16xf32>
        %add3A_814 = arith.addf %add3A_803, %mul3A_813 : vector<16xf32>
        %add3A_815 = arith.constant 19 : i32
        %add3A_816 = arith.addi %add3A_354, %add3A_815 : i32
        %get3A_817 = arith.index_cast %add3A_816 : i32 to index
        %get3A_818 = arith.constant 16 : index
        %get3A_819 = tpu.vector_load %arg9[%get3A_817, %get3A_818] {strides = array<i32>} : memref<1280x64xf32, #tpu.memory_space<vmem>>, vector<1x16xf32>,
        %get3A_820 = vector.shape_cast %get3A_819 : vector<1x16xf32> to vector<16xf32>
        %min3A_821 = arith.minimumf %min3A_810, %get3A_820 : vector<16xf32>
        %max3A_822 = arith.maximumf %max3A_811, %get3A_820 : vector<16xf32>
        %add3A_823 = arith.addf %add3A_812, %get3A_820 : vector<16xf32>
        %mul3A_824 = arith.mulf %get3A_820, %get3A_820 : vector<16xf32>
        %add3A_825 = arith.addf %add3A_814, %mul3A_824 : vector<16xf32>
        %swap3A_826 = arith.index_cast %add3A_357 : i32 to index
        %swap3A_827 = arith.constant 16 : index
        %swap3A_828 = tpu.vector_load %arg11[%swap3A_826, %swap3A_827] {strides = array<i32>} : memref<64x64xf32, #tpu.memory_space<vmem>>, vector<1x16xf32>,
        %swap3A_829 = vector.shape_cast %swap3A_828 : vector<1x16xf32> to vector<16xf32>
        %swap3A_830 = vector.shape_cast %min3A_821 : vector<16xf32> to vector<1x16xf32>
        tpu.vector_store %arg11[%swap3A_826, %swap3A_827], %swap3A_830 {strides = array<i32>} : memref<64x64xf32, #tpu.memory_space<vmem>>, vector<1x16xf32>,
        %swap3A_831 = arith.index_cast %add3A_357 : i32 to index
        %swap3A_832 = arith.constant 16 : index
        %swap3A_833 = tpu.vector_load %arg12[%swap3A_831, %swap3A_832] {strides = array<i32>} : memref<64x64xf32, #tpu.memory_space<vmem>>, vector<1x16xf32>,
        %swap3A_834 = vector.shape_cast %swap3A_833 : vector<1x16xf32> to vector<16xf32>
        %swap3A_835 = vector.shape_cast %max3A_822 : vector<16xf32> to vector<1x16xf32>
        tpu.vector_store %arg12[%swap3A_831, %swap3A_832], %swap3A_835 {strides = array<i32>} : memref<64x64xf32, #tpu.memory_space<vmem>>, vector<1x16xf32>,
        %get3A_836 = arith.index_cast %add3A_357 : i32 to index
        %get3A_837 = arith.constant 16 : index
        %get3A_838 = tpu.vector_load %arg10[%get3A_836, %get3A_837] {strides = array<i32>} : memref<64x64xf32, #tpu.memory_space<vmem>>, vector<1x16xf32>,
        %get3A_839 = vector.shape_cast %get3A_838 : vector<1x16xf32> to vector<16xf32>
        %get3A_840 = arith.constant 16 : index
        %get3A_841 = tpu.vector_load %arg13[%get3A_840] {strides = array<i32>} : memref<128xf32, #tpu.memory_space<vmem>>, vector<16xf32>,
        %get3A_842 = vector.shape_cast %get3A_841 : vector<16xf32> to vector<16xf32>
        %mul3A_843 = arith.constant 2.000000e+01 : f32
        %mul3A_844 = vector.broadcast %mul3A_843 : f32 to vector<16xf32>
        %mul3A_845 = arith.mulf %mul3A_844, %get3A_839 : vector<16xf32>
        %sub3A_846 = arith.subf %mul3A_845, %add3A_823 : vector<16xf32>
        %add3A_847 = arith.addf %get3A_842, %sub3A_846 : vector<16xf32>
        %swap3A_848 = arith.constant 16 : index
        %swap3A_849 = tpu.vector_load %arg13[%swap3A_848] {strides = array<i32>} : memref<128xf32, #tpu.memory_space<vmem>>, vector<16xf32>,
        %swap3A_850 = vector.shape_cast %swap3A_849 : vector<16xf32> to vector<16xf32>
        %swap3A_851 = vector.shape_cast %add3A_847 : vector<16xf32> to vector<16xf32>
        tpu.vector_store %arg13[%swap3A_848], %swap3A_851 {strides = array<i32>} : memref<128xf32, #tpu.memory_space<vmem>>, vector<16xf32>,
        %get3A_852 = arith.constant 80 : index
        %get3A_853 = tpu.vector_load %arg13[%get3A_852] {strides = array<i32>} : memref<128xf32, #tpu.memory_space<vmem>>, vector<16xf32>,
        %get3A_854 = vector.shape_cast %get3A_853 : vector<16xf32> to vector<16xf32>
        %mul3A_855 = arith.constant 2.000000e+01 : f32
        %mul3A_856 = vector.broadcast %mul3A_855 : f32 to vector<16xf32>
        %mul3A_857 = arith.mulf %mul3A_856, %get3A_839 : vector<16xf32>
        %mul3A_858 = arith.mulf %mul3A_857, %get3A_839 : vector<16xf32>
        %mul3A_859 = arith.constant 2.000000e+00 : f32
        %mul3A_860 = vector.broadcast %mul3A_859 : f32 to vector<16xf32>
        %mul3A_861 = arith.mulf %mul3A_860, %get3A_839 : vector<16xf32>
        %mul3A_862 = arith.mulf %mul3A_861, %add3A_823 : vector<16xf32>
        %sub3A_863 = arith.subf %mul3A_858, %mul3A_862 : vector<16xf32>
        %add3A_864 = arith.addf %sub3A_863, %add3A_825 : vector<16xf32>
        %add3A_865 = arith.addf %get3A_854, %add3A_864 : vector<16xf32>
        %swap3A_866 = arith.constant 80 : index
        %swap3A_867 = tpu.vector_load %arg13[%swap3A_866] {strides = array<i32>} : memref<128xf32, #tpu.memory_space<vmem>>, vector<16xf32>,
        %swap3A_868 = vector.shape_cast %swap3A_867 : vector<16xf32> to vector<16xf32>
        %swap3A_869 = vector.shape_cast %add3A_865 : vector<16xf32> to vector<16xf32>
        tpu.vector_store %arg13[%swap3A_866], %swap3A_869 {strides = array<i32>} : memref<128xf32, #tpu.memory_space<vmem>>, vector<16xf32>,
        %get3A_870 = arith.index_cast %add3A_354 : i32 to index
        %get3A_871 = arith.constant 32 : index
        %get3A_872 = tpu.vector_load %arg9[%get3A_870, %get3A_871] {strides = array<i32>} : memref<1280x64xf32, #tpu.memory_space<vmem>>, vector<1x16xf32>,
        %get3A_873 = vector.shape_cast %get3A_872 : vector<1x16xf32> to vector<16xf32>
        %mul3A_874 = arith.mulf %get3A_873, %get3A_873 : vector<16xf32>
        %add3A_875 = arith.constant 1 : i32
        %add3A_876 = arith.addi %add3A_354, %add3A_875 : i32
        %get3A_877 = arith.index_cast %add3A_876 : i32 to index
        %get3A_878 = arith.constant 32 : index
        %get3A_879 = tpu.vector_load %arg9[%get3A_877, %get3A_878] {strides = array<i32>} : memref<1280x64xf32, #tpu.memory_space<vmem>>, vector<1x16xf32>,
        %get3A_880 = vector.shape_cast %get3A_879 : vector<1x16xf32> to vector<16xf32>
        %min3A_881 = arith.minimumf %get3A_873, %get3A_880 : vector<16xf32>
        %max3A_882 = arith.maximumf %get3A_873, %get3A_880 : vector<16xf32>
        %add3A_883 = arith.addf %get3A_873, %get3A_880 : vector<16xf32>
        %mul3A_884 = arith.mulf %get3A_880, %get3A_880 : vector<16xf32>
        %add3A_885 = arith.addf %mul3A_874, %mul3A_884 : vector<16xf32>
        %add3A_886 = arith.constant 2 : i32
        %add3A_887 = arith.addi %add3A_354, %add3A_886 : i32
        %get3A_888 = arith.index_cast %add3A_887 : i32 to index
        %get3A_889 = arith.constant 32 : index
        %get3A_890 = tpu.vector_load %arg9[%get3A_888, %get3A_889] {strides = array<i32>} : memref<1280x64xf32, #tpu.memory_space<vmem>>, vector<1x16xf32>,
        %get3A_891 = vector.shape_cast %get3A_890 : vector<1x16xf32> to vector<16xf32>
        %min3A_892 = arith.minimumf %min3A_881, %get3A_891 : vector<16xf32>
        %max3A_893 = arith.maximumf %max3A_882, %get3A_891 : vector<16xf32>
        %add3A_894 = arith.addf %add3A_883, %get3A_891 : vector<16xf32>
        %mul3A_895 = arith.mulf %get3A_891, %get3A_891 : vector<16xf32>
        %add3A_896 = arith.addf %add3A_885, %mul3A_895 : vector<16xf32>
        %add3A_897 = arith.constant 3 : i32
        %add3A_898 = arith.addi %add3A_354, %add3A_897 : i32
        %get3A_899 = arith.index_cast %add3A_898 : i32 to index
        %get3A_900 = arith.constant 32 : index
        %get3A_901 = tpu.vector_load %arg9[%get3A_899, %get3A_900] {strides = array<i32>} : memref<1280x64xf32, #tpu.memory_space<vmem>>, vector<1x16xf32>,
        %get3A_902 = vector.shape_cast %get3A_901 : vector<1x16xf32> to vector<16xf32>
        %min3A_903 = arith.minimumf %min3A_892, %get3A_902 : vector<16xf32>
        %max3A_904 = arith.maximumf %max3A_893, %get3A_902 : vector<16xf32>
        %add3A_905 = arith.addf %add3A_894, %get3A_902 : vector<16xf32>
        %mul3A_906 = arith.mulf %get3A_902, %get3A_902 : vector<16xf32>
        %add3A_907 = arith.addf %add3A_896, %mul3A_906 : vector<16xf32>
        %add3A_908 = arith.constant 4 : i32
        %add3A_909 = arith.addi %add3A_354, %add3A_908 : i32
        %get3A_910 = arith.index_cast %add3A_909 : i32 to index
        %get3A_911 = arith.constant 32 : index
        %get3A_912 = tpu.vector_load %arg9[%get3A_910, %get3A_911] {strides = array<i32>} : memref<1280x64xf32, #tpu.memory_space<vmem>>, vector<1x16xf32>,
        %get3A_913 = vector.shape_cast %get3A_912 : vector<1x16xf32> to vector<16xf32>
        %min3A_914 = arith.minimumf %min3A_903, %get3A_913 : vector<16xf32>
        %max3A_915 = arith.maximumf %max3A_904, %get3A_913 : vector<16xf32>
        %add3A_916 = arith.addf %add3A_905, %get3A_913 : vector<16xf32>
        %mul3A_917 = arith.mulf %get3A_913, %get3A_913 : vector<16xf32>
        %add3A_918 = arith.addf %add3A_907, %mul3A_917 : vector<16xf32>
        %add3A_919 = arith.constant 5 : i32
        %add3A_920 = arith.addi %add3A_354, %add3A_919 : i32
        %get3A_921 = arith.index_cast %add3A_920 : i32 to index
        %get3A_922 = arith.constant 32 : index
        %get3A_923 = tpu.vector_load %arg9[%get3A_921, %get3A_922] {strides = array<i32>} : memref<1280x64xf32, #tpu.memory_space<vmem>>, vector<1x16xf32>,
        %get3A_924 = vector.shape_cast %get3A_923 : vector<1x16xf32> to vector<16xf32>
        %min3A_925 = arith.minimumf %min3A_914, %get3A_924 : vector<16xf32>
        %max3A_926 = arith.maximumf %max3A_915, %get3A_924 : vector<16xf32>
        %add3A_927 = arith.addf %add3A_916, %get3A_924 : vector<16xf32>
        %mul3A_928 = arith.mulf %get3A_924, %get3A_924 : vector<16xf32>
        %add3A_929 = arith.addf %add3A_918, %mul3A_928 : vector<16xf32>
        %add3A_930 = arith.constant 6 : i32
        %add3A_931 = arith.addi %add3A_354, %add3A_930 : i32
        %get3A_932 = arith.index_cast %add3A_931 : i32 to index
        %get3A_933 = arith.constant 32 : index
        %get3A_934 = tpu.vector_load %arg9[%get3A_932, %get3A_933] {strides = array<i32>} : memref<1280x64xf32, #tpu.memory_space<vmem>>, vector<1x16xf32>,
        %get3A_935 = vector.shape_cast %get3A_934 : vector<1x16xf32> to vector<16xf32>
        %min3A_936 = arith.minimumf %min3A_925, %get3A_935 : vector<16xf32>
        %max3A_937 = arith.maximumf %max3A_926, %get3A_935 : vector<16xf32>
        %add3A_938 = arith.addf %add3A_927, %get3A_935 : vector<16xf32>
        %mul3A_939 = arith.mulf %get3A_935, %get3A_935 : vector<16xf32>
        %add3A_940 = arith.addf %add3A_929, %mul3A_939 : vector<16xf32>
        %add3A_941 = arith.constant 7 : i32
        %add3A_942 = arith.addi %add3A_354, %add3A_941 : i32
        %get3A_943 = arith.index_cast %add3A_942 : i32 to index
        %get3A_944 = arith.constant 32 : index
        %get3A_945 = tpu.vector_load %arg9[%get3A_943, %get3A_944] {strides = array<i32>} : memref<1280x64xf32, #tpu.memory_space<vmem>>, vector<1x16xf32>,
        %get3A_946 = vector.shape_cast %get3A_945 : vector<1x16xf32> to vector<16xf32>
        %min3A_947 = arith.minimumf %min3A_936, %get3A_946 : vector<16xf32>
        %max3A_948 = arith.maximumf %max3A_937, %get3A_946 : vector<16xf32>
        %add3A_949 = arith.addf %add3A_938, %get3A_946 : vector<16xf32>
        %mul3A_950 = arith.mulf %get3A_946, %get3A_946 : vector<16xf32>
        %add3A_951 = arith.addf %add3A_940, %mul3A_950 : vector<16xf32>
        %add3A_952 = arith.constant 8 : i32
        %add3A_953 = arith.addi %add3A_354, %add3A_952 : i32
        %get3A_954 = arith.index_cast %add3A_953 : i32 to index
        %get3A_955 = arith.constant 32 : index
        %get3A_956 = tpu.vector_load %arg9[%get3A_954, %get3A_955] {strides = array<i32>} : memref<1280x64xf32, #tpu.memory_space<vmem>>, vector<1x16xf32>,
        %get3A_957 = vector.shape_cast %get3A_956 : vector<1x16xf32> to vector<16xf32>
        %min3A_958 = arith.minimumf %min3A_947, %get3A_957 : vector<16xf32>
        %max3A_959 = arith.maximumf %max3A_948, %get3A_957 : vector<16xf32>
        %add3A_960 = arith.addf %add3A_949, %get3A_957 : vector<16xf32>
        %mul3A_961 = arith.mulf %get3A_957, %get3A_957 : vector<16xf32>
        %add3A_962 = arith.addf %add3A_951, %mul3A_961 : vector<16xf32>
        %add3A_963 = arith.constant 9 : i32
        %add3A_964 = arith.addi %add3A_354, %add3A_963 : i32
        %get3A_965 = arith.index_cast %add3A_964 : i32 to index
        %get3A_966 = arith.constant 32 : index
        %get3A_967 = tpu.vector_load %arg9[%get3A_965, %get3A_966] {strides = array<i32>} : memref<1280x64xf32, #tpu.memory_space<vmem>>, vector<1x16xf32>,
        %get3A_968 = vector.shape_cast %get3A_967 : vector<1x16xf32> to vector<16xf32>
        %min3A_969 = arith.minimumf %min3A_958, %get3A_968 : vector<16xf32>
        %max3A_970 = arith.maximumf %max3A_959, %get3A_968 : vector<16xf32>
        %add3A_971 = arith.addf %add3A_960, %get3A_968 : vector<16xf32>
        %mul3A_972 = arith.mulf %get3A_968, %get3A_968 : vector<16xf32>
        %add3A_973 = arith.addf %add3A_962, %mul3A_972 : vector<16xf32>
        %add3A_974 = arith.constant 10 : i32
        %add3A_975 = arith.addi %add3A_354, %add3A_974 : i32
        %get3A_976 = arith.index_cast %add3A_975 : i32 to index
        %get3A_977 = arith.constant 32 : index
        %get3A_978 = tpu.vector_load %arg9[%get3A_976, %get3A_977] {strides = array<i32>} : memref<1280x64xf32, #tpu.memory_space<vmem>>, vector<1x16xf32>,
        %get3A_979 = vector.shape_cast %get3A_978 : vector<1x16xf32> to vector<16xf32>
        %min3A_980 = arith.minimumf %min3A_969, %get3A_979 : vector<16xf32>
        %max3A_981 = arith.maximumf %max3A_970, %get3A_979 : vector<16xf32>
        %add3A_982 = arith.addf %add3A_971, %get3A_979 : vector<16xf32>
        %mul3A_983 = arith.mulf %get3A_979, %get3A_979 : vector<16xf32>
        %add3A_984 = arith.addf %add3A_973, %mul3A_983 : vector<16xf32>
        %add3A_985 = arith.constant 11 : i32
        %add3A_986 = arith.addi %add3A_354, %add3A_985 : i32
        %get3A_987 = arith.index_cast %add3A_986 : i32 to index
        %get3A_988 = arith.constant 32 : index
        %get3A_989 = tpu.vector_load %arg9[%get3A_987, %get3A_988] {strides = array<i32>} : memref<1280x64xf32, #tpu.memory_space<vmem>>, vector<1x16xf32>,
        %get3A_990 = vector.shape_cast %get3A_989 : vector<1x16xf32> to vector<16xf32>
        %min3A_991 = arith.minimumf %min3A_980, %get3A_990 : vector<16xf32>
        %max3A_992 = arith.maximumf %max3A_981, %get3A_990 : vector<16xf32>
        %add3A_993 = arith.addf %add3A_982, %get3A_990 : vector<16xf32>
        %mul3A_994 = arith.mulf %get3A_990, %get3A_990 : vector<16xf32>
        %add3A_995 = arith.addf %add3A_984, %mul3A_994 : vector<16xf32>
        %add3A_996 = arith.constant 12 : i32
        %add3A_997 = arith.addi %add3A_354, %add3A_996 : i32
        %get3A_998 = arith.index_cast %add3A_997 : i32 to index
        %get3A_999 = arith.constant 32 : index
        %get3A_1000 = tpu.vector_load %arg9[%get3A_998, %get3A_999] {strides = array<i32>} : memref<1280x64xf32, #tpu.memory_space<vmem>>, vector<1x16xf32>,
        %get3A_1001 = vector.shape_cast %get3A_1000 : vector<1x16xf32> to vector<16xf32>
        %min3A_1002 = arith.minimumf %min3A_991, %get3A_1001 : vector<16xf32>
        %max3A_1003 = arith.maximumf %max3A_992, %get3A_1001 : vector<16xf32>
        %add3A_1004 = arith.addf %add3A_993, %get3A_1001 : vector<16xf32>
        %mul3A_1005 = arith.mulf %get3A_1001, %get3A_1001 : vector<16xf32>
        %add3A_1006 = arith.addf %add3A_995, %mul3A_1005 : vector<16xf32>
        %add3A_1007 = arith.constant 13 : i32
        %add3A_1008 = arith.addi %add3A_354, %add3A_1007 : i32
        %get3A_1009 = arith.index_cast %add3A_1008 : i32 to index
        %get3A_1010 = arith.constant 32 : index
        %get3A_1011 = tpu.vector_load %arg9[%get3A_1009, %get3A_1010] {strides = array<i32>} : memref<1280x64xf32, #tpu.memory_space<vmem>>, vector<1x16xf32>,
        %get3A_1012 = vector.shape_cast %get3A_1011 : vector<1x16xf32> to vector<16xf32>
        %min3A_1013 = arith.minimumf %min3A_1002, %get3A_1012 : vector<16xf32>
        %max3A_1014 = arith.maximumf %max3A_1003, %get3A_1012 : vector<16xf32>
        %add3A_1015 = arith.addf %add3A_1004, %get3A_1012 : vector<16xf32>
        %mul3A_1016 = arith.mulf %get3A_1012, %get3A_1012 : vector<16xf32>
        %add3A_1017 = arith.addf %add3A_1006, %mul3A_1016 : vector<16xf32>
        %add3A_1018 = arith.constant 14 : i32
        %add3A_1019 = arith.addi %add3A_354, %add3A_1018 : i32
        %get3A_1020 = arith.index_cast %add3A_1019 : i32 to index
        %get3A_1021 = arith.constant 32 : index
        %get3A_1022 = tpu.vector_load %arg9[%get3A_1020, %get3A_1021] {strides = array<i32>} : memref<1280x64xf32, #tpu.memory_space<vmem>>, vector<1x16xf32>,
        %get3A_1023 = vector.shape_cast %get3A_1022 : vector<1x16xf32> to vector<16xf32>
        %min3A_1024 = arith.minimumf %min3A_1013, %get3A_1023 : vector<16xf32>
        %max3A_1025 = arith.maximumf %max3A_1014, %get3A_1023 : vector<16xf32>
        %add3A_1026 = arith.addf %add3A_1015, %get3A_1023 : vector<16xf32>
        %mul3A_1027 = arith.mulf %get3A_1023, %get3A_1023 : vector<16xf32>
        %add3A_1028 = arith.addf %add3A_1017, %mul3A_1027 : vector<16xf32>
        %add3A_1029 = arith.constant 15 : i32
        %add3A_1030 = arith.addi %add3A_354, %add3A_1029 : i32
        %get3A_1031 = arith.index_cast %add3A_1030 : i32 to index
        %get3A_1032 = arith.constant 32 : index
        %get3A_1033 = tpu.vector_load %arg9[%get3A_1031, %get3A_1032] {strides = array<i32>} : memref<1280x64xf32, #tpu.memory_space<vmem>>, vector<1x16xf32>,
        %get3A_1034 = vector.shape_cast %get3A_1033 : vector<1x16xf32> to vector<16xf32>
        %min3A_1035 = arith.minimumf %min3A_1024, %get3A_1034 : vector<16xf32>
        %max3A_1036 = arith.maximumf %max3A_1025, %get3A_1034 : vector<16xf32>
        %add3A_1037 = arith.addf %add3A_1026, %get3A_1034 : vector<16xf32>
        %mul3A_1038 = arith.mulf %get3A_1034, %get3A_1034 : vector<16xf32>
        %add3A_1039 = arith.addf %add3A_1028, %mul3A_1038 : vector<16xf32>
        %add3A_1040 = arith.constant 16 : i32
        %add3A_1041 = arith.addi %add3A_354, %add3A_1040 : i32
        %get3A_1042 = arith.index_cast %add3A_1041 : i32 to index
        %get3A_1043 = arith.constant 32 : index
        %get3A_1044 = tpu.vector_load %arg9[%get3A_1042, %get3A_1043] {strides = array<i32>} : memref<1280x64xf32, #tpu.memory_space<vmem>>, vector<1x16xf32>,
        %get3A_1045 = vector.shape_cast %get3A_1044 : vector<1x16xf32> to vector<16xf32>
        %min3A_1046 = arith.minimumf %min3A_1035, %get3A_1045 : vector<16xf32>
        %max3A_1047 = arith.maximumf %max3A_1036, %get3A_1045 : vector<16xf32>
        %add3A_1048 = arith.addf %add3A_1037, %get3A_1045 : vector<16xf32>
        %mul3A_1049 = arith.mulf %get3A_1045, %get3A_1045 : vector<16xf32>
        %add3A_1050 = arith.addf %add3A_1039, %mul3A_1049 : vector<16xf32>
        %add3A_1051 = arith.constant 17 : i32
        %add3A_1052 = arith.addi %add3A_354, %add3A_1051 : i32
        %get3A_1053 = arith.index_cast %add3A_1052 : i32 to index
        %get3A_1054 = arith.constant 32 : index
        %get3A_1055 = tpu.vector_load %arg9[%get3A_1053, %get3A_1054] {strides = array<i32>} : memref<1280x64xf32, #tpu.memory_space<vmem>>, vector<1x16xf32>,
        %get3A_1056 = vector.shape_cast %get3A_1055 : vector<1x16xf32> to vector<16xf32>
        %min3A_1057 = arith.minimumf %min3A_1046, %get3A_1056 : vector<16xf32>
        %max3A_1058 = arith.maximumf %max3A_1047, %get3A_1056 : vector<16xf32>
        %add3A_1059 = arith.addf %add3A_1048, %get3A_1056 : vector<16xf32>
        %mul3A_1060 = arith.mulf %get3A_1056, %get3A_1056 : vector<16xf32>
        %add3A_1061 = arith.addf %add3A_1050, %mul3A_1060 : vector<16xf32>
        %add3A_1062 = arith.constant 18 : i32
        %add3A_1063 = arith.addi %add3A_354, %add3A_1062 : i32
        %get3A_1064 = arith.index_cast %add3A_1063 : i32 to index
        %get3A_1065 = arith.constant 32 : index
        %get3A_1066 = tpu.vector_load %arg9[%get3A_1064, %get3A_1065] {strides = array<i32>} : memref<1280x64xf32, #tpu.memory_space<vmem>>, vector<1x16xf32>,
        %get3A_1067 = vector.shape_cast %get3A_1066 : vector<1x16xf32> to vector<16xf32>
        %min3A_1068 = arith.minimumf %min3A_1057, %get3A_1067 : vector<16xf32>
        %max3A_1069 = arith.maximumf %max3A_1058, %get3A_1067 : vector<16xf32>
        %add3A_1070 = arith.addf %add3A_1059, %get3A_1067 : vector<16xf32>
        %mul3A_1071 = arith.mulf %get3A_1067, %get3A_1067 : vector<16xf32>
        %add3A_1072 = arith.addf %add3A_1061, %mul3A_1071 : vector<16xf32>
        %add3A_1073 = arith.constant 19 : i32
        %add3A_1074 = arith.addi %add3A_354, %add3A_1073 : i32
        %get3A_1075 = arith.index_cast %add3A_1074 : i32 to index
        %get3A_1076 = arith.constant 32 : index
        %get3A_1077 = tpu.vector_load %arg9[%get3A_1075, %get3A_1076] {strides = array<i32>} : memref<1280x64xf32, #tpu.memory_space<vmem>>, vector<1x16xf32>,
        %get3A_1078 = vector.shape_cast %get3A_1077 : vector<1x16xf32> to vector<16xf32>
        %min3A_1079 = arith.minimumf %min3A_1068, %get3A_1078 : vector<16xf32>
        %max3A_1080 = arith.maximumf %max3A_1069, %get3A_1078 : vector<16xf32>
        %add3A_1081 = arith.addf %add3A_1070, %get3A_1078 : vector<16xf32>
        %mul3A_1082 = arith.mulf %get3A_1078, %get3A_1078 : vector<16xf32>
        %add3A_1083 = arith.addf %add3A_1072, %mul3A_1082 : vector<16xf32>
        %swap3A_1084 = arith.index_cast %add3A_357 : i32 to index
        %swap3A_1085 = arith.constant 32 : index
        %swap3A_1086 = tpu.vector_load %arg11[%swap3A_1084, %swap3A_1085] {strides = array<i32>} : memref<64x64xf32, #tpu.memory_space<vmem>>, vector<1x16xf32>,
        %swap3A_1087 = vector.shape_cast %swap3A_1086 : vector<1x16xf32> to vector<16xf32>
        %swap3A_1088 = vector.shape_cast %min3A_1079 : vector<16xf32> to vector<1x16xf32>
        tpu.vector_store %arg11[%swap3A_1084, %swap3A_1085], %swap3A_1088 {strides = array<i32>} : memref<64x64xf32, #tpu.memory_space<vmem>>, vector<1x16xf32>,
        %swap3A_1089 = arith.index_cast %add3A_357 : i32 to index
        %swap3A_1090 = arith.constant 32 : index
        %swap3A_1091 = tpu.vector_load %arg12[%swap3A_1089, %swap3A_1090] {strides = array<i32>} : memref<64x64xf32, #tpu.memory_space<vmem>>, vector<1x16xf32>,
        %swap3A_1092 = vector.shape_cast %swap3A_1091 : vector<1x16xf32> to vector<16xf32>
        %swap3A_1093 = vector.shape_cast %max3A_1080 : vector<16xf32> to vector<1x16xf32>
        tpu.vector_store %arg12[%swap3A_1089, %swap3A_1090], %swap3A_1093 {strides = array<i32>} : memref<64x64xf32, #tpu.memory_space<vmem>>, vector<1x16xf32>,
        %get3A_1094 = arith.index_cast %add3A_357 : i32 to index
        %get3A_1095 = arith.constant 32 : index
        %get3A_1096 = tpu.vector_load %arg10[%get3A_1094, %get3A_1095] {strides = array<i32>} : memref<64x64xf32, #tpu.memory_space<vmem>>, vector<1x16xf32>,
        %get3A_1097 = vector.shape_cast %get3A_1096 : vector<1x16xf32> to vector<16xf32>
        %get3A_1098 = arith.constant 32 : index
        %get3A_1099 = tpu.vector_load %arg13[%get3A_1098] {strides = array<i32>} : memref<128xf32, #tpu.memory_space<vmem>>, vector<16xf32>,
        %get3A_1100 = vector.shape_cast %get3A_1099 : vector<16xf32> to vector<16xf32>
        %mul3A_1101 = arith.constant 2.000000e+01 : f32
        %mul3A_1102 = vector.broadcast %mul3A_1101 : f32 to vector<16xf32>
        %mul3A_1103 = arith.mulf %mul3A_1102, %get3A_1097 : vector<16xf32>
        %sub3A_1104 = arith.subf %mul3A_1103, %add3A_1081 : vector<16xf32>
        %add3A_1105 = arith.addf %get3A_1100, %sub3A_1104 : vector<16xf32>
        %swap3A_1106 = arith.constant 32 : index
        %swap3A_1107 = tpu.vector_load %arg13[%swap3A_1106] {strides = array<i32>} : memref<128xf32, #tpu.memory_space<vmem>>, vector<16xf32>,
        %swap3A_1108 = vector.shape_cast %swap3A_1107 : vector<16xf32> to vector<16xf32>
        %swap3A_1109 = vector.shape_cast %add3A_1105 : vector<16xf32> to vector<16xf32>
        tpu.vector_store %arg13[%swap3A_1106], %swap3A_1109 {strides = array<i32>} : memref<128xf32, #tpu.memory_space<vmem>>, vector<16xf32>,
        %get3A_1110 = arith.constant 96 : index
        %get3A_1111 = tpu.vector_load %arg13[%get3A_1110] {strides = array<i32>} : memref<128xf32, #tpu.memory_space<vmem>>, vector<16xf32>,
        %get3A_1112 = vector.shape_cast %get3A_1111 : vector<16xf32> to vector<16xf32>
        %mul3A_1113 = arith.constant 2.000000e+01 : f32
        %mul3A_1114 = vector.broadcast %mul3A_1113 : f32 to vector<16xf32>
        %mul3A_1115 = arith.mulf %mul3A_1114, %get3A_1097 : vector<16xf32>
        %mul3A_1116 = arith.mulf %mul3A_1115, %get3A_1097 : vector<16xf32>
        %mul3A_1117 = arith.constant 2.000000e+00 : f32
        %mul3A_1118 = vector.broadcast %mul3A_1117 : f32 to vector<16xf32>
        %mul3A_1119 = arith.mulf %mul3A_1118, %get3A_1097 : vector<16xf32>
        %mul3A_1120 = arith.mulf %mul3A_1119, %add3A_1081 : vector<16xf32>
        %sub3A_1121 = arith.subf %mul3A_1116, %mul3A_1120 : vector<16xf32>
        %add3A_1122 = arith.addf %sub3A_1121, %add3A_1083 : vector<16xf32>
        %add3A_1123 = arith.addf %get3A_1112, %add3A_1122 : vector<16xf32>
        %swap3A_1124 = arith.constant 96 : index
        %swap3A_1125 = tpu.vector_load %arg13[%swap3A_1124] {strides = array<i32>} : memref<128xf32, #tpu.memory_space<vmem>>, vector<16xf32>,
        %swap3A_1126 = vector.shape_cast %swap3A_1125 : vector<16xf32> to vector<16xf32>
        %swap3A_1127 = vector.shape_cast %add3A_1123 : vector<16xf32> to vector<16xf32>
        tpu.vector_store %arg13[%swap3A_1124], %swap3A_1127 {strides = array<i32>} : memref<128xf32, #tpu.memory_space<vmem>>, vector<16xf32>,
        %get3A_1128 = arith.index_cast %add3A_354 : i32 to index
        %get3A_1129 = arith.constant 48 : index
        %get3A_1130 = tpu.vector_load %arg9[%get3A_1128, %get3A_1129] {strides = array<i32>} : memref<1280x64xf32, #tpu.memory_space<vmem>>, vector<1x16xf32>,
        %get3A_1131 = vector.shape_cast %get3A_1130 : vector<1x16xf32> to vector<16xf32>
        %mul3A_1132 = arith.mulf %get3A_1131, %get3A_1131 : vector<16xf32>
        %add3A_1133 = arith.constant 1 : i32
        %add3A_1134 = arith.addi %add3A_354, %add3A_1133 : i32
        %get3A_1135 = arith.index_cast %add3A_1134 : i32 to index
        %get3A_1136 = arith.constant 48 : index
        %get3A_1137 = tpu.vector_load %arg9[%get3A_1135, %get3A_1136] {strides = array<i32>} : memref<1280x64xf32, #tpu.memory_space<vmem>>, vector<1x16xf32>,
        %get3A_1138 = vector.shape_cast %get3A_1137 : vector<1x16xf32> to vector<16xf32>
        %min3A_1139 = arith.minimumf %get3A_1131, %get3A_1138 : vector<16xf32>
        %max3A_1140 = arith.maximumf %get3A_1131, %get3A_1138 : vector<16xf32>
        %add3A_1141 = arith.addf %get3A_1131, %get3A_1138 : vector<16xf32>
        %mul3A_1142 = arith.mulf %get3A_1138, %get3A_1138 : vector<16xf32>
        %add3A_1143 = arith.addf %mul3A_1132, %mul3A_1142 : vector<16xf32>
        %add3A_1144 = arith.constant 2 : i32
        %add3A_1145 = arith.addi %add3A_354, %add3A_1144 : i32
        %get3A_1146 = arith.index_cast %add3A_1145 : i32 to index
        %get3A_1147 = arith.constant 48 : index
        %get3A_1148 = tpu.vector_load %arg9[%get3A_1146, %get3A_1147] {strides = array<i32>} : memref<1280x64xf32, #tpu.memory_space<vmem>>, vector<1x16xf32>,
        %get3A_1149 = vector.shape_cast %get3A_1148 : vector<1x16xf32> to vector<16xf32>
        %min3A_1150 = arith.minimumf %min3A_1139, %get3A_1149 : vector<16xf32>
        %max3A_1151 = arith.maximumf %max3A_1140, %get3A_1149 : vector<16xf32>
        %add3A_1152 = arith.addf %add3A_1141, %get3A_1149 : vector<16xf32>
        %mul3A_1153 = arith.mulf %get3A_1149, %get3A_1149 : vector<16xf32>
        %add3A_1154 = arith.addf %add3A_1143, %mul3A_1153 : vector<16xf32>
        %add3A_1155 = arith.constant 3 : i32
        %add3A_1156 = arith.addi %add3A_354, %add3A_1155 : i32
        %get3A_1157 = arith.index_cast %add3A_1156 : i32 to index
        %get3A_1158 = arith.constant 48 : index
        %get3A_1159 = tpu.vector_load %arg9[%get3A_1157, %get3A_1158] {strides = array<i32>} : memref<1280x64xf32, #tpu.memory_space<vmem>>, vector<1x16xf32>,
        %get3A_1160 = vector.shape_cast %get3A_1159 : vector<1x16xf32> to vector<16xf32>
        %min3A_1161 = arith.minimumf %min3A_1150, %get3A_1160 : vector<16xf32>
        %max3A_1162 = arith.maximumf %max3A_1151, %get3A_1160 : vector<16xf32>
        %add3A_1163 = arith.addf %add3A_1152, %get3A_1160 : vector<16xf32>
        %mul3A_1164 = arith.mulf %get3A_1160, %get3A_1160 : vector<16xf32>
        %add3A_1165 = arith.addf %add3A_1154, %mul3A_1164 : vector<16xf32>
        %add3A_1166 = arith.constant 4 : i32
        %add3A_1167 = arith.addi %add3A_354, %add3A_1166 : i32
        %get3A_1168 = arith.index_cast %add3A_1167 : i32 to index
        %get3A_1169 = arith.constant 48 : index
        %get3A_1170 = tpu.vector_load %arg9[%get3A_1168, %get3A_1169] {strides = array<i32>} : memref<1280x64xf32, #tpu.memory_space<vmem>>, vector<1x16xf32>,
        %get3A_1171 = vector.shape_cast %get3A_1170 : vector<1x16xf32> to vector<16xf32>
        %min3A_1172 = arith.minimumf %min3A_1161, %get3A_1171 : vector<16xf32>
        %max3A_1173 = arith.maximumf %max3A_1162, %get3A_1171 : vector<16xf32>
        %add3A_1174 = arith.addf %add3A_1163, %get3A_1171 : vector<16xf32>
        %mul3A_1175 = arith.mulf %get3A_1171, %get3A_1171 : vector<16xf32>
        %add3A_1176 = arith.addf %add3A_1165, %mul3A_1175 : vector<16xf32>
        %add3A_1177 = arith.constant 5 : i32
        %add3A_1178 = arith.addi %add3A_354, %add3A_1177 : i32
        %get3A_1179 = arith.index_cast %add3A_1178 : i32 to index
        %get3A_1180 = arith.constant 48 : index
        %get3A_1181 = tpu.vector_load %arg9[%get3A_1179, %get3A_1180] {strides = array<i32>} : memref<1280x64xf32, #tpu.memory_space<vmem>>, vector<1x16xf32>,
        %get3A_1182 = vector.shape_cast %get3A_1181 : vector<1x16xf32> to vector<16xf32>
        %min3A_1183 = arith.minimumf %min3A_1172, %get3A_1182 : vector<16xf32>
        %max3A_1184 = arith.maximumf %max3A_1173, %get3A_1182 : vector<16xf32>
        %add3A_1185 = arith.addf %add3A_1174, %get3A_1182 : vector<16xf32>
        %mul3A_1186 = arith.mulf %get3A_1182, %get3A_1182 : vector<16xf32>
        %add3A_1187 = arith.addf %add3A_1176, %mul3A_1186 : vector<16xf32>
        %add3A_1188 = arith.constant 6 : i32
        %add3A_1189 = arith.addi %add3A_354, %add3A_1188 : i32
        %get3A_1190 = arith.index_cast %add3A_1189 : i32 to index
        %get3A_1191 = arith.constant 48 : index
        %get3A_1192 = tpu.vector_load %arg9[%get3A_1190, %get3A_1191] {strides = array<i32>} : memref<1280x64xf32, #tpu.memory_space<vmem>>, vector<1x16xf32>,
        %get3A_1193 = vector.shape_cast %get3A_1192 : vector<1x16xf32> to vector<16xf32>
        %min3A_1194 = arith.minimumf %min3A_1183, %get3A_1193 : vector<16xf32>
        %max3A_1195 = arith.maximumf %max3A_1184, %get3A_1193 : vector<16xf32>
        %add3A_1196 = arith.addf %add3A_1185, %get3A_1193 : vector<16xf32>
        %mul3A_1197 = arith.mulf %get3A_1193, %get3A_1193 : vector<16xf32>
        %add3A_1198 = arith.addf %add3A_1187, %mul3A_1197 : vector<16xf32>
        %add3A_1199 = arith.constant 7 : i32
        %add3A_1200 = arith.addi %add3A_354, %add3A_1199 : i32
        %get3A_1201 = arith.index_cast %add3A_1200 : i32 to index
        %get3A_1202 = arith.constant 48 : index
        %get3A_1203 = tpu.vector_load %arg9[%get3A_1201, %get3A_1202] {strides = array<i32>} : memref<1280x64xf32, #tpu.memory_space<vmem>>, vector<1x16xf32>,
        %get3A_1204 = vector.shape_cast %get3A_1203 : vector<1x16xf32> to vector<16xf32>
        %min3A_1205 = arith.minimumf %min3A_1194, %get3A_1204 : vector<16xf32>
        %max3A_1206 = arith.maximumf %max3A_1195, %get3A_1204 : vector<16xf32>
        %add3A_1207 = arith.addf %add3A_1196, %get3A_1204 : vector<16xf32>
        %mul3A_1208 = arith.mulf %get3A_1204, %get3A_1204 : vector<16xf32>
        %add3A_1209 = arith.addf %add3A_1198, %mul3A_1208 : vector<16xf32>
        %add3A_1210 = arith.constant 8 : i32
        %add3A_1211 = arith.addi %add3A_354, %add3A_1210 : i32
        %get3A_1212 = arith.index_cast %add3A_1211 : i32 to index
        %get3A_1213 = arith.constant 48 : index
        %get3A_1214 = tpu.vector_load %arg9[%get3A_1212, %get3A_1213] {strides = array<i32>} : memref<1280x64xf32, #tpu.memory_space<vmem>>, vector<1x16xf32>,
        %get3A_1215 = vector.shape_cast %get3A_1214 : vector<1x16xf32> to vector<16xf32>
        %min3A_1216 = arith.minimumf %min3A_1205, %get3A_1215 : vector<16xf32>
        %max3A_1217 = arith.maximumf %max3A_1206, %get3A_1215 : vector<16xf32>
        %add3A_1218 = arith.addf %add3A_1207, %get3A_1215 : vector<16xf32>
        %mul3A_1219 = arith.mulf %get3A_1215, %get3A_1215 : vector<16xf32>
        %add3A_1220 = arith.addf %add3A_1209, %mul3A_1219 : vector<16xf32>
        %add3A_1221 = arith.constant 9 : i32
        %add3A_1222 = arith.addi %add3A_354, %add3A_1221 : i32
        %get3A_1223 = arith.index_cast %add3A_1222 : i32 to index
        %get3A_1224 = arith.constant 48 : index
        %get3A_1225 = tpu.vector_load %arg9[%get3A_1223, %get3A_1224] {strides = array<i32>} : memref<1280x64xf32, #tpu.memory_space<vmem>>, vector<1x16xf32>,
        %get3A_1226 = vector.shape_cast %get3A_1225 : vector<1x16xf32> to vector<16xf32>
        %min3A_1227 = arith.minimumf %min3A_1216, %get3A_1226 : vector<16xf32>
        %max3A_1228 = arith.maximumf %max3A_1217, %get3A_1226 : vector<16xf32>
        %add3A_1229 = arith.addf %add3A_1218, %get3A_1226 : vector<16xf32>
        %mul3A_1230 = arith.mulf %get3A_1226, %get3A_1226 : vector<16xf32>
        %add3A_1231 = arith.addf %add3A_1220, %mul3A_1230 : vector<16xf32>
        %add3A_1232 = arith.constant 10 : i32
        %add3A_1233 = arith.addi %add3A_354, %add3A_1232 : i32
        %get3A_1234 = arith.index_cast %add3A_1233 : i32 to index
        %get3A_1235 = arith.constant 48 : index
        %get3A_1236 = tpu.vector_load %arg9[%get3A_1234, %get3A_1235] {strides = array<i32>} : memref<1280x64xf32, #tpu.memory_space<vmem>>, vector<1x16xf32>,
        %get3A_1237 = vector.shape_cast %get3A_1236 : vector<1x16xf32> to vector<16xf32>
        %min3A_1238 = arith.minimumf %min3A_1227, %get3A_1237 : vector<16xf32>
        %max3A_1239 = arith.maximumf %max3A_1228, %get3A_1237 : vector<16xf32>
        %add3A_1240 = arith.addf %add3A_1229, %get3A_1237 : vector<16xf32>
        %mul3A_1241 = arith.mulf %get3A_1237, %get3A_1237 : vector<16xf32>
        %add3A_1242 = arith.addf %add3A_1231, %mul3A_1241 : vector<16xf32>
        %add3A_1243 = arith.constant 11 : i32
        %add3A_1244 = arith.addi %add3A_354, %add3A_1243 : i32
        %get3A_1245 = arith.index_cast %add3A_1244 : i32 to index
        %get3A_1246 = arith.constant 48 : index
        %get3A_1247 = tpu.vector_load %arg9[%get3A_1245, %get3A_1246] {strides = array<i32>} : memref<1280x64xf32, #tpu.memory_space<vmem>>, vector<1x16xf32>,
        %get3A_1248 = vector.shape_cast %get3A_1247 : vector<1x16xf32> to vector<16xf32>
        %min3A_1249 = arith.minimumf %min3A_1238, %get3A_1248 : vector<16xf32>
        %max3A_1250 = arith.maximumf %max3A_1239, %get3A_1248 : vector<16xf32>
        %add3A_1251 = arith.addf %add3A_1240, %get3A_1248 : vector<16xf32>
        %mul3A_1252 = arith.mulf %get3A_1248, %get3A_1248 : vector<16xf32>
        %add3A_1253 = arith.addf %add3A_1242, %mul3A_1252 : vector<16xf32>
        %add3A_1254 = arith.constant 12 : i32
        %add3A_1255 = arith.addi %add3A_354, %add3A_1254 : i32
        %get3A_1256 = arith.index_cast %add3A_1255 : i32 to index
        %get3A_1257 = arith.constant 48 : index
        %get3A_1258 = tpu.vector_load %arg9[%get3A_1256, %get3A_1257] {strides = array<i32>} : memref<1280x64xf32, #tpu.memory_space<vmem>>, vector<1x16xf32>,
        %get3A_1259 = vector.shape_cast %get3A_1258 : vector<1x16xf32> to vector<16xf32>
        %min3A_1260 = arith.minimumf %min3A_1249, %get3A_1259 : vector<16xf32>
        %max3A_1261 = arith.maximumf %max3A_1250, %get3A_1259 : vector<16xf32>
        %add3A_1262 = arith.addf %add3A_1251, %get3A_1259 : vector<16xf32>
        %mul3A_1263 = arith.mulf %get3A_1259, %get3A_1259 : vector<16xf32>
        %add3A_1264 = arith.addf %add3A_1253, %mul3A_1263 : vector<16xf32>
        %add3A_1265 = arith.constant 13 : i32
        %add3A_1266 = arith.addi %add3A_354, %add3A_1265 : i32
        %get3A_1267 = arith.index_cast %add3A_1266 : i32 to index
        %get3A_1268 = arith.constant 48 : index
        %get3A_1269 = tpu.vector_load %arg9[%get3A_1267, %get3A_1268] {strides = array<i32>} : memref<1280x64xf32, #tpu.memory_space<vmem>>, vector<1x16xf32>,
        %get3A_1270 = vector.shape_cast %get3A_1269 : vector<1x16xf32> to vector<16xf32>
        %min3A_1271 = arith.minimumf %min3A_1260, %get3A_1270 : vector<16xf32>
        %max3A_1272 = arith.maximumf %max3A_1261, %get3A_1270 : vector<16xf32>
        %add3A_1273 = arith.addf %add3A_1262, %get3A_1270 : vector<16xf32>
        %mul3A_1274 = arith.mulf %get3A_1270, %get3A_1270 : vector<16xf32>
        %add3A_1275 = arith.addf %add3A_1264, %mul3A_1274 : vector<16xf32>
        %add3A_1276 = arith.constant 14 : i32
        %add3A_1277 = arith.addi %add3A_354, %add3A_1276 : i32
        %get3A_1278 = arith.index_cast %add3A_1277 : i32 to index
        %get3A_1279 = arith.constant 48 : index
        %get3A_1280 = tpu.vector_load %arg9[%get3A_1278, %get3A_1279] {strides = array<i32>} : memref<1280x64xf32, #tpu.memory_space<vmem>>, vector<1x16xf32>,
        %get3A_1281 = vector.shape_cast %get3A_1280 : vector<1x16xf32> to vector<16xf32>
        %min3A_1282 = arith.minimumf %min3A_1271, %get3A_1281 : vector<16xf32>
        %max3A_1283 = arith.maximumf %max3A_1272, %get3A_1281 : vector<16xf32>
        %add3A_1284 = arith.addf %add3A_1273, %get3A_1281 : vector<16xf32>
        %mul3A_1285 = arith.mulf %get3A_1281, %get3A_1281 : vector<16xf32>
        %add3A_1286 = arith.addf %add3A_1275, %mul3A_1285 : vector<16xf32>
        %add3A_1287 = arith.constant 15 : i32
        %add3A_1288 = arith.addi %add3A_354, %add3A_1287 : i32
        %get3A_1289 = arith.index_cast %add3A_1288 : i32 to index
        %get3A_1290 = arith.constant 48 : index
        %get3A_1291 = tpu.vector_load %arg9[%get3A_1289, %get3A_1290] {strides = array<i32>} : memref<1280x64xf32, #tpu.memory_space<vmem>>, vector<1x16xf32>,
        %get3A_1292 = vector.shape_cast %get3A_1291 : vector<1x16xf32> to vector<16xf32>
        %min3A_1293 = arith.minimumf %min3A_1282, %get3A_1292 : vector<16xf32>
        %max3A_1294 = arith.maximumf %max3A_1283, %get3A_1292 : vector<16xf32>
        %add3A_1295 = arith.addf %add3A_1284, %get3A_1292 : vector<16xf32>
        %mul3A_1296 = arith.mulf %get3A_1292, %get3A_1292 : vector<16xf32>
        %add3A_1297 = arith.addf %add3A_1286, %mul3A_1296 : vector<16xf32>
        %add3A_1298 = arith.constant 16 : i32
        %add3A_1299 = arith.addi %add3A_354, %add3A_1298 : i32
        %get3A_1300 = arith.index_cast %add3A_1299 : i32 to index
        %get3A_1301 = arith.constant 48 : index
        %get3A_1302 = tpu.vector_load %arg9[%get3A_1300, %get3A_1301] {strides = array<i32>} : memref<1280x64xf32, #tpu.memory_space<vmem>>, vector<1x16xf32>,
        %get3A_1303 = vector.shape_cast %get3A_1302 : vector<1x16xf32> to vector<16xf32>
        %min3A_1304 = arith.minimumf %min3A_1293, %get3A_1303 : vector<16xf32>
        %max3A_1305 = arith.maximumf %max3A_1294, %get3A_1303 : vector<16xf32>
        %add3A_1306 = arith.addf %add3A_1295, %get3A_1303 : vector<16xf32>
        %mul3A_1307 = arith.mulf %get3A_1303, %get3A_1303 : vector<16xf32>
        %add3A_1308 = arith.addf %add3A_1297, %mul3A_1307 : vector<16xf32>
        %add3A_1309 = arith.constant 17 : i32
        %add3A_1310 = arith.addi %add3A_354, %add3A_1309 : i32
        %get3A_1311 = arith.index_cast %add3A_1310 : i32 to index
        %get3A_1312 = arith.constant 48 : index
        %get3A_1313 = tpu.vector_load %arg9[%get3A_1311, %get3A_1312] {strides = array<i32>} : memref<1280x64xf32, #tpu.memory_space<vmem>>, vector<1x16xf32>,
        %get3A_1314 = vector.shape_cast %get3A_1313 : vector<1x16xf32> to vector<16xf32>
        %min3A_1315 = arith.minimumf %min3A_1304, %get3A_1314 : vector<16xf32>
        %max3A_1316 = arith.maximumf %max3A_1305, %get3A_1314 : vector<16xf32>
        %add3A_1317 = arith.addf %add3A_1306, %get3A_1314 : vector<16xf32>
        %mul3A_1318 = arith.mulf %get3A_1314, %get3A_1314 : vector<16xf32>
        %add3A_1319 = arith.addf %add3A_1308, %mul3A_1318 : vector<16xf32>
        %add3A_1320 = arith.constant 18 : i32
        %add3A_1321 = arith.addi %add3A_354, %add3A_1320 : i32
        %get3A_1322 = arith.index_cast %add3A_1321 : i32 to index
        %get3A_1323 = arith.constant 48 : index
        %get3A_1324 = tpu.vector_load %arg9[%get3A_1322, %get3A_1323] {strides = array<i32>} : memref<1280x64xf32, #tpu.memory_space<vmem>>, vector<1x16xf32>,
        %get3A_1325 = vector.shape_cast %get3A_1324 : vector<1x16xf32> to vector<16xf32>
        %min3A_1326 = arith.minimumf %min3A_1315, %get3A_1325 : vector<16xf32>
        %max3A_1327 = arith.maximumf %max3A_1316, %get3A_1325 : vector<16xf32>
        %add3A_1328 = arith.addf %add3A_1317, %get3A_1325 : vector<16xf32>
        %mul3A_1329 = arith.mulf %get3A_1325, %get3A_1325 : vector<16xf32>
        %add3A_1330 = arith.addf %add3A_1319, %mul3A_1329 : vector<16xf32>
        %add3A_1331 = arith.constant 19 : i32
        %add3A_1332 = arith.addi %add3A_354, %add3A_1331 : i32
        %get3A_1333 = arith.index_cast %add3A_1332 : i32 to index
        %get3A_1334 = arith.constant 48 : index
        %get3A_1335 = tpu.vector_load %arg9[%get3A_1333, %get3A_1334] {strides = array<i32>} : memref<1280x64xf32, #tpu.memory_space<vmem>>, vector<1x16xf32>,
        %get3A_1336 = vector.shape_cast %get3A_1335 : vector<1x16xf32> to vector<16xf32>
        %min3A_1337 = arith.minimumf %min3A_1326, %get3A_1336 : vector<16xf32>
        %max3A_1338 = arith.maximumf %max3A_1327, %get3A_1336 : vector<16xf32>
        %add3A_1339 = arith.addf %add3A_1328, %get3A_1336 : vector<16xf32>
        %mul3A_1340 = arith.mulf %get3A_1336, %get3A_1336 : vector<16xf32>
        %add3A_1341 = arith.addf %add3A_1330, %mul3A_1340 : vector<16xf32>
        %swap3A_1342 = arith.index_cast %add3A_357 : i32 to index
        %swap3A_1343 = arith.constant 48 : index
        %swap3A_1344 = tpu.vector_load %arg11[%swap3A_1342, %swap3A_1343] {strides = array<i32>} : memref<64x64xf32, #tpu.memory_space<vmem>>, vector<1x16xf32>,
        %swap3A_1345 = vector.shape_cast %swap3A_1344 : vector<1x16xf32> to vector<16xf32>
        %swap3A_1346 = vector.shape_cast %min3A_1337 : vector<16xf32> to vector<1x16xf32>
        tpu.vector_store %arg11[%swap3A_1342, %swap3A_1343], %swap3A_1346 {strides = array<i32>} : memref<64x64xf32, #tpu.memory_space<vmem>>, vector<1x16xf32>,
        %swap3A_1347 = arith.index_cast %add3A_357 : i32 to index
        %swap3A_1348 = arith.constant 48 : index
        %swap3A_1349 = tpu.vector_load %arg12[%swap3A_1347, %swap3A_1348] {strides = array<i32>} : memref<64x64xf32, #tpu.memory_space<vmem>>, vector<1x16xf32>,
        %swap3A_1350 = vector.shape_cast %swap3A_1349 : vector<1x16xf32> to vector<16xf32>
        %swap3A_1351 = vector.shape_cast %max3A_1338 : vector<16xf32> to vector<1x16xf32>
        tpu.vector_store %arg12[%swap3A_1347, %swap3A_1348], %swap3A_1351 {strides = array<i32>} : memref<64x64xf32, #tpu.memory_space<vmem>>, vector<1x16xf32>,
        %get3A_1352 = arith.index_cast %add3A_357 : i32 to index
        %get3A_1353 = arith.constant 48 : index
        %get3A_1354 = tpu.vector_load %arg10[%get3A_1352, %get3A_1353] {strides = array<i32>} : memref<64x64xf32, #tpu.memory_space<vmem>>, vector<1x16xf32>,
        %get3A_1355 = vector.shape_cast %get3A_1354 : vector<1x16xf32> to vector<16xf32>
        %get3A_1356 = arith.constant 48 : index
        %get3A_1357 = tpu.vector_load %arg13[%get3A_1356] {strides = array<i32>} : memref<128xf32, #tpu.memory_space<vmem>>, vector<16xf32>,
        %get3A_1358 = vector.shape_cast %get3A_1357 : vector<16xf32> to vector<16xf32>
        %mul3A_1359 = arith.constant 2.000000e+01 : f32
        %mul3A_1360 = vector.broadcast %mul3A_1359 : f32 to vector<16xf32>
        %mul3A_1361 = arith.mulf %mul3A_1360, %get3A_1355 : vector<16xf32>
        %sub3A_1362 = arith.subf %mul3A_1361, %add3A_1339 : vector<16xf32>
        %add3A_1363 = arith.addf %get3A_1358, %sub3A_1362 : vector<16xf32>
        %swap3A_1364 = arith.constant 48 : index
        %swap3A_1365 = tpu.vector_load %arg13[%swap3A_1364] {strides = array<i32>} : memref<128xf32, #tpu.memory_space<vmem>>, vector<16xf32>,
        %swap3A_1366 = vector.shape_cast %swap3A_1365 : vector<16xf32> to vector<16xf32>
        %swap3A_1367 = vector.shape_cast %add3A_1363 : vector<16xf32> to vector<16xf32>
        tpu.vector_store %arg13[%swap3A_1364], %swap3A_1367 {strides = array<i32>} : memref<128xf32, #tpu.memory_space<vmem>>, vector<16xf32>,
        %get3A_1368 = arith.constant 112 : index
        %get3A_1369 = tpu.vector_load %arg13[%get3A_1368] {strides = array<i32>} : memref<128xf32, #tpu.memory_space<vmem>>, vector<16xf32>,
        %get3A_1370 = vector.shape_cast %get3A_1369 : vector<16xf32> to vector<16xf32>
        %mul3A_1371 = arith.constant 2.000000e+01 : f32
        %mul3A_1372 = vector.broadcast %mul3A_1371 : f32 to vector<16xf32>
        %mul3A_1373 = arith.mulf %mul3A_1372, %get3A_1355 : vector<16xf32>
        %mul3A_1374 = arith.mulf %mul3A_1373, %get3A_1355 : vector<16xf32>
        %mul3A_1375 = arith.constant 2.000000e+00 : f32
        %mul3A_1376 = vector.broadcast %mul3A_1375 : f32 to vector<16xf32>
        %mul3A_1377 = arith.mulf %mul3A_1376, %get3A_1355 : vector<16xf32>
        %mul3A_1378 = arith.mulf %mul3A_1377, %add3A_1339 : vector<16xf32>
        %sub3A_1379 = arith.subf %mul3A_1374, %mul3A_1378 : vector<16xf32>
        %add3A_1380 = arith.addf %sub3A_1379, %add3A_1341 : vector<16xf32>
        %add3A_1381 = arith.addf %get3A_1370, %add3A_1380 : vector<16xf32>
        %swap3A_1382 = arith.constant 112 : index
        %swap3A_1383 = tpu.vector_load %arg13[%swap3A_1382] {strides = array<i32>} : memref<128xf32, #tpu.memory_space<vmem>>, vector<16xf32>,
        %swap3A_1384 = vector.shape_cast %swap3A_1383 : vector<16xf32> to vector<16xf32>
        %swap3A_1385 = vector.shape_cast %add3A_1381 : vector<16xf32> to vector<16xf32>
        tpu.vector_store %arg13[%swap3A_1382], %swap3A_1385 {strides = array<i32>} : memref<128xf32, #tpu.memory_space<vmem>>, vector<16xf32>,
      }
      %scan3A_283 = arith.constant 32 : i32
      %jit3A_284 = arith.constant 2 : i32
      %eq3A_285 = arith.constant 0 : i32
      %eq3A_286 = arith.cmpi eq, %jit3A_284, %eq3A_285 : i32
      %jit3A_287 = arith.constant 1 : i32
      %select_n3A_288 = arith.select %eq3A_286, %jit3A_287, %jit3A_284 : i32
      %rem3A_289 = arith.remsi %scan3A_188, %select_n3A_288 : i32
      %ne3A_290 = arith.constant 0 : i32
      %ne3A_291 = arith.cmpi ne, %rem3A_289, %ne3A_290 : i32
      %lt3A_292 = arith.constant 0 : i32
      %lt3A_293 = arith.cmpi slt, %rem3A_289, %lt3A_292 : i32
      %lt3A_294 = arith.constant 0 : i32
      %lt3A_295 = arith.cmpi slt, %select_n3A_288, %lt3A_294 : i32
      %ne3A_296 = arith.xori %lt3A_293, %lt3A_295 : i1
      %and3A_297 = arith.andi %ne3A_296, %ne3A_291 : i1
      %add3A_298 = arith.addi %rem3A_289, %select_n3A_288 : i32
      %select_n3A_299 = arith.select %and3A_297, %add3A_298, %rem3A_289 : i32
      %mul3A_300 = arith.constant 32 : i32
      %mul3A_301 = arith.muli %select_n3A_299, %mul3A_300 : i32
      %mul3A_302 = arith.constant 256 : i32
      %mul3A_303 = arith.muli %add3A, %mul3A_302 : i32
      %mul3A_304 = arith.constant 32 : i32
      %mul3A_305 = arith.muli %scan3A_188, %mul3A_304 : i32
      %add3A_306 = arith.addi %mul3A_303, %mul3A_305 : i32
      %jit3A_307 = arith.constant 2 : i32
      %eq3A_308 = arith.constant 0 : i32
      %eq3A_309 = arith.cmpi eq, %jit3A_307, %eq3A_308 : i32
      %jit3A_310 = arith.constant 1 : i32
      %select_n3A_311 = arith.select %eq3A_309, %jit3A_310, %jit3A_307 : i32
      %rem3A_312 = arith.remsi %scan3A_188, %select_n3A_311 : i32
      %ne3A_313 = arith.constant 0 : i32
      %ne3A_314 = arith.cmpi ne, %rem3A_312, %ne3A_313 : i32
      %lt3A_315 = arith.constant 0 : i32
      %lt3A_316 = arith.cmpi slt, %rem3A_312, %lt3A_315 : i32
      %lt3A_317 = arith.constant 0 : i32
      %lt3A_318 = arith.cmpi slt, %select_n3A_311, %lt3A_317 : i32
      %ne3A_319 = arith.xori %lt3A_316, %lt3A_318 : i1
      %and3A_320 = arith.andi %ne3A_319, %ne3A_314 : i1
      %add3A_321 = arith.addi %rem3A_312, %select_n3A_311 : i32
      %select_n3A_322 = arith.select %and3A_320, %add3A_321, %rem3A_312 : i32
      %eq3A_323 = arith.constant 0 : i32
      %eq3A_324 = arith.cmpi eq, %select_n3A_322, %eq3A_323 : i32
      %convert_element_type3A_325 = arith.extui %eq3A_324 : i1 to i32
      %cond3A_326 = arith.constant 0 : i32
      %cond3A_327 = arith.cmpi ne, %convert_element_type3A_325, %cond3A_326 : i32
      scf.if %cond3A_327 {
        %dma_start3A_349 = arith.constant 0 : i32
        %dma_start3A_350 = tpu.memref_slice %arg11[%mul3A_301, %dma_start3A_349] : memref<64x64xf32, #tpu.memory_space<vmem>> -> memref<32x64xf32, #tpu.memory_space<vmem>>
        %dma_start3A_351 = arith.constant 0 : i32
        %dma_start3A_352 = tpu.memref_slice %arg5[%add3A_306, %dma_start3A_351] : memref<8192x64xf32, #tpu.memory_space<hbm>> -> memref<32x64xf32, #tpu.memory_space<hbm>>
        %dma_start3A_353 = arith.constant 0 : i32
        %dma_start3A_354 = tpu.memref_slice %arg5[%add3A_306, %dma_start3A_353] : memref<8192x64xf32, #tpu.memory_space<hbm>> -> memref<32x64xf32, #tpu.memory_space<hbm>>
        %dma_start3A_355 = arith.constant 0 : i32
        %dma_start3A_356 = tpu.memref_slice %arg11[%mul3A_301, %dma_start3A_355] : memref<64x64xf32, #tpu.memory_space<vmem>> -> memref<32x64xf32, #tpu.memory_space<vmem>>
        tpu.enqueue_dma source(%dma_start3A_356 : memref<32x64xf32, #tpu.memory_space<vmem>>) target(%dma_start3A_354 : memref<32x64xf32, #tpu.memory_space<hbm>>) target_semaphore(%arg17 : memref<!tpu.dma_semaphore, #tpu.memory_space<semaphore_mem>>)
        %dma_start3A_357 = arith.constant 0 : i32
        %dma_start3A_358 = tpu.memref_slice %arg12[%mul3A_301, %dma_start3A_357] : memref<64x64xf32, #tpu.memory_space<vmem>> -> memref<32x64xf32, #tpu.memory_space<vmem>>
        %dma_start3A_359 = arith.constant 0 : i32
        %dma_start3A_360 = tpu.memref_slice %arg6[%add3A_306, %dma_start3A_359] : memref<8192x64xf32, #tpu.memory_space<hbm>> -> memref<32x64xf32, #tpu.memory_space<hbm>>
        %dma_start3A_361 = arith.constant 0 : i32
        %dma_start3A_362 = tpu.memref_slice %arg6[%add3A_306, %dma_start3A_361] : memref<8192x64xf32, #tpu.memory_space<hbm>> -> memref<32x64xf32, #tpu.memory_space<hbm>>
        %dma_start3A_363 = arith.constant 0 : i32
        %dma_start3A_364 = tpu.memref_slice %arg12[%mul3A_301, %dma_start3A_363] : memref<64x64xf32, #tpu.memory_space<vmem>> -> memref<32x64xf32, #tpu.memory_space<vmem>>
        tpu.enqueue_dma source(%dma_start3A_364 : memref<32x64xf32, #tpu.memory_space<vmem>>) target(%dma_start3A_362 : memref<32x64xf32, #tpu.memory_space<hbm>>) target_semaphore(%arg17 : memref<!tpu.dma_semaphore, #tpu.memory_space<semaphore_mem>>)
      } else {
      }
      %jit3A_328 = arith.constant 2 : i32
      %eq3A_329 = arith.constant 0 : i32
      %eq3A_330 = arith.cmpi eq, %jit3A_328, %eq3A_329 : i32
      %jit3A_331 = arith.constant 1 : i32
      %select_n3A_332 = arith.select %eq3A_330, %jit3A_331, %jit3A_328 : i32
      %rem3A_333 = arith.remsi %scan3A_188, %select_n3A_332 : i32
      %ne3A_334 = arith.constant 0 : i32
      %ne3A_335 = arith.cmpi ne, %rem3A_333, %ne3A_334 : i32
      %lt3A_336 = arith.constant 0 : i32
      %lt3A_337 = arith.cmpi slt, %rem3A_333, %lt3A_336 : i32
      %lt3A_338 = arith.constant 0 : i32
      %lt3A_339 = arith.cmpi slt, %select_n3A_332, %lt3A_338 : i32
      %ne3A_340 = arith.xori %lt3A_337, %lt3A_339 : i1
      %and3A_341 = arith.andi %ne3A_340, %ne3A_335 : i1
      %add3A_342 = arith.addi %rem3A_333, %select_n3A_332 : i32
      %select_n3A_343 = arith.select %and3A_341, %add3A_342, %rem3A_333 : i32
      %eq3A_344 = arith.constant 1 : i32
      %eq3A_345 = arith.cmpi eq, %select_n3A_343, %eq3A_344 : i32
      %convert_element_type3A_346 = arith.extui %eq3A_345 : i1 to i32
      %cond3A_347 = arith.constant 0 : i32
      %cond3A_348 = arith.cmpi ne, %convert_element_type3A_346, %cond3A_347 : i32
      scf.if %cond3A_348 {
        %dma_start3A_349 = arith.constant 0 : i32
        %dma_start3A_350 = tpu.memref_slice %arg11[%mul3A_301, %dma_start3A_349] : memref<64x64xf32, #tpu.memory_space<vmem>> -> memref<32x64xf32, #tpu.memory_space<vmem>>
        %dma_start3A_351 = arith.constant 0 : i32
        %dma_start3A_352 = tpu.memref_slice %arg5[%add3A_306, %dma_start3A_351] : memref<8192x64xf32, #tpu.memory_space<hbm>> -> memref<32x64xf32, #tpu.memory_space<hbm>>
        %dma_start3A_353 = arith.constant 0 : i32
        %dma_start3A_354 = tpu.memref_slice %arg5[%add3A_306, %dma_start3A_353] : memref<8192x64xf32, #tpu.memory_space<hbm>> -> memref<32x64xf32, #tpu.memory_space<hbm>>
        %dma_start3A_355 = arith.constant 0 : i32
        %dma_start3A_356 = tpu.memref_slice %arg11[%mul3A_301, %dma_start3A_355] : memref<64x64xf32, #tpu.memory_space<vmem>> -> memref<32x64xf32, #tpu.memory_space<vmem>>
        tpu.enqueue_dma source(%dma_start3A_356 : memref<32x64xf32, #tpu.memory_space<vmem>>) target(%dma_start3A_354 : memref<32x64xf32, #tpu.memory_space<hbm>>) target_semaphore(%arg18 : memref<!tpu.dma_semaphore, #tpu.memory_space<semaphore_mem>>)
        %dma_start3A_357 = arith.constant 0 : i32
        %dma_start3A_358 = tpu.memref_slice %arg12[%mul3A_301, %dma_start3A_357] : memref<64x64xf32, #tpu.memory_space<vmem>> -> memref<32x64xf32, #tpu.memory_space<vmem>>
        %dma_start3A_359 = arith.constant 0 : i32
        %dma_start3A_360 = tpu.memref_slice %arg6[%add3A_306, %dma_start3A_359] : memref<8192x64xf32, #tpu.memory_space<hbm>> -> memref<32x64xf32, #tpu.memory_space<hbm>>
        %dma_start3A_361 = arith.constant 0 : i32
        %dma_start3A_362 = tpu.memref_slice %arg6[%add3A_306, %dma_start3A_361] : memref<8192x64xf32, #tpu.memory_space<hbm>> -> memref<32x64xf32, #tpu.memory_space<hbm>>
        %dma_start3A_363 = arith.constant 0 : i32
        %dma_start3A_364 = tpu.memref_slice %arg12[%mul3A_301, %dma_start3A_363] : memref<64x64xf32, #tpu.memory_space<vmem>> -> memref<32x64xf32, #tpu.memory_space<vmem>>
        tpu.enqueue_dma source(%dma_start3A_364 : memref<32x64xf32, #tpu.memory_space<vmem>>) target(%dma_start3A_362 : memref<32x64xf32, #tpu.memory_space<hbm>>) target_semaphore(%arg18 : memref<!tpu.dma_semaphore, #tpu.memory_space<semaphore_mem>>)
      } else {
      }
    }
    %scan3A_139 = arith.constant 8 : i32
    %mul3A_140 = arith.constant 256 : i32
    %mul3A_141 = arith.muli %add3A, %mul3A_140 : i32
    %add3A_142 = arith.constant 192 : i32
    %add3A_143 = arith.addi %mul3A_141, %add3A_142 : i32
    %dma_wait3A_144 = arith.constant 0 : i32
    %dma_wait3A_145 = arith.constant 0 : i32
    %dma_wait3A_146 = tpu.memref_slice %arg11[%dma_wait3A_144, %dma_wait3A_145] : memref<64x64xf32, #tpu.memory_space<vmem>> -> memref<32x64xf32, #tpu.memory_space<vmem>>
    %dma_wait3A_147 = arith.constant 0 : i32
    %dma_wait3A_148 = tpu.memref_slice %arg5[%add3A_143, %dma_wait3A_147] : memref<8192x64xf32, #tpu.memory_space<hbm>> -> memref<32x64xf32, #tpu.memory_space<hbm>>
    %dma_wait3A_149 = arith.constant 0 : i32
    %dma_wait3A_150 = tpu.memref_slice %arg5[%add3A_143, %dma_wait3A_149] : memref<8192x64xf32, #tpu.memory_space<hbm>> -> memref<32x64xf32, #tpu.memory_space<hbm>>
    %dma_wait3A_151 = arith.constant 0 : i32
    %dma_wait3A_152 = arith.constant 0 : i32
    %dma_wait3A_153 = tpu.memref_slice %arg11[%dma_wait3A_151, %dma_wait3A_152] : memref<64x64xf32, #tpu.memory_space<vmem>> -> memref<32x64xf32, #tpu.memory_space<vmem>>
    tpu.wait_dma2 semaphore(%arg17 : memref<!tpu.dma_semaphore, #tpu.memory_space<semaphore_mem>>) src(%dma_wait3A_153 : memref<32x64xf32, #tpu.memory_space<vmem>>) dst(%dma_wait3A_150 : memref<32x64xf32, #tpu.memory_space<hbm>>)
    %dma_wait3A_154 = arith.constant 0 : i32
    %dma_wait3A_155 = arith.constant 0 : i32
    %dma_wait3A_156 = tpu.memref_slice %arg12[%dma_wait3A_154, %dma_wait3A_155] : memref<64x64xf32, #tpu.memory_space<vmem>> -> memref<32x64xf32, #tpu.memory_space<vmem>>
    %dma_wait3A_157 = arith.constant 0 : i32
    %dma_wait3A_158 = tpu.memref_slice %arg6[%add3A_143, %dma_wait3A_157] : memref<8192x64xf32, #tpu.memory_space<hbm>> -> memref<32x64xf32, #tpu.memory_space<hbm>>
    %dma_wait3A_159 = arith.constant 0 : i32
    %dma_wait3A_160 = tpu.memref_slice %arg6[%add3A_143, %dma_wait3A_159] : memref<8192x64xf32, #tpu.memory_space<hbm>> -> memref<32x64xf32, #tpu.memory_space<hbm>>
    %dma_wait3A_161 = arith.constant 0 : i32
    %dma_wait3A_162 = arith.constant 0 : i32
    %dma_wait3A_163 = tpu.memref_slice %arg12[%dma_wait3A_161, %dma_wait3A_162] : memref<64x64xf32, #tpu.memory_space<vmem>> -> memref<32x64xf32, #tpu.memory_space<vmem>>
    tpu.wait_dma2 semaphore(%arg17 : memref<!tpu.dma_semaphore, #tpu.memory_space<semaphore_mem>>) src(%dma_wait3A_163 : memref<32x64xf32, #tpu.memory_space<vmem>>) dst(%dma_wait3A_160 : memref<32x64xf32, #tpu.memory_space<hbm>>)
    %mul3A_164 = arith.constant 256 : i32
    %mul3A_165 = arith.muli %add3A, %mul3A_164 : i32
    %add3A_166 = arith.constant 224 : i32
    %add3A_167 = arith.addi %mul3A_165, %add3A_166 : i32
    %dma_wait3A_168 = arith.constant 32 : i32
    %dma_wait3A_169 = arith.constant 0 : i32
    %dma_wait3A_170 = tpu.memref_slice %arg11[%dma_wait3A_168, %dma_wait3A_169] : memref<64x64xf32, #tpu.memory_space<vmem>> -> memref<32x64xf32, #tpu.memory_space<vmem>>
    %dma_wait3A_171 = arith.constant 0 : i32
    %dma_wait3A_172 = tpu.memref_slice %arg5[%add3A_167, %dma_wait3A_171] : memref<8192x64xf32, #tpu.memory_space<hbm>> -> memref<32x64xf32, #tpu.memory_space<hbm>>
    %dma_wait3A_173 = arith.constant 0 : i32
    %dma_wait3A_174 = tpu.memref_slice %arg5[%add3A_167, %dma_wait3A_173] : memref<8192x64xf32, #tpu.memory_space<hbm>> -> memref<32x64xf32, #tpu.memory_space<hbm>>
    %dma_wait3A_175 = arith.constant 32 : i32
    %dma_wait3A_176 = arith.constant 0 : i32
    %dma_wait3A_177 = tpu.memref_slice %arg11[%dma_wait3A_175, %dma_wait3A_176] : memref<64x64xf32, #tpu.memory_space<vmem>> -> memref<32x64xf32, #tpu.memory_space<vmem>>
    tpu.wait_dma2 semaphore(%arg18 : memref<!tpu.dma_semaphore, #tpu.memory_space<semaphore_mem>>) src(%dma_wait3A_177 : memref<32x64xf32, #tpu.memory_space<vmem>>) dst(%dma_wait3A_174 : memref<32x64xf32, #tpu.memory_space<hbm>>)
    %dma_wait3A_178 = arith.constant 32 : i32
    %dma_wait3A_179 = arith.constant 0 : i32
    %dma_wait3A_180 = tpu.memref_slice %arg12[%dma_wait3A_178, %dma_wait3A_179] : memref<64x64xf32, #tpu.memory_space<vmem>> -> memref<32x64xf32, #tpu.memory_space<vmem>>
    %dma_wait3A_181 = arith.constant 0 : i32
    %dma_wait3A_182 = tpu.memref_slice %arg6[%add3A_167, %dma_wait3A_181] : memref<8192x64xf32, #tpu.memory_space<hbm>> -> memref<32x64xf32, #tpu.memory_space<hbm>>
    %dma_wait3A_183 = arith.constant 0 : i32
    %dma_wait3A_184 = tpu.memref_slice %arg6[%add3A_167, %dma_wait3A_183] : memref<8192x64xf32, #tpu.memory_space<hbm>> -> memref<32x64xf32, #tpu.memory_space<hbm>>
    %dma_wait3A_185 = arith.constant 32 : i32
    %dma_wait3A_186 = arith.constant 0 : i32
    %dma_wait3A_187 = tpu.memref_slice %arg12[%dma_wait3A_185, %dma_wait3A_186] : memref<64x64xf32, #tpu.memory_space<vmem>> -> memref<32x64xf32, #tpu.memory_space<vmem>>
    tpu.wait_dma2 semaphore(%arg18 : memref<!tpu.dma_semaphore, #tpu.memory_space<semaphore_mem>>) src(%dma_wait3A_187 : memref<32x64xf32, #tpu.memory_space<vmem>>) dst(%dma_wait3A_184 : memref<32x64xf32, #tpu.memory_space<hbm>>)
    "tpu.region"() ({
      %run_scoped3A = tpu.sem_alloc : memref<!tpu.dma_semaphore, #tpu.memory_space<semaphore_mem>>
      %dma_start3A_188 = arith.constant 0 : i32
      %dma_start3A_189 = tpu.memref_slice %arg7[%add3A, %dma_start3A_188] : memref<32x128xf32, #tpu.memory_space<hbm>> -> memref<1x128xf32, #tpu.memory_space<hbm>>
      %dma_start3A_190 = tpu.memref_squeeze %dma_start3A_189 : memref<1x128xf32, #tpu.memory_space<hbm>> -> memref<128xf32, #tpu.memory_space<hbm>>
      %dma_start3A_191 = arith.constant 0 : i32
      %dma_start3A_192 = tpu.memref_slice %arg7[%add3A, %dma_start3A_191] : memref<32x128xf32, #tpu.memory_space<hbm>> -> memref<1x128xf32, #tpu.memory_space<hbm>>
      %dma_start3A_193 = tpu.memref_squeeze %dma_start3A_192 : memref<1x128xf32, #tpu.memory_space<hbm>> -> memref<128xf32, #tpu.memory_space<hbm>>
      tpu.enqueue_dma source(%arg13 : memref<128xf32, #tpu.memory_space<vmem>>) target(%dma_start3A_193 : memref<128xf32, #tpu.memory_space<hbm>>) target_semaphore(%run_scoped3A : memref<!tpu.dma_semaphore, #tpu.memory_space<semaphore_mem>>)
      %dma_wait3A_194 = arith.constant 0 : i32
      %dma_wait3A_195 = tpu.memref_slice %arg7[%add3A, %dma_wait3A_194] : memref<32x128xf32, #tpu.memory_space<hbm>> -> memref<1x128xf32, #tpu.memory_space<hbm>>
      %dma_wait3A_196 = tpu.memref_squeeze %dma_wait3A_195 : memref<1x128xf32, #tpu.memory_space<hbm>> -> memref<128xf32, #tpu.memory_space<hbm>>
      %dma_wait3A_197 = arith.constant 0 : i32
      %dma_wait3A_198 = tpu.memref_slice %arg7[%add3A, %dma_wait3A_197] : memref<32x128xf32, #tpu.memory_space<hbm>> -> memref<1x128xf32, #tpu.memory_space<hbm>>
      %dma_wait3A_199 = tpu.memref_squeeze %dma_wait3A_198 : memref<1x128xf32, #tpu.memory_space<hbm>> -> memref<128xf32, #tpu.memory_space<hbm>>
      tpu.wait_dma2 semaphore(%run_scoped3A : memref<!tpu.dma_semaphore, #tpu.memory_space<semaphore_mem>>) src(%arg13 : memref<128xf32, #tpu.memory_space<vmem>>) dst(%dma_wait3A_199 : memref<128xf32, #tpu.memory_space<hbm>>)
      tpu.yield
    }) : () -> ()
    return
  }
}

#map = affine_map<(d0, d1) -> (0)>
#map1 = affine_map<(d0, d1) -> (0, 0)>
module attributes {stable_mosaic.version = 14 : i64} {
  func.func @sc_gather(%arg0: i32, %arg1: i32, %arg2: memref<163840xi32, #tpu.memory_space<hbm>>, %arg3: memref<8192x64xf32, #tpu.memory_space<hbm>>, %arg4: memref<8192x64xf32, #tpu.memory_space<hbm>>, %arg5: memref<8192x64xf32, #tpu.memory_space<hbm>>, %arg6: memref<8192x64xf32, #tpu.memory_space<hbm>>, %arg7: memref<32x128xf32, #tpu.memory_space<hbm>>, %arg8: memref<1280xi32, #tpu.memory_space<vmem>>, %arg9: memref<1280x64xf32, #tpu.memory_space<vmem>>, %arg10: memref<64x64xf32, #tpu.memory_space<vmem>>, %arg11: memref<64x64xf32, #tpu.memory_space<vmem>>, %arg12: memref<64x64xf32, #tpu.memory_space<vmem>>, %arg13: memref<128xf32, #tpu.memory_space<vmem>>, %arg14: memref<!tpu.dma_semaphore, #tpu.memory_space<semaphore_mem>>, %arg15: memref<!tpu.dma_semaphore, #tpu.memory_space<semaphore_mem>>, %arg16: memref<!tpu.dma_semaphore, #tpu.memory_space<semaphore_mem>>, %arg17: memref<!tpu.dma_semaphore, #tpu.memory_space<semaphore_mem>>, %arg18: memref<!tpu.dma_semaphore, #tpu.memory_space<semaphore_mem>>) attributes {dimension_semantics = [#tpu.dimension_semantics<core_parallel>, #tpu.dimension_semantics<subcore_parallel>], iteration_bounds = array<i64: 2, 16>, scalar_prefetch = 0 : i64, scratch_operands = 11 : i64, tpu.core_type = #tpu.core_type<sc_vector_subcore>, window_params = [{transform_indices = #map}, {transform_indices = #map1}, {transform_indices = #map1}, {transform_indices = #map1}, {transform_indices = #map1}, {transform_indices = #map1}]} {
    %mul3A = arith.constant 2 : i32
    %mul3A_0 = arith.muli %arg1, %mul3A : i32
    %add3A = arith.addi %mul3A_0, %arg0 : i32
    %broadcast_in_dim3A = arith.constant 0.000000e+00 : f32
    %broadcast_in_dim3A_1 = vector.broadcast %broadcast_in_dim3A : f32 to vector<16xf32>
    %swap3A = arith.constant 0 : index
    %swap3A_2 = tpu.vector_load %arg13[%swap3A] {strides = array<i32>} : memref<128xf32, #tpu.memory_space<vmem>>, vector<16xf32>,
    %swap3A_3 = vector.shape_cast %swap3A_2 : vector<16xf32> to vector<16xf32>
    %swap3A_4 = vector.shape_cast %broadcast_in_dim3A_1 : vector<16xf32> to vector<16xf32>
    tpu.vector_store %arg13[%swap3A], %swap3A_4 {strides = array<i32>} : memref<128xf32, #tpu.memory_space<vmem>>, vector<16xf32>,
    %broadcast_in_dim3A_5 = arith.constant 0.000000e+00 : f32
    %broadcast_in_dim3A_6 = vector.broadcast %broadcast_in_dim3A_5 : f32 to vector<16xf32>
    %swap3A_7 = arith.constant 16 : index
    %swap3A_8 = tpu.vector_load %arg13[%swap3A_7] {strides = array<i32>} : memref<128xf32, #tpu.memory_space<vmem>>, vector<16xf32>,
    %swap3A_9 = vector.shape_cast %swap3A_8 : vector<16xf32> to vector<16xf32>
    %swap3A_10 = vector.shape_cast %broadcast_in_dim3A_6 : vector<16xf32> to vector<16xf32>
    tpu.vector_store %arg13[%swap3A_7], %swap3A_10 {strides = array<i32>} : memref<128xf32, #tpu.memory_space<vmem>>, vector<16xf32>,
    %broadcast_in_dim3A_11 = arith.constant 0.000000e+00 : f32
    %broadcast_in_dim3A_12 = vector.broadcast %broadcast_in_dim3A_11 : f32 to vector<16xf32>
    %swap3A_13 = arith.constant 32 : index
    %swap3A_14 = tpu.vector_load %arg13[%swap3A_13] {strides = array<i32>} : memref<128xf32, #tpu.memory_space<vmem>>, vector<16xf32>,
    %swap3A_15 = vector.shape_cast %swap3A_14 : vector<16xf32> to vector<16xf32>
    %swap3A_16 = vector.shape_cast %broadcast_in_dim3A_12 : vector<16xf32> to vector<16xf32>
    tpu.vector_store %arg13[%swap3A_13], %swap3A_16 {strides = array<i32>} : memref<128xf32, #tpu.memory_space<vmem>>, vector<16xf32>,
    %broadcast_in_dim3A_17 = arith.constant 0.000000e+00 : f32
    %broadcast_in_dim3A_18 = vector.broadcast %broadcast_in_dim3A_17 : f32 to vector<16xf32>
    %swap3A_19 = arith.constant 48 : index
    %swap3A_20 = tpu.vector_load %arg13[%swap3A_19] {strides = array<i32>} : memref<128xf32, #tpu.memory_space<vmem>>, vector<16xf32>,
    %swap3A_21 = vector.shape_cast %swap3A_20 : vector<16xf32> to vector<16xf32>
    %swap3A_22 = vector.shape_cast %broadcast_in_dim3A_18 : vector<16xf32> to vector<16xf32>
    tpu.vector_store %arg13[%swap3A_19], %swap3A_22 {strides = array<i32>} : memref<128xf32, #tpu.memory_space<vmem>>, vector<16xf32>,
    %broadcast_in_dim3A_23 = arith.constant 0.000000e+00 : f32
    %broadcast_in_dim3A_24 = vector.broadcast %broadcast_in_dim3A_23 : f32 to vector<16xf32>
    %swap3A_25 = arith.constant 64 : index
    %swap3A_26 = tpu.vector_load %arg13[%swap3A_25] {strides = array<i32>} : memref<128xf32, #tpu.memory_space<vmem>>, vector<16xf32>,
    %swap3A_27 = vector.shape_cast %swap3A_26 : vector<16xf32> to vector<16xf32>
    %swap3A_28 = vector.shape_cast %broadcast_in_dim3A_24 : vector<16xf32> to vector<16xf32>
    tpu.vector_store %arg13[%swap3A_25], %swap3A_28 {strides = array<i32>} : memref<128xf32, #tpu.memory_space<vmem>>, vector<16xf32>,
    %broadcast_in_dim3A_29 = arith.constant 0.000000e+00 : f32
    %broadcast_in_dim3A_30 = vector.broadcast %broadcast_in_dim3A_29 : f32 to vector<16xf32>
    %swap3A_31 = arith.constant 80 : index
    %swap3A_32 = tpu.vector_load %arg13[%swap3A_31] {strides = array<i32>} : memref<128xf32, #tpu.memory_space<vmem>>, vector<16xf32>,
    %swap3A_33 = vector.shape_cast %swap3A_32 : vector<16xf32> to vector<16xf32>
    %swap3A_34 = vector.shape_cast %broadcast_in_dim3A_30 : vector<16xf32> to vector<16xf32>
    tpu.vector_store %arg13[%swap3A_31], %swap3A_34 {strides = array<i32>} : memref<128xf32, #tpu.memory_space<vmem>>, vector<16xf32>,
    %broadcast_in_dim3A_35 = arith.constant 0.000000e+00 : f32
    %broadcast_in_dim3A_36 = vector.broadcast %broadcast_in_dim3A_35 : f32 to vector<16xf32>
    %swap3A_37 = arith.constant 96 : index
    %swap3A_38 = tpu.vector_load %arg13[%swap3A_37] {strides = array<i32>} : memref<128xf32, #tpu.memory_space<vmem>>, vector<16xf32>,
    %swap3A_39 = vector.shape_cast %swap3A_38 : vector<16xf32> to vector<16xf32>
    %swap3A_40 = vector.shape_cast %broadcast_in_dim3A_36 : vector<16xf32> to vector<16xf32>
    tpu.vector_store %arg13[%swap3A_37], %swap3A_40 {strides = array<i32>} : memref<128xf32, #tpu.memory_space<vmem>>, vector<16xf32>,
    %broadcast_in_dim3A_41 = arith.constant 0.000000e+00 : f32
    %broadcast_in_dim3A_42 = vector.broadcast %broadcast_in_dim3A_41 : f32 to vector<16xf32>
    %swap3A_43 = arith.constant 112 : index
    %swap3A_44 = tpu.vector_load %arg13[%swap3A_43] {strides = array<i32>} : memref<128xf32, #tpu.memory_space<vmem>>, vector<16xf32>,
    %swap3A_45 = vector.shape_cast %swap3A_44 : vector<16xf32> to vector<16xf32>
    %swap3A_46 = vector.shape_cast %broadcast_in_dim3A_42 : vector<16xf32> to vector<16xf32>
    tpu.vector_store %arg13[%swap3A_43], %swap3A_46 {strides = array<i32>} : memref<128xf32, #tpu.memory_space<vmem>>, vector<16xf32>,
    %mul3A_47 = arith.constant 256 : i32
    %mul3A_48 = arith.muli %add3A, %mul3A_47 : i32
    %add3A_49 = arith.constant 0 : i32
    %add3A_50 = arith.addi %mul3A_48, %add3A_49 : i32
    %mul3A_51 = arith.constant 20 : i32
    %mul3A_52 = arith.muli %add3A_50, %mul3A_51 : i32
    %dma_start3A = arith.constant 0 : i32
    %dma_start3A_53 = tpu.memref_slice %arg8[%dma_start3A] : memref<1280xi32, #tpu.memory_space<vmem>> -> memref<640xi32, #tpu.memory_space<vmem>>
    %dma_start3A_54 = tpu.memref_slice %arg2[%mul3A_52] : memref<163840xi32, #tpu.memory_space<hbm>> -> memref<640xi32, #tpu.memory_space<hbm>>
    %dma_start3A_55 = arith.constant 0 : i32
    %dma_start3A_56 = tpu.memref_slice %arg8[%dma_start3A_55] : memref<1280xi32, #tpu.memory_space<vmem>> -> memref<640xi32, #tpu.memory_space<vmem>>
    %dma_start3A_57 = tpu.memref_slice %arg2[%mul3A_52] : memref<163840xi32, #tpu.memory_space<hbm>> -> memref<640xi32, #tpu.memory_space<hbm>>
    tpu.enqueue_dma source(%dma_start3A_57 : memref<640xi32, #tpu.memory_space<hbm>>) target(%dma_start3A_56 : memref<640xi32, #tpu.memory_space<vmem>>) target_semaphore(%arg14 : memref<!tpu.dma_semaphore, #tpu.memory_space<semaphore_mem>>)
    %mul3A_58 = arith.constant 256 : i32
    %mul3A_59 = arith.muli %add3A, %mul3A_58 : i32
    %add3A_60 = arith.constant 0 : i32
    %add3A_61 = arith.addi %mul3A_59, %add3A_60 : i32
    %mul3A_62 = arith.constant 20 : i32
    %mul3A_63 = arith.muli %add3A_61, %mul3A_62 : i32
    %dma_wait3A = arith.constant 0 : i32
    %dma_wait3A_64 = tpu.memref_slice %arg8[%dma_wait3A] : memref<1280xi32, #tpu.memory_space<vmem>> -> memref<640xi32, #tpu.memory_space<vmem>>
    %dma_wait3A_65 = tpu.memref_slice %arg2[%mul3A_63] : memref<163840xi32, #tpu.memory_space<hbm>> -> memref<640xi32, #tpu.memory_space<hbm>>
    %dma_wait3A_66 = arith.constant 0 : i32
    %dma_wait3A_67 = tpu.memref_slice %arg8[%dma_wait3A_66] : memref<1280xi32, #tpu.memory_space<vmem>> -> memref<640xi32, #tpu.memory_space<vmem>>
    %dma_wait3A_68 = tpu.memref_slice %arg2[%mul3A_63] : memref<163840xi32, #tpu.memory_space<hbm>> -> memref<640xi32, #tpu.memory_space<hbm>>
    tpu.wait_dma2 semaphore(%arg14 : memref<!tpu.dma_semaphore, #tpu.memory_space<semaphore_mem>>) src(%dma_wait3A_68 : memref<640xi32, #tpu.memory_space<hbm>>) dst(%dma_wait3A_67 : memref<640xi32, #tpu.memory_space<vmem>>)
    %dma_start3A_69 = arith.constant 0 : i32
    %dma_start3A_70 = arith.constant 0 : i32
    %dma_start3A_71 = tpu.memref_slice %arg9[%dma_start3A_69, %dma_start3A_70] : memref<1280x64xf32, #tpu.memory_space<vmem>> -> memref<128x64xf32, #tpu.memory_space<vmem>>
    %dma_start3A_72 = arith.constant 0 : i32
    %dma_start3A_73 = tpu.memref_slice %arg8[%dma_start3A_72] : memref<1280xi32, #tpu.memory_space<vmem>> -> memref<128xi32, #tpu.memory_space<vmem>>
    %dma_start3A_74 = arith.constant 0 : i32
    %dma_start3A_75 = arith.constant 0 : i32
    %dma_start3A_76 = tpu.memref_slice %arg3[%dma_start3A_74, %dma_start3A_75] : memref<8192x64xf32, #tpu.memory_space<hbm>> -> memref<8192x64xf32, #tpu.memory_space<hbm>>
    tpu.enqueue_indirect_dma source(%dma_start3A_76 : memref<8192x64xf32, #tpu.memory_space<hbm>>) target(%dma_start3A_71 : memref<128x64xf32, #tpu.memory_space<vmem>>) offsets(%dma_start3A_73 : memref<128xi32, #tpu.memory_space<vmem>>) semaphore(%arg16 : memref<!tpu.dma_semaphore, #tpu.memory_space<semaphore_mem>>)
    %dma_start3A_77 = arith.constant 128 : i32
    %dma_start3A_78 = arith.constant 0 : i32
    %dma_start3A_79 = tpu.memref_slice %arg9[%dma_start3A_77, %dma_start3A_78] : memref<1280x64xf32, #tpu.memory_space<vmem>> -> memref<128x64xf32, #tpu.memory_space<vmem>>
    %dma_start3A_80 = arith.constant 128 : i32
    %dma_start3A_81 = tpu.memref_slice %arg8[%dma_start3A_80] : memref<1280xi32, #tpu.memory_space<vmem>> -> memref<128xi32, #tpu.memory_space<vmem>>
    %dma_start3A_82 = arith.constant 0 : i32
    %dma_start3A_83 = arith.constant 0 : i32
    %dma_start3A_84 = tpu.memref_slice %arg3[%dma_start3A_82, %dma_start3A_83] : memref<8192x64xf32, #tpu.memory_space<hbm>> -> memref<8192x64xf32, #tpu.memory_space<hbm>>
    tpu.enqueue_indirect_dma source(%dma_start3A_84 : memref<8192x64xf32, #tpu.memory_space<hbm>>) target(%dma_start3A_79 : memref<128x64xf32, #tpu.memory_space<vmem>>) offsets(%dma_start3A_81 : memref<128xi32, #tpu.memory_space<vmem>>) semaphore(%arg16 : memref<!tpu.dma_semaphore, #tpu.memory_space<semaphore_mem>>)
    %dma_start3A_85 = arith.constant 256 : i32
    %dma_start3A_86 = arith.constant 0 : i32
    %dma_start3A_87 = tpu.memref_slice %arg9[%dma_start3A_85, %dma_start3A_86] : memref<1280x64xf32, #tpu.memory_space<vmem>> -> memref<128x64xf32, #tpu.memory_space<vmem>>
    %dma_start3A_88 = arith.constant 256 : i32
    %dma_start3A_89 = tpu.memref_slice %arg8[%dma_start3A_88] : memref<1280xi32, #tpu.memory_space<vmem>> -> memref<128xi32, #tpu.memory_space<vmem>>
    %dma_start3A_90 = arith.constant 0 : i32
    %dma_start3A_91 = arith.constant 0 : i32
    %dma_start3A_92 = tpu.memref_slice %arg3[%dma_start3A_90, %dma_start3A_91] : memref<8192x64xf32, #tpu.memory_space<hbm>> -> memref<8192x64xf32, #tpu.memory_space<hbm>>
    tpu.enqueue_indirect_dma source(%dma_start3A_92 : memref<8192x64xf32, #tpu.memory_space<hbm>>) target(%dma_start3A_87 : memref<128x64xf32, #tpu.memory_space<vmem>>) offsets(%dma_start3A_89 : memref<128xi32, #tpu.memory_space<vmem>>) semaphore(%arg16 : memref<!tpu.dma_semaphore, #tpu.memory_space<semaphore_mem>>)
    %dma_start3A_93 = arith.constant 384 : i32
    %dma_start3A_94 = arith.constant 0 : i32
    %dma_start3A_95 = tpu.memref_slice %arg9[%dma_start3A_93, %dma_start3A_94] : memref<1280x64xf32, #tpu.memory_space<vmem>> -> memref<128x64xf32, #tpu.memory_space<vmem>>
    %dma_start3A_96 = arith.constant 384 : i32
    %dma_start3A_97 = tpu.memref_slice %arg8[%dma_start3A_96] : memref<1280xi32, #tpu.memory_space<vmem>> -> memref<128xi32, #tpu.memory_space<vmem>>
    %dma_start3A_98 = arith.constant 0 : i32
    %dma_start3A_99 = arith.constant 0 : i32
    %dma_start3A_100 = tpu.memref_slice %arg3[%dma_start3A_98, %dma_start3A_99] : memref<8192x64xf32, #tpu.memory_space<hbm>> -> memref<8192x64xf32, #tpu.memory_space<hbm>>
    tpu.enqueue_indirect_dma source(%dma_start3A_100 : memref<8192x64xf32, #tpu.memory_space<hbm>>) target(%dma_start3A_95 : memref<128x64xf32, #tpu.memory_space<vmem>>) offsets(%dma_start3A_97 : memref<128xi32, #tpu.memory_space<vmem>>) semaphore(%arg16 : memref<!tpu.dma_semaphore, #tpu.memory_space<semaphore_mem>>)
    %dma_start3A_101 = arith.constant 512 : i32
    %dma_start3A_102 = arith.constant 0 : i32
    %dma_start3A_103 = tpu.memref_slice %arg9[%dma_start3A_101, %dma_start3A_102] : memref<1280x64xf32, #tpu.memory_space<vmem>> -> memref<128x64xf32, #tpu.memory_space<vmem>>
    %dma_start3A_104 = arith.constant 512 : i32
    %dma_start3A_105 = tpu.memref_slice %arg8[%dma_start3A_104] : memref<1280xi32, #tpu.memory_space<vmem>> -> memref<128xi32, #tpu.memory_space<vmem>>
    %dma_start3A_106 = arith.constant 0 : i32
    %dma_start3A_107 = arith.constant 0 : i32
    %dma_start3A_108 = tpu.memref_slice %arg3[%dma_start3A_106, %dma_start3A_107] : memref<8192x64xf32, #tpu.memory_space<hbm>> -> memref<8192x64xf32, #tpu.memory_space<hbm>>
    tpu.enqueue_indirect_dma source(%dma_start3A_108 : memref<8192x64xf32, #tpu.memory_space<hbm>>) target(%dma_start3A_103 : memref<128x64xf32, #tpu.memory_space<vmem>>) offsets(%dma_start3A_105 : memref<128xi32, #tpu.memory_space<vmem>>) semaphore(%arg16 : memref<!tpu.dma_semaphore, #tpu.memory_space<semaphore_mem>>)
    %mul3A_109 = arith.constant 256 : i32
    %mul3A_110 = arith.muli %add3A, %mul3A_109 : i32
    %add3A_111 = arith.constant 32 : i32
    %add3A_112 = arith.addi %mul3A_110, %add3A_111 : i32
    %mul3A_113 = arith.constant 20 : i32
    %mul3A_114 = arith.muli %add3A_112, %mul3A_113 : i32
    %dma_start3A_115 = arith.constant 640 : i32
    %dma_start3A_116 = tpu.memref_slice %arg8[%dma_start3A_115] : memref<1280xi32, #tpu.memory_space<vmem>> -> memref<640xi32, #tpu.memory_space<vmem>>
    %dma_start3A_117 = tpu.memref_slice %arg2[%mul3A_114] : memref<163840xi32, #tpu.memory_space<hbm>> -> memref<640xi32, #tpu.memory_space<hbm>>
    %dma_start3A_118 = arith.constant 640 : i32
    %dma_start3A_119 = tpu.memref_slice %arg8[%dma_start3A_118] : memref<1280xi32, #tpu.memory_space<vmem>> -> memref<640xi32, #tpu.memory_space<vmem>>
    %dma_start3A_120 = tpu.memref_slice %arg2[%mul3A_114] : memref<163840xi32, #tpu.memory_space<hbm>> -> memref<640xi32, #tpu.memory_space<hbm>>
    tpu.enqueue_dma source(%dma_start3A_120 : memref<640xi32, #tpu.memory_space<hbm>>) target(%dma_start3A_119 : memref<640xi32, #tpu.memory_space<vmem>>) target_semaphore(%arg14 : memref<!tpu.dma_semaphore, #tpu.memory_space<semaphore_mem>>)
    %mul3A_121 = arith.constant 256 : i32
    %mul3A_122 = arith.muli %add3A, %mul3A_121 : i32
    %add3A_123 = arith.constant 0 : i32
    %add3A_124 = arith.addi %mul3A_122, %add3A_123 : i32
    %dma_start3A_125 = arith.constant 0 : i32
    %dma_start3A_126 = arith.constant 0 : i32
    %dma_start3A_127 = tpu.memref_slice %arg10[%dma_start3A_125, %dma_start3A_126] : memref<64x64xf32, #tpu.memory_space<vmem>> -> memref<32x64xf32, #tpu.memory_space<vmem>>
    %dma_start3A_128 = arith.constant 0 : i32
    %dma_start3A_129 = tpu.memref_slice %arg4[%add3A_124, %dma_start3A_128] : memref<8192x64xf32, #tpu.memory_space<hbm>> -> memref<32x64xf32, #tpu.memory_space<hbm>>
    %dma_start3A_130 = arith.constant 0 : i32
    %dma_start3A_131 = arith.constant 0 : i32
    %dma_start3A_132 = tpu.memref_slice %arg10[%dma_start3A_130, %dma_start3A_131] : memref<64x64xf32, #tpu.memory_space<vmem>> -> memref<32x64xf32, #tpu.memory_space<vmem>>
    %dma_start3A_133 = arith.constant 0 : i32
    %dma_start3A_134 = tpu.memref_slice %arg4[%add3A_124, %dma_start3A_133] : memref<8192x64xf32, #tpu.memory_space<hbm>> -> memref<32x64xf32, #tpu.memory_space<hbm>>
    tpu.enqueue_dma source(%dma_start3A_134 : memref<32x64xf32, #tpu.memory_space<hbm>>) target(%dma_start3A_132 : memref<32x64xf32, #tpu.memory_space<vmem>>) target_semaphore(%arg15 : memref<!tpu.dma_semaphore, #tpu.memory_space<semaphore_mem>>)
    %scan3A = arith.constant 0 : i32
    %scan3A_135 = arith.constant 0 : i32
    %scan3A_136 = arith.constant 8 : i32
    %scan3A_137 = arith.addi %scan3A_135, %scan3A_136 : i32
    %scan3A_138 = arith.constant 1 : i32
    scf.for %scan3A_188 = %scan3A_135 to %scan3A_137 step %scan3A_138  : i32 {
      %jit3A = arith.constant 2 : i32
      %eq3A = arith.constant 0 : i32
      %eq3A_189 = arith.cmpi eq, %jit3A, %eq3A : i32
      %jit3A_190 = arith.constant 1 : i32
      %select_n3A = arith.select %eq3A_189, %jit3A_190, %jit3A : i32
      %rem3A = arith.remsi %scan3A_188, %select_n3A : i32
      %ne3A = arith.constant 0 : i32
      %ne3A_191 = arith.cmpi ne, %rem3A, %ne3A : i32
      %lt3A = arith.constant 0 : i32
      %lt3A_192 = arith.cmpi slt, %rem3A, %lt3A : i32
      %lt3A_193 = arith.constant 0 : i32
      %lt3A_194 = arith.cmpi slt, %select_n3A, %lt3A_193 : i32
      %ne3A_195 = arith.xori %lt3A_192, %lt3A_194 : i1
      %and3A = arith.andi %ne3A_195, %ne3A_191 : i1
      %add3A_196 = arith.addi %rem3A, %select_n3A : i32
      %select_n3A_197 = arith.select %and3A, %add3A_196, %rem3A : i32
      %mul3A_198 = arith.constant 256 : i32
      %mul3A_199 = arith.muli %add3A, %mul3A_198 : i32
      %mul3A_200 = arith.constant 32 : i32
      %mul3A_201 = arith.muli %scan3A_188, %mul3A_200 : i32
      %add3A_202 = arith.addi %mul3A_199, %mul3A_201 : i32
      %jit3A_203 = arith.constant 2 : i32
      %eq3A_204 = arith.constant 0 : i32
      %eq3A_205 = arith.cmpi eq, %jit3A_203, %eq3A_204 : i32
      %jit3A_206 = arith.constant 1 : i32
      %select_n3A_207 = arith.select %eq3A_205, %jit3A_206, %jit3A_203 : i32
      %rem3A_208 = arith.remsi %scan3A_188, %select_n3A_207 : i32
      %ne3A_209 = arith.constant 0 : i32
      %ne3A_210 = arith.cmpi ne, %rem3A_208, %ne3A_209 : i32
      %lt3A_211 = arith.constant 0 : i32
      %lt3A_212 = arith.cmpi slt, %rem3A_208, %lt3A_211 : i32
      %lt3A_213 = arith.constant 0 : i32
      %lt3A_214 = arith.cmpi slt, %select_n3A_207, %lt3A_213 : i32
      %ne3A_215 = arith.xori %lt3A_212, %lt3A_214 : i1
      %and3A_216 = arith.andi %ne3A_215, %ne3A_210 : i1
      %add3A_217 = arith.addi %rem3A_208, %select_n3A_207 : i32
      %select_n3A_218 = arith.select %and3A_216, %add3A_217, %rem3A_208 : i32
      %mul3A_219 = arith.constant 640 : i32
      %mul3A_220 = arith.muli %select_n3A_218, %mul3A_219 : i32
      %dma_wait3A_221 = arith.constant 0 : i32
      %dma_wait3A_222 = tpu.memref_slice %arg9[%mul3A_220, %dma_wait3A_221] : memref<1280x64xf32, #tpu.memory_space<vmem>> -> memref<640x64xf32, #tpu.memory_space<vmem>>
      %dma_wait3A_223 = arith.constant 0 : i32
      %dma_wait3A_224 = arith.constant 0 : i32
      %dma_wait3A_225 = tpu.memref_slice %arg3[%dma_wait3A_223, %dma_wait3A_224] : memref<8192x64xf32, #tpu.memory_space<hbm>> -> memref<640x64xf32, #tpu.memory_space<hbm>>
      %dma_wait3A_226 = arith.constant 0 : i32
      %dma_wait3A_227 = tpu.memref_slice %arg9[%mul3A_220, %dma_wait3A_226] : memref<1280x64xf32, #tpu.memory_space<vmem>> -> memref<640x64xf32, #tpu.memory_space<vmem>>
      %dma_wait3A_228 = arith.constant 0 : i32
      %dma_wait3A_229 = arith.constant 0 : i32
      %dma_wait3A_230 = tpu.memref_slice %arg3[%dma_wait3A_228, %dma_wait3A_229] : memref<8192x64xf32, #tpu.memory_space<hbm>> -> memref<640x64xf32, #tpu.memory_space<hbm>>
      tpu.wait_dma2 semaphore(%arg16 : memref<!tpu.dma_semaphore, #tpu.memory_space<semaphore_mem>>) src(%dma_wait3A_230 : memref<640x64xf32, #tpu.memory_space<hbm>>) dst(%dma_wait3A_227 : memref<640x64xf32, #tpu.memory_space<vmem>>)
      %jit3A_231 = arith.constant 2 : i32
      %eq3A_232 = arith.constant 0 : i32
      %eq3A_233 = arith.cmpi eq, %jit3A_231, %eq3A_232 : i32
      %jit3A_234 = arith.constant 1 : i32
      %select_n3A_235 = arith.select %eq3A_233, %jit3A_234, %jit3A_231 : i32
      %rem3A_236 = arith.remsi %scan3A_188, %select_n3A_235 : i32
      %ne3A_237 = arith.constant 0 : i32
      %ne3A_238 = arith.cmpi ne, %rem3A_236, %ne3A_237 : i32
      %lt3A_239 = arith.constant 0 : i32
      %lt3A_240 = arith.cmpi slt, %rem3A_236, %lt3A_239 : i32
      %lt3A_241 = arith.constant 0 : i32
      %lt3A_242 = arith.cmpi slt, %select_n3A_235, %lt3A_241 : i32
      %ne3A_243 = arith.xori %lt3A_240, %lt3A_242 : i1
      %and3A_244 = arith.andi %ne3A_243, %ne3A_238 : i1
      %add3A_245 = arith.addi %rem3A_236, %select_n3A_235 : i32
      %select_n3A_246 = arith.select %and3A_244, %add3A_245, %rem3A_236 : i32
      %mul3A_247 = arith.constant 32 : i32
      %mul3A_248 = arith.muli %select_n3A_246, %mul3A_247 : i32
      %mul3A_249 = arith.constant 256 : i32
      %mul3A_250 = arith.muli %add3A, %mul3A_249 : i32
      %mul3A_251 = arith.constant 32 : i32
      %mul3A_252 = arith.muli %scan3A_188, %mul3A_251 : i32
      %add3A_253 = arith.addi %mul3A_250, %mul3A_252 : i32
      %dma_wait3A_254 = arith.constant 0 : i32
      %dma_wait3A_255 = tpu.memref_slice %arg10[%mul3A_248, %dma_wait3A_254] : memref<64x64xf32, #tpu.memory_space<vmem>> -> memref<32x64xf32, #tpu.memory_space<vmem>>
      %dma_wait3A_256 = arith.constant 0 : i32
      %dma_wait3A_257 = tpu.memref_slice %arg4[%add3A_253, %dma_wait3A_256] : memref<8192x64xf32, #tpu.memory_space<hbm>> -> memref<32x64xf32, #tpu.memory_space<hbm>>
      %dma_wait3A_258 = arith.constant 0 : i32
      %dma_wait3A_259 = tpu.memref_slice %arg10[%mul3A_248, %dma_wait3A_258] : memref<64x64xf32, #tpu.memory_space<vmem>> -> memref<32x64xf32, #tpu.memory_space<vmem>>
      %dma_wait3A_260 = arith.constant 0 : i32
      %dma_wait3A_261 = tpu.memref_slice %arg4[%add3A_253, %dma_wait3A_260] : memref<8192x64xf32, #tpu.memory_space<hbm>> -> memref<32x64xf32, #tpu.memory_space<hbm>>
      tpu.wait_dma2 semaphore(%arg15 : memref<!tpu.dma_semaphore, #tpu.memory_space<semaphore_mem>>) src(%dma_wait3A_261 : memref<32x64xf32, #tpu.memory_space<hbm>>) dst(%dma_wait3A_259 : memref<32x64xf32, #tpu.memory_space<vmem>>)
      %add3A_262 = arith.constant 1 : i32
      %add3A_263 = arith.addi %scan3A_188, %add3A_262 : i32
      %lt3A_264 = arith.constant 8 : i32
      %lt3A_265 = arith.cmpi slt, %add3A_263, %lt3A_264 : i32
      %convert_element_type3A = arith.extui %lt3A_265 : i1 to i32
      %cond3A = arith.constant 0 : i32
      %cond3A_266 = arith.cmpi ne, %convert_element_type3A, %cond3A : i32
      scf.if %cond3A_266 {
        %add3A_349 = arith.constant 1 : i32
        %add3A_350 = arith.addi %scan3A_188, %add3A_349 : i32
        %jit3A_351 = arith.constant 2 : i32
        %eq3A_352 = arith.constant 0 : i32
        %eq3A_353 = arith.cmpi eq, %jit3A_351, %eq3A_352 : i32
        %jit3A_354 = arith.constant 1 : i32
        %select_n3A_355 = arith.select %eq3A_353, %jit3A_354, %jit3A_351 : i32
        %rem3A_356 = arith.remsi %add3A_350, %select_n3A_355 : i32
        %ne3A_357 = arith.constant 0 : i32
        %ne3A_358 = arith.cmpi ne, %rem3A_356, %ne3A_357 : i32
        %lt3A_359 = arith.constant 0 : i32
        %lt3A_360 = arith.cmpi slt, %rem3A_356, %lt3A_359 : i32
        %lt3A_361 = arith.constant 0 : i32
        %lt3A_362 = arith.cmpi slt, %select_n3A_355, %lt3A_361 : i32
        %ne3A_363 = arith.xori %lt3A_360, %lt3A_362 : i1
        %and3A_364 = arith.andi %ne3A_363, %ne3A_358 : i1
        %add3A_365 = arith.addi %rem3A_356, %select_n3A_355 : i32
        %select_n3A_366 = arith.select %and3A_364, %add3A_365, %rem3A_356 : i32
        %mul3A_367 = arith.constant 640 : i32
        %mul3A_368 = arith.muli %select_n3A_366, %mul3A_367 : i32
        %mul3A_369 = arith.constant 256 : i32
        %mul3A_370 = arith.muli %add3A, %mul3A_369 : i32
        %mul3A_371 = arith.constant 32 : i32
        %mul3A_372 = arith.muli %add3A_350, %mul3A_371 : i32
        %add3A_373 = arith.addi %mul3A_370, %mul3A_372 : i32
        %mul3A_374 = arith.constant 20 : i32
        %mul3A_375 = arith.muli %add3A_373, %mul3A_374 : i32
        %dma_wait3A_376 = tpu.memref_slice %arg8[%mul3A_368] : memref<1280xi32, #tpu.memory_space<vmem>> -> memref<640xi32, #tpu.memory_space<vmem>>
        %dma_wait3A_377 = tpu.memref_slice %arg2[%mul3A_375] : memref<163840xi32, #tpu.memory_space<hbm>> -> memref<640xi32, #tpu.memory_space<hbm>>
        %dma_wait3A_378 = tpu.memref_slice %arg8[%mul3A_368] : memref<1280xi32, #tpu.memory_space<vmem>> -> memref<640xi32, #tpu.memory_space<vmem>>
        %dma_wait3A_379 = tpu.memref_slice %arg2[%mul3A_375] : memref<163840xi32, #tpu.memory_space<hbm>> -> memref<640xi32, #tpu.memory_space<hbm>>
        tpu.wait_dma2 semaphore(%arg14 : memref<!tpu.dma_semaphore, #tpu.memory_space<semaphore_mem>>) src(%dma_wait3A_379 : memref<640xi32, #tpu.memory_space<hbm>>) dst(%dma_wait3A_378 : memref<640xi32, #tpu.memory_space<vmem>>)
        %add3A_380 = arith.constant 1 : i32
        %add3A_381 = arith.addi %scan3A_188, %add3A_380 : i32
        %jit3A_382 = arith.constant 2 : i32
        %eq3A_383 = arith.constant 0 : i32
        %eq3A_384 = arith.cmpi eq, %jit3A_382, %eq3A_383 : i32
        %jit3A_385 = arith.constant 1 : i32
        %select_n3A_386 = arith.select %eq3A_384, %jit3A_385, %jit3A_382 : i32
        %rem3A_387 = arith.remsi %add3A_381, %select_n3A_386 : i32
        %ne3A_388 = arith.constant 0 : i32
        %ne3A_389 = arith.cmpi ne, %rem3A_387, %ne3A_388 : i32
        %lt3A_390 = arith.constant 0 : i32
        %lt3A_391 = arith.cmpi slt, %rem3A_387, %lt3A_390 : i32
        %lt3A_392 = arith.constant 0 : i32
        %lt3A_393 = arith.cmpi slt, %select_n3A_386, %lt3A_392 : i32
        %ne3A_394 = arith.xori %lt3A_391, %lt3A_393 : i1
        %and3A_395 = arith.andi %ne3A_394, %ne3A_389 : i1
        %add3A_396 = arith.addi %rem3A_387, %select_n3A_386 : i32
        %select_n3A_397 = arith.select %and3A_395, %add3A_396, %rem3A_387 : i32
        %mul3A_398 = arith.constant 640 : i32
        %mul3A_399 = arith.muli %select_n3A_397, %mul3A_398 : i32
        %add3A_400 = arith.constant 0 : i32
        %add3A_401 = arith.addi %mul3A_399, %add3A_400 : i32
        %add3A_402 = arith.constant 0 : i32
        %add3A_403 = arith.addi %mul3A_399, %add3A_402 : i32
        %dma_start3A_404 = arith.constant 0 : i32
        %dma_start3A_405 = tpu.memref_slice %arg9[%add3A_403, %dma_start3A_404] : memref<1280x64xf32, #tpu.memory_space<vmem>> -> memref<128x64xf32, #tpu.memory_space<vmem>>
        %dma_start3A_406 = tpu.memref_slice %arg8[%add3A_401] : memref<1280xi32, #tpu.memory_space<vmem>> -> memref<128xi32, #tpu.memory_space<vmem>>
        %dma_start3A_407 = arith.constant 0 : i32
        %dma_start3A_408 = arith.constant 0 : i32
        %dma_start3A_409 = tpu.memref_slice %arg3[%dma_start3A_407, %dma_start3A_408] : memref<8192x64xf32, #tpu.memory_space<hbm>> -> memref<8192x64xf32, #tpu.memory_space<hbm>>
        tpu.enqueue_indirect_dma source(%dma_start3A_409 : memref<8192x64xf32, #tpu.memory_space<hbm>>) target(%dma_start3A_405 : memref<128x64xf32, #tpu.memory_space<vmem>>) offsets(%dma_start3A_406 : memref<128xi32, #tpu.memory_space<vmem>>) semaphore(%arg16 : memref<!tpu.dma_semaphore, #tpu.memory_space<semaphore_mem>>)
        %add3A_410 = arith.constant 128 : i32
        %add3A_411 = arith.addi %mul3A_399, %add3A_410 : i32
        %add3A_412 = arith.constant 128 : i32
        %add3A_413 = arith.addi %mul3A_399, %add3A_412 : i32
        %dma_start3A_414 = arith.constant 0 : i32
        %dma_start3A_415 = tpu.memref_slice %arg9[%add3A_413, %dma_start3A_414] : memref<1280x64xf32, #tpu.memory_space<vmem>> -> memref<128x64xf32, #tpu.memory_space<vmem>>
        %dma_start3A_416 = tpu.memref_slice %arg8[%add3A_411] : memref<1280xi32, #tpu.memory_space<vmem>> -> memref<128xi32, #tpu.memory_space<vmem>>
        %dma_start3A_417 = arith.constant 0 : i32
        %dma_start3A_418 = arith.constant 0 : i32
        %dma_start3A_419 = tpu.memref_slice %arg3[%dma_start3A_417, %dma_start3A_418] : memref<8192x64xf32, #tpu.memory_space<hbm>> -> memref<8192x64xf32, #tpu.memory_space<hbm>>
        tpu.enqueue_indirect_dma source(%dma_start3A_419 : memref<8192x64xf32, #tpu.memory_space<hbm>>) target(%dma_start3A_415 : memref<128x64xf32, #tpu.memory_space<vmem>>) offsets(%dma_start3A_416 : memref<128xi32, #tpu.memory_space<vmem>>) semaphore(%arg16 : memref<!tpu.dma_semaphore, #tpu.memory_space<semaphore_mem>>)
        %add3A_420 = arith.constant 256 : i32
        %add3A_421 = arith.addi %mul3A_399, %add3A_420 : i32
        %add3A_422 = arith.constant 256 : i32
        %add3A_423 = arith.addi %mul3A_399, %add3A_422 : i32
        %dma_start3A_424 = arith.constant 0 : i32
        %dma_start3A_425 = tpu.memref_slice %arg9[%add3A_423, %dma_start3A_424] : memref<1280x64xf32, #tpu.memory_space<vmem>> -> memref<128x64xf32, #tpu.memory_space<vmem>>
        %dma_start3A_426 = tpu.memref_slice %arg8[%add3A_421] : memref<1280xi32, #tpu.memory_space<vmem>> -> memref<128xi32, #tpu.memory_space<vmem>>
        %dma_start3A_427 = arith.constant 0 : i32
        %dma_start3A_428 = arith.constant 0 : i32
        %dma_start3A_429 = tpu.memref_slice %arg3[%dma_start3A_427, %dma_start3A_428] : memref<8192x64xf32, #tpu.memory_space<hbm>> -> memref<8192x64xf32, #tpu.memory_space<hbm>>
        tpu.enqueue_indirect_dma source(%dma_start3A_429 : memref<8192x64xf32, #tpu.memory_space<hbm>>) target(%dma_start3A_425 : memref<128x64xf32, #tpu.memory_space<vmem>>) offsets(%dma_start3A_426 : memref<128xi32, #tpu.memory_space<vmem>>) semaphore(%arg16 : memref<!tpu.dma_semaphore, #tpu.memory_space<semaphore_mem>>)
        %add3A_430 = arith.constant 384 : i32
        %add3A_431 = arith.addi %mul3A_399, %add3A_430 : i32
        %add3A_432 = arith.constant 384 : i32
        %add3A_433 = arith.addi %mul3A_399, %add3A_432 : i32
        %dma_start3A_434 = arith.constant 0 : i32
        %dma_start3A_435 = tpu.memref_slice %arg9[%add3A_433, %dma_start3A_434] : memref<1280x64xf32, #tpu.memory_space<vmem>> -> memref<128x64xf32, #tpu.memory_space<vmem>>
        %dma_start3A_436 = tpu.memref_slice %arg8[%add3A_431] : memref<1280xi32, #tpu.memory_space<vmem>> -> memref<128xi32, #tpu.memory_space<vmem>>
        %dma_start3A_437 = arith.constant 0 : i32
        %dma_start3A_438 = arith.constant 0 : i32
        %dma_start3A_439 = tpu.memref_slice %arg3[%dma_start3A_437, %dma_start3A_438] : memref<8192x64xf32, #tpu.memory_space<hbm>> -> memref<8192x64xf32, #tpu.memory_space<hbm>>
        tpu.enqueue_indirect_dma source(%dma_start3A_439 : memref<8192x64xf32, #tpu.memory_space<hbm>>) target(%dma_start3A_435 : memref<128x64xf32, #tpu.memory_space<vmem>>) offsets(%dma_start3A_436 : memref<128xi32, #tpu.memory_space<vmem>>) semaphore(%arg16 : memref<!tpu.dma_semaphore, #tpu.memory_space<semaphore_mem>>)
        %add3A_440 = arith.constant 512 : i32
        %add3A_441 = arith.addi %mul3A_399, %add3A_440 : i32
        %add3A_442 = arith.constant 512 : i32
        %add3A_443 = arith.addi %mul3A_399, %add3A_442 : i32
        %dma_start3A_444 = arith.constant 0 : i32
        %dma_start3A_445 = tpu.memref_slice %arg9[%add3A_443, %dma_start3A_444] : memref<1280x64xf32, #tpu.memory_space<vmem>> -> memref<128x64xf32, #tpu.memory_space<vmem>>
        %dma_start3A_446 = tpu.memref_slice %arg8[%add3A_441] : memref<1280xi32, #tpu.memory_space<vmem>> -> memref<128xi32, #tpu.memory_space<vmem>>
        %dma_start3A_447 = arith.constant 0 : i32
        %dma_start3A_448 = arith.constant 0 : i32
        %dma_start3A_449 = tpu.memref_slice %arg3[%dma_start3A_447, %dma_start3A_448] : memref<8192x64xf32, #tpu.memory_space<hbm>> -> memref<8192x64xf32, #tpu.memory_space<hbm>>
        tpu.enqueue_indirect_dma source(%dma_start3A_449 : memref<8192x64xf32, #tpu.memory_space<hbm>>) target(%dma_start3A_445 : memref<128x64xf32, #tpu.memory_space<vmem>>) offsets(%dma_start3A_446 : memref<128xi32, #tpu.memory_space<vmem>>) semaphore(%arg16 : memref<!tpu.dma_semaphore, #tpu.memory_space<semaphore_mem>>)
        %add3A_450 = arith.constant 1 : i32
        %add3A_451 = arith.addi %scan3A_188, %add3A_450 : i32
        %jit3A_452 = arith.constant 2 : i32
        %eq3A_453 = arith.constant 0 : i32
        %eq3A_454 = arith.cmpi eq, %jit3A_452, %eq3A_453 : i32
        %jit3A_455 = arith.constant 1 : i32
        %select_n3A_456 = arith.select %eq3A_454, %jit3A_455, %jit3A_452 : i32
        %rem3A_457 = arith.remsi %add3A_451, %select_n3A_456 : i32
        %ne3A_458 = arith.constant 0 : i32
        %ne3A_459 = arith.cmpi ne, %rem3A_457, %ne3A_458 : i32
        %lt3A_460 = arith.constant 0 : i32
        %lt3A_461 = arith.cmpi slt, %rem3A_457, %lt3A_460 : i32
        %lt3A_462 = arith.constant 0 : i32
        %lt3A_463 = arith.cmpi slt, %select_n3A_456, %lt3A_462 : i32
        %ne3A_464 = arith.xori %lt3A_461, %lt3A_463 : i1
        %and3A_465 = arith.andi %ne3A_464, %ne3A_459 : i1
        %add3A_466 = arith.addi %rem3A_457, %select_n3A_456 : i32
        %select_n3A_467 = arith.select %and3A_465, %add3A_466, %rem3A_457 : i32
        %mul3A_468 = arith.constant 32 : i32
        %mul3A_469 = arith.muli %select_n3A_467, %mul3A_468 : i32
        %mul3A_470 = arith.constant 256 : i32
        %mul3A_471 = arith.muli %add3A, %mul3A_470 : i32
        %mul3A_472 = arith.constant 32 : i32
        %mul3A_473 = arith.muli %add3A_451, %mul3A_472 : i32
        %add3A_474 = arith.addi %mul3A_471, %mul3A_473 : i32
        %dma_start3A_475 = arith.constant 0 : i32
        %dma_start3A_476 = tpu.memref_slice %arg10[%mul3A_469, %dma_start3A_475] : memref<64x64xf32, #tpu.memory_space<vmem>> -> memref<32x64xf32, #tpu.memory_space<vmem>>
        %dma_start3A_477 = arith.constant 0 : i32
        %dma_start3A_478 = tpu.memref_slice %arg4[%add3A_474, %dma_start3A_477] : memref<8192x64xf32, #tpu.memory_space<hbm>> -> memref<32x64xf32, #tpu.memory_space<hbm>>
        %dma_start3A_479 = arith.constant 0 : i32
        %dma_start3A_480 = tpu.memref_slice %arg10[%mul3A_469, %dma_start3A_479] : memref<64x64xf32, #tpu.memory_space<vmem>> -> memref<32x64xf32, #tpu.memory_space<vmem>>
        %dma_start3A_481 = arith.constant 0 : i32
        %dma_start3A_482 = tpu.memref_slice %arg4[%add3A_474, %dma_start3A_481] : memref<8192x64xf32, #tpu.memory_space<hbm>> -> memref<32x64xf32, #tpu.memory_space<hbm>>
        tpu.enqueue_dma source(%dma_start3A_482 : memref<32x64xf32, #tpu.memory_space<hbm>>) target(%dma_start3A_480 : memref<32x64xf32, #tpu.memory_space<vmem>>) target_semaphore(%arg15 : memref<!tpu.dma_semaphore, #tpu.memory_space<semaphore_mem>>)
      } else {
      }
      %add3A_267 = arith.constant 2 : i32
      %add3A_268 = arith.addi %scan3A_188, %add3A_267 : i32
      %lt3A_269 = arith.constant 8 : i32
      %lt3A_270 = arith.cmpi slt, %add3A_268, %lt3A_269 : i32
      %convert_element_type3A_271 = arith.extui %lt3A_270 : i1 to i32
      %cond3A_272 = arith.constant 0 : i32
      %cond3A_273 = arith.cmpi ne, %convert_element_type3A_271, %cond3A_272 : i32
      scf.if %cond3A_273 {
        %add3A_349 = arith.constant 2 : i32
        %add3A_350 = arith.addi %scan3A_188, %add3A_349 : i32
        %jit3A_351 = arith.constant 2 : i32
        %eq3A_352 = arith.constant 0 : i32
        %eq3A_353 = arith.cmpi eq, %jit3A_351, %eq3A_352 : i32
        %jit3A_354 = arith.constant 1 : i32
        %select_n3A_355 = arith.select %eq3A_353, %jit3A_354, %jit3A_351 : i32
        %rem3A_356 = arith.remsi %add3A_350, %select_n3A_355 : i32
        %ne3A_357 = arith.constant 0 : i32
        %ne3A_358 = arith.cmpi ne, %rem3A_356, %ne3A_357 : i32
        %lt3A_359 = arith.constant 0 : i32
        %lt3A_360 = arith.cmpi slt, %rem3A_356, %lt3A_359 : i32
        %lt3A_361 = arith.constant 0 : i32
        %lt3A_362 = arith.cmpi slt, %select_n3A_355, %lt3A_361 : i32
        %ne3A_363 = arith.xori %lt3A_360, %lt3A_362 : i1
        %and3A_364 = arith.andi %ne3A_363, %ne3A_358 : i1
        %add3A_365 = arith.addi %rem3A_356, %select_n3A_355 : i32
        %select_n3A_366 = arith.select %and3A_364, %add3A_365, %rem3A_356 : i32
        %mul3A_367 = arith.constant 640 : i32
        %mul3A_368 = arith.muli %select_n3A_366, %mul3A_367 : i32
        %mul3A_369 = arith.constant 256 : i32
        %mul3A_370 = arith.muli %add3A, %mul3A_369 : i32
        %mul3A_371 = arith.constant 32 : i32
        %mul3A_372 = arith.muli %add3A_350, %mul3A_371 : i32
        %add3A_373 = arith.addi %mul3A_370, %mul3A_372 : i32
        %mul3A_374 = arith.constant 20 : i32
        %mul3A_375 = arith.muli %add3A_373, %mul3A_374 : i32
        %dma_start3A_376 = tpu.memref_slice %arg8[%mul3A_368] : memref<1280xi32, #tpu.memory_space<vmem>> -> memref<640xi32, #tpu.memory_space<vmem>>
        %dma_start3A_377 = tpu.memref_slice %arg2[%mul3A_375] : memref<163840xi32, #tpu.memory_space<hbm>> -> memref<640xi32, #tpu.memory_space<hbm>>
        %dma_start3A_378 = tpu.memref_slice %arg8[%mul3A_368] : memref<1280xi32, #tpu.memory_space<vmem>> -> memref<640xi32, #tpu.memory_space<vmem>>
        %dma_start3A_379 = tpu.memref_slice %arg2[%mul3A_375] : memref<163840xi32, #tpu.memory_space<hbm>> -> memref<640xi32, #tpu.memory_space<hbm>>
        tpu.enqueue_dma source(%dma_start3A_379 : memref<640xi32, #tpu.memory_space<hbm>>) target(%dma_start3A_378 : memref<640xi32, #tpu.memory_space<vmem>>) target_semaphore(%arg14 : memref<!tpu.dma_semaphore, #tpu.memory_space<semaphore_mem>>)
      } else {
      }
      %ge3A = arith.constant 2 : i32
      %ge3A_274 = arith.cmpi sge, %scan3A_188, %ge3A : i32
      %convert_element_type3A_275 = arith.extui %ge3A_274 : i1 to i32
      %cond3A_276 = arith.constant 0 : i32
      %cond3A_277 = arith.cmpi ne, %convert_element_type3A_275, %cond3A_276 : i32
      scf.if %cond3A_277 {
        %sub3A = arith.constant 2 : i32
        %sub3A_349 = arith.subi %scan3A_188, %sub3A : i32
        %jit3A_350 = arith.constant 2 : i32
        %eq3A_351 = arith.constant 0 : i32
        %eq3A_352 = arith.cmpi eq, %jit3A_350, %eq3A_351 : i32
        %jit3A_353 = arith.constant 1 : i32
        %select_n3A_354 = arith.select %eq3A_352, %jit3A_353, %jit3A_350 : i32
        %rem3A_355 = arith.remsi %sub3A_349, %select_n3A_354 : i32
        %ne3A_356 = arith.constant 0 : i32
        %ne3A_357 = arith.cmpi ne, %rem3A_355, %ne3A_356 : i32
        %lt3A_358 = arith.constant 0 : i32
        %lt3A_359 = arith.cmpi slt, %rem3A_355, %lt3A_358 : i32
        %lt3A_360 = arith.constant 0 : i32
        %lt3A_361 = arith.cmpi slt, %select_n3A_354, %lt3A_360 : i32
        %ne3A_362 = arith.xori %lt3A_359, %lt3A_361 : i1
        %and3A_363 = arith.andi %ne3A_362, %ne3A_357 : i1
        %add3A_364 = arith.addi %rem3A_355, %select_n3A_354 : i32
        %select_n3A_365 = arith.select %and3A_363, %add3A_364, %rem3A_355 : i32
        %mul3A_366 = arith.constant 32 : i32
        %mul3A_367 = arith.muli %select_n3A_365, %mul3A_366 : i32
        %mul3A_368 = arith.constant 256 : i32
        %mul3A_369 = arith.muli %add3A, %mul3A_368 : i32
        %mul3A_370 = arith.constant 32 : i32
        %mul3A_371 = arith.muli %sub3A_349, %mul3A_370 : i32
        %add3A_372 = arith.addi %mul3A_369, %mul3A_371 : i32
        %jit3A_373 = arith.constant 2 : i32
        %eq3A_374 = arith.constant 0 : i32
        %eq3A_375 = arith.cmpi eq, %jit3A_373, %eq3A_374 : i32
        %jit3A_376 = arith.constant 1 : i32
        %select_n3A_377 = arith.select %eq3A_375, %jit3A_376, %jit3A_373 : i32
        %rem3A_378 = arith.remsi %sub3A_349, %select_n3A_377 : i32
        %ne3A_379 = arith.constant 0 : i32
        %ne3A_380 = arith.cmpi ne, %rem3A_378, %ne3A_379 : i32
        %lt3A_381 = arith.constant 0 : i32
        %lt3A_382 = arith.cmpi slt, %rem3A_378, %lt3A_381 : i32
        %lt3A_383 = arith.constant 0 : i32
        %lt3A_384 = arith.cmpi slt, %select_n3A_377, %lt3A_383 : i32
        %ne3A_385 = arith.xori %lt3A_382, %lt3A_384 : i1
        %and3A_386 = arith.andi %ne3A_385, %ne3A_380 : i1
        %add3A_387 = arith.addi %rem3A_378, %select_n3A_377 : i32
        %select_n3A_388 = arith.select %and3A_386, %add3A_387, %rem3A_378 : i32
        %eq3A_389 = arith.constant 0 : i32
        %eq3A_390 = arith.cmpi eq, %select_n3A_388, %eq3A_389 : i32
        %convert_element_type3A_391 = arith.extui %eq3A_390 : i1 to i32
        %cond3A_392 = arith.constant 0 : i32
        %cond3A_393 = arith.cmpi ne, %convert_element_type3A_391, %cond3A_392 : i32
        scf.if %cond3A_393 {
          %dma_wait3A_415 = arith.constant 0 : i32
          %dma_wait3A_416 = tpu.memref_slice %arg11[%mul3A_367, %dma_wait3A_415] : memref<64x64xf32, #tpu.memory_space<vmem>> -> memref<32x64xf32, #tpu.memory_space<vmem>>
          %dma_wait3A_417 = arith.constant 0 : i32
          %dma_wait3A_418 = tpu.memref_slice %arg5[%add3A_372, %dma_wait3A_417] : memref<8192x64xf32, #tpu.memory_space<hbm>> -> memref<32x64xf32, #tpu.memory_space<hbm>>
          %dma_wait3A_419 = arith.constant 0 : i32
          %dma_wait3A_420 = tpu.memref_slice %arg5[%add3A_372, %dma_wait3A_419] : memref<8192x64xf32, #tpu.memory_space<hbm>> -> memref<32x64xf32, #tpu.memory_space<hbm>>
          %dma_wait3A_421 = arith.constant 0 : i32
          %dma_wait3A_422 = tpu.memref_slice %arg11[%mul3A_367, %dma_wait3A_421] : memref<64x64xf32, #tpu.memory_space<vmem>> -> memref<32x64xf32, #tpu.memory_space<vmem>>
          tpu.wait_dma2 semaphore(%arg17 : memref<!tpu.dma_semaphore, #tpu.memory_space<semaphore_mem>>) src(%dma_wait3A_422 : memref<32x64xf32, #tpu.memory_space<vmem>>) dst(%dma_wait3A_420 : memref<32x64xf32, #tpu.memory_space<hbm>>)
          %dma_wait3A_423 = arith.constant 0 : i32
          %dma_wait3A_424 = tpu.memref_slice %arg12[%mul3A_367, %dma_wait3A_423] : memref<64x64xf32, #tpu.memory_space<vmem>> -> memref<32x64xf32, #tpu.memory_space<vmem>>
          %dma_wait3A_425 = arith.constant 0 : i32
          %dma_wait3A_426 = tpu.memref_slice %arg6[%add3A_372, %dma_wait3A_425] : memref<8192x64xf32, #tpu.memory_space<hbm>> -> memref<32x64xf32, #tpu.memory_space<hbm>>
          %dma_wait3A_427 = arith.constant 0 : i32
          %dma_wait3A_428 = tpu.memref_slice %arg6[%add3A_372, %dma_wait3A_427] : memref<8192x64xf32, #tpu.memory_space<hbm>> -> memref<32x64xf32, #tpu.memory_space<hbm>>
          %dma_wait3A_429 = arith.constant 0 : i32
          %dma_wait3A_430 = tpu.memref_slice %arg12[%mul3A_367, %dma_wait3A_429] : memref<64x64xf32, #tpu.memory_space<vmem>> -> memref<32x64xf32, #tpu.memory_space<vmem>>
          tpu.wait_dma2 semaphore(%arg17 : memref<!tpu.dma_semaphore, #tpu.memory_space<semaphore_mem>>) src(%dma_wait3A_430 : memref<32x64xf32, #tpu.memory_space<vmem>>) dst(%dma_wait3A_428 : memref<32x64xf32, #tpu.memory_space<hbm>>)
        } else {
        }
        %jit3A_394 = arith.constant 2 : i32
        %eq3A_395 = arith.constant 0 : i32
        %eq3A_396 = arith.cmpi eq, %jit3A_394, %eq3A_395 : i32
        %jit3A_397 = arith.constant 1 : i32
        %select_n3A_398 = arith.select %eq3A_396, %jit3A_397, %jit3A_394 : i32
        %rem3A_399 = arith.remsi %sub3A_349, %select_n3A_398 : i32
        %ne3A_400 = arith.constant 0 : i32
        %ne3A_401 = arith.cmpi ne, %rem3A_399, %ne3A_400 : i32
        %lt3A_402 = arith.constant 0 : i32
        %lt3A_403 = arith.cmpi slt, %rem3A_399, %lt3A_402 : i32
        %lt3A_404 = arith.constant 0 : i32
        %lt3A_405 = arith.cmpi slt, %select_n3A_398, %lt3A_404 : i32
        %ne3A_406 = arith.xori %lt3A_403, %lt3A_405 : i1
        %and3A_407 = arith.andi %ne3A_406, %ne3A_401 : i1
        %add3A_408 = arith.addi %rem3A_399, %select_n3A_398 : i32
        %select_n3A_409 = arith.select %and3A_407, %add3A_408, %rem3A_399 : i32
        %eq3A_410 = arith.constant 1 : i32
        %eq3A_411 = arith.cmpi eq, %select_n3A_409, %eq3A_410 : i32
        %convert_element_type3A_412 = arith.extui %eq3A_411 : i1 to i32
        %cond3A_413 = arith.constant 0 : i32
        %cond3A_414 = arith.cmpi ne, %convert_element_type3A_412, %cond3A_413 : i32
        scf.if %cond3A_414 {
          %dma_wait3A_415 = arith.constant 0 : i32
          %dma_wait3A_416 = tpu.memref_slice %arg11[%mul3A_367, %dma_wait3A_415] : memref<64x64xf32, #tpu.memory_space<vmem>> -> memref<32x64xf32, #tpu.memory_space<vmem>>
          %dma_wait3A_417 = arith.constant 0 : i32
          %dma_wait3A_418 = tpu.memref_slice %arg5[%add3A_372, %dma_wait3A_417] : memref<8192x64xf32, #tpu.memory_space<hbm>> -> memref<32x64xf32, #tpu.memory_space<hbm>>
          %dma_wait3A_419 = arith.constant 0 : i32
          %dma_wait3A_420 = tpu.memref_slice %arg5[%add3A_372, %dma_wait3A_419] : memref<8192x64xf32, #tpu.memory_space<hbm>> -> memref<32x64xf32, #tpu.memory_space<hbm>>
          %dma_wait3A_421 = arith.constant 0 : i32
          %dma_wait3A_422 = tpu.memref_slice %arg11[%mul3A_367, %dma_wait3A_421] : memref<64x64xf32, #tpu.memory_space<vmem>> -> memref<32x64xf32, #tpu.memory_space<vmem>>
          tpu.wait_dma2 semaphore(%arg18 : memref<!tpu.dma_semaphore, #tpu.memory_space<semaphore_mem>>) src(%dma_wait3A_422 : memref<32x64xf32, #tpu.memory_space<vmem>>) dst(%dma_wait3A_420 : memref<32x64xf32, #tpu.memory_space<hbm>>)
          %dma_wait3A_423 = arith.constant 0 : i32
          %dma_wait3A_424 = tpu.memref_slice %arg12[%mul3A_367, %dma_wait3A_423] : memref<64x64xf32, #tpu.memory_space<vmem>> -> memref<32x64xf32, #tpu.memory_space<vmem>>
          %dma_wait3A_425 = arith.constant 0 : i32
          %dma_wait3A_426 = tpu.memref_slice %arg6[%add3A_372, %dma_wait3A_425] : memref<8192x64xf32, #tpu.memory_space<hbm>> -> memref<32x64xf32, #tpu.memory_space<hbm>>
          %dma_wait3A_427 = arith.constant 0 : i32
          %dma_wait3A_428 = tpu.memref_slice %arg6[%add3A_372, %dma_wait3A_427] : memref<8192x64xf32, #tpu.memory_space<hbm>> -> memref<32x64xf32, #tpu.memory_space<hbm>>
          %dma_wait3A_429 = arith.constant 0 : i32
          %dma_wait3A_430 = tpu.memref_slice %arg12[%mul3A_367, %dma_wait3A_429] : memref<64x64xf32, #tpu.memory_space<vmem>> -> memref<32x64xf32, #tpu.memory_space<vmem>>
          tpu.wait_dma2 semaphore(%arg18 : memref<!tpu.dma_semaphore, #tpu.memory_space<semaphore_mem>>) src(%dma_wait3A_430 : memref<32x64xf32, #tpu.memory_space<vmem>>) dst(%dma_wait3A_428 : memref<32x64xf32, #tpu.memory_space<hbm>>)
        } else {
        }
      } else {
      }
      %scan3A_278 = arith.constant 0 : i32
      %scan3A_279 = arith.constant 0 : i32
      %scan3A_280 = arith.constant 32 : i32
      %scan3A_281 = arith.addi %scan3A_279, %scan3A_280 : i32
      %scan3A_282 = arith.constant 1 : i32
      scf.for %scan3A_349 = %scan3A_279 to %scan3A_281 step %scan3A_282  : i32 {
        %mul3A_350 = arith.constant 640 : i32
        %mul3A_351 = arith.muli %select_n3A_197, %mul3A_350 : i32
        %mul3A_352 = arith.constant 20 : i32
        %mul3A_353 = arith.muli %scan3A_349, %mul3A_352 : i32
        %add3A_354 = arith.addi %mul3A_351, %mul3A_353 : i32
        %mul3A_355 = arith.constant 32 : i32
        %mul3A_356 = arith.muli %select_n3A_197, %mul3A_355 : i32
        %add3A_357 = arith.addi %mul3A_356, %scan3A_349 : i32
        %get3A = arith.index_cast %add3A_354 : i32 to index
        %get3A_358 = arith.constant 0 : index
        %get3A_359 = tpu.vector_load %arg9[%get3A, %get3A_358] {strides = array<i32>} : memref<1280x64xf32, #tpu.memory_space<vmem>>, vector<1x16xf32>,
        %get3A_360 = vector.shape_cast %get3A_359 : vector<1x16xf32> to vector<16xf32>
        %mul3A_361 = arith.mulf %get3A_360, %get3A_360 : vector<16xf32>
        %add3A_362 = arith.constant 1 : i32
        %add3A_363 = arith.addi %add3A_354, %add3A_362 : i32
        %get3A_364 = arith.index_cast %add3A_363 : i32 to index
        %get3A_365 = arith.constant 0 : index
        %get3A_366 = tpu.vector_load %arg9[%get3A_364, %get3A_365] {strides = array<i32>} : memref<1280x64xf32, #tpu.memory_space<vmem>>, vector<1x16xf32>,
        %get3A_367 = vector.shape_cast %get3A_366 : vector<1x16xf32> to vector<16xf32>
        %min3A = arith.minimumf %get3A_360, %get3A_367 : vector<16xf32>
        %max3A = arith.maximumf %get3A_360, %get3A_367 : vector<16xf32>
        %add3A_368 = arith.addf %get3A_360, %get3A_367 : vector<16xf32>
        %mul3A_369 = arith.mulf %get3A_367, %get3A_367 : vector<16xf32>
        %add3A_370 = arith.addf %mul3A_361, %mul3A_369 : vector<16xf32>
        %add3A_371 = arith.constant 2 : i32
        %add3A_372 = arith.addi %add3A_354, %add3A_371 : i32
        %get3A_373 = arith.index_cast %add3A_372 : i32 to index
        %get3A_374 = arith.constant 0 : index
        %get3A_375 = tpu.vector_load %arg9[%get3A_373, %get3A_374] {strides = array<i32>} : memref<1280x64xf32, #tpu.memory_space<vmem>>, vector<1x16xf32>,
        %get3A_376 = vector.shape_cast %get3A_375 : vector<1x16xf32> to vector<16xf32>
        %min3A_377 = arith.minimumf %min3A, %get3A_376 : vector<16xf32>
        %max3A_378 = arith.maximumf %max3A, %get3A_376 : vector<16xf32>
        %add3A_379 = arith.addf %add3A_368, %get3A_376 : vector<16xf32>
        %mul3A_380 = arith.mulf %get3A_376, %get3A_376 : vector<16xf32>
        %add3A_381 = arith.addf %add3A_370, %mul3A_380 : vector<16xf32>
        %add3A_382 = arith.constant 3 : i32
        %add3A_383 = arith.addi %add3A_354, %add3A_382 : i32
        %get3A_384 = arith.index_cast %add3A_383 : i32 to index
        %get3A_385 = arith.constant 0 : index
        %get3A_386 = tpu.vector_load %arg9[%get3A_384, %get3A_385] {strides = array<i32>} : memref<1280x64xf32, #tpu.memory_space<vmem>>, vector<1x16xf32>,
        %get3A_387 = vector.shape_cast %get3A_386 : vector<1x16xf32> to vector<16xf32>
        %min3A_388 = arith.minimumf %min3A_377, %get3A_387 : vector<16xf32>
        %max3A_389 = arith.maximumf %max3A_378, %get3A_387 : vector<16xf32>
        %add3A_390 = arith.addf %add3A_379, %get3A_387 : vector<16xf32>
        %mul3A_391 = arith.mulf %get3A_387, %get3A_387 : vector<16xf32>
        %add3A_392 = arith.addf %add3A_381, %mul3A_391 : vector<16xf32>
        %add3A_393 = arith.constant 4 : i32
        %add3A_394 = arith.addi %add3A_354, %add3A_393 : i32
        %get3A_395 = arith.index_cast %add3A_394 : i32 to index
        %get3A_396 = arith.constant 0 : index
        %get3A_397 = tpu.vector_load %arg9[%get3A_395, %get3A_396] {strides = array<i32>} : memref<1280x64xf32, #tpu.memory_space<vmem>>, vector<1x16xf32>,
        %get3A_398 = vector.shape_cast %get3A_397 : vector<1x16xf32> to vector<16xf32>
        %min3A_399 = arith.minimumf %min3A_388, %get3A_398 : vector<16xf32>
        %max3A_400 = arith.maximumf %max3A_389, %get3A_398 : vector<16xf32>
        %add3A_401 = arith.addf %add3A_390, %get3A_398 : vector<16xf32>
        %mul3A_402 = arith.mulf %get3A_398, %get3A_398 : vector<16xf32>
        %add3A_403 = arith.addf %add3A_392, %mul3A_402 : vector<16xf32>
        %add3A_404 = arith.constant 5 : i32
        %add3A_405 = arith.addi %add3A_354, %add3A_404 : i32
        %get3A_406 = arith.index_cast %add3A_405 : i32 to index
        %get3A_407 = arith.constant 0 : index
        %get3A_408 = tpu.vector_load %arg9[%get3A_406, %get3A_407] {strides = array<i32>} : memref<1280x64xf32, #tpu.memory_space<vmem>>, vector<1x16xf32>,
        %get3A_409 = vector.shape_cast %get3A_408 : vector<1x16xf32> to vector<16xf32>
        %min3A_410 = arith.minimumf %min3A_399, %get3A_409 : vector<16xf32>
        %max3A_411 = arith.maximumf %max3A_400, %get3A_409 : vector<16xf32>
        %add3A_412 = arith.addf %add3A_401, %get3A_409 : vector<16xf32>
        %mul3A_413 = arith.mulf %get3A_409, %get3A_409 : vector<16xf32>
        %add3A_414 = arith.addf %add3A_403, %mul3A_413 : vector<16xf32>
        %add3A_415 = arith.constant 6 : i32
        %add3A_416 = arith.addi %add3A_354, %add3A_415 : i32
        %get3A_417 = arith.index_cast %add3A_416 : i32 to index
        %get3A_418 = arith.constant 0 : index
        %get3A_419 = tpu.vector_load %arg9[%get3A_417, %get3A_418] {strides = array<i32>} : memref<1280x64xf32, #tpu.memory_space<vmem>>, vector<1x16xf32>,
        %get3A_420 = vector.shape_cast %get3A_419 : vector<1x16xf32> to vector<16xf32>
        %min3A_421 = arith.minimumf %min3A_410, %get3A_420 : vector<16xf32>
        %max3A_422 = arith.maximumf %max3A_411, %get3A_420 : vector<16xf32>
        %add3A_423 = arith.addf %add3A_412, %get3A_420 : vector<16xf32>
        %mul3A_424 = arith.mulf %get3A_420, %get3A_420 : vector<16xf32>
        %add3A_425 = arith.addf %add3A_414, %mul3A_424 : vector<16xf32>
        %add3A_426 = arith.constant 7 : i32
        %add3A_427 = arith.addi %add3A_354, %add3A_426 : i32
        %get3A_428 = arith.index_cast %add3A_427 : i32 to index
        %get3A_429 = arith.constant 0 : index
        %get3A_430 = tpu.vector_load %arg9[%get3A_428, %get3A_429] {strides = array<i32>} : memref<1280x64xf32, #tpu.memory_space<vmem>>, vector<1x16xf32>,
        %get3A_431 = vector.shape_cast %get3A_430 : vector<1x16xf32> to vector<16xf32>
        %min3A_432 = arith.minimumf %min3A_421, %get3A_431 : vector<16xf32>
        %max3A_433 = arith.maximumf %max3A_422, %get3A_431 : vector<16xf32>
        %add3A_434 = arith.addf %add3A_423, %get3A_431 : vector<16xf32>
        %mul3A_435 = arith.mulf %get3A_431, %get3A_431 : vector<16xf32>
        %add3A_436 = arith.addf %add3A_425, %mul3A_435 : vector<16xf32>
        %add3A_437 = arith.constant 8 : i32
        %add3A_438 = arith.addi %add3A_354, %add3A_437 : i32
        %get3A_439 = arith.index_cast %add3A_438 : i32 to index
        %get3A_440 = arith.constant 0 : index
        %get3A_441 = tpu.vector_load %arg9[%get3A_439, %get3A_440] {strides = array<i32>} : memref<1280x64xf32, #tpu.memory_space<vmem>>, vector<1x16xf32>,
        %get3A_442 = vector.shape_cast %get3A_441 : vector<1x16xf32> to vector<16xf32>
        %min3A_443 = arith.minimumf %min3A_432, %get3A_442 : vector<16xf32>
        %max3A_444 = arith.maximumf %max3A_433, %get3A_442 : vector<16xf32>
        %add3A_445 = arith.addf %add3A_434, %get3A_442 : vector<16xf32>
        %mul3A_446 = arith.mulf %get3A_442, %get3A_442 : vector<16xf32>
        %add3A_447 = arith.addf %add3A_436, %mul3A_446 : vector<16xf32>
        %add3A_448 = arith.constant 9 : i32
        %add3A_449 = arith.addi %add3A_354, %add3A_448 : i32
        %get3A_450 = arith.index_cast %add3A_449 : i32 to index
        %get3A_451 = arith.constant 0 : index
        %get3A_452 = tpu.vector_load %arg9[%get3A_450, %get3A_451] {strides = array<i32>} : memref<1280x64xf32, #tpu.memory_space<vmem>>, vector<1x16xf32>,
        %get3A_453 = vector.shape_cast %get3A_452 : vector<1x16xf32> to vector<16xf32>
        %min3A_454 = arith.minimumf %min3A_443, %get3A_453 : vector<16xf32>
        %max3A_455 = arith.maximumf %max3A_444, %get3A_453 : vector<16xf32>
        %add3A_456 = arith.addf %add3A_445, %get3A_453 : vector<16xf32>
        %mul3A_457 = arith.mulf %get3A_453, %get3A_453 : vector<16xf32>
        %add3A_458 = arith.addf %add3A_447, %mul3A_457 : vector<16xf32>
        %add3A_459 = arith.constant 10 : i32
        %add3A_460 = arith.addi %add3A_354, %add3A_459 : i32
        %get3A_461 = arith.index_cast %add3A_460 : i32 to index
        %get3A_462 = arith.constant 0 : index
        %get3A_463 = tpu.vector_load %arg9[%get3A_461, %get3A_462] {strides = array<i32>} : memref<1280x64xf32, #tpu.memory_space<vmem>>, vector<1x16xf32>,
        %get3A_464 = vector.shape_cast %get3A_463 : vector<1x16xf32> to vector<16xf32>
        %min3A_465 = arith.minimumf %min3A_454, %get3A_464 : vector<16xf32>
        %max3A_466 = arith.maximumf %max3A_455, %get3A_464 : vector<16xf32>
        %add3A_467 = arith.addf %add3A_456, %get3A_464 : vector<16xf32>
        %mul3A_468 = arith.mulf %get3A_464, %get3A_464 : vector<16xf32>
        %add3A_469 = arith.addf %add3A_458, %mul3A_468 : vector<16xf32>
        %add3A_470 = arith.constant 11 : i32
        %add3A_471 = arith.addi %add3A_354, %add3A_470 : i32
        %get3A_472 = arith.index_cast %add3A_471 : i32 to index
        %get3A_473 = arith.constant 0 : index
        %get3A_474 = tpu.vector_load %arg9[%get3A_472, %get3A_473] {strides = array<i32>} : memref<1280x64xf32, #tpu.memory_space<vmem>>, vector<1x16xf32>,
        %get3A_475 = vector.shape_cast %get3A_474 : vector<1x16xf32> to vector<16xf32>
        %min3A_476 = arith.minimumf %min3A_465, %get3A_475 : vector<16xf32>
        %max3A_477 = arith.maximumf %max3A_466, %get3A_475 : vector<16xf32>
        %add3A_478 = arith.addf %add3A_467, %get3A_475 : vector<16xf32>
        %mul3A_479 = arith.mulf %get3A_475, %get3A_475 : vector<16xf32>
        %add3A_480 = arith.addf %add3A_469, %mul3A_479 : vector<16xf32>
        %add3A_481 = arith.constant 12 : i32
        %add3A_482 = arith.addi %add3A_354, %add3A_481 : i32
        %get3A_483 = arith.index_cast %add3A_482 : i32 to index
        %get3A_484 = arith.constant 0 : index
        %get3A_485 = tpu.vector_load %arg9[%get3A_483, %get3A_484] {strides = array<i32>} : memref<1280x64xf32, #tpu.memory_space<vmem>>, vector<1x16xf32>,
        %get3A_486 = vector.shape_cast %get3A_485 : vector<1x16xf32> to vector<16xf32>
        %min3A_487 = arith.minimumf %min3A_476, %get3A_486 : vector<16xf32>
        %max3A_488 = arith.maximumf %max3A_477, %get3A_486 : vector<16xf32>
        %add3A_489 = arith.addf %add3A_478, %get3A_486 : vector<16xf32>
        %mul3A_490 = arith.mulf %get3A_486, %get3A_486 : vector<16xf32>
        %add3A_491 = arith.addf %add3A_480, %mul3A_490 : vector<16xf32>
        %add3A_492 = arith.constant 13 : i32
        %add3A_493 = arith.addi %add3A_354, %add3A_492 : i32
        %get3A_494 = arith.index_cast %add3A_493 : i32 to index
        %get3A_495 = arith.constant 0 : index
        %get3A_496 = tpu.vector_load %arg9[%get3A_494, %get3A_495] {strides = array<i32>} : memref<1280x64xf32, #tpu.memory_space<vmem>>, vector<1x16xf32>,
        %get3A_497 = vector.shape_cast %get3A_496 : vector<1x16xf32> to vector<16xf32>
        %min3A_498 = arith.minimumf %min3A_487, %get3A_497 : vector<16xf32>
        %max3A_499 = arith.maximumf %max3A_488, %get3A_497 : vector<16xf32>
        %add3A_500 = arith.addf %add3A_489, %get3A_497 : vector<16xf32>
        %mul3A_501 = arith.mulf %get3A_497, %get3A_497 : vector<16xf32>
        %add3A_502 = arith.addf %add3A_491, %mul3A_501 : vector<16xf32>
        %add3A_503 = arith.constant 14 : i32
        %add3A_504 = arith.addi %add3A_354, %add3A_503 : i32
        %get3A_505 = arith.index_cast %add3A_504 : i32 to index
        %get3A_506 = arith.constant 0 : index
        %get3A_507 = tpu.vector_load %arg9[%get3A_505, %get3A_506] {strides = array<i32>} : memref<1280x64xf32, #tpu.memory_space<vmem>>, vector<1x16xf32>,
        %get3A_508 = vector.shape_cast %get3A_507 : vector<1x16xf32> to vector<16xf32>
        %min3A_509 = arith.minimumf %min3A_498, %get3A_508 : vector<16xf32>
        %max3A_510 = arith.maximumf %max3A_499, %get3A_508 : vector<16xf32>
        %add3A_511 = arith.addf %add3A_500, %get3A_508 : vector<16xf32>
        %mul3A_512 = arith.mulf %get3A_508, %get3A_508 : vector<16xf32>
        %add3A_513 = arith.addf %add3A_502, %mul3A_512 : vector<16xf32>
        %add3A_514 = arith.constant 15 : i32
        %add3A_515 = arith.addi %add3A_354, %add3A_514 : i32
        %get3A_516 = arith.index_cast %add3A_515 : i32 to index
        %get3A_517 = arith.constant 0 : index
        %get3A_518 = tpu.vector_load %arg9[%get3A_516, %get3A_517] {strides = array<i32>} : memref<1280x64xf32, #tpu.memory_space<vmem>>, vector<1x16xf32>,
        %get3A_519 = vector.shape_cast %get3A_518 : vector<1x16xf32> to vector<16xf32>
        %min3A_520 = arith.minimumf %min3A_509, %get3A_519 : vector<16xf32>
        %max3A_521 = arith.maximumf %max3A_510, %get3A_519 : vector<16xf32>
        %add3A_522 = arith.addf %add3A_511, %get3A_519 : vector<16xf32>
        %mul3A_523 = arith.mulf %get3A_519, %get3A_519 : vector<16xf32>
        %add3A_524 = arith.addf %add3A_513, %mul3A_523 : vector<16xf32>
        %add3A_525 = arith.constant 16 : i32
        %add3A_526 = arith.addi %add3A_354, %add3A_525 : i32
        %get3A_527 = arith.index_cast %add3A_526 : i32 to index
        %get3A_528 = arith.constant 0 : index
        %get3A_529 = tpu.vector_load %arg9[%get3A_527, %get3A_528] {strides = array<i32>} : memref<1280x64xf32, #tpu.memory_space<vmem>>, vector<1x16xf32>,
        %get3A_530 = vector.shape_cast %get3A_529 : vector<1x16xf32> to vector<16xf32>
        %min3A_531 = arith.minimumf %min3A_520, %get3A_530 : vector<16xf32>
        %max3A_532 = arith.maximumf %max3A_521, %get3A_530 : vector<16xf32>
        %add3A_533 = arith.addf %add3A_522, %get3A_530 : vector<16xf32>
        %mul3A_534 = arith.mulf %get3A_530, %get3A_530 : vector<16xf32>
        %add3A_535 = arith.addf %add3A_524, %mul3A_534 : vector<16xf32>
        %add3A_536 = arith.constant 17 : i32
        %add3A_537 = arith.addi %add3A_354, %add3A_536 : i32
        %get3A_538 = arith.index_cast %add3A_537 : i32 to index
        %get3A_539 = arith.constant 0 : index
        %get3A_540 = tpu.vector_load %arg9[%get3A_538, %get3A_539] {strides = array<i32>} : memref<1280x64xf32, #tpu.memory_space<vmem>>, vector<1x16xf32>,
        %get3A_541 = vector.shape_cast %get3A_540 : vector<1x16xf32> to vector<16xf32>
        %min3A_542 = arith.minimumf %min3A_531, %get3A_541 : vector<16xf32>
        %max3A_543 = arith.maximumf %max3A_532, %get3A_541 : vector<16xf32>
        %add3A_544 = arith.addf %add3A_533, %get3A_541 : vector<16xf32>
        %mul3A_545 = arith.mulf %get3A_541, %get3A_541 : vector<16xf32>
        %add3A_546 = arith.addf %add3A_535, %mul3A_545 : vector<16xf32>
        %add3A_547 = arith.constant 18 : i32
        %add3A_548 = arith.addi %add3A_354, %add3A_547 : i32
        %get3A_549 = arith.index_cast %add3A_548 : i32 to index
        %get3A_550 = arith.constant 0 : index
        %get3A_551 = tpu.vector_load %arg9[%get3A_549, %get3A_550] {strides = array<i32>} : memref<1280x64xf32, #tpu.memory_space<vmem>>, vector<1x16xf32>,
        %get3A_552 = vector.shape_cast %get3A_551 : vector<1x16xf32> to vector<16xf32>
        %min3A_553 = arith.minimumf %min3A_542, %get3A_552 : vector<16xf32>
        %max3A_554 = arith.maximumf %max3A_543, %get3A_552 : vector<16xf32>
        %add3A_555 = arith.addf %add3A_544, %get3A_552 : vector<16xf32>
        %mul3A_556 = arith.mulf %get3A_552, %get3A_552 : vector<16xf32>
        %add3A_557 = arith.addf %add3A_546, %mul3A_556 : vector<16xf32>
        %add3A_558 = arith.constant 19 : i32
        %add3A_559 = arith.addi %add3A_354, %add3A_558 : i32
        %get3A_560 = arith.index_cast %add3A_559 : i32 to index
        %get3A_561 = arith.constant 0 : index
        %get3A_562 = tpu.vector_load %arg9[%get3A_560, %get3A_561] {strides = array<i32>} : memref<1280x64xf32, #tpu.memory_space<vmem>>, vector<1x16xf32>,
        %get3A_563 = vector.shape_cast %get3A_562 : vector<1x16xf32> to vector<16xf32>
        %min3A_564 = arith.minimumf %min3A_553, %get3A_563 : vector<16xf32>
        %max3A_565 = arith.maximumf %max3A_554, %get3A_563 : vector<16xf32>
        %add3A_566 = arith.addf %add3A_555, %get3A_563 : vector<16xf32>
        %mul3A_567 = arith.mulf %get3A_563, %get3A_563 : vector<16xf32>
        %add3A_568 = arith.addf %add3A_557, %mul3A_567 : vector<16xf32>
        %swap3A_569 = arith.index_cast %add3A_357 : i32 to index
        %swap3A_570 = arith.constant 0 : index
        %swap3A_571 = tpu.vector_load %arg11[%swap3A_569, %swap3A_570] {strides = array<i32>} : memref<64x64xf32, #tpu.memory_space<vmem>>, vector<1x16xf32>,
        %swap3A_572 = vector.shape_cast %swap3A_571 : vector<1x16xf32> to vector<16xf32>
        %swap3A_573 = vector.shape_cast %min3A_564 : vector<16xf32> to vector<1x16xf32>
        tpu.vector_store %arg11[%swap3A_569, %swap3A_570], %swap3A_573 {strides = array<i32>} : memref<64x64xf32, #tpu.memory_space<vmem>>, vector<1x16xf32>,
        %swap3A_574 = arith.index_cast %add3A_357 : i32 to index
        %swap3A_575 = arith.constant 0 : index
        %swap3A_576 = tpu.vector_load %arg12[%swap3A_574, %swap3A_575] {strides = array<i32>} : memref<64x64xf32, #tpu.memory_space<vmem>>, vector<1x16xf32>,
        %swap3A_577 = vector.shape_cast %swap3A_576 : vector<1x16xf32> to vector<16xf32>
        %swap3A_578 = vector.shape_cast %max3A_565 : vector<16xf32> to vector<1x16xf32>
        tpu.vector_store %arg12[%swap3A_574, %swap3A_575], %swap3A_578 {strides = array<i32>} : memref<64x64xf32, #tpu.memory_space<vmem>>, vector<1x16xf32>,
        %get3A_579 = arith.index_cast %add3A_357 : i32 to index
        %get3A_580 = arith.constant 0 : index
        %get3A_581 = tpu.vector_load %arg10[%get3A_579, %get3A_580] {strides = array<i32>} : memref<64x64xf32, #tpu.memory_space<vmem>>, vector<1x16xf32>,
        %get3A_582 = vector.shape_cast %get3A_581 : vector<1x16xf32> to vector<16xf32>
        %get3A_583 = arith.constant 0 : index
        %get3A_584 = tpu.vector_load %arg13[%get3A_583] {strides = array<i32>} : memref<128xf32, #tpu.memory_space<vmem>>, vector<16xf32>,
        %get3A_585 = vector.shape_cast %get3A_584 : vector<16xf32> to vector<16xf32>
        %mul3A_586 = arith.constant 2.000000e+01 : f32
        %mul3A_587 = vector.broadcast %mul3A_586 : f32 to vector<16xf32>
        %mul3A_588 = arith.mulf %mul3A_587, %get3A_582 : vector<16xf32>
        %sub3A = arith.subf %mul3A_588, %add3A_566 : vector<16xf32>
        %add3A_589 = arith.addf %get3A_585, %sub3A : vector<16xf32>
        %swap3A_590 = arith.constant 0 : index
        %swap3A_591 = tpu.vector_load %arg13[%swap3A_590] {strides = array<i32>} : memref<128xf32, #tpu.memory_space<vmem>>, vector<16xf32>,
        %swap3A_592 = vector.shape_cast %swap3A_591 : vector<16xf32> to vector<16xf32>
        %swap3A_593 = vector.shape_cast %add3A_589 : vector<16xf32> to vector<16xf32>
        tpu.vector_store %arg13[%swap3A_590], %swap3A_593 {strides = array<i32>} : memref<128xf32, #tpu.memory_space<vmem>>, vector<16xf32>,
        %get3A_594 = arith.constant 64 : index
        %get3A_595 = tpu.vector_load %arg13[%get3A_594] {strides = array<i32>} : memref<128xf32, #tpu.memory_space<vmem>>, vector<16xf32>,
        %get3A_596 = vector.shape_cast %get3A_595 : vector<16xf32> to vector<16xf32>
        %mul3A_597 = arith.constant 2.000000e+01 : f32
        %mul3A_598 = vector.broadcast %mul3A_597 : f32 to vector<16xf32>
        %mul3A_599 = arith.mulf %mul3A_598, %get3A_582 : vector<16xf32>
        %mul3A_600 = arith.mulf %mul3A_599, %get3A_582 : vector<16xf32>
        %mul3A_601 = arith.constant 2.000000e+00 : f32
        %mul3A_602 = vector.broadcast %mul3A_601 : f32 to vector<16xf32>
        %mul3A_603 = arith.mulf %mul3A_602, %get3A_582 : vector<16xf32>
        %mul3A_604 = arith.mulf %mul3A_603, %add3A_566 : vector<16xf32>
        %sub3A_605 = arith.subf %mul3A_600, %mul3A_604 : vector<16xf32>
        %add3A_606 = arith.addf %sub3A_605, %add3A_568 : vector<16xf32>
        %add3A_607 = arith.addf %get3A_596, %add3A_606 : vector<16xf32>
        %swap3A_608 = arith.constant 64 : index
        %swap3A_609 = tpu.vector_load %arg13[%swap3A_608] {strides = array<i32>} : memref<128xf32, #tpu.memory_space<vmem>>, vector<16xf32>,
        %swap3A_610 = vector.shape_cast %swap3A_609 : vector<16xf32> to vector<16xf32>
        %swap3A_611 = vector.shape_cast %add3A_607 : vector<16xf32> to vector<16xf32>
        tpu.vector_store %arg13[%swap3A_608], %swap3A_611 {strides = array<i32>} : memref<128xf32, #tpu.memory_space<vmem>>, vector<16xf32>,
        %get3A_612 = arith.index_cast %add3A_354 : i32 to index
        %get3A_613 = arith.constant 16 : index
        %get3A_614 = tpu.vector_load %arg9[%get3A_612, %get3A_613] {strides = array<i32>} : memref<1280x64xf32, #tpu.memory_space<vmem>>, vector<1x16xf32>,
        %get3A_615 = vector.shape_cast %get3A_614 : vector<1x16xf32> to vector<16xf32>
        %mul3A_616 = arith.mulf %get3A_615, %get3A_615 : vector<16xf32>
        %add3A_617 = arith.constant 1 : i32
        %add3A_618 = arith.addi %add3A_354, %add3A_617 : i32
        %get3A_619 = arith.index_cast %add3A_618 : i32 to index
        %get3A_620 = arith.constant 16 : index
        %get3A_621 = tpu.vector_load %arg9[%get3A_619, %get3A_620] {strides = array<i32>} : memref<1280x64xf32, #tpu.memory_space<vmem>>, vector<1x16xf32>,
        %get3A_622 = vector.shape_cast %get3A_621 : vector<1x16xf32> to vector<16xf32>
        %min3A_623 = arith.minimumf %get3A_615, %get3A_622 : vector<16xf32>
        %max3A_624 = arith.maximumf %get3A_615, %get3A_622 : vector<16xf32>
        %add3A_625 = arith.addf %get3A_615, %get3A_622 : vector<16xf32>
        %mul3A_626 = arith.mulf %get3A_622, %get3A_622 : vector<16xf32>
        %add3A_627 = arith.addf %mul3A_616, %mul3A_626 : vector<16xf32>
        %add3A_628 = arith.constant 2 : i32
        %add3A_629 = arith.addi %add3A_354, %add3A_628 : i32
        %get3A_630 = arith.index_cast %add3A_629 : i32 to index
        %get3A_631 = arith.constant 16 : index
        %get3A_632 = tpu.vector_load %arg9[%get3A_630, %get3A_631] {strides = array<i32>} : memref<1280x64xf32, #tpu.memory_space<vmem>>, vector<1x16xf32>,
        %get3A_633 = vector.shape_cast %get3A_632 : vector<1x16xf32> to vector<16xf32>
        %min3A_634 = arith.minimumf %min3A_623, %get3A_633 : vector<16xf32>
        %max3A_635 = arith.maximumf %max3A_624, %get3A_633 : vector<16xf32>
        %add3A_636 = arith.addf %add3A_625, %get3A_633 : vector<16xf32>
        %mul3A_637 = arith.mulf %get3A_633, %get3A_633 : vector<16xf32>
        %add3A_638 = arith.addf %add3A_627, %mul3A_637 : vector<16xf32>
        %add3A_639 = arith.constant 3 : i32
        %add3A_640 = arith.addi %add3A_354, %add3A_639 : i32
        %get3A_641 = arith.index_cast %add3A_640 : i32 to index
        %get3A_642 = arith.constant 16 : index
        %get3A_643 = tpu.vector_load %arg9[%get3A_641, %get3A_642] {strides = array<i32>} : memref<1280x64xf32, #tpu.memory_space<vmem>>, vector<1x16xf32>,
        %get3A_644 = vector.shape_cast %get3A_643 : vector<1x16xf32> to vector<16xf32>
        %min3A_645 = arith.minimumf %min3A_634, %get3A_644 : vector<16xf32>
        %max3A_646 = arith.maximumf %max3A_635, %get3A_644 : vector<16xf32>
        %add3A_647 = arith.addf %add3A_636, %get3A_644 : vector<16xf32>
        %mul3A_648 = arith.mulf %get3A_644, %get3A_644 : vector<16xf32>
        %add3A_649 = arith.addf %add3A_638, %mul3A_648 : vector<16xf32>
        %add3A_650 = arith.constant 4 : i32
        %add3A_651 = arith.addi %add3A_354, %add3A_650 : i32
        %get3A_652 = arith.index_cast %add3A_651 : i32 to index
        %get3A_653 = arith.constant 16 : index
        %get3A_654 = tpu.vector_load %arg9[%get3A_652, %get3A_653] {strides = array<i32>} : memref<1280x64xf32, #tpu.memory_space<vmem>>, vector<1x16xf32>,
        %get3A_655 = vector.shape_cast %get3A_654 : vector<1x16xf32> to vector<16xf32>
        %min3A_656 = arith.minimumf %min3A_645, %get3A_655 : vector<16xf32>
        %max3A_657 = arith.maximumf %max3A_646, %get3A_655 : vector<16xf32>
        %add3A_658 = arith.addf %add3A_647, %get3A_655 : vector<16xf32>
        %mul3A_659 = arith.mulf %get3A_655, %get3A_655 : vector<16xf32>
        %add3A_660 = arith.addf %add3A_649, %mul3A_659 : vector<16xf32>
        %add3A_661 = arith.constant 5 : i32
        %add3A_662 = arith.addi %add3A_354, %add3A_661 : i32
        %get3A_663 = arith.index_cast %add3A_662 : i32 to index
        %get3A_664 = arith.constant 16 : index
        %get3A_665 = tpu.vector_load %arg9[%get3A_663, %get3A_664] {strides = array<i32>} : memref<1280x64xf32, #tpu.memory_space<vmem>>, vector<1x16xf32>,
        %get3A_666 = vector.shape_cast %get3A_665 : vector<1x16xf32> to vector<16xf32>
        %min3A_667 = arith.minimumf %min3A_656, %get3A_666 : vector<16xf32>
        %max3A_668 = arith.maximumf %max3A_657, %get3A_666 : vector<16xf32>
        %add3A_669 = arith.addf %add3A_658, %get3A_666 : vector<16xf32>
        %mul3A_670 = arith.mulf %get3A_666, %get3A_666 : vector<16xf32>
        %add3A_671 = arith.addf %add3A_660, %mul3A_670 : vector<16xf32>
        %add3A_672 = arith.constant 6 : i32
        %add3A_673 = arith.addi %add3A_354, %add3A_672 : i32
        %get3A_674 = arith.index_cast %add3A_673 : i32 to index
        %get3A_675 = arith.constant 16 : index
        %get3A_676 = tpu.vector_load %arg9[%get3A_674, %get3A_675] {strides = array<i32>} : memref<1280x64xf32, #tpu.memory_space<vmem>>, vector<1x16xf32>,
        %get3A_677 = vector.shape_cast %get3A_676 : vector<1x16xf32> to vector<16xf32>
        %min3A_678 = arith.minimumf %min3A_667, %get3A_677 : vector<16xf32>
        %max3A_679 = arith.maximumf %max3A_668, %get3A_677 : vector<16xf32>
        %add3A_680 = arith.addf %add3A_669, %get3A_677 : vector<16xf32>
        %mul3A_681 = arith.mulf %get3A_677, %get3A_677 : vector<16xf32>
        %add3A_682 = arith.addf %add3A_671, %mul3A_681 : vector<16xf32>
        %add3A_683 = arith.constant 7 : i32
        %add3A_684 = arith.addi %add3A_354, %add3A_683 : i32
        %get3A_685 = arith.index_cast %add3A_684 : i32 to index
        %get3A_686 = arith.constant 16 : index
        %get3A_687 = tpu.vector_load %arg9[%get3A_685, %get3A_686] {strides = array<i32>} : memref<1280x64xf32, #tpu.memory_space<vmem>>, vector<1x16xf32>,
        %get3A_688 = vector.shape_cast %get3A_687 : vector<1x16xf32> to vector<16xf32>
        %min3A_689 = arith.minimumf %min3A_678, %get3A_688 : vector<16xf32>
        %max3A_690 = arith.maximumf %max3A_679, %get3A_688 : vector<16xf32>
        %add3A_691 = arith.addf %add3A_680, %get3A_688 : vector<16xf32>
        %mul3A_692 = arith.mulf %get3A_688, %get3A_688 : vector<16xf32>
        %add3A_693 = arith.addf %add3A_682, %mul3A_692 : vector<16xf32>
        %add3A_694 = arith.constant 8 : i32
        %add3A_695 = arith.addi %add3A_354, %add3A_694 : i32
        %get3A_696 = arith.index_cast %add3A_695 : i32 to index
        %get3A_697 = arith.constant 16 : index
        %get3A_698 = tpu.vector_load %arg9[%get3A_696, %get3A_697] {strides = array<i32>} : memref<1280x64xf32, #tpu.memory_space<vmem>>, vector<1x16xf32>,
        %get3A_699 = vector.shape_cast %get3A_698 : vector<1x16xf32> to vector<16xf32>
        %min3A_700 = arith.minimumf %min3A_689, %get3A_699 : vector<16xf32>
        %max3A_701 = arith.maximumf %max3A_690, %get3A_699 : vector<16xf32>
        %add3A_702 = arith.addf %add3A_691, %get3A_699 : vector<16xf32>
        %mul3A_703 = arith.mulf %get3A_699, %get3A_699 : vector<16xf32>
        %add3A_704 = arith.addf %add3A_693, %mul3A_703 : vector<16xf32>
        %add3A_705 = arith.constant 9 : i32
        %add3A_706 = arith.addi %add3A_354, %add3A_705 : i32
        %get3A_707 = arith.index_cast %add3A_706 : i32 to index
        %get3A_708 = arith.constant 16 : index
        %get3A_709 = tpu.vector_load %arg9[%get3A_707, %get3A_708] {strides = array<i32>} : memref<1280x64xf32, #tpu.memory_space<vmem>>, vector<1x16xf32>,
        %get3A_710 = vector.shape_cast %get3A_709 : vector<1x16xf32> to vector<16xf32>
        %min3A_711 = arith.minimumf %min3A_700, %get3A_710 : vector<16xf32>
        %max3A_712 = arith.maximumf %max3A_701, %get3A_710 : vector<16xf32>
        %add3A_713 = arith.addf %add3A_702, %get3A_710 : vector<16xf32>
        %mul3A_714 = arith.mulf %get3A_710, %get3A_710 : vector<16xf32>
        %add3A_715 = arith.addf %add3A_704, %mul3A_714 : vector<16xf32>
        %add3A_716 = arith.constant 10 : i32
        %add3A_717 = arith.addi %add3A_354, %add3A_716 : i32
        %get3A_718 = arith.index_cast %add3A_717 : i32 to index
        %get3A_719 = arith.constant 16 : index
        %get3A_720 = tpu.vector_load %arg9[%get3A_718, %get3A_719] {strides = array<i32>} : memref<1280x64xf32, #tpu.memory_space<vmem>>, vector<1x16xf32>,
        %get3A_721 = vector.shape_cast %get3A_720 : vector<1x16xf32> to vector<16xf32>
        %min3A_722 = arith.minimumf %min3A_711, %get3A_721 : vector<16xf32>
        %max3A_723 = arith.maximumf %max3A_712, %get3A_721 : vector<16xf32>
        %add3A_724 = arith.addf %add3A_713, %get3A_721 : vector<16xf32>
        %mul3A_725 = arith.mulf %get3A_721, %get3A_721 : vector<16xf32>
        %add3A_726 = arith.addf %add3A_715, %mul3A_725 : vector<16xf32>
        %add3A_727 = arith.constant 11 : i32
        %add3A_728 = arith.addi %add3A_354, %add3A_727 : i32
        %get3A_729 = arith.index_cast %add3A_728 : i32 to index
        %get3A_730 = arith.constant 16 : index
        %get3A_731 = tpu.vector_load %arg9[%get3A_729, %get3A_730] {strides = array<i32>} : memref<1280x64xf32, #tpu.memory_space<vmem>>, vector<1x16xf32>,
        %get3A_732 = vector.shape_cast %get3A_731 : vector<1x16xf32> to vector<16xf32>
        %min3A_733 = arith.minimumf %min3A_722, %get3A_732 : vector<16xf32>
        %max3A_734 = arith.maximumf %max3A_723, %get3A_732 : vector<16xf32>
        %add3A_735 = arith.addf %add3A_724, %get3A_732 : vector<16xf32>
        %mul3A_736 = arith.mulf %get3A_732, %get3A_732 : vector<16xf32>
        %add3A_737 = arith.addf %add3A_726, %mul3A_736 : vector<16xf32>
        %add3A_738 = arith.constant 12 : i32
        %add3A_739 = arith.addi %add3A_354, %add3A_738 : i32
        %get3A_740 = arith.index_cast %add3A_739 : i32 to index
        %get3A_741 = arith.constant 16 : index
        %get3A_742 = tpu.vector_load %arg9[%get3A_740, %get3A_741] {strides = array<i32>} : memref<1280x64xf32, #tpu.memory_space<vmem>>, vector<1x16xf32>,
        %get3A_743 = vector.shape_cast %get3A_742 : vector<1x16xf32> to vector<16xf32>
        %min3A_744 = arith.minimumf %min3A_733, %get3A_743 : vector<16xf32>
        %max3A_745 = arith.maximumf %max3A_734, %get3A_743 : vector<16xf32>
        %add3A_746 = arith.addf %add3A_735, %get3A_743 : vector<16xf32>
        %mul3A_747 = arith.mulf %get3A_743, %get3A_743 : vector<16xf32>
        %add3A_748 = arith.addf %add3A_737, %mul3A_747 : vector<16xf32>
        %add3A_749 = arith.constant 13 : i32
        %add3A_750 = arith.addi %add3A_354, %add3A_749 : i32
        %get3A_751 = arith.index_cast %add3A_750 : i32 to index
        %get3A_752 = arith.constant 16 : index
        %get3A_753 = tpu.vector_load %arg9[%get3A_751, %get3A_752] {strides = array<i32>} : memref<1280x64xf32, #tpu.memory_space<vmem>>, vector<1x16xf32>,
        %get3A_754 = vector.shape_cast %get3A_753 : vector<1x16xf32> to vector<16xf32>
        %min3A_755 = arith.minimumf %min3A_744, %get3A_754 : vector<16xf32>
        %max3A_756 = arith.maximumf %max3A_745, %get3A_754 : vector<16xf32>
        %add3A_757 = arith.addf %add3A_746, %get3A_754 : vector<16xf32>
        %mul3A_758 = arith.mulf %get3A_754, %get3A_754 : vector<16xf32>
        %add3A_759 = arith.addf %add3A_748, %mul3A_758 : vector<16xf32>
        %add3A_760 = arith.constant 14 : i32
        %add3A_761 = arith.addi %add3A_354, %add3A_760 : i32
        %get3A_762 = arith.index_cast %add3A_761 : i32 to index
        %get3A_763 = arith.constant 16 : index
        %get3A_764 = tpu.vector_load %arg9[%get3A_762, %get3A_763] {strides = array<i32>} : memref<1280x64xf32, #tpu.memory_space<vmem>>, vector<1x16xf32>,
        %get3A_765 = vector.shape_cast %get3A_764 : vector<1x16xf32> to vector<16xf32>
        %min3A_766 = arith.minimumf %min3A_755, %get3A_765 : vector<16xf32>
        %max3A_767 = arith.maximumf %max3A_756, %get3A_765 : vector<16xf32>
        %add3A_768 = arith.addf %add3A_757, %get3A_765 : vector<16xf32>
        %mul3A_769 = arith.mulf %get3A_765, %get3A_765 : vector<16xf32>
        %add3A_770 = arith.addf %add3A_759, %mul3A_769 : vector<16xf32>
        %add3A_771 = arith.constant 15 : i32
        %add3A_772 = arith.addi %add3A_354, %add3A_771 : i32
        %get3A_773 = arith.index_cast %add3A_772 : i32 to index
        %get3A_774 = arith.constant 16 : index
        %get3A_775 = tpu.vector_load %arg9[%get3A_773, %get3A_774] {strides = array<i32>} : memref<1280x64xf32, #tpu.memory_space<vmem>>, vector<1x16xf32>,
        %get3A_776 = vector.shape_cast %get3A_775 : vector<1x16xf32> to vector<16xf32>
        %min3A_777 = arith.minimumf %min3A_766, %get3A_776 : vector<16xf32>
        %max3A_778 = arith.maximumf %max3A_767, %get3A_776 : vector<16xf32>
        %add3A_779 = arith.addf %add3A_768, %get3A_776 : vector<16xf32>
        %mul3A_780 = arith.mulf %get3A_776, %get3A_776 : vector<16xf32>
        %add3A_781 = arith.addf %add3A_770, %mul3A_780 : vector<16xf32>
        %add3A_782 = arith.constant 16 : i32
        %add3A_783 = arith.addi %add3A_354, %add3A_782 : i32
        %get3A_784 = arith.index_cast %add3A_783 : i32 to index
        %get3A_785 = arith.constant 16 : index
        %get3A_786 = tpu.vector_load %arg9[%get3A_784, %get3A_785] {strides = array<i32>} : memref<1280x64xf32, #tpu.memory_space<vmem>>, vector<1x16xf32>,
        %get3A_787 = vector.shape_cast %get3A_786 : vector<1x16xf32> to vector<16xf32>
        %min3A_788 = arith.minimumf %min3A_777, %get3A_787 : vector<16xf32>
        %max3A_789 = arith.maximumf %max3A_778, %get3A_787 : vector<16xf32>
        %add3A_790 = arith.addf %add3A_779, %get3A_787 : vector<16xf32>
        %mul3A_791 = arith.mulf %get3A_787, %get3A_787 : vector<16xf32>
        %add3A_792 = arith.addf %add3A_781, %mul3A_791 : vector<16xf32>
        %add3A_793 = arith.constant 17 : i32
        %add3A_794 = arith.addi %add3A_354, %add3A_793 : i32
        %get3A_795 = arith.index_cast %add3A_794 : i32 to index
        %get3A_796 = arith.constant 16 : index
        %get3A_797 = tpu.vector_load %arg9[%get3A_795, %get3A_796] {strides = array<i32>} : memref<1280x64xf32, #tpu.memory_space<vmem>>, vector<1x16xf32>,
        %get3A_798 = vector.shape_cast %get3A_797 : vector<1x16xf32> to vector<16xf32>
        %min3A_799 = arith.minimumf %min3A_788, %get3A_798 : vector<16xf32>
        %max3A_800 = arith.maximumf %max3A_789, %get3A_798 : vector<16xf32>
        %add3A_801 = arith.addf %add3A_790, %get3A_798 : vector<16xf32>
        %mul3A_802 = arith.mulf %get3A_798, %get3A_798 : vector<16xf32>
        %add3A_803 = arith.addf %add3A_792, %mul3A_802 : vector<16xf32>
        %add3A_804 = arith.constant 18 : i32
        %add3A_805 = arith.addi %add3A_354, %add3A_804 : i32
        %get3A_806 = arith.index_cast %add3A_805 : i32 to index
        %get3A_807 = arith.constant 16 : index
        %get3A_808 = tpu.vector_load %arg9[%get3A_806, %get3A_807] {strides = array<i32>} : memref<1280x64xf32, #tpu.memory_space<vmem>>, vector<1x16xf32>,
        %get3A_809 = vector.shape_cast %get3A_808 : vector<1x16xf32> to vector<16xf32>
        %min3A_810 = arith.minimumf %min3A_799, %get3A_809 : vector<16xf32>
        %max3A_811 = arith.maximumf %max3A_800, %get3A_809 : vector<16xf32>
        %add3A_812 = arith.addf %add3A_801, %get3A_809 : vector<16xf32>
        %mul3A_813 = arith.mulf %get3A_809, %get3A_809 : vector<16xf32>
        %add3A_814 = arith.addf %add3A_803, %mul3A_813 : vector<16xf32>
        %add3A_815 = arith.constant 19 : i32
        %add3A_816 = arith.addi %add3A_354, %add3A_815 : i32
        %get3A_817 = arith.index_cast %add3A_816 : i32 to index
        %get3A_818 = arith.constant 16 : index
        %get3A_819 = tpu.vector_load %arg9[%get3A_817, %get3A_818] {strides = array<i32>} : memref<1280x64xf32, #tpu.memory_space<vmem>>, vector<1x16xf32>,
        %get3A_820 = vector.shape_cast %get3A_819 : vector<1x16xf32> to vector<16xf32>
        %min3A_821 = arith.minimumf %min3A_810, %get3A_820 : vector<16xf32>
        %max3A_822 = arith.maximumf %max3A_811, %get3A_820 : vector<16xf32>
        %add3A_823 = arith.addf %add3A_812, %get3A_820 : vector<16xf32>
        %mul3A_824 = arith.mulf %get3A_820, %get3A_820 : vector<16xf32>
        %add3A_825 = arith.addf %add3A_814, %mul3A_824 : vector<16xf32>
        %swap3A_826 = arith.index_cast %add3A_357 : i32 to index
        %swap3A_827 = arith.constant 16 : index
        %swap3A_828 = tpu.vector_load %arg11[%swap3A_826, %swap3A_827] {strides = array<i32>} : memref<64x64xf32, #tpu.memory_space<vmem>>, vector<1x16xf32>,
        %swap3A_829 = vector.shape_cast %swap3A_828 : vector<1x16xf32> to vector<16xf32>
        %swap3A_830 = vector.shape_cast %min3A_821 : vector<16xf32> to vector<1x16xf32>
        tpu.vector_store %arg11[%swap3A_826, %swap3A_827], %swap3A_830 {strides = array<i32>} : memref<64x64xf32, #tpu.memory_space<vmem>>, vector<1x16xf32>,
        %swap3A_831 = arith.index_cast %add3A_357 : i32 to index
        %swap3A_832 = arith.constant 16 : index
        %swap3A_833 = tpu.vector_load %arg12[%swap3A_831, %swap3A_832] {strides = array<i32>} : memref<64x64xf32, #tpu.memory_space<vmem>>, vector<1x16xf32>,
        %swap3A_834 = vector.shape_cast %swap3A_833 : vector<1x16xf32> to vector<16xf32>
        %swap3A_835 = vector.shape_cast %max3A_822 : vector<16xf32> to vector<1x16xf32>
        tpu.vector_store %arg12[%swap3A_831, %swap3A_832], %swap3A_835 {strides = array<i32>} : memref<64x64xf32, #tpu.memory_space<vmem>>, vector<1x16xf32>,
        %get3A_836 = arith.index_cast %add3A_357 : i32 to index
        %get3A_837 = arith.constant 16 : index
        %get3A_838 = tpu.vector_load %arg10[%get3A_836, %get3A_837] {strides = array<i32>} : memref<64x64xf32, #tpu.memory_space<vmem>>, vector<1x16xf32>,
        %get3A_839 = vector.shape_cast %get3A_838 : vector<1x16xf32> to vector<16xf32>
        %get3A_840 = arith.constant 16 : index
        %get3A_841 = tpu.vector_load %arg13[%get3A_840] {strides = array<i32>} : memref<128xf32, #tpu.memory_space<vmem>>, vector<16xf32>,
        %get3A_842 = vector.shape_cast %get3A_841 : vector<16xf32> to vector<16xf32>
        %mul3A_843 = arith.constant 2.000000e+01 : f32
        %mul3A_844 = vector.broadcast %mul3A_843 : f32 to vector<16xf32>
        %mul3A_845 = arith.mulf %mul3A_844, %get3A_839 : vector<16xf32>
        %sub3A_846 = arith.subf %mul3A_845, %add3A_823 : vector<16xf32>
        %add3A_847 = arith.addf %get3A_842, %sub3A_846 : vector<16xf32>
        %swap3A_848 = arith.constant 16 : index
        %swap3A_849 = tpu.vector_load %arg13[%swap3A_848] {strides = array<i32>} : memref<128xf32, #tpu.memory_space<vmem>>, vector<16xf32>,
        %swap3A_850 = vector.shape_cast %swap3A_849 : vector<16xf32> to vector<16xf32>
        %swap3A_851 = vector.shape_cast %add3A_847 : vector<16xf32> to vector<16xf32>
        tpu.vector_store %arg13[%swap3A_848], %swap3A_851 {strides = array<i32>} : memref<128xf32, #tpu.memory_space<vmem>>, vector<16xf32>,
        %get3A_852 = arith.constant 80 : index
        %get3A_853 = tpu.vector_load %arg13[%get3A_852] {strides = array<i32>} : memref<128xf32, #tpu.memory_space<vmem>>, vector<16xf32>,
        %get3A_854 = vector.shape_cast %get3A_853 : vector<16xf32> to vector<16xf32>
        %mul3A_855 = arith.constant 2.000000e+01 : f32
        %mul3A_856 = vector.broadcast %mul3A_855 : f32 to vector<16xf32>
        %mul3A_857 = arith.mulf %mul3A_856, %get3A_839 : vector<16xf32>
        %mul3A_858 = arith.mulf %mul3A_857, %get3A_839 : vector<16xf32>
        %mul3A_859 = arith.constant 2.000000e+00 : f32
        %mul3A_860 = vector.broadcast %mul3A_859 : f32 to vector<16xf32>
        %mul3A_861 = arith.mulf %mul3A_860, %get3A_839 : vector<16xf32>
        %mul3A_862 = arith.mulf %mul3A_861, %add3A_823 : vector<16xf32>
        %sub3A_863 = arith.subf %mul3A_858, %mul3A_862 : vector<16xf32>
        %add3A_864 = arith.addf %sub3A_863, %add3A_825 : vector<16xf32>
        %add3A_865 = arith.addf %get3A_854, %add3A_864 : vector<16xf32>
        %swap3A_866 = arith.constant 80 : index
        %swap3A_867 = tpu.vector_load %arg13[%swap3A_866] {strides = array<i32>} : memref<128xf32, #tpu.memory_space<vmem>>, vector<16xf32>,
        %swap3A_868 = vector.shape_cast %swap3A_867 : vector<16xf32> to vector<16xf32>
        %swap3A_869 = vector.shape_cast %add3A_865 : vector<16xf32> to vector<16xf32>
        tpu.vector_store %arg13[%swap3A_866], %swap3A_869 {strides = array<i32>} : memref<128xf32, #tpu.memory_space<vmem>>, vector<16xf32>,
        %get3A_870 = arith.index_cast %add3A_354 : i32 to index
        %get3A_871 = arith.constant 32 : index
        %get3A_872 = tpu.vector_load %arg9[%get3A_870, %get3A_871] {strides = array<i32>} : memref<1280x64xf32, #tpu.memory_space<vmem>>, vector<1x16xf32>,
        %get3A_873 = vector.shape_cast %get3A_872 : vector<1x16xf32> to vector<16xf32>
        %mul3A_874 = arith.mulf %get3A_873, %get3A_873 : vector<16xf32>
        %add3A_875 = arith.constant 1 : i32
        %add3A_876 = arith.addi %add3A_354, %add3A_875 : i32
        %get3A_877 = arith.index_cast %add3A_876 : i32 to index
        %get3A_878 = arith.constant 32 : index
        %get3A_879 = tpu.vector_load %arg9[%get3A_877, %get3A_878] {strides = array<i32>} : memref<1280x64xf32, #tpu.memory_space<vmem>>, vector<1x16xf32>,
        %get3A_880 = vector.shape_cast %get3A_879 : vector<1x16xf32> to vector<16xf32>
        %min3A_881 = arith.minimumf %get3A_873, %get3A_880 : vector<16xf32>
        %max3A_882 = arith.maximumf %get3A_873, %get3A_880 : vector<16xf32>
        %add3A_883 = arith.addf %get3A_873, %get3A_880 : vector<16xf32>
        %mul3A_884 = arith.mulf %get3A_880, %get3A_880 : vector<16xf32>
        %add3A_885 = arith.addf %mul3A_874, %mul3A_884 : vector<16xf32>
        %add3A_886 = arith.constant 2 : i32
        %add3A_887 = arith.addi %add3A_354, %add3A_886 : i32
        %get3A_888 = arith.index_cast %add3A_887 : i32 to index
        %get3A_889 = arith.constant 32 : index
        %get3A_890 = tpu.vector_load %arg9[%get3A_888, %get3A_889] {strides = array<i32>} : memref<1280x64xf32, #tpu.memory_space<vmem>>, vector<1x16xf32>,
        %get3A_891 = vector.shape_cast %get3A_890 : vector<1x16xf32> to vector<16xf32>
        %min3A_892 = arith.minimumf %min3A_881, %get3A_891 : vector<16xf32>
        %max3A_893 = arith.maximumf %max3A_882, %get3A_891 : vector<16xf32>
        %add3A_894 = arith.addf %add3A_883, %get3A_891 : vector<16xf32>
        %mul3A_895 = arith.mulf %get3A_891, %get3A_891 : vector<16xf32>
        %add3A_896 = arith.addf %add3A_885, %mul3A_895 : vector<16xf32>
        %add3A_897 = arith.constant 3 : i32
        %add3A_898 = arith.addi %add3A_354, %add3A_897 : i32
        %get3A_899 = arith.index_cast %add3A_898 : i32 to index
        %get3A_900 = arith.constant 32 : index
        %get3A_901 = tpu.vector_load %arg9[%get3A_899, %get3A_900] {strides = array<i32>} : memref<1280x64xf32, #tpu.memory_space<vmem>>, vector<1x16xf32>,
        %get3A_902 = vector.shape_cast %get3A_901 : vector<1x16xf32> to vector<16xf32>
        %min3A_903 = arith.minimumf %min3A_892, %get3A_902 : vector<16xf32>
        %max3A_904 = arith.maximumf %max3A_893, %get3A_902 : vector<16xf32>
        %add3A_905 = arith.addf %add3A_894, %get3A_902 : vector<16xf32>
        %mul3A_906 = arith.mulf %get3A_902, %get3A_902 : vector<16xf32>
        %add3A_907 = arith.addf %add3A_896, %mul3A_906 : vector<16xf32>
        %add3A_908 = arith.constant 4 : i32
        %add3A_909 = arith.addi %add3A_354, %add3A_908 : i32
        %get3A_910 = arith.index_cast %add3A_909 : i32 to index
        %get3A_911 = arith.constant 32 : index
        %get3A_912 = tpu.vector_load %arg9[%get3A_910, %get3A_911] {strides = array<i32>} : memref<1280x64xf32, #tpu.memory_space<vmem>>, vector<1x16xf32>,
        %get3A_913 = vector.shape_cast %get3A_912 : vector<1x16xf32> to vector<16xf32>
        %min3A_914 = arith.minimumf %min3A_903, %get3A_913 : vector<16xf32>
        %max3A_915 = arith.maximumf %max3A_904, %get3A_913 : vector<16xf32>
        %add3A_916 = arith.addf %add3A_905, %get3A_913 : vector<16xf32>
        %mul3A_917 = arith.mulf %get3A_913, %get3A_913 : vector<16xf32>
        %add3A_918 = arith.addf %add3A_907, %mul3A_917 : vector<16xf32>
        %add3A_919 = arith.constant 5 : i32
        %add3A_920 = arith.addi %add3A_354, %add3A_919 : i32
        %get3A_921 = arith.index_cast %add3A_920 : i32 to index
        %get3A_922 = arith.constant 32 : index
        %get3A_923 = tpu.vector_load %arg9[%get3A_921, %get3A_922] {strides = array<i32>} : memref<1280x64xf32, #tpu.memory_space<vmem>>, vector<1x16xf32>,
        %get3A_924 = vector.shape_cast %get3A_923 : vector<1x16xf32> to vector<16xf32>
        %min3A_925 = arith.minimumf %min3A_914, %get3A_924 : vector<16xf32>
        %max3A_926 = arith.maximumf %max3A_915, %get3A_924 : vector<16xf32>
        %add3A_927 = arith.addf %add3A_916, %get3A_924 : vector<16xf32>
        %mul3A_928 = arith.mulf %get3A_924, %get3A_924 : vector<16xf32>
        %add3A_929 = arith.addf %add3A_918, %mul3A_928 : vector<16xf32>
        %add3A_930 = arith.constant 6 : i32
        %add3A_931 = arith.addi %add3A_354, %add3A_930 : i32
        %get3A_932 = arith.index_cast %add3A_931 : i32 to index
        %get3A_933 = arith.constant 32 : index
        %get3A_934 = tpu.vector_load %arg9[%get3A_932, %get3A_933] {strides = array<i32>} : memref<1280x64xf32, #tpu.memory_space<vmem>>, vector<1x16xf32>,
        %get3A_935 = vector.shape_cast %get3A_934 : vector<1x16xf32> to vector<16xf32>
        %min3A_936 = arith.minimumf %min3A_925, %get3A_935 : vector<16xf32>
        %max3A_937 = arith.maximumf %max3A_926, %get3A_935 : vector<16xf32>
        %add3A_938 = arith.addf %add3A_927, %get3A_935 : vector<16xf32>
        %mul3A_939 = arith.mulf %get3A_935, %get3A_935 : vector<16xf32>
        %add3A_940 = arith.addf %add3A_929, %mul3A_939 : vector<16xf32>
        %add3A_941 = arith.constant 7 : i32
        %add3A_942 = arith.addi %add3A_354, %add3A_941 : i32
        %get3A_943 = arith.index_cast %add3A_942 : i32 to index
        %get3A_944 = arith.constant 32 : index
        %get3A_945 = tpu.vector_load %arg9[%get3A_943, %get3A_944] {strides = array<i32>} : memref<1280x64xf32, #tpu.memory_space<vmem>>, vector<1x16xf32>,
        %get3A_946 = vector.shape_cast %get3A_945 : vector<1x16xf32> to vector<16xf32>
        %min3A_947 = arith.minimumf %min3A_936, %get3A_946 : vector<16xf32>
        %max3A_948 = arith.maximumf %max3A_937, %get3A_946 : vector<16xf32>
        %add3A_949 = arith.addf %add3A_938, %get3A_946 : vector<16xf32>
        %mul3A_950 = arith.mulf %get3A_946, %get3A_946 : vector<16xf32>
        %add3A_951 = arith.addf %add3A_940, %mul3A_950 : vector<16xf32>
        %add3A_952 = arith.constant 8 : i32
        %add3A_953 = arith.addi %add3A_354, %add3A_952 : i32
        %get3A_954 = arith.index_cast %add3A_953 : i32 to index
        %get3A_955 = arith.constant 32 : index
        %get3A_956 = tpu.vector_load %arg9[%get3A_954, %get3A_955] {strides = array<i32>} : memref<1280x64xf32, #tpu.memory_space<vmem>>, vector<1x16xf32>,
        %get3A_957 = vector.shape_cast %get3A_956 : vector<1x16xf32> to vector<16xf32>
        %min3A_958 = arith.minimumf %min3A_947, %get3A_957 : vector<16xf32>
        %max3A_959 = arith.maximumf %max3A_948, %get3A_957 : vector<16xf32>
        %add3A_960 = arith.addf %add3A_949, %get3A_957 : vector<16xf32>
        %mul3A_961 = arith.mulf %get3A_957, %get3A_957 : vector<16xf32>
        %add3A_962 = arith.addf %add3A_951, %mul3A_961 : vector<16xf32>
        %add3A_963 = arith.constant 9 : i32
        %add3A_964 = arith.addi %add3A_354, %add3A_963 : i32
        %get3A_965 = arith.index_cast %add3A_964 : i32 to index
        %get3A_966 = arith.constant 32 : index
        %get3A_967 = tpu.vector_load %arg9[%get3A_965, %get3A_966] {strides = array<i32>} : memref<1280x64xf32, #tpu.memory_space<vmem>>, vector<1x16xf32>,
        %get3A_968 = vector.shape_cast %get3A_967 : vector<1x16xf32> to vector<16xf32>
        %min3A_969 = arith.minimumf %min3A_958, %get3A_968 : vector<16xf32>
        %max3A_970 = arith.maximumf %max3A_959, %get3A_968 : vector<16xf32>
        %add3A_971 = arith.addf %add3A_960, %get3A_968 : vector<16xf32>
        %mul3A_972 = arith.mulf %get3A_968, %get3A_968 : vector<16xf32>
        %add3A_973 = arith.addf %add3A_962, %mul3A_972 : vector<16xf32>
        %add3A_974 = arith.constant 10 : i32
        %add3A_975 = arith.addi %add3A_354, %add3A_974 : i32
        %get3A_976 = arith.index_cast %add3A_975 : i32 to index
        %get3A_977 = arith.constant 32 : index
        %get3A_978 = tpu.vector_load %arg9[%get3A_976, %get3A_977] {strides = array<i32>} : memref<1280x64xf32, #tpu.memory_space<vmem>>, vector<1x16xf32>,
        %get3A_979 = vector.shape_cast %get3A_978 : vector<1x16xf32> to vector<16xf32>
        %min3A_980 = arith.minimumf %min3A_969, %get3A_979 : vector<16xf32>
        %max3A_981 = arith.maximumf %max3A_970, %get3A_979 : vector<16xf32>
        %add3A_982 = arith.addf %add3A_971, %get3A_979 : vector<16xf32>
        %mul3A_983 = arith.mulf %get3A_979, %get3A_979 : vector<16xf32>
        %add3A_984 = arith.addf %add3A_973, %mul3A_983 : vector<16xf32>
        %add3A_985 = arith.constant 11 : i32
        %add3A_986 = arith.addi %add3A_354, %add3A_985 : i32
        %get3A_987 = arith.index_cast %add3A_986 : i32 to index
        %get3A_988 = arith.constant 32 : index
        %get3A_989 = tpu.vector_load %arg9[%get3A_987, %get3A_988] {strides = array<i32>} : memref<1280x64xf32, #tpu.memory_space<vmem>>, vector<1x16xf32>,
        %get3A_990 = vector.shape_cast %get3A_989 : vector<1x16xf32> to vector<16xf32>
        %min3A_991 = arith.minimumf %min3A_980, %get3A_990 : vector<16xf32>
        %max3A_992 = arith.maximumf %max3A_981, %get3A_990 : vector<16xf32>
        %add3A_993 = arith.addf %add3A_982, %get3A_990 : vector<16xf32>
        %mul3A_994 = arith.mulf %get3A_990, %get3A_990 : vector<16xf32>
        %add3A_995 = arith.addf %add3A_984, %mul3A_994 : vector<16xf32>
        %add3A_996 = arith.constant 12 : i32
        %add3A_997 = arith.addi %add3A_354, %add3A_996 : i32
        %get3A_998 = arith.index_cast %add3A_997 : i32 to index
        %get3A_999 = arith.constant 32 : index
        %get3A_1000 = tpu.vector_load %arg9[%get3A_998, %get3A_999] {strides = array<i32>} : memref<1280x64xf32, #tpu.memory_space<vmem>>, vector<1x16xf32>,
        %get3A_1001 = vector.shape_cast %get3A_1000 : vector<1x16xf32> to vector<16xf32>
        %min3A_1002 = arith.minimumf %min3A_991, %get3A_1001 : vector<16xf32>
        %max3A_1003 = arith.maximumf %max3A_992, %get3A_1001 : vector<16xf32>
        %add3A_1004 = arith.addf %add3A_993, %get3A_1001 : vector<16xf32>
        %mul3A_1005 = arith.mulf %get3A_1001, %get3A_1001 : vector<16xf32>
        %add3A_1006 = arith.addf %add3A_995, %mul3A_1005 : vector<16xf32>
        %add3A_1007 = arith.constant 13 : i32
        %add3A_1008 = arith.addi %add3A_354, %add3A_1007 : i32
        %get3A_1009 = arith.index_cast %add3A_1008 : i32 to index
        %get3A_1010 = arith.constant 32 : index
        %get3A_1011 = tpu.vector_load %arg9[%get3A_1009, %get3A_1010] {strides = array<i32>} : memref<1280x64xf32, #tpu.memory_space<vmem>>, vector<1x16xf32>,
        %get3A_1012 = vector.shape_cast %get3A_1011 : vector<1x16xf32> to vector<16xf32>
        %min3A_1013 = arith.minimumf %min3A_1002, %get3A_1012 : vector<16xf32>
        %max3A_1014 = arith.maximumf %max3A_1003, %get3A_1012 : vector<16xf32>
        %add3A_1015 = arith.addf %add3A_1004, %get3A_1012 : vector<16xf32>
        %mul3A_1016 = arith.mulf %get3A_1012, %get3A_1012 : vector<16xf32>
        %add3A_1017 = arith.addf %add3A_1006, %mul3A_1016 : vector<16xf32>
        %add3A_1018 = arith.constant 14 : i32
        %add3A_1019 = arith.addi %add3A_354, %add3A_1018 : i32
        %get3A_1020 = arith.index_cast %add3A_1019 : i32 to index
        %get3A_1021 = arith.constant 32 : index
        %get3A_1022 = tpu.vector_load %arg9[%get3A_1020, %get3A_1021] {strides = array<i32>} : memref<1280x64xf32, #tpu.memory_space<vmem>>, vector<1x16xf32>,
        %get3A_1023 = vector.shape_cast %get3A_1022 : vector<1x16xf32> to vector<16xf32>
        %min3A_1024 = arith.minimumf %min3A_1013, %get3A_1023 : vector<16xf32>
        %max3A_1025 = arith.maximumf %max3A_1014, %get3A_1023 : vector<16xf32>
        %add3A_1026 = arith.addf %add3A_1015, %get3A_1023 : vector<16xf32>
        %mul3A_1027 = arith.mulf %get3A_1023, %get3A_1023 : vector<16xf32>
        %add3A_1028 = arith.addf %add3A_1017, %mul3A_1027 : vector<16xf32>
        %add3A_1029 = arith.constant 15 : i32
        %add3A_1030 = arith.addi %add3A_354, %add3A_1029 : i32
        %get3A_1031 = arith.index_cast %add3A_1030 : i32 to index
        %get3A_1032 = arith.constant 32 : index
        %get3A_1033 = tpu.vector_load %arg9[%get3A_1031, %get3A_1032] {strides = array<i32>} : memref<1280x64xf32, #tpu.memory_space<vmem>>, vector<1x16xf32>,
        %get3A_1034 = vector.shape_cast %get3A_1033 : vector<1x16xf32> to vector<16xf32>
        %min3A_1035 = arith.minimumf %min3A_1024, %get3A_1034 : vector<16xf32>
        %max3A_1036 = arith.maximumf %max3A_1025, %get3A_1034 : vector<16xf32>
        %add3A_1037 = arith.addf %add3A_1026, %get3A_1034 : vector<16xf32>
        %mul3A_1038 = arith.mulf %get3A_1034, %get3A_1034 : vector<16xf32>
        %add3A_1039 = arith.addf %add3A_1028, %mul3A_1038 : vector<16xf32>
        %add3A_1040 = arith.constant 16 : i32
        %add3A_1041 = arith.addi %add3A_354, %add3A_1040 : i32
        %get3A_1042 = arith.index_cast %add3A_1041 : i32 to index
        %get3A_1043 = arith.constant 32 : index
        %get3A_1044 = tpu.vector_load %arg9[%get3A_1042, %get3A_1043] {strides = array<i32>} : memref<1280x64xf32, #tpu.memory_space<vmem>>, vector<1x16xf32>,
        %get3A_1045 = vector.shape_cast %get3A_1044 : vector<1x16xf32> to vector<16xf32>
        %min3A_1046 = arith.minimumf %min3A_1035, %get3A_1045 : vector<16xf32>
        %max3A_1047 = arith.maximumf %max3A_1036, %get3A_1045 : vector<16xf32>
        %add3A_1048 = arith.addf %add3A_1037, %get3A_1045 : vector<16xf32>
        %mul3A_1049 = arith.mulf %get3A_1045, %get3A_1045 : vector<16xf32>
        %add3A_1050 = arith.addf %add3A_1039, %mul3A_1049 : vector<16xf32>
        %add3A_1051 = arith.constant 17 : i32
        %add3A_1052 = arith.addi %add3A_354, %add3A_1051 : i32
        %get3A_1053 = arith.index_cast %add3A_1052 : i32 to index
        %get3A_1054 = arith.constant 32 : index
        %get3A_1055 = tpu.vector_load %arg9[%get3A_1053, %get3A_1054] {strides = array<i32>} : memref<1280x64xf32, #tpu.memory_space<vmem>>, vector<1x16xf32>,
        %get3A_1056 = vector.shape_cast %get3A_1055 : vector<1x16xf32> to vector<16xf32>
        %min3A_1057 = arith.minimumf %min3A_1046, %get3A_1056 : vector<16xf32>
        %max3A_1058 = arith.maximumf %max3A_1047, %get3A_1056 : vector<16xf32>
        %add3A_1059 = arith.addf %add3A_1048, %get3A_1056 : vector<16xf32>
        %mul3A_1060 = arith.mulf %get3A_1056, %get3A_1056 : vector<16xf32>
        %add3A_1061 = arith.addf %add3A_1050, %mul3A_1060 : vector<16xf32>
        %add3A_1062 = arith.constant 18 : i32
        %add3A_1063 = arith.addi %add3A_354, %add3A_1062 : i32
        %get3A_1064 = arith.index_cast %add3A_1063 : i32 to index
        %get3A_1065 = arith.constant 32 : index
        %get3A_1066 = tpu.vector_load %arg9[%get3A_1064, %get3A_1065] {strides = array<i32>} : memref<1280x64xf32, #tpu.memory_space<vmem>>, vector<1x16xf32>,
        %get3A_1067 = vector.shape_cast %get3A_1066 : vector<1x16xf32> to vector<16xf32>
        %min3A_1068 = arith.minimumf %min3A_1057, %get3A_1067 : vector<16xf32>
        %max3A_1069 = arith.maximumf %max3A_1058, %get3A_1067 : vector<16xf32>
        %add3A_1070 = arith.addf %add3A_1059, %get3A_1067 : vector<16xf32>
        %mul3A_1071 = arith.mulf %get3A_1067, %get3A_1067 : vector<16xf32>
        %add3A_1072 = arith.addf %add3A_1061, %mul3A_1071 : vector<16xf32>
        %add3A_1073 = arith.constant 19 : i32
        %add3A_1074 = arith.addi %add3A_354, %add3A_1073 : i32
        %get3A_1075 = arith.index_cast %add3A_1074 : i32 to index
        %get3A_1076 = arith.constant 32 : index
        %get3A_1077 = tpu.vector_load %arg9[%get3A_1075, %get3A_1076] {strides = array<i32>} : memref<1280x64xf32, #tpu.memory_space<vmem>>, vector<1x16xf32>,
        %get3A_1078 = vector.shape_cast %get3A_1077 : vector<1x16xf32> to vector<16xf32>
        %min3A_1079 = arith.minimumf %min3A_1068, %get3A_1078 : vector<16xf32>
        %max3A_1080 = arith.maximumf %max3A_1069, %get3A_1078 : vector<16xf32>
        %add3A_1081 = arith.addf %add3A_1070, %get3A_1078 : vector<16xf32>
        %mul3A_1082 = arith.mulf %get3A_1078, %get3A_1078 : vector<16xf32>
        %add3A_1083 = arith.addf %add3A_1072, %mul3A_1082 : vector<16xf32>
        %swap3A_1084 = arith.index_cast %add3A_357 : i32 to index
        %swap3A_1085 = arith.constant 32 : index
        %swap3A_1086 = tpu.vector_load %arg11[%swap3A_1084, %swap3A_1085] {strides = array<i32>} : memref<64x64xf32, #tpu.memory_space<vmem>>, vector<1x16xf32>,
        %swap3A_1087 = vector.shape_cast %swap3A_1086 : vector<1x16xf32> to vector<16xf32>
        %swap3A_1088 = vector.shape_cast %min3A_1079 : vector<16xf32> to vector<1x16xf32>
        tpu.vector_store %arg11[%swap3A_1084, %swap3A_1085], %swap3A_1088 {strides = array<i32>} : memref<64x64xf32, #tpu.memory_space<vmem>>, vector<1x16xf32>,
        %swap3A_1089 = arith.index_cast %add3A_357 : i32 to index
        %swap3A_1090 = arith.constant 32 : index
        %swap3A_1091 = tpu.vector_load %arg12[%swap3A_1089, %swap3A_1090] {strides = array<i32>} : memref<64x64xf32, #tpu.memory_space<vmem>>, vector<1x16xf32>,
        %swap3A_1092 = vector.shape_cast %swap3A_1091 : vector<1x16xf32> to vector<16xf32>
        %swap3A_1093 = vector.shape_cast %max3A_1080 : vector<16xf32> to vector<1x16xf32>
        tpu.vector_store %arg12[%swap3A_1089, %swap3A_1090], %swap3A_1093 {strides = array<i32>} : memref<64x64xf32, #tpu.memory_space<vmem>>, vector<1x16xf32>,
        %get3A_1094 = arith.index_cast %add3A_357 : i32 to index
        %get3A_1095 = arith.constant 32 : index
        %get3A_1096 = tpu.vector_load %arg10[%get3A_1094, %get3A_1095] {strides = array<i32>} : memref<64x64xf32, #tpu.memory_space<vmem>>, vector<1x16xf32>,
        %get3A_1097 = vector.shape_cast %get3A_1096 : vector<1x16xf32> to vector<16xf32>
        %get3A_1098 = arith.constant 32 : index
        %get3A_1099 = tpu.vector_load %arg13[%get3A_1098] {strides = array<i32>} : memref<128xf32, #tpu.memory_space<vmem>>, vector<16xf32>,
        %get3A_1100 = vector.shape_cast %get3A_1099 : vector<16xf32> to vector<16xf32>
        %mul3A_1101 = arith.constant 2.000000e+01 : f32
        %mul3A_1102 = vector.broadcast %mul3A_1101 : f32 to vector<16xf32>
        %mul3A_1103 = arith.mulf %mul3A_1102, %get3A_1097 : vector<16xf32>
        %sub3A_1104 = arith.subf %mul3A_1103, %add3A_1081 : vector<16xf32>
        %add3A_1105 = arith.addf %get3A_1100, %sub3A_1104 : vector<16xf32>
        %swap3A_1106 = arith.constant 32 : index
        %swap3A_1107 = tpu.vector_load %arg13[%swap3A_1106] {strides = array<i32>} : memref<128xf32, #tpu.memory_space<vmem>>, vector<16xf32>,
        %swap3A_1108 = vector.shape_cast %swap3A_1107 : vector<16xf32> to vector<16xf32>
        %swap3A_1109 = vector.shape_cast %add3A_1105 : vector<16xf32> to vector<16xf32>
        tpu.vector_store %arg13[%swap3A_1106], %swap3A_1109 {strides = array<i32>} : memref<128xf32, #tpu.memory_space<vmem>>, vector<16xf32>,
        %get3A_1110 = arith.constant 96 : index
        %get3A_1111 = tpu.vector_load %arg13[%get3A_1110] {strides = array<i32>} : memref<128xf32, #tpu.memory_space<vmem>>, vector<16xf32>,
        %get3A_1112 = vector.shape_cast %get3A_1111 : vector<16xf32> to vector<16xf32>
        %mul3A_1113 = arith.constant 2.000000e+01 : f32
        %mul3A_1114 = vector.broadcast %mul3A_1113 : f32 to vector<16xf32>
        %mul3A_1115 = arith.mulf %mul3A_1114, %get3A_1097 : vector<16xf32>
        %mul3A_1116 = arith.mulf %mul3A_1115, %get3A_1097 : vector<16xf32>
        %mul3A_1117 = arith.constant 2.000000e+00 : f32
        %mul3A_1118 = vector.broadcast %mul3A_1117 : f32 to vector<16xf32>
        %mul3A_1119 = arith.mulf %mul3A_1118, %get3A_1097 : vector<16xf32>
        %mul3A_1120 = arith.mulf %mul3A_1119, %add3A_1081 : vector<16xf32>
        %sub3A_1121 = arith.subf %mul3A_1116, %mul3A_1120 : vector<16xf32>
        %add3A_1122 = arith.addf %sub3A_1121, %add3A_1083 : vector<16xf32>
        %add3A_1123 = arith.addf %get3A_1112, %add3A_1122 : vector<16xf32>
        %swap3A_1124 = arith.constant 96 : index
        %swap3A_1125 = tpu.vector_load %arg13[%swap3A_1124] {strides = array<i32>} : memref<128xf32, #tpu.memory_space<vmem>>, vector<16xf32>,
        %swap3A_1126 = vector.shape_cast %swap3A_1125 : vector<16xf32> to vector<16xf32>
        %swap3A_1127 = vector.shape_cast %add3A_1123 : vector<16xf32> to vector<16xf32>
        tpu.vector_store %arg13[%swap3A_1124], %swap3A_1127 {strides = array<i32>} : memref<128xf32, #tpu.memory_space<vmem>>, vector<16xf32>,
        %get3A_1128 = arith.index_cast %add3A_354 : i32 to index
        %get3A_1129 = arith.constant 48 : index
        %get3A_1130 = tpu.vector_load %arg9[%get3A_1128, %get3A_1129] {strides = array<i32>} : memref<1280x64xf32, #tpu.memory_space<vmem>>, vector<1x16xf32>,
        %get3A_1131 = vector.shape_cast %get3A_1130 : vector<1x16xf32> to vector<16xf32>
        %mul3A_1132 = arith.mulf %get3A_1131, %get3A_1131 : vector<16xf32>
        %add3A_1133 = arith.constant 1 : i32
        %add3A_1134 = arith.addi %add3A_354, %add3A_1133 : i32
        %get3A_1135 = arith.index_cast %add3A_1134 : i32 to index
        %get3A_1136 = arith.constant 48 : index
        %get3A_1137 = tpu.vector_load %arg9[%get3A_1135, %get3A_1136] {strides = array<i32>} : memref<1280x64xf32, #tpu.memory_space<vmem>>, vector<1x16xf32>,
        %get3A_1138 = vector.shape_cast %get3A_1137 : vector<1x16xf32> to vector<16xf32>
        %min3A_1139 = arith.minimumf %get3A_1131, %get3A_1138 : vector<16xf32>
        %max3A_1140 = arith.maximumf %get3A_1131, %get3A_1138 : vector<16xf32>
        %add3A_1141 = arith.addf %get3A_1131, %get3A_1138 : vector<16xf32>
        %mul3A_1142 = arith.mulf %get3A_1138, %get3A_1138 : vector<16xf32>
        %add3A_1143 = arith.addf %mul3A_1132, %mul3A_1142 : vector<16xf32>
        %add3A_1144 = arith.constant 2 : i32
        %add3A_1145 = arith.addi %add3A_354, %add3A_1144 : i32
        %get3A_1146 = arith.index_cast %add3A_1145 : i32 to index
        %get3A_1147 = arith.constant 48 : index
        %get3A_1148 = tpu.vector_load %arg9[%get3A_1146, %get3A_1147] {strides = array<i32>} : memref<1280x64xf32, #tpu.memory_space<vmem>>, vector<1x16xf32>,
        %get3A_1149 = vector.shape_cast %get3A_1148 : vector<1x16xf32> to vector<16xf32>
        %min3A_1150 = arith.minimumf %min3A_1139, %get3A_1149 : vector<16xf32>
        %max3A_1151 = arith.maximumf %max3A_1140, %get3A_1149 : vector<16xf32>
        %add3A_1152 = arith.addf %add3A_1141, %get3A_1149 : vector<16xf32>
        %mul3A_1153 = arith.mulf %get3A_1149, %get3A_1149 : vector<16xf32>
        %add3A_1154 = arith.addf %add3A_1143, %mul3A_1153 : vector<16xf32>
        %add3A_1155 = arith.constant 3 : i32
        %add3A_1156 = arith.addi %add3A_354, %add3A_1155 : i32
        %get3A_1157 = arith.index_cast %add3A_1156 : i32 to index
        %get3A_1158 = arith.constant 48 : index
        %get3A_1159 = tpu.vector_load %arg9[%get3A_1157, %get3A_1158] {strides = array<i32>} : memref<1280x64xf32, #tpu.memory_space<vmem>>, vector<1x16xf32>,
        %get3A_1160 = vector.shape_cast %get3A_1159 : vector<1x16xf32> to vector<16xf32>
        %min3A_1161 = arith.minimumf %min3A_1150, %get3A_1160 : vector<16xf32>
        %max3A_1162 = arith.maximumf %max3A_1151, %get3A_1160 : vector<16xf32>
        %add3A_1163 = arith.addf %add3A_1152, %get3A_1160 : vector<16xf32>
        %mul3A_1164 = arith.mulf %get3A_1160, %get3A_1160 : vector<16xf32>
        %add3A_1165 = arith.addf %add3A_1154, %mul3A_1164 : vector<16xf32>
        %add3A_1166 = arith.constant 4 : i32
        %add3A_1167 = arith.addi %add3A_354, %add3A_1166 : i32
        %get3A_1168 = arith.index_cast %add3A_1167 : i32 to index
        %get3A_1169 = arith.constant 48 : index
        %get3A_1170 = tpu.vector_load %arg9[%get3A_1168, %get3A_1169] {strides = array<i32>} : memref<1280x64xf32, #tpu.memory_space<vmem>>, vector<1x16xf32>,
        %get3A_1171 = vector.shape_cast %get3A_1170 : vector<1x16xf32> to vector<16xf32>
        %min3A_1172 = arith.minimumf %min3A_1161, %get3A_1171 : vector<16xf32>
        %max3A_1173 = arith.maximumf %max3A_1162, %get3A_1171 : vector<16xf32>
        %add3A_1174 = arith.addf %add3A_1163, %get3A_1171 : vector<16xf32>
        %mul3A_1175 = arith.mulf %get3A_1171, %get3A_1171 : vector<16xf32>
        %add3A_1176 = arith.addf %add3A_1165, %mul3A_1175 : vector<16xf32>
        %add3A_1177 = arith.constant 5 : i32
        %add3A_1178 = arith.addi %add3A_354, %add3A_1177 : i32
        %get3A_1179 = arith.index_cast %add3A_1178 : i32 to index
        %get3A_1180 = arith.constant 48 : index
        %get3A_1181 = tpu.vector_load %arg9[%get3A_1179, %get3A_1180] {strides = array<i32>} : memref<1280x64xf32, #tpu.memory_space<vmem>>, vector<1x16xf32>,
        %get3A_1182 = vector.shape_cast %get3A_1181 : vector<1x16xf32> to vector<16xf32>
        %min3A_1183 = arith.minimumf %min3A_1172, %get3A_1182 : vector<16xf32>
        %max3A_1184 = arith.maximumf %max3A_1173, %get3A_1182 : vector<16xf32>
        %add3A_1185 = arith.addf %add3A_1174, %get3A_1182 : vector<16xf32>
        %mul3A_1186 = arith.mulf %get3A_1182, %get3A_1182 : vector<16xf32>
        %add3A_1187 = arith.addf %add3A_1176, %mul3A_1186 : vector<16xf32>
        %add3A_1188 = arith.constant 6 : i32
        %add3A_1189 = arith.addi %add3A_354, %add3A_1188 : i32
        %get3A_1190 = arith.index_cast %add3A_1189 : i32 to index
        %get3A_1191 = arith.constant 48 : index
        %get3A_1192 = tpu.vector_load %arg9[%get3A_1190, %get3A_1191] {strides = array<i32>} : memref<1280x64xf32, #tpu.memory_space<vmem>>, vector<1x16xf32>,
        %get3A_1193 = vector.shape_cast %get3A_1192 : vector<1x16xf32> to vector<16xf32>
        %min3A_1194 = arith.minimumf %min3A_1183, %get3A_1193 : vector<16xf32>
        %max3A_1195 = arith.maximumf %max3A_1184, %get3A_1193 : vector<16xf32>
        %add3A_1196 = arith.addf %add3A_1185, %get3A_1193 : vector<16xf32>
        %mul3A_1197 = arith.mulf %get3A_1193, %get3A_1193 : vector<16xf32>
        %add3A_1198 = arith.addf %add3A_1187, %mul3A_1197 : vector<16xf32>
        %add3A_1199 = arith.constant 7 : i32
        %add3A_1200 = arith.addi %add3A_354, %add3A_1199 : i32
        %get3A_1201 = arith.index_cast %add3A_1200 : i32 to index
        %get3A_1202 = arith.constant 48 : index
        %get3A_1203 = tpu.vector_load %arg9[%get3A_1201, %get3A_1202] {strides = array<i32>} : memref<1280x64xf32, #tpu.memory_space<vmem>>, vector<1x16xf32>,
        %get3A_1204 = vector.shape_cast %get3A_1203 : vector<1x16xf32> to vector<16xf32>
        %min3A_1205 = arith.minimumf %min3A_1194, %get3A_1204 : vector<16xf32>
        %max3A_1206 = arith.maximumf %max3A_1195, %get3A_1204 : vector<16xf32>
        %add3A_1207 = arith.addf %add3A_1196, %get3A_1204 : vector<16xf32>
        %mul3A_1208 = arith.mulf %get3A_1204, %get3A_1204 : vector<16xf32>
        %add3A_1209 = arith.addf %add3A_1198, %mul3A_1208 : vector<16xf32>
        %add3A_1210 = arith.constant 8 : i32
        %add3A_1211 = arith.addi %add3A_354, %add3A_1210 : i32
        %get3A_1212 = arith.index_cast %add3A_1211 : i32 to index
        %get3A_1213 = arith.constant 48 : index
        %get3A_1214 = tpu.vector_load %arg9[%get3A_1212, %get3A_1213] {strides = array<i32>} : memref<1280x64xf32, #tpu.memory_space<vmem>>, vector<1x16xf32>,
        %get3A_1215 = vector.shape_cast %get3A_1214 : vector<1x16xf32> to vector<16xf32>
        %min3A_1216 = arith.minimumf %min3A_1205, %get3A_1215 : vector<16xf32>
        %max3A_1217 = arith.maximumf %max3A_1206, %get3A_1215 : vector<16xf32>
        %add3A_1218 = arith.addf %add3A_1207, %get3A_1215 : vector<16xf32>
        %mul3A_1219 = arith.mulf %get3A_1215, %get3A_1215 : vector<16xf32>
        %add3A_1220 = arith.addf %add3A_1209, %mul3A_1219 : vector<16xf32>
        %add3A_1221 = arith.constant 9 : i32
        %add3A_1222 = arith.addi %add3A_354, %add3A_1221 : i32
        %get3A_1223 = arith.index_cast %add3A_1222 : i32 to index
        %get3A_1224 = arith.constant 48 : index
        %get3A_1225 = tpu.vector_load %arg9[%get3A_1223, %get3A_1224] {strides = array<i32>} : memref<1280x64xf32, #tpu.memory_space<vmem>>, vector<1x16xf32>,
        %get3A_1226 = vector.shape_cast %get3A_1225 : vector<1x16xf32> to vector<16xf32>
        %min3A_1227 = arith.minimumf %min3A_1216, %get3A_1226 : vector<16xf32>
        %max3A_1228 = arith.maximumf %max3A_1217, %get3A_1226 : vector<16xf32>
        %add3A_1229 = arith.addf %add3A_1218, %get3A_1226 : vector<16xf32>
        %mul3A_1230 = arith.mulf %get3A_1226, %get3A_1226 : vector<16xf32>
        %add3A_1231 = arith.addf %add3A_1220, %mul3A_1230 : vector<16xf32>
        %add3A_1232 = arith.constant 10 : i32
        %add3A_1233 = arith.addi %add3A_354, %add3A_1232 : i32
        %get3A_1234 = arith.index_cast %add3A_1233 : i32 to index
        %get3A_1235 = arith.constant 48 : index
        %get3A_1236 = tpu.vector_load %arg9[%get3A_1234, %get3A_1235] {strides = array<i32>} : memref<1280x64xf32, #tpu.memory_space<vmem>>, vector<1x16xf32>,
        %get3A_1237 = vector.shape_cast %get3A_1236 : vector<1x16xf32> to vector<16xf32>
        %min3A_1238 = arith.minimumf %min3A_1227, %get3A_1237 : vector<16xf32>
        %max3A_1239 = arith.maximumf %max3A_1228, %get3A_1237 : vector<16xf32>
        %add3A_1240 = arith.addf %add3A_1229, %get3A_1237 : vector<16xf32>
        %mul3A_1241 = arith.mulf %get3A_1237, %get3A_1237 : vector<16xf32>
        %add3A_1242 = arith.addf %add3A_1231, %mul3A_1241 : vector<16xf32>
        %add3A_1243 = arith.constant 11 : i32
        %add3A_1244 = arith.addi %add3A_354, %add3A_1243 : i32
        %get3A_1245 = arith.index_cast %add3A_1244 : i32 to index
        %get3A_1246 = arith.constant 48 : index
        %get3A_1247 = tpu.vector_load %arg9[%get3A_1245, %get3A_1246] {strides = array<i32>} : memref<1280x64xf32, #tpu.memory_space<vmem>>, vector<1x16xf32>,
        %get3A_1248 = vector.shape_cast %get3A_1247 : vector<1x16xf32> to vector<16xf32>
        %min3A_1249 = arith.minimumf %min3A_1238, %get3A_1248 : vector<16xf32>
        %max3A_1250 = arith.maximumf %max3A_1239, %get3A_1248 : vector<16xf32>
        %add3A_1251 = arith.addf %add3A_1240, %get3A_1248 : vector<16xf32>
        %mul3A_1252 = arith.mulf %get3A_1248, %get3A_1248 : vector<16xf32>
        %add3A_1253 = arith.addf %add3A_1242, %mul3A_1252 : vector<16xf32>
        %add3A_1254 = arith.constant 12 : i32
        %add3A_1255 = arith.addi %add3A_354, %add3A_1254 : i32
        %get3A_1256 = arith.index_cast %add3A_1255 : i32 to index
        %get3A_1257 = arith.constant 48 : index
        %get3A_1258 = tpu.vector_load %arg9[%get3A_1256, %get3A_1257] {strides = array<i32>} : memref<1280x64xf32, #tpu.memory_space<vmem>>, vector<1x16xf32>,
        %get3A_1259 = vector.shape_cast %get3A_1258 : vector<1x16xf32> to vector<16xf32>
        %min3A_1260 = arith.minimumf %min3A_1249, %get3A_1259 : vector<16xf32>
        %max3A_1261 = arith.maximumf %max3A_1250, %get3A_1259 : vector<16xf32>
        %add3A_1262 = arith.addf %add3A_1251, %get3A_1259 : vector<16xf32>
        %mul3A_1263 = arith.mulf %get3A_1259, %get3A_1259 : vector<16xf32>
        %add3A_1264 = arith.addf %add3A_1253, %mul3A_1263 : vector<16xf32>
        %add3A_1265 = arith.constant 13 : i32
        %add3A_1266 = arith.addi %add3A_354, %add3A_1265 : i32
        %get3A_1267 = arith.index_cast %add3A_1266 : i32 to index
        %get3A_1268 = arith.constant 48 : index
        %get3A_1269 = tpu.vector_load %arg9[%get3A_1267, %get3A_1268] {strides = array<i32>} : memref<1280x64xf32, #tpu.memory_space<vmem>>, vector<1x16xf32>,
        %get3A_1270 = vector.shape_cast %get3A_1269 : vector<1x16xf32> to vector<16xf32>
        %min3A_1271 = arith.minimumf %min3A_1260, %get3A_1270 : vector<16xf32>
        %max3A_1272 = arith.maximumf %max3A_1261, %get3A_1270 : vector<16xf32>
        %add3A_1273 = arith.addf %add3A_1262, %get3A_1270 : vector<16xf32>
        %mul3A_1274 = arith.mulf %get3A_1270, %get3A_1270 : vector<16xf32>
        %add3A_1275 = arith.addf %add3A_1264, %mul3A_1274 : vector<16xf32>
        %add3A_1276 = arith.constant 14 : i32
        %add3A_1277 = arith.addi %add3A_354, %add3A_1276 : i32
        %get3A_1278 = arith.index_cast %add3A_1277 : i32 to index
        %get3A_1279 = arith.constant 48 : index
        %get3A_1280 = tpu.vector_load %arg9[%get3A_1278, %get3A_1279] {strides = array<i32>} : memref<1280x64xf32, #tpu.memory_space<vmem>>, vector<1x16xf32>,
        %get3A_1281 = vector.shape_cast %get3A_1280 : vector<1x16xf32> to vector<16xf32>
        %min3A_1282 = arith.minimumf %min3A_1271, %get3A_1281 : vector<16xf32>
        %max3A_1283 = arith.maximumf %max3A_1272, %get3A_1281 : vector<16xf32>
        %add3A_1284 = arith.addf %add3A_1273, %get3A_1281 : vector<16xf32>
        %mul3A_1285 = arith.mulf %get3A_1281, %get3A_1281 : vector<16xf32>
        %add3A_1286 = arith.addf %add3A_1275, %mul3A_1285 : vector<16xf32>
        %add3A_1287 = arith.constant 15 : i32
        %add3A_1288 = arith.addi %add3A_354, %add3A_1287 : i32
        %get3A_1289 = arith.index_cast %add3A_1288 : i32 to index
        %get3A_1290 = arith.constant 48 : index
        %get3A_1291 = tpu.vector_load %arg9[%get3A_1289, %get3A_1290] {strides = array<i32>} : memref<1280x64xf32, #tpu.memory_space<vmem>>, vector<1x16xf32>,
        %get3A_1292 = vector.shape_cast %get3A_1291 : vector<1x16xf32> to vector<16xf32>
        %min3A_1293 = arith.minimumf %min3A_1282, %get3A_1292 : vector<16xf32>
        %max3A_1294 = arith.maximumf %max3A_1283, %get3A_1292 : vector<16xf32>
        %add3A_1295 = arith.addf %add3A_1284, %get3A_1292 : vector<16xf32>
        %mul3A_1296 = arith.mulf %get3A_1292, %get3A_1292 : vector<16xf32>
        %add3A_1297 = arith.addf %add3A_1286, %mul3A_1296 : vector<16xf32>
        %add3A_1298 = arith.constant 16 : i32
        %add3A_1299 = arith.addi %add3A_354, %add3A_1298 : i32
        %get3A_1300 = arith.index_cast %add3A_1299 : i32 to index
        %get3A_1301 = arith.constant 48 : index
        %get3A_1302 = tpu.vector_load %arg9[%get3A_1300, %get3A_1301] {strides = array<i32>} : memref<1280x64xf32, #tpu.memory_space<vmem>>, vector<1x16xf32>,
        %get3A_1303 = vector.shape_cast %get3A_1302 : vector<1x16xf32> to vector<16xf32>
        %min3A_1304 = arith.minimumf %min3A_1293, %get3A_1303 : vector<16xf32>
        %max3A_1305 = arith.maximumf %max3A_1294, %get3A_1303 : vector<16xf32>
        %add3A_1306 = arith.addf %add3A_1295, %get3A_1303 : vector<16xf32>
        %mul3A_1307 = arith.mulf %get3A_1303, %get3A_1303 : vector<16xf32>
        %add3A_1308 = arith.addf %add3A_1297, %mul3A_1307 : vector<16xf32>
        %add3A_1309 = arith.constant 17 : i32
        %add3A_1310 = arith.addi %add3A_354, %add3A_1309 : i32
        %get3A_1311 = arith.index_cast %add3A_1310 : i32 to index
        %get3A_1312 = arith.constant 48 : index
        %get3A_1313 = tpu.vector_load %arg9[%get3A_1311, %get3A_1312] {strides = array<i32>} : memref<1280x64xf32, #tpu.memory_space<vmem>>, vector<1x16xf32>,
        %get3A_1314 = vector.shape_cast %get3A_1313 : vector<1x16xf32> to vector<16xf32>
        %min3A_1315 = arith.minimumf %min3A_1304, %get3A_1314 : vector<16xf32>
        %max3A_1316 = arith.maximumf %max3A_1305, %get3A_1314 : vector<16xf32>
        %add3A_1317 = arith.addf %add3A_1306, %get3A_1314 : vector<16xf32>
        %mul3A_1318 = arith.mulf %get3A_1314, %get3A_1314 : vector<16xf32>
        %add3A_1319 = arith.addf %add3A_1308, %mul3A_1318 : vector<16xf32>
        %add3A_1320 = arith.constant 18 : i32
        %add3A_1321 = arith.addi %add3A_354, %add3A_1320 : i32
        %get3A_1322 = arith.index_cast %add3A_1321 : i32 to index
        %get3A_1323 = arith.constant 48 : index
        %get3A_1324 = tpu.vector_load %arg9[%get3A_1322, %get3A_1323] {strides = array<i32>} : memref<1280x64xf32, #tpu.memory_space<vmem>>, vector<1x16xf32>,
        %get3A_1325 = vector.shape_cast %get3A_1324 : vector<1x16xf32> to vector<16xf32>
        %min3A_1326 = arith.minimumf %min3A_1315, %get3A_1325 : vector<16xf32>
        %max3A_1327 = arith.maximumf %max3A_1316, %get3A_1325 : vector<16xf32>
        %add3A_1328 = arith.addf %add3A_1317, %get3A_1325 : vector<16xf32>
        %mul3A_1329 = arith.mulf %get3A_1325, %get3A_1325 : vector<16xf32>
        %add3A_1330 = arith.addf %add3A_1319, %mul3A_1329 : vector<16xf32>
        %add3A_1331 = arith.constant 19 : i32
        %add3A_1332 = arith.addi %add3A_354, %add3A_1331 : i32
        %get3A_1333 = arith.index_cast %add3A_1332 : i32 to index
        %get3A_1334 = arith.constant 48 : index
        %get3A_1335 = tpu.vector_load %arg9[%get3A_1333, %get3A_1334] {strides = array<i32>} : memref<1280x64xf32, #tpu.memory_space<vmem>>, vector<1x16xf32>,
        %get3A_1336 = vector.shape_cast %get3A_1335 : vector<1x16xf32> to vector<16xf32>
        %min3A_1337 = arith.minimumf %min3A_1326, %get3A_1336 : vector<16xf32>
        %max3A_1338 = arith.maximumf %max3A_1327, %get3A_1336 : vector<16xf32>
        %add3A_1339 = arith.addf %add3A_1328, %get3A_1336 : vector<16xf32>
        %mul3A_1340 = arith.mulf %get3A_1336, %get3A_1336 : vector<16xf32>
        %add3A_1341 = arith.addf %add3A_1330, %mul3A_1340 : vector<16xf32>
        %swap3A_1342 = arith.index_cast %add3A_357 : i32 to index
        %swap3A_1343 = arith.constant 48 : index
        %swap3A_1344 = tpu.vector_load %arg11[%swap3A_1342, %swap3A_1343] {strides = array<i32>} : memref<64x64xf32, #tpu.memory_space<vmem>>, vector<1x16xf32>,
        %swap3A_1345 = vector.shape_cast %swap3A_1344 : vector<1x16xf32> to vector<16xf32>
        %swap3A_1346 = vector.shape_cast %min3A_1337 : vector<16xf32> to vector<1x16xf32>
        tpu.vector_store %arg11[%swap3A_1342, %swap3A_1343], %swap3A_1346 {strides = array<i32>} : memref<64x64xf32, #tpu.memory_space<vmem>>, vector<1x16xf32>,
        %swap3A_1347 = arith.index_cast %add3A_357 : i32 to index
        %swap3A_1348 = arith.constant 48 : index
        %swap3A_1349 = tpu.vector_load %arg12[%swap3A_1347, %swap3A_1348] {strides = array<i32>} : memref<64x64xf32, #tpu.memory_space<vmem>>, vector<1x16xf32>,
        %swap3A_1350 = vector.shape_cast %swap3A_1349 : vector<1x16xf32> to vector<16xf32>
        %swap3A_1351 = vector.shape_cast %max3A_1338 : vector<16xf32> to vector<1x16xf32>
        tpu.vector_store %arg12[%swap3A_1347, %swap3A_1348], %swap3A_1351 {strides = array<i32>} : memref<64x64xf32, #tpu.memory_space<vmem>>, vector<1x16xf32>,
        %get3A_1352 = arith.index_cast %add3A_357 : i32 to index
        %get3A_1353 = arith.constant 48 : index
        %get3A_1354 = tpu.vector_load %arg10[%get3A_1352, %get3A_1353] {strides = array<i32>} : memref<64x64xf32, #tpu.memory_space<vmem>>, vector<1x16xf32>,
        %get3A_1355 = vector.shape_cast %get3A_1354 : vector<1x16xf32> to vector<16xf32>
        %get3A_1356 = arith.constant 48 : index
        %get3A_1357 = tpu.vector_load %arg13[%get3A_1356] {strides = array<i32>} : memref<128xf32, #tpu.memory_space<vmem>>, vector<16xf32>,
        %get3A_1358 = vector.shape_cast %get3A_1357 : vector<16xf32> to vector<16xf32>
        %mul3A_1359 = arith.constant 2.000000e+01 : f32
        %mul3A_1360 = vector.broadcast %mul3A_1359 : f32 to vector<16xf32>
        %mul3A_1361 = arith.mulf %mul3A_1360, %get3A_1355 : vector<16xf32>
        %sub3A_1362 = arith.subf %mul3A_1361, %add3A_1339 : vector<16xf32>
        %add3A_1363 = arith.addf %get3A_1358, %sub3A_1362 : vector<16xf32>
        %swap3A_1364 = arith.constant 48 : index
        %swap3A_1365 = tpu.vector_load %arg13[%swap3A_1364] {strides = array<i32>} : memref<128xf32, #tpu.memory_space<vmem>>, vector<16xf32>,
        %swap3A_1366 = vector.shape_cast %swap3A_1365 : vector<16xf32> to vector<16xf32>
        %swap3A_1367 = vector.shape_cast %add3A_1363 : vector<16xf32> to vector<16xf32>
        tpu.vector_store %arg13[%swap3A_1364], %swap3A_1367 {strides = array<i32>} : memref<128xf32, #tpu.memory_space<vmem>>, vector<16xf32>,
        %get3A_1368 = arith.constant 112 : index
        %get3A_1369 = tpu.vector_load %arg13[%get3A_1368] {strides = array<i32>} : memref<128xf32, #tpu.memory_space<vmem>>, vector<16xf32>,
        %get3A_1370 = vector.shape_cast %get3A_1369 : vector<16xf32> to vector<16xf32>
        %mul3A_1371 = arith.constant 2.000000e+01 : f32
        %mul3A_1372 = vector.broadcast %mul3A_1371 : f32 to vector<16xf32>
        %mul3A_1373 = arith.mulf %mul3A_1372, %get3A_1355 : vector<16xf32>
        %mul3A_1374 = arith.mulf %mul3A_1373, %get3A_1355 : vector<16xf32>
        %mul3A_1375 = arith.constant 2.000000e+00 : f32
        %mul3A_1376 = vector.broadcast %mul3A_1375 : f32 to vector<16xf32>
        %mul3A_1377 = arith.mulf %mul3A_1376, %get3A_1355 : vector<16xf32>
        %mul3A_1378 = arith.mulf %mul3A_1377, %add3A_1339 : vector<16xf32>
        %sub3A_1379 = arith.subf %mul3A_1374, %mul3A_1378 : vector<16xf32>
        %add3A_1380 = arith.addf %sub3A_1379, %add3A_1341 : vector<16xf32>
        %add3A_1381 = arith.addf %get3A_1370, %add3A_1380 : vector<16xf32>
        %swap3A_1382 = arith.constant 112 : index
        %swap3A_1383 = tpu.vector_load %arg13[%swap3A_1382] {strides = array<i32>} : memref<128xf32, #tpu.memory_space<vmem>>, vector<16xf32>,
        %swap3A_1384 = vector.shape_cast %swap3A_1383 : vector<16xf32> to vector<16xf32>
        %swap3A_1385 = vector.shape_cast %add3A_1381 : vector<16xf32> to vector<16xf32>
        tpu.vector_store %arg13[%swap3A_1382], %swap3A_1385 {strides = array<i32>} : memref<128xf32, #tpu.memory_space<vmem>>, vector<16xf32>,
      }
      %scan3A_283 = arith.constant 32 : i32
      %jit3A_284 = arith.constant 2 : i32
      %eq3A_285 = arith.constant 0 : i32
      %eq3A_286 = arith.cmpi eq, %jit3A_284, %eq3A_285 : i32
      %jit3A_287 = arith.constant 1 : i32
      %select_n3A_288 = arith.select %eq3A_286, %jit3A_287, %jit3A_284 : i32
      %rem3A_289 = arith.remsi %scan3A_188, %select_n3A_288 : i32
      %ne3A_290 = arith.constant 0 : i32
      %ne3A_291 = arith.cmpi ne, %rem3A_289, %ne3A_290 : i32
      %lt3A_292 = arith.constant 0 : i32
      %lt3A_293 = arith.cmpi slt, %rem3A_289, %lt3A_292 : i32
      %lt3A_294 = arith.constant 0 : i32
      %lt3A_295 = arith.cmpi slt, %select_n3A_288, %lt3A_294 : i32
      %ne3A_296 = arith.xori %lt3A_293, %lt3A_295 : i1
      %and3A_297 = arith.andi %ne3A_296, %ne3A_291 : i1
      %add3A_298 = arith.addi %rem3A_289, %select_n3A_288 : i32
      %select_n3A_299 = arith.select %and3A_297, %add3A_298, %rem3A_289 : i32
      %mul3A_300 = arith.constant 32 : i32
      %mul3A_301 = arith.muli %select_n3A_299, %mul3A_300 : i32
      %mul3A_302 = arith.constant 256 : i32
      %mul3A_303 = arith.muli %add3A, %mul3A_302 : i32
      %mul3A_304 = arith.constant 32 : i32
      %mul3A_305 = arith.muli %scan3A_188, %mul3A_304 : i32
      %add3A_306 = arith.addi %mul3A_303, %mul3A_305 : i32
      %jit3A_307 = arith.constant 2 : i32
      %eq3A_308 = arith.constant 0 : i32
      %eq3A_309 = arith.cmpi eq, %jit3A_307, %eq3A_308 : i32
      %jit3A_310 = arith.constant 1 : i32
      %select_n3A_311 = arith.select %eq3A_309, %jit3A_310, %jit3A_307 : i32
      %rem3A_312 = arith.remsi %scan3A_188, %select_n3A_311 : i32
      %ne3A_313 = arith.constant 0 : i32
      %ne3A_314 = arith.cmpi ne, %rem3A_312, %ne3A_313 : i32
      %lt3A_315 = arith.constant 0 : i32
      %lt3A_316 = arith.cmpi slt, %rem3A_312, %lt3A_315 : i32
      %lt3A_317 = arith.constant 0 : i32
      %lt3A_318 = arith.cmpi slt, %select_n3A_311, %lt3A_317 : i32
      %ne3A_319 = arith.xori %lt3A_316, %lt3A_318 : i1
      %and3A_320 = arith.andi %ne3A_319, %ne3A_314 : i1
      %add3A_321 = arith.addi %rem3A_312, %select_n3A_311 : i32
      %select_n3A_322 = arith.select %and3A_320, %add3A_321, %rem3A_312 : i32
      %eq3A_323 = arith.constant 0 : i32
      %eq3A_324 = arith.cmpi eq, %select_n3A_322, %eq3A_323 : i32
      %convert_element_type3A_325 = arith.extui %eq3A_324 : i1 to i32
      %cond3A_326 = arith.constant 0 : i32
      %cond3A_327 = arith.cmpi ne, %convert_element_type3A_325, %cond3A_326 : i32
      scf.if %cond3A_327 {
        %dma_start3A_349 = arith.constant 0 : i32
        %dma_start3A_350 = tpu.memref_slice %arg11[%mul3A_301, %dma_start3A_349] : memref<64x64xf32, #tpu.memory_space<vmem>> -> memref<32x64xf32, #tpu.memory_space<vmem>>
        %dma_start3A_351 = arith.constant 0 : i32
        %dma_start3A_352 = tpu.memref_slice %arg5[%add3A_306, %dma_start3A_351] : memref<8192x64xf32, #tpu.memory_space<hbm>> -> memref<32x64xf32, #tpu.memory_space<hbm>>
        %dma_start3A_353 = arith.constant 0 : i32
        %dma_start3A_354 = tpu.memref_slice %arg5[%add3A_306, %dma_start3A_353] : memref<8192x64xf32, #tpu.memory_space<hbm>> -> memref<32x64xf32, #tpu.memory_space<hbm>>
        %dma_start3A_355 = arith.constant 0 : i32
        %dma_start3A_356 = tpu.memref_slice %arg11[%mul3A_301, %dma_start3A_355] : memref<64x64xf32, #tpu.memory_space<vmem>> -> memref<32x64xf32, #tpu.memory_space<vmem>>
        tpu.enqueue_dma source(%dma_start3A_356 : memref<32x64xf32, #tpu.memory_space<vmem>>) target(%dma_start3A_354 : memref<32x64xf32, #tpu.memory_space<hbm>>) target_semaphore(%arg17 : memref<!tpu.dma_semaphore, #tpu.memory_space<semaphore_mem>>)
        %dma_start3A_357 = arith.constant 0 : i32
        %dma_start3A_358 = tpu.memref_slice %arg12[%mul3A_301, %dma_start3A_357] : memref<64x64xf32, #tpu.memory_space<vmem>> -> memref<32x64xf32, #tpu.memory_space<vmem>>
        %dma_start3A_359 = arith.constant 0 : i32
        %dma_start3A_360 = tpu.memref_slice %arg6[%add3A_306, %dma_start3A_359] : memref<8192x64xf32, #tpu.memory_space<hbm>> -> memref<32x64xf32, #tpu.memory_space<hbm>>
        %dma_start3A_361 = arith.constant 0 : i32
        %dma_start3A_362 = tpu.memref_slice %arg6[%add3A_306, %dma_start3A_361] : memref<8192x64xf32, #tpu.memory_space<hbm>> -> memref<32x64xf32, #tpu.memory_space<hbm>>
        %dma_start3A_363 = arith.constant 0 : i32
        %dma_start3A_364 = tpu.memref_slice %arg12[%mul3A_301, %dma_start3A_363] : memref<64x64xf32, #tpu.memory_space<vmem>> -> memref<32x64xf32, #tpu.memory_space<vmem>>
        tpu.enqueue_dma source(%dma_start3A_364 : memref<32x64xf32, #tpu.memory_space<vmem>>) target(%dma_start3A_362 : memref<32x64xf32, #tpu.memory_space<hbm>>) target_semaphore(%arg17 : memref<!tpu.dma_semaphore, #tpu.memory_space<semaphore_mem>>)
      } else {
      }
      %jit3A_328 = arith.constant 2 : i32
      %eq3A_329 = arith.constant 0 : i32
      %eq3A_330 = arith.cmpi eq, %jit3A_328, %eq3A_329 : i32
      %jit3A_331 = arith.constant 1 : i32
      %select_n3A_332 = arith.select %eq3A_330, %jit3A_331, %jit3A_328 : i32
      %rem3A_333 = arith.remsi %scan3A_188, %select_n3A_332 : i32
      %ne3A_334 = arith.constant 0 : i32
      %ne3A_335 = arith.cmpi ne, %rem3A_333, %ne3A_334 : i32
      %lt3A_336 = arith.constant 0 : i32
      %lt3A_337 = arith.cmpi slt, %rem3A_333, %lt3A_336 : i32
      %lt3A_338 = arith.constant 0 : i32
      %lt3A_339 = arith.cmpi slt, %select_n3A_332, %lt3A_338 : i32
      %ne3A_340 = arith.xori %lt3A_337, %lt3A_339 : i1
      %and3A_341 = arith.andi %ne3A_340, %ne3A_335 : i1
      %add3A_342 = arith.addi %rem3A_333, %select_n3A_332 : i32
      %select_n3A_343 = arith.select %and3A_341, %add3A_342, %rem3A_333 : i32
      %eq3A_344 = arith.constant 1 : i32
      %eq3A_345 = arith.cmpi eq, %select_n3A_343, %eq3A_344 : i32
      %convert_element_type3A_346 = arith.extui %eq3A_345 : i1 to i32
      %cond3A_347 = arith.constant 0 : i32
      %cond3A_348 = arith.cmpi ne, %convert_element_type3A_346, %cond3A_347 : i32
      scf.if %cond3A_348 {
        %dma_start3A_349 = arith.constant 0 : i32
        %dma_start3A_350 = tpu.memref_slice %arg11[%mul3A_301, %dma_start3A_349] : memref<64x64xf32, #tpu.memory_space<vmem>> -> memref<32x64xf32, #tpu.memory_space<vmem>>
        %dma_start3A_351 = arith.constant 0 : i32
        %dma_start3A_352 = tpu.memref_slice %arg5[%add3A_306, %dma_start3A_351] : memref<8192x64xf32, #tpu.memory_space<hbm>> -> memref<32x64xf32, #tpu.memory_space<hbm>>
        %dma_start3A_353 = arith.constant 0 : i32
        %dma_start3A_354 = tpu.memref_slice %arg5[%add3A_306, %dma_start3A_353] : memref<8192x64xf32, #tpu.memory_space<hbm>> -> memref<32x64xf32, #tpu.memory_space<hbm>>
        %dma_start3A_355 = arith.constant 0 : i32
        %dma_start3A_356 = tpu.memref_slice %arg11[%mul3A_301, %dma_start3A_355] : memref<64x64xf32, #tpu.memory_space<vmem>> -> memref<32x64xf32, #tpu.memory_space<vmem>>
        tpu.enqueue_dma source(%dma_start3A_356 : memref<32x64xf32, #tpu.memory_space<vmem>>) target(%dma_start3A_354 : memref<32x64xf32, #tpu.memory_space<hbm>>) target_semaphore(%arg18 : memref<!tpu.dma_semaphore, #tpu.memory_space<semaphore_mem>>)
        %dma_start3A_357 = arith.constant 0 : i32
        %dma_start3A_358 = tpu.memref_slice %arg12[%mul3A_301, %dma_start3A_357] : memref<64x64xf32, #tpu.memory_space<vmem>> -> memref<32x64xf32, #tpu.memory_space<vmem>>
        %dma_start3A_359 = arith.constant 0 : i32
        %dma_start3A_360 = tpu.memref_slice %arg6[%add3A_306, %dma_start3A_359] : memref<8192x64xf32, #tpu.memory_space<hbm>> -> memref<32x64xf32, #tpu.memory_space<hbm>>
        %dma_start3A_361 = arith.constant 0 : i32
        %dma_start3A_362 = tpu.memref_slice %arg6[%add3A_306, %dma_start3A_361] : memref<8192x64xf32, #tpu.memory_space<hbm>> -> memref<32x64xf32, #tpu.memory_space<hbm>>
        %dma_start3A_363 = arith.constant 0 : i32
        %dma_start3A_364 = tpu.memref_slice %arg12[%mul3A_301, %dma_start3A_363] : memref<64x64xf32, #tpu.memory_space<vmem>> -> memref<32x64xf32, #tpu.memory_space<vmem>>
        tpu.enqueue_dma source(%dma_start3A_364 : memref<32x64xf32, #tpu.memory_space<vmem>>) target(%dma_start3A_362 : memref<32x64xf32, #tpu.memory_space<hbm>>) target_semaphore(%arg18 : memref<!tpu.dma_semaphore, #tpu.memory_space<semaphore_mem>>)
      } else {
      }
    }
    %scan3A_139 = arith.constant 8 : i32
    %mul3A_140 = arith.constant 256 : i32
    %mul3A_141 = arith.muli %add3A, %mul3A_140 : i32
    %add3A_142 = arith.constant 192 : i32
    %add3A_143 = arith.addi %mul3A_141, %add3A_142 : i32
    %dma_wait3A_144 = arith.constant 0 : i32
    %dma_wait3A_145 = arith.constant 0 : i32
    %dma_wait3A_146 = tpu.memref_slice %arg11[%dma_wait3A_144, %dma_wait3A_145] : memref<64x64xf32, #tpu.memory_space<vmem>> -> memref<32x64xf32, #tpu.memory_space<vmem>>
    %dma_wait3A_147 = arith.constant 0 : i32
    %dma_wait3A_148 = tpu.memref_slice %arg5[%add3A_143, %dma_wait3A_147] : memref<8192x64xf32, #tpu.memory_space<hbm>> -> memref<32x64xf32, #tpu.memory_space<hbm>>
    %dma_wait3A_149 = arith.constant 0 : i32
    %dma_wait3A_150 = tpu.memref_slice %arg5[%add3A_143, %dma_wait3A_149] : memref<8192x64xf32, #tpu.memory_space<hbm>> -> memref<32x64xf32, #tpu.memory_space<hbm>>
    %dma_wait3A_151 = arith.constant 0 : i32
    %dma_wait3A_152 = arith.constant 0 : i32
    %dma_wait3A_153 = tpu.memref_slice %arg11[%dma_wait3A_151, %dma_wait3A_152] : memref<64x64xf32, #tpu.memory_space<vmem>> -> memref<32x64xf32, #tpu.memory_space<vmem>>
    tpu.wait_dma2 semaphore(%arg17 : memref<!tpu.dma_semaphore, #tpu.memory_space<semaphore_mem>>) src(%dma_wait3A_153 : memref<32x64xf32, #tpu.memory_space<vmem>>) dst(%dma_wait3A_150 : memref<32x64xf32, #tpu.memory_space<hbm>>)
    %dma_wait3A_154 = arith.constant 0 : i32
    %dma_wait3A_155 = arith.constant 0 : i32
    %dma_wait3A_156 = tpu.memref_slice %arg12[%dma_wait3A_154, %dma_wait3A_155] : memref<64x64xf32, #tpu.memory_space<vmem>> -> memref<32x64xf32, #tpu.memory_space<vmem>>
    %dma_wait3A_157 = arith.constant 0 : i32
    %dma_wait3A_158 = tpu.memref_slice %arg6[%add3A_143, %dma_wait3A_157] : memref<8192x64xf32, #tpu.memory_space<hbm>> -> memref<32x64xf32, #tpu.memory_space<hbm>>
    %dma_wait3A_159 = arith.constant 0 : i32
    %dma_wait3A_160 = tpu.memref_slice %arg6[%add3A_143, %dma_wait3A_159] : memref<8192x64xf32, #tpu.memory_space<hbm>> -> memref<32x64xf32, #tpu.memory_space<hbm>>
    %dma_wait3A_161 = arith.constant 0 : i32
    %dma_wait3A_162 = arith.constant 0 : i32
    %dma_wait3A_163 = tpu.memref_slice %arg12[%dma_wait3A_161, %dma_wait3A_162] : memref<64x64xf32, #tpu.memory_space<vmem>> -> memref<32x64xf32, #tpu.memory_space<vmem>>
    tpu.wait_dma2 semaphore(%arg17 : memref<!tpu.dma_semaphore, #tpu.memory_space<semaphore_mem>>) src(%dma_wait3A_163 : memref<32x64xf32, #tpu.memory_space<vmem>>) dst(%dma_wait3A_160 : memref<32x64xf32, #tpu.memory_space<hbm>>)
    %mul3A_164 = arith.constant 256 : i32
    %mul3A_165 = arith.muli %add3A, %mul3A_164 : i32
    %add3A_166 = arith.constant 224 : i32
    %add3A_167 = arith.addi %mul3A_165, %add3A_166 : i32
    %dma_wait3A_168 = arith.constant 32 : i32
    %dma_wait3A_169 = arith.constant 0 : i32
    %dma_wait3A_170 = tpu.memref_slice %arg11[%dma_wait3A_168, %dma_wait3A_169] : memref<64x64xf32, #tpu.memory_space<vmem>> -> memref<32x64xf32, #tpu.memory_space<vmem>>
    %dma_wait3A_171 = arith.constant 0 : i32
    %dma_wait3A_172 = tpu.memref_slice %arg5[%add3A_167, %dma_wait3A_171] : memref<8192x64xf32, #tpu.memory_space<hbm>> -> memref<32x64xf32, #tpu.memory_space<hbm>>
    %dma_wait3A_173 = arith.constant 0 : i32
    %dma_wait3A_174 = tpu.memref_slice %arg5[%add3A_167, %dma_wait3A_173] : memref<8192x64xf32, #tpu.memory_space<hbm>> -> memref<32x64xf32, #tpu.memory_space<hbm>>
    %dma_wait3A_175 = arith.constant 32 : i32
    %dma_wait3A_176 = arith.constant 0 : i32
    %dma_wait3A_177 = tpu.memref_slice %arg11[%dma_wait3A_175, %dma_wait3A_176] : memref<64x64xf32, #tpu.memory_space<vmem>> -> memref<32x64xf32, #tpu.memory_space<vmem>>
    tpu.wait_dma2 semaphore(%arg18 : memref<!tpu.dma_semaphore, #tpu.memory_space<semaphore_mem>>) src(%dma_wait3A_177 : memref<32x64xf32, #tpu.memory_space<vmem>>) dst(%dma_wait3A_174 : memref<32x64xf32, #tpu.memory_space<hbm>>)
    %dma_wait3A_178 = arith.constant 32 : i32
    %dma_wait3A_179 = arith.constant 0 : i32
    %dma_wait3A_180 = tpu.memref_slice %arg12[%dma_wait3A_178, %dma_wait3A_179] : memref<64x64xf32, #tpu.memory_space<vmem>> -> memref<32x64xf32, #tpu.memory_space<vmem>>
    %dma_wait3A_181 = arith.constant 0 : i32
    %dma_wait3A_182 = tpu.memref_slice %arg6[%add3A_167, %dma_wait3A_181] : memref<8192x64xf32, #tpu.memory_space<hbm>> -> memref<32x64xf32, #tpu.memory_space<hbm>>
    %dma_wait3A_183 = arith.constant 0 : i32
    %dma_wait3A_184 = tpu.memref_slice %arg6[%add3A_167, %dma_wait3A_183] : memref<8192x64xf32, #tpu.memory_space<hbm>> -> memref<32x64xf32, #tpu.memory_space<hbm>>
    %dma_wait3A_185 = arith.constant 32 : i32
    %dma_wait3A_186 = arith.constant 0 : i32
    %dma_wait3A_187 = tpu.memref_slice %arg12[%dma_wait3A_185, %dma_wait3A_186] : memref<64x64xf32, #tpu.memory_space<vmem>> -> memref<32x64xf32, #tpu.memory_space<vmem>>
    tpu.wait_dma2 semaphore(%arg18 : memref<!tpu.dma_semaphore, #tpu.memory_space<semaphore_mem>>) src(%dma_wait3A_187 : memref<32x64xf32, #tpu.memory_space<vmem>>) dst(%dma_wait3A_184 : memref<32x64xf32, #tpu.memory_space<hbm>>)
    "tpu.region"() ({
      %run_scoped3A = tpu.sem_alloc : memref<!tpu.dma_semaphore, #tpu.memory_space<semaphore_mem>>
      %dma_start3A_188 = arith.constant 0 : i32
      %dma_start3A_189 = tpu.memref_slice %arg7[%add3A, %dma_start3A_188] : memref<32x128xf32, #tpu.memory_space<hbm>> -> memref<1x128xf32, #tpu.memory_space<hbm>>
      %dma_start3A_190 = tpu.memref_squeeze %dma_start3A_189 : memref<1x128xf32, #tpu.memory_space<hbm>> -> memref<128xf32, #tpu.memory_space<hbm>>
      %dma_start3A_191 = arith.constant 0 : i32
      %dma_start3A_192 = tpu.memref_slice %arg7[%add3A, %dma_start3A_191] : memref<32x128xf32, #tpu.memory_space<hbm>> -> memref<1x128xf32, #tpu.memory_space<hbm>>
      %dma_start3A_193 = tpu.memref_squeeze %dma_start3A_192 : memref<1x128xf32, #tpu.memory_space<hbm>> -> memref<128xf32, #tpu.memory_space<hbm>>
      tpu.enqueue_dma source(%arg13 : memref<128xf32, #tpu.memory_space<vmem>>) target(%dma_start3A_193 : memref<128xf32, #tpu.memory_space<hbm>>) target_semaphore(%run_scoped3A : memref<!tpu.dma_semaphore, #tpu.memory_space<semaphore_mem>>)
      %dma_wait3A_194 = arith.constant 0 : i32
      %dma_wait3A_195 = tpu.memref_slice %arg7[%add3A, %dma_wait3A_194] : memref<32x128xf32, #tpu.memory_space<hbm>> -> memref<1x128xf32, #tpu.memory_space<hbm>>
      %dma_wait3A_196 = tpu.memref_squeeze %dma_wait3A_195 : memref<1x128xf32, #tpu.memory_space<hbm>> -> memref<128xf32, #tpu.memory_space<hbm>>
      %dma_wait3A_197 = arith.constant 0 : i32
      %dma_wait3A_198 = tpu.memref_slice %arg7[%add3A, %dma_wait3A_197] : memref<32x128xf32, #tpu.memory_space<hbm>> -> memref<1x128xf32, #tpu.memory_space<hbm>>
      %dma_wait3A_199 = tpu.memref_squeeze %dma_wait3A_198 : memref<1x128xf32, #tpu.memory_space<hbm>> -> memref<128xf32, #tpu.memory_space<hbm>>
      tpu.wait_dma2 semaphore(%run_scoped3A : memref<!tpu.dma_semaphore, #tpu.memory_space<semaphore_mem>>) src(%arg13 : memref<128xf32, #tpu.memory_space<vmem>>) dst(%dma_wait3A_199 : memref<128xf32, #tpu.memory_space<hbm>>)
      tpu.yield
    }) : () -> ()
    return
  }
}

module attributes {stable_mosaic.version = 14 : i64} {
  func.func @_topk_kernel(%arg0: i32, %arg1: i32, %arg2: memref<1x64x512xf32, #tpu.memory_space<vmem>>, %arg3: memref<1x64x2048xf32, #tpu.memory_space<vmem>>, %arg4: memref<128x64xf32, #tpu.memory_space<vmem>>, %arg5: memref<1x512x20xi32, #tpu.memory_space<vmem>>, %arg6: memref<512x64xf32, #tpu.memory_space<vmem>>, %arg7: memref<512x64xf32, #tpu.memory_space<vmem>>) attributes {dimension_semantics = [#tpu.dimension_semantics<arbitrary>, #tpu.dimension_semantics<arbitrary>], iteration_bounds = array<i64: 4, 4>, scalar_prefetch = 0 : i64, scratch_operands = 0 : i64, tpu.core_type = #tpu.core_type<tc>, window_params = [{transform_indices = @transform_0, window_bounds = array<i64: 1, 64, 512>}, {transform_indices = @transform_1, window_bounds = array<i64: 1, 64, 2048>}, {pipeline_mode = #tpu.pipeline_mode<synchronous>, transform_indices = @transform_2, window_bounds = array<i64: 128, 64>}, {transform_indices = @transform_3, window_bounds = array<i64: 1, 512, 20>}, {transform_indices = @transform_4, window_bounds = array<i64: 512, 64>}, {transform_indices = @transform_5, window_bounds = array<i64: 512, 64>}]} {
    %get3A = arith.constant 0 : index
    %get3A_0 = arith.constant 0 : index
    %get3A_1 = arith.constant 0 : index
    %get3A_2 = vector.load %arg2[%get3A, %get3A_0, %get3A_1] : memref<1x64x512xf32, #tpu.memory_space<vmem>>, vector<1x64x512xf32>
    %get3A_3 = vector.shape_cast %get3A_2 : vector<1x64x512xf32> to vector<64x512xf32>
    %get3A_4 = arith.constant 0 : index
    %get3A_5 = arith.constant 0 : index
    %get3A_6 = arith.constant 0 : index
    %get3A_7 = vector.load %arg3[%get3A_4, %get3A_5, %get3A_6] : memref<1x64x2048xf32, #tpu.memory_space<vmem>>, vector<1x64x2048xf32>
    %get3A_8 = vector.shape_cast %get3A_7 : vector<1x64x2048xf32> to vector<64x2048xf32>
    %get3A_9 = arith.constant 0 : index
    %get3A_10 = arith.constant 0 : index
    %get3A_11 = vector.load %arg4[%get3A_9, %get3A_10] : memref<128x64xf32, #tpu.memory_space<vmem>>, vector<64x64xf32>
    %get3A_12 = arith.constant 64 : index
    %get3A_13 = arith.constant 0 : index
    %get3A_14 = vector.load %arg4[%get3A_12, %get3A_13] : memref<128x64xf32, #tpu.memory_space<vmem>>, vector<64x64xf32>
    %dot_general3A = arith.constant dense<0.000000e+00> : vector<512x64xf32>
    %dot_general3A_15 = tpu.matmul %get3A_3, %get3A_11, %dot_general3A {dimension_numbers = #tpu.dot_dimension_numbers<[0], [0], [1], [1], [0, 1, 1, 1], [], []>, transpose_lhs_hint = false} : vector<64x512xf32>, vector<64x64xf32>, vector<512x64xf32> -> vector<512x64xf32>
    %swap3A = arith.constant 0 : index
    %swap3A_16 = arith.constant 0 : index
    %swap3A_17 = vector.load %arg7[%swap3A, %swap3A_16] : memref<512x64xf32, #tpu.memory_space<vmem>>, vector<512x64xf32>
    tpu.vector_store %arg7[%swap3A, %swap3A_16], %dot_general3A_15 {strides = array<i32>} : memref<512x64xf32, #tpu.memory_space<vmem>>, vector<512x64xf32>,
    %add3A = arith.addf %get3A_11, %get3A_14 : vector<64x64xf32>
    %dot_general3A_18 = arith.constant dense<0.000000e+00> : vector<512x64xf32>
    %dot_general3A_19 = tpu.matmul %get3A_3, %add3A, %dot_general3A_18 {dimension_numbers = #tpu.dot_dimension_numbers<[0], [0], [1], [1], [0, 1, 1, 1], [], []>, transpose_lhs_hint = false} : vector<64x512xf32>, vector<64x64xf32>, vector<512x64xf32> -> vector<512x64xf32>
    %swap3A_20 = arith.constant 0 : index
    %swap3A_21 = arith.constant 0 : index
    %swap3A_22 = vector.load %arg6[%swap3A_20, %swap3A_21] : memref<512x64xf32, #tpu.memory_space<vmem>>, vector<512x64xf32>
    tpu.vector_store %arg6[%swap3A_20, %swap3A_21], %dot_general3A_19 {strides = array<i32>} : memref<512x64xf32, #tpu.memory_space<vmem>>, vector<512x64xf32>,
    %dot_general3A_23 = arith.constant dense<0.000000e+00> : vector<512x2048xf32>
    %dot_general3A_24 = tpu.matmul %get3A_3, %get3A_8, %dot_general3A_23 {dimension_numbers = #tpu.dot_dimension_numbers<[0], [0], [1], [1], [0, 1, 1, 1], [], []>, transpose_lhs_hint = false} : vector<64x512xf32>, vector<64x2048xf32>, vector<512x2048xf32> -> vector<512x2048xf32>
    %mul3A = arith.constant 2.000000e+00 : f32
    %mul3A_25 = vector.broadcast %mul3A : f32 to vector<512x2048xf32>
    %mul3A_26 = arith.mulf %mul3A_25, %dot_general3A_24 : vector<512x2048xf32>
    %mul3A_27 = arith.mulf %get3A_8, %get3A_8 : vector<64x2048xf32>
    %reduce_sum3A = arith.constant dense<0.000000e+00> : vector<2048xf32>
    %reduce_sum3A_28 = vector.multi_reduction <add>, %mul3A_27, %reduce_sum3A [0] : vector<64x2048xf32> to vector<2048xf32>
    %broadcast_in_dim3A = vector.shape_cast %reduce_sum3A_28 : vector<2048xf32> to vector<1x2048xf32>
    %sub3A = vector.broadcast %broadcast_in_dim3A : vector<1x2048xf32> to vector<512x2048xf32>
    %sub3A_29 = arith.subf %mul3A_26, %sub3A : vector<512x2048xf32>
    %bitcast_convert_type3A = tpu.bitcast %sub3A_29 : vector<512x2048xf32> -> vector<512x2048xi32>
    %iota3A = tpu.iota {dimensions = array<i32: 1>} : vector<512x2048xi32>
    %and3A = arith.constant -2048 : i32
    %and3A_30 = vector.broadcast %and3A : i32 to vector<512x2048xi32>
    %and3A_31 = arith.andi %bitcast_convert_type3A, %and3A_30 : vector<512x2048xi32>
    %sub3A_32 = arith.constant 2047 : i32
    %sub3A_33 = vector.broadcast %sub3A_32 : i32 to vector<512x2048xi32>
    %sub3A_34 = arith.subi %sub3A_33, %iota3A : vector<512x2048xi32>
    %or3A = arith.ori %and3A_31, %sub3A_34 : vector<512x2048xi32>
    %bitcast_convert_type3A_35 = tpu.bitcast %or3A : vector<512x2048xi32> -> vector<512x2048xf32>
    %mul3A_36 = arith.constant 2048 : i32
    %mul3A_37 = arith.muli %arg0, %mul3A_36 : i32
    %reduce_max3A = arith.constant dense<0xFF800000> : vector<512xf32>
    %reduce_max3A_38 = vector.multi_reduction <maximumf>, %bitcast_convert_type3A_35, %reduce_max3A [1] : vector<512x2048xf32> to vector<512xf32>
    %broadcast_in_dim3A_39 = vector.shape_cast %reduce_max3A_38 : vector<512xf32> to vector<512x1xf32>
    %bitcast_convert_type3A_40 = tpu.bitcast %broadcast_in_dim3A_39 : vector<512x1xf32> -> vector<512x1xi32>
    %and3A_41 = arith.constant 2047 : i32
    %and3A_42 = vector.broadcast %and3A_41 : i32 to vector<512x1xi32>
    %and3A_43 = arith.andi %bitcast_convert_type3A_40, %and3A_42 : vector<512x1xi32>
    %sub3A_44 = arith.constant 2047 : i32
    %sub3A_45 = vector.broadcast %sub3A_44 : i32 to vector<512x1xi32>
    %sub3A_46 = arith.subi %sub3A_45, %and3A_43 : vector<512x1xi32>
    %add3A_47 = vector.broadcast %mul3A_37 : i32 to vector<512x1xi32>
    %add3A_48 = arith.addi %sub3A_46, %add3A_47 : vector<512x1xi32>
    %swap3A_49 = arith.constant 0 : index
    %swap3A_50 = arith.constant 0 : index
    %swap3A_51 = arith.constant 0 : index
    %swap3A_52 = vector.load %arg5[%swap3A_49, %swap3A_50, %swap3A_51] : memref<1x512x20xi32, #tpu.memory_space<vmem>>, vector<1x512x1xi32>
    %swap3A_53 = vector.shape_cast %swap3A_52 : vector<1x512x1xi32> to vector<512x1xi32>
    %swap3A_54 = vector.shape_cast %add3A_48 : vector<512x1xi32> to vector<1x512x1xi32>
    tpu.vector_store %arg5[%swap3A_49, %swap3A_50, %swap3A_51], %swap3A_54 {strides = array<i32>} : memref<1x512x20xi32, #tpu.memory_space<vmem>>, vector<1x512x1xi32>,
    %eq3A = vector.broadcast %broadcast_in_dim3A_39 : vector<512x1xf32> to vector<512x2048xf32>
    %eq3A_55 = arith.cmpf oeq, %bitcast_convert_type3A_35, %eq3A : vector<512x2048xf32>
    %jit3A = arith.constant 0xFF800000 : f32
    %broadcast_in_dim3A_56 = vector.broadcast %jit3A : f32 to vector<512x2048xf32>
    %select_n3A = arith.select %eq3A_55, %broadcast_in_dim3A_56, %bitcast_convert_type3A_35 : vector<512x2048xi1>, vector<512x2048xf32>
    %reduce_max3A_57 = arith.constant dense<0xFF800000> : vector<512xf32>
    %reduce_max3A_58 = vector.multi_reduction <maximumf>, %select_n3A, %reduce_max3A_57 [1] : vector<512x2048xf32> to vector<512xf32>
    %broadcast_in_dim3A_59 = vector.shape_cast %reduce_max3A_58 : vector<512xf32> to vector<512x1xf32>
    %bitcast_convert_type3A_60 = tpu.bitcast %broadcast_in_dim3A_59 : vector<512x1xf32> -> vector<512x1xi32>
    %and3A_61 = arith.constant 2047 : i32
    %and3A_62 = vector.broadcast %and3A_61 : i32 to vector<512x1xi32>
    %and3A_63 = arith.andi %bitcast_convert_type3A_60, %and3A_62 : vector<512x1xi32>
    %sub3A_64 = arith.constant 2047 : i32
    %sub3A_65 = vector.broadcast %sub3A_64 : i32 to vector<512x1xi32>
    %sub3A_66 = arith.subi %sub3A_65, %and3A_63 : vector<512x1xi32>
    %add3A_67 = vector.broadcast %mul3A_37 : i32 to vector<512x1xi32>
    %add3A_68 = arith.addi %sub3A_66, %add3A_67 : vector<512x1xi32>
    %swap3A_69 = arith.constant 0 : index
    %swap3A_70 = arith.constant 0 : index
    %swap3A_71 = arith.constant 1 : index
    %swap3A_72 = vector.load %arg5[%swap3A_69, %swap3A_70, %swap3A_71] : memref<1x512x20xi32, #tpu.memory_space<vmem>>, vector<1x512x1xi32>
    %swap3A_73 = vector.shape_cast %swap3A_72 : vector<1x512x1xi32> to vector<512x1xi32>
    %swap3A_74 = vector.shape_cast %add3A_68 : vector<512x1xi32> to vector<1x512x1xi32>
    tpu.vector_store %arg5[%swap3A_69, %swap3A_70, %swap3A_71], %swap3A_74 {strides = array<i32>} : memref<1x512x20xi32, #tpu.memory_space<vmem>>, vector<1x512x1xi32>,
    %eq3A_75 = vector.broadcast %broadcast_in_dim3A_59 : vector<512x1xf32> to vector<512x2048xf32>
    %eq3A_76 = arith.cmpf oeq, %select_n3A, %eq3A_75 : vector<512x2048xf32>
    %jit3A_77 = arith.constant 0xFF800000 : f32
    %broadcast_in_dim3A_78 = vector.broadcast %jit3A_77 : f32 to vector<512x2048xf32>
    %select_n3A_79 = arith.select %eq3A_76, %broadcast_in_dim3A_78, %select_n3A : vector<512x2048xi1>, vector<512x2048xf32>
    %reduce_max3A_80 = arith.constant dense<0xFF800000> : vector<512xf32>
    %reduce_max3A_81 = vector.multi_reduction <maximumf>, %select_n3A_79, %reduce_max3A_80 [1] : vector<512x2048xf32> to vector<512xf32>
    %broadcast_in_dim3A_82 = vector.shape_cast %reduce_max3A_81 : vector<512xf32> to vector<512x1xf32>
    %bitcast_convert_type3A_83 = tpu.bitcast %broadcast_in_dim3A_82 : vector<512x1xf32> -> vector<512x1xi32>
    %and3A_84 = arith.constant 2047 : i32
    %and3A_85 = vector.broadcast %and3A_84 : i32 to vector<512x1xi32>
    %and3A_86 = arith.andi %bitcast_convert_type3A_83, %and3A_85 : vector<512x1xi32>
    %sub3A_87 = arith.constant 2047 : i32
    %sub3A_88 = vector.broadcast %sub3A_87 : i32 to vector<512x1xi32>
    %sub3A_89 = arith.subi %sub3A_88, %and3A_86 : vector<512x1xi32>
    %add3A_90 = vector.broadcast %mul3A_37 : i32 to vector<512x1xi32>
    %add3A_91 = arith.addi %sub3A_89, %add3A_90 : vector<512x1xi32>
    %swap3A_92 = arith.constant 0 : index
    %swap3A_93 = arith.constant 0 : index
    %swap3A_94 = arith.constant 2 : index
    %swap3A_95 = vector.load %arg5[%swap3A_92, %swap3A_93, %swap3A_94] : memref<1x512x20xi32, #tpu.memory_space<vmem>>, vector<1x512x1xi32>
    %swap3A_96 = vector.shape_cast %swap3A_95 : vector<1x512x1xi32> to vector<512x1xi32>
    %swap3A_97 = vector.shape_cast %add3A_91 : vector<512x1xi32> to vector<1x512x1xi32>
    tpu.vector_store %arg5[%swap3A_92, %swap3A_93, %swap3A_94], %swap3A_97 {strides = array<i32>} : memref<1x512x20xi32, #tpu.memory_space<vmem>>, vector<1x512x1xi32>,
    %eq3A_98 = vector.broadcast %broadcast_in_dim3A_82 : vector<512x1xf32> to vector<512x2048xf32>
    %eq3A_99 = arith.cmpf oeq, %select_n3A_79, %eq3A_98 : vector<512x2048xf32>
    %jit3A_100 = arith.constant 0xFF800000 : f32
    %broadcast_in_dim3A_101 = vector.broadcast %jit3A_100 : f32 to vector<512x2048xf32>
    %select_n3A_102 = arith.select %eq3A_99, %broadcast_in_dim3A_101, %select_n3A_79 : vector<512x2048xi1>, vector<512x2048xf32>
    %reduce_max3A_103 = arith.constant dense<0xFF800000> : vector<512xf32>
    %reduce_max3A_104 = vector.multi_reduction <maximumf>, %select_n3A_102, %reduce_max3A_103 [1] : vector<512x2048xf32> to vector<512xf32>
    %broadcast_in_dim3A_105 = vector.shape_cast %reduce_max3A_104 : vector<512xf32> to vector<512x1xf32>
    %bitcast_convert_type3A_106 = tpu.bitcast %broadcast_in_dim3A_105 : vector<512x1xf32> -> vector<512x1xi32>
    %and3A_107 = arith.constant 2047 : i32
    %and3A_108 = vector.broadcast %and3A_107 : i32 to vector<512x1xi32>
    %and3A_109 = arith.andi %bitcast_convert_type3A_106, %and3A_108 : vector<512x1xi32>
    %sub3A_110 = arith.constant 2047 : i32
    %sub3A_111 = vector.broadcast %sub3A_110 : i32 to vector<512x1xi32>
    %sub3A_112 = arith.subi %sub3A_111, %and3A_109 : vector<512x1xi32>
    %add3A_113 = vector.broadcast %mul3A_37 : i32 to vector<512x1xi32>
    %add3A_114 = arith.addi %sub3A_112, %add3A_113 : vector<512x1xi32>
    %swap3A_115 = arith.constant 0 : index
    %swap3A_116 = arith.constant 0 : index
    %swap3A_117 = arith.constant 3 : index
    %swap3A_118 = vector.load %arg5[%swap3A_115, %swap3A_116, %swap3A_117] : memref<1x512x20xi32, #tpu.memory_space<vmem>>, vector<1x512x1xi32>
    %swap3A_119 = vector.shape_cast %swap3A_118 : vector<1x512x1xi32> to vector<512x1xi32>
    %swap3A_120 = vector.shape_cast %add3A_114 : vector<512x1xi32> to vector<1x512x1xi32>
    tpu.vector_store %arg5[%swap3A_115, %swap3A_116, %swap3A_117], %swap3A_120 {strides = array<i32>} : memref<1x512x20xi32, #tpu.memory_space<vmem>>, vector<1x512x1xi32>,
    %eq3A_121 = vector.broadcast %broadcast_in_dim3A_105 : vector<512x1xf32> to vector<512x2048xf32>
    %eq3A_122 = arith.cmpf oeq, %select_n3A_102, %eq3A_121 : vector<512x2048xf32>
    %jit3A_123 = arith.constant 0xFF800000 : f32
    %broadcast_in_dim3A_124 = vector.broadcast %jit3A_123 : f32 to vector<512x2048xf32>
    %select_n3A_125 = arith.select %eq3A_122, %broadcast_in_dim3A_124, %select_n3A_102 : vector<512x2048xi1>, vector<512x2048xf32>
    %reduce_max3A_126 = arith.constant dense<0xFF800000> : vector<512xf32>
    %reduce_max3A_127 = vector.multi_reduction <maximumf>, %select_n3A_125, %reduce_max3A_126 [1] : vector<512x2048xf32> to vector<512xf32>
    %broadcast_in_dim3A_128 = vector.shape_cast %reduce_max3A_127 : vector<512xf32> to vector<512x1xf32>
    %bitcast_convert_type3A_129 = tpu.bitcast %broadcast_in_dim3A_128 : vector<512x1xf32> -> vector<512x1xi32>
    %and3A_130 = arith.constant 2047 : i32
    %and3A_131 = vector.broadcast %and3A_130 : i32 to vector<512x1xi32>
    %and3A_132 = arith.andi %bitcast_convert_type3A_129, %and3A_131 : vector<512x1xi32>
    %sub3A_133 = arith.constant 2047 : i32
    %sub3A_134 = vector.broadcast %sub3A_133 : i32 to vector<512x1xi32>
    %sub3A_135 = arith.subi %sub3A_134, %and3A_132 : vector<512x1xi32>
    %add3A_136 = vector.broadcast %mul3A_37 : i32 to vector<512x1xi32>
    %add3A_137 = arith.addi %sub3A_135, %add3A_136 : vector<512x1xi32>
    %swap3A_138 = arith.constant 0 : index
    %swap3A_139 = arith.constant 0 : index
    %swap3A_140 = arith.constant 4 : index
    %swap3A_141 = vector.load %arg5[%swap3A_138, %swap3A_139, %swap3A_140] : memref<1x512x20xi32, #tpu.memory_space<vmem>>, vector<1x512x1xi32>
    %swap3A_142 = vector.shape_cast %swap3A_141 : vector<1x512x1xi32> to vector<512x1xi32>
    %swap3A_143 = vector.shape_cast %add3A_137 : vector<512x1xi32> to vector<1x512x1xi32>
    tpu.vector_store %arg5[%swap3A_138, %swap3A_139, %swap3A_140], %swap3A_143 {strides = array<i32>} : memref<1x512x20xi32, #tpu.memory_space<vmem>>, vector<1x512x1xi32>,
    %eq3A_144 = vector.broadcast %broadcast_in_dim3A_128 : vector<512x1xf32> to vector<512x2048xf32>
    %eq3A_145 = arith.cmpf oeq, %select_n3A_125, %eq3A_144 : vector<512x2048xf32>
    %jit3A_146 = arith.constant 0xFF800000 : f32
    %broadcast_in_dim3A_147 = vector.broadcast %jit3A_146 : f32 to vector<512x2048xf32>
    %select_n3A_148 = arith.select %eq3A_145, %broadcast_in_dim3A_147, %select_n3A_125 : vector<512x2048xi1>, vector<512x2048xf32>
    %reduce_max3A_149 = arith.constant dense<0xFF800000> : vector<512xf32>
    %reduce_max3A_150 = vector.multi_reduction <maximumf>, %select_n3A_148, %reduce_max3A_149 [1] : vector<512x2048xf32> to vector<512xf32>
    %broadcast_in_dim3A_151 = vector.shape_cast %reduce_max3A_150 : vector<512xf32> to vector<512x1xf32>
    %bitcast_convert_type3A_152 = tpu.bitcast %broadcast_in_dim3A_151 : vector<512x1xf32> -> vector<512x1xi32>
    %and3A_153 = arith.constant 2047 : i32
    %and3A_154 = vector.broadcast %and3A_153 : i32 to vector<512x1xi32>
    %and3A_155 = arith.andi %bitcast_convert_type3A_152, %and3A_154 : vector<512x1xi32>
    %sub3A_156 = arith.constant 2047 : i32
    %sub3A_157 = vector.broadcast %sub3A_156 : i32 to vector<512x1xi32>
    %sub3A_158 = arith.subi %sub3A_157, %and3A_155 : vector<512x1xi32>
    %add3A_159 = vector.broadcast %mul3A_37 : i32 to vector<512x1xi32>
    %add3A_160 = arith.addi %sub3A_158, %add3A_159 : vector<512x1xi32>
    %swap3A_161 = arith.constant 0 : index
    %swap3A_162 = arith.constant 0 : index
    %swap3A_163 = arith.constant 5 : index
    %swap3A_164 = vector.load %arg5[%swap3A_161, %swap3A_162, %swap3A_163] : memref<1x512x20xi32, #tpu.memory_space<vmem>>, vector<1x512x1xi32>
    %swap3A_165 = vector.shape_cast %swap3A_164 : vector<1x512x1xi32> to vector<512x1xi32>
    %swap3A_166 = vector.shape_cast %add3A_160 : vector<512x1xi32> to vector<1x512x1xi32>
    tpu.vector_store %arg5[%swap3A_161, %swap3A_162, %swap3A_163], %swap3A_166 {strides = array<i32>} : memref<1x512x20xi32, #tpu.memory_space<vmem>>, vector<1x512x1xi32>,
    %eq3A_167 = vector.broadcast %broadcast_in_dim3A_151 : vector<512x1xf32> to vector<512x2048xf32>
    %eq3A_168 = arith.cmpf oeq, %select_n3A_148, %eq3A_167 : vector<512x2048xf32>
    %jit3A_169 = arith.constant 0xFF800000 : f32
    %broadcast_in_dim3A_170 = vector.broadcast %jit3A_169 : f32 to vector<512x2048xf32>
    %select_n3A_171 = arith.select %eq3A_168, %broadcast_in_dim3A_170, %select_n3A_148 : vector<512x2048xi1>, vector<512x2048xf32>
    %reduce_max3A_172 = arith.constant dense<0xFF800000> : vector<512xf32>
    %reduce_max3A_173 = vector.multi_reduction <maximumf>, %select_n3A_171, %reduce_max3A_172 [1] : vector<512x2048xf32> to vector<512xf32>
    %broadcast_in_dim3A_174 = vector.shape_cast %reduce_max3A_173 : vector<512xf32> to vector<512x1xf32>
    %bitcast_convert_type3A_175 = tpu.bitcast %broadcast_in_dim3A_174 : vector<512x1xf32> -> vector<512x1xi32>
    %and3A_176 = arith.constant 2047 : i32
    %and3A_177 = vector.broadcast %and3A_176 : i32 to vector<512x1xi32>
    %and3A_178 = arith.andi %bitcast_convert_type3A_175, %and3A_177 : vector<512x1xi32>
    %sub3A_179 = arith.constant 2047 : i32
    %sub3A_180 = vector.broadcast %sub3A_179 : i32 to vector<512x1xi32>
    %sub3A_181 = arith.subi %sub3A_180, %and3A_178 : vector<512x1xi32>
    %add3A_182 = vector.broadcast %mul3A_37 : i32 to vector<512x1xi32>
    %add3A_183 = arith.addi %sub3A_181, %add3A_182 : vector<512x1xi32>
    %swap3A_184 = arith.constant 0 : index
    %swap3A_185 = arith.constant 0 : index
    %swap3A_186 = arith.constant 6 : index
    %swap3A_187 = vector.load %arg5[%swap3A_184, %swap3A_185, %swap3A_186] : memref<1x512x20xi32, #tpu.memory_space<vmem>>, vector<1x512x1xi32>
    %swap3A_188 = vector.shape_cast %swap3A_187 : vector<1x512x1xi32> to vector<512x1xi32>
    %swap3A_189 = vector.shape_cast %add3A_183 : vector<512x1xi32> to vector<1x512x1xi32>
    tpu.vector_store %arg5[%swap3A_184, %swap3A_185, %swap3A_186], %swap3A_189 {strides = array<i32>} : memref<1x512x20xi32, #tpu.memory_space<vmem>>, vector<1x512x1xi32>,
    %eq3A_190 = vector.broadcast %broadcast_in_dim3A_174 : vector<512x1xf32> to vector<512x2048xf32>
    %eq3A_191 = arith.cmpf oeq, %select_n3A_171, %eq3A_190 : vector<512x2048xf32>
    %jit3A_192 = arith.constant 0xFF800000 : f32
    %broadcast_in_dim3A_193 = vector.broadcast %jit3A_192 : f32 to vector<512x2048xf32>
    %select_n3A_194 = arith.select %eq3A_191, %broadcast_in_dim3A_193, %select_n3A_171 : vector<512x2048xi1>, vector<512x2048xf32>
    %reduce_max3A_195 = arith.constant dense<0xFF800000> : vector<512xf32>
    %reduce_max3A_196 = vector.multi_reduction <maximumf>, %select_n3A_194, %reduce_max3A_195 [1] : vector<512x2048xf32> to vector<512xf32>
    %broadcast_in_dim3A_197 = vector.shape_cast %reduce_max3A_196 : vector<512xf32> to vector<512x1xf32>
    %bitcast_convert_type3A_198 = tpu.bitcast %broadcast_in_dim3A_197 : vector<512x1xf32> -> vector<512x1xi32>
    %and3A_199 = arith.constant 2047 : i32
    %and3A_200 = vector.broadcast %and3A_199 : i32 to vector<512x1xi32>
    %and3A_201 = arith.andi %bitcast_convert_type3A_198, %and3A_200 : vector<512x1xi32>
    %sub3A_202 = arith.constant 2047 : i32
    %sub3A_203 = vector.broadcast %sub3A_202 : i32 to vector<512x1xi32>
    %sub3A_204 = arith.subi %sub3A_203, %and3A_201 : vector<512x1xi32>
    %add3A_205 = vector.broadcast %mul3A_37 : i32 to vector<512x1xi32>
    %add3A_206 = arith.addi %sub3A_204, %add3A_205 : vector<512x1xi32>
    %swap3A_207 = arith.constant 0 : index
    %swap3A_208 = arith.constant 0 : index
    %swap3A_209 = arith.constant 7 : index
    %swap3A_210 = vector.load %arg5[%swap3A_207, %swap3A_208, %swap3A_209] : memref<1x512x20xi32, #tpu.memory_space<vmem>>, vector<1x512x1xi32>
    %swap3A_211 = vector.shape_cast %swap3A_210 : vector<1x512x1xi32> to vector<512x1xi32>
    %swap3A_212 = vector.shape_cast %add3A_206 : vector<512x1xi32> to vector<1x512x1xi32>
    tpu.vector_store %arg5[%swap3A_207, %swap3A_208, %swap3A_209], %swap3A_212 {strides = array<i32>} : memref<1x512x20xi32, #tpu.memory_space<vmem>>, vector<1x512x1xi32>,
    %eq3A_213 = vector.broadcast %broadcast_in_dim3A_197 : vector<512x1xf32> to vector<512x2048xf32>
    %eq3A_214 = arith.cmpf oeq, %select_n3A_194, %eq3A_213 : vector<512x2048xf32>
    %jit3A_215 = arith.constant 0xFF800000 : f32
    %broadcast_in_dim3A_216 = vector.broadcast %jit3A_215 : f32 to vector<512x2048xf32>
    %select_n3A_217 = arith.select %eq3A_214, %broadcast_in_dim3A_216, %select_n3A_194 : vector<512x2048xi1>, vector<512x2048xf32>
    %reduce_max3A_218 = arith.constant dense<0xFF800000> : vector<512xf32>
    %reduce_max3A_219 = vector.multi_reduction <maximumf>, %select_n3A_217, %reduce_max3A_218 [1] : vector<512x2048xf32> to vector<512xf32>
    %broadcast_in_dim3A_220 = vector.shape_cast %reduce_max3A_219 : vector<512xf32> to vector<512x1xf32>
    %bitcast_convert_type3A_221 = tpu.bitcast %broadcast_in_dim3A_220 : vector<512x1xf32> -> vector<512x1xi32>
    %and3A_222 = arith.constant 2047 : i32
    %and3A_223 = vector.broadcast %and3A_222 : i32 to vector<512x1xi32>
    %and3A_224 = arith.andi %bitcast_convert_type3A_221, %and3A_223 : vector<512x1xi32>
    %sub3A_225 = arith.constant 2047 : i32
    %sub3A_226 = vector.broadcast %sub3A_225 : i32 to vector<512x1xi32>
    %sub3A_227 = arith.subi %sub3A_226, %and3A_224 : vector<512x1xi32>
    %add3A_228 = vector.broadcast %mul3A_37 : i32 to vector<512x1xi32>
    %add3A_229 = arith.addi %sub3A_227, %add3A_228 : vector<512x1xi32>
    %swap3A_230 = arith.constant 0 : index
    %swap3A_231 = arith.constant 0 : index
    %swap3A_232 = arith.constant 8 : index
    %swap3A_233 = vector.load %arg5[%swap3A_230, %swap3A_231, %swap3A_232] : memref<1x512x20xi32, #tpu.memory_space<vmem>>, vector<1x512x1xi32>
    %swap3A_234 = vector.shape_cast %swap3A_233 : vector<1x512x1xi32> to vector<512x1xi32>
    %swap3A_235 = vector.shape_cast %add3A_229 : vector<512x1xi32> to vector<1x512x1xi32>
    tpu.vector_store %arg5[%swap3A_230, %swap3A_231, %swap3A_232], %swap3A_235 {strides = array<i32>} : memref<1x512x20xi32, #tpu.memory_space<vmem>>, vector<1x512x1xi32>,
    %eq3A_236 = vector.broadcast %broadcast_in_dim3A_220 : vector<512x1xf32> to vector<512x2048xf32>
    %eq3A_237 = arith.cmpf oeq, %select_n3A_217, %eq3A_236 : vector<512x2048xf32>
    %jit3A_238 = arith.constant 0xFF800000 : f32
    %broadcast_in_dim3A_239 = vector.broadcast %jit3A_238 : f32 to vector<512x2048xf32>
    %select_n3A_240 = arith.select %eq3A_237, %broadcast_in_dim3A_239, %select_n3A_217 : vector<512x2048xi1>, vector<512x2048xf32>
    %reduce_max3A_241 = arith.constant dense<0xFF800000> : vector<512xf32>
    %reduce_max3A_242 = vector.multi_reduction <maximumf>, %select_n3A_240, %reduce_max3A_241 [1] : vector<512x2048xf32> to vector<512xf32>
    %broadcast_in_dim3A_243 = vector.shape_cast %reduce_max3A_242 : vector<512xf32> to vector<512x1xf32>
    %bitcast_convert_type3A_244 = tpu.bitcast %broadcast_in_dim3A_243 : vector<512x1xf32> -> vector<512x1xi32>
    %and3A_245 = arith.constant 2047 : i32
    %and3A_246 = vector.broadcast %and3A_245 : i32 to vector<512x1xi32>
    %and3A_247 = arith.andi %bitcast_convert_type3A_244, %and3A_246 : vector<512x1xi32>
    %sub3A_248 = arith.constant 2047 : i32
    %sub3A_249 = vector.broadcast %sub3A_248 : i32 to vector<512x1xi32>
    %sub3A_250 = arith.subi %sub3A_249, %and3A_247 : vector<512x1xi32>
    %add3A_251 = vector.broadcast %mul3A_37 : i32 to vector<512x1xi32>
    %add3A_252 = arith.addi %sub3A_250, %add3A_251 : vector<512x1xi32>
    %swap3A_253 = arith.constant 0 : index
    %swap3A_254 = arith.constant 0 : index
    %swap3A_255 = arith.constant 9 : index
    %swap3A_256 = vector.load %arg5[%swap3A_253, %swap3A_254, %swap3A_255] : memref<1x512x20xi32, #tpu.memory_space<vmem>>, vector<1x512x1xi32>
    %swap3A_257 = vector.shape_cast %swap3A_256 : vector<1x512x1xi32> to vector<512x1xi32>
    %swap3A_258 = vector.shape_cast %add3A_252 : vector<512x1xi32> to vector<1x512x1xi32>
    tpu.vector_store %arg5[%swap3A_253, %swap3A_254, %swap3A_255], %swap3A_258 {strides = array<i32>} : memref<1x512x20xi32, #tpu.memory_space<vmem>>, vector<1x512x1xi32>,
    %eq3A_259 = vector.broadcast %broadcast_in_dim3A_243 : vector<512x1xf32> to vector<512x2048xf32>
    %eq3A_260 = arith.cmpf oeq, %select_n3A_240, %eq3A_259 : vector<512x2048xf32>
    %jit3A_261 = arith.constant 0xFF800000 : f32
    %broadcast_in_dim3A_262 = vector.broadcast %jit3A_261 : f32 to vector<512x2048xf32>
    %select_n3A_263 = arith.select %eq3A_260, %broadcast_in_dim3A_262, %select_n3A_240 : vector<512x2048xi1>, vector<512x2048xf32>
    %reduce_max3A_264 = arith.constant dense<0xFF800000> : vector<512xf32>
    %reduce_max3A_265 = vector.multi_reduction <maximumf>, %select_n3A_263, %reduce_max3A_264 [1] : vector<512x2048xf32> to vector<512xf32>
    %broadcast_in_dim3A_266 = vector.shape_cast %reduce_max3A_265 : vector<512xf32> to vector<512x1xf32>
    %bitcast_convert_type3A_267 = tpu.bitcast %broadcast_in_dim3A_266 : vector<512x1xf32> -> vector<512x1xi32>
    %and3A_268 = arith.constant 2047 : i32
    %and3A_269 = vector.broadcast %and3A_268 : i32 to vector<512x1xi32>
    %and3A_270 = arith.andi %bitcast_convert_type3A_267, %and3A_269 : vector<512x1xi32>
    %sub3A_271 = arith.constant 2047 : i32
    %sub3A_272 = vector.broadcast %sub3A_271 : i32 to vector<512x1xi32>
    %sub3A_273 = arith.subi %sub3A_272, %and3A_270 : vector<512x1xi32>
    %add3A_274 = vector.broadcast %mul3A_37 : i32 to vector<512x1xi32>
    %add3A_275 = arith.addi %sub3A_273, %add3A_274 : vector<512x1xi32>
    %swap3A_276 = arith.constant 0 : index
    %swap3A_277 = arith.constant 0 : index
    %swap3A_278 = arith.constant 10 : index
    %swap3A_279 = vector.load %arg5[%swap3A_276, %swap3A_277, %swap3A_278] : memref<1x512x20xi32, #tpu.memory_space<vmem>>, vector<1x512x1xi32>
    %swap3A_280 = vector.shape_cast %swap3A_279 : vector<1x512x1xi32> to vector<512x1xi32>
    %swap3A_281 = vector.shape_cast %add3A_275 : vector<512x1xi32> to vector<1x512x1xi32>
    tpu.vector_store %arg5[%swap3A_276, %swap3A_277, %swap3A_278], %swap3A_281 {strides = array<i32>} : memref<1x512x20xi32, #tpu.memory_space<vmem>>, vector<1x512x1xi32>,
    %eq3A_282 = vector.broadcast %broadcast_in_dim3A_266 : vector<512x1xf32> to vector<512x2048xf32>
    %eq3A_283 = arith.cmpf oeq, %select_n3A_263, %eq3A_282 : vector<512x2048xf32>
    %jit3A_284 = arith.constant 0xFF800000 : f32
    %broadcast_in_dim3A_285 = vector.broadcast %jit3A_284 : f32 to vector<512x2048xf32>
    %select_n3A_286 = arith.select %eq3A_283, %broadcast_in_dim3A_285, %select_n3A_263 : vector<512x2048xi1>, vector<512x2048xf32>
    %reduce_max3A_287 = arith.constant dense<0xFF800000> : vector<512xf32>
    %reduce_max3A_288 = vector.multi_reduction <maximumf>, %select_n3A_286, %reduce_max3A_287 [1] : vector<512x2048xf32> to vector<512xf32>
    %broadcast_in_dim3A_289 = vector.shape_cast %reduce_max3A_288 : vector<512xf32> to vector<512x1xf32>
    %bitcast_convert_type3A_290 = tpu.bitcast %broadcast_in_dim3A_289 : vector<512x1xf32> -> vector<512x1xi32>
    %and3A_291 = arith.constant 2047 : i32
    %and3A_292 = vector.broadcast %and3A_291 : i32 to vector<512x1xi32>
    %and3A_293 = arith.andi %bitcast_convert_type3A_290, %and3A_292 : vector<512x1xi32>
    %sub3A_294 = arith.constant 2047 : i32
    %sub3A_295 = vector.broadcast %sub3A_294 : i32 to vector<512x1xi32>
    %sub3A_296 = arith.subi %sub3A_295, %and3A_293 : vector<512x1xi32>
    %add3A_297 = vector.broadcast %mul3A_37 : i32 to vector<512x1xi32>
    %add3A_298 = arith.addi %sub3A_296, %add3A_297 : vector<512x1xi32>
    %swap3A_299 = arith.constant 0 : index
    %swap3A_300 = arith.constant 0 : index
    %swap3A_301 = arith.constant 11 : index
    %swap3A_302 = vector.load %arg5[%swap3A_299, %swap3A_300, %swap3A_301] : memref<1x512x20xi32, #tpu.memory_space<vmem>>, vector<1x512x1xi32>
    %swap3A_303 = vector.shape_cast %swap3A_302 : vector<1x512x1xi32> to vector<512x1xi32>
    %swap3A_304 = vector.shape_cast %add3A_298 : vector<512x1xi32> to vector<1x512x1xi32>
    tpu.vector_store %arg5[%swap3A_299, %swap3A_300, %swap3A_301], %swap3A_304 {strides = array<i32>} : memref<1x512x20xi32, #tpu.memory_space<vmem>>, vector<1x512x1xi32>,
    %eq3A_305 = vector.broadcast %broadcast_in_dim3A_289 : vector<512x1xf32> to vector<512x2048xf32>
    %eq3A_306 = arith.cmpf oeq, %select_n3A_286, %eq3A_305 : vector<512x2048xf32>
    %jit3A_307 = arith.constant 0xFF800000 : f32
    %broadcast_in_dim3A_308 = vector.broadcast %jit3A_307 : f32 to vector<512x2048xf32>
    %select_n3A_309 = arith.select %eq3A_306, %broadcast_in_dim3A_308, %select_n3A_286 : vector<512x2048xi1>, vector<512x2048xf32>
    %reduce_max3A_310 = arith.constant dense<0xFF800000> : vector<512xf32>
    %reduce_max3A_311 = vector.multi_reduction <maximumf>, %select_n3A_309, %reduce_max3A_310 [1] : vector<512x2048xf32> to vector<512xf32>
    %broadcast_in_dim3A_312 = vector.shape_cast %reduce_max3A_311 : vector<512xf32> to vector<512x1xf32>
    %bitcast_convert_type3A_313 = tpu.bitcast %broadcast_in_dim3A_312 : vector<512x1xf32> -> vector<512x1xi32>
    %and3A_314 = arith.constant 2047 : i32
    %and3A_315 = vector.broadcast %and3A_314 : i32 to vector<512x1xi32>
    %and3A_316 = arith.andi %bitcast_convert_type3A_313, %and3A_315 : vector<512x1xi32>
    %sub3A_317 = arith.constant 2047 : i32
    %sub3A_318 = vector.broadcast %sub3A_317 : i32 to vector<512x1xi32>
    %sub3A_319 = arith.subi %sub3A_318, %and3A_316 : vector<512x1xi32>
    %add3A_320 = vector.broadcast %mul3A_37 : i32 to vector<512x1xi32>
    %add3A_321 = arith.addi %sub3A_319, %add3A_320 : vector<512x1xi32>
    %swap3A_322 = arith.constant 0 : index
    %swap3A_323 = arith.constant 0 : index
    %swap3A_324 = arith.constant 12 : index
    %swap3A_325 = vector.load %arg5[%swap3A_322, %swap3A_323, %swap3A_324] : memref<1x512x20xi32, #tpu.memory_space<vmem>>, vector<1x512x1xi32>
    %swap3A_326 = vector.shape_cast %swap3A_325 : vector<1x512x1xi32> to vector<512x1xi32>
    %swap3A_327 = vector.shape_cast %add3A_321 : vector<512x1xi32> to vector<1x512x1xi32>
    tpu.vector_store %arg5[%swap3A_322, %swap3A_323, %swap3A_324], %swap3A_327 {strides = array<i32>} : memref<1x512x20xi32, #tpu.memory_space<vmem>>, vector<1x512x1xi32>,
    %eq3A_328 = vector.broadcast %broadcast_in_dim3A_312 : vector<512x1xf32> to vector<512x2048xf32>
    %eq3A_329 = arith.cmpf oeq, %select_n3A_309, %eq3A_328 : vector<512x2048xf32>
    %jit3A_330 = arith.constant 0xFF800000 : f32
    %broadcast_in_dim3A_331 = vector.broadcast %jit3A_330 : f32 to vector<512x2048xf32>
    %select_n3A_332 = arith.select %eq3A_329, %broadcast_in_dim3A_331, %select_n3A_309 : vector<512x2048xi1>, vector<512x2048xf32>
    %reduce_max3A_333 = arith.constant dense<0xFF800000> : vector<512xf32>
    %reduce_max3A_334 = vector.multi_reduction <maximumf>, %select_n3A_332, %reduce_max3A_333 [1] : vector<512x2048xf32> to vector<512xf32>
    %broadcast_in_dim3A_335 = vector.shape_cast %reduce_max3A_334 : vector<512xf32> to vector<512x1xf32>
    %bitcast_convert_type3A_336 = tpu.bitcast %broadcast_in_dim3A_335 : vector<512x1xf32> -> vector<512x1xi32>
    %and3A_337 = arith.constant 2047 : i32
    %and3A_338 = vector.broadcast %and3A_337 : i32 to vector<512x1xi32>
    %and3A_339 = arith.andi %bitcast_convert_type3A_336, %and3A_338 : vector<512x1xi32>
    %sub3A_340 = arith.constant 2047 : i32
    %sub3A_341 = vector.broadcast %sub3A_340 : i32 to vector<512x1xi32>
    %sub3A_342 = arith.subi %sub3A_341, %and3A_339 : vector<512x1xi32>
    %add3A_343 = vector.broadcast %mul3A_37 : i32 to vector<512x1xi32>
    %add3A_344 = arith.addi %sub3A_342, %add3A_343 : vector<512x1xi32>
    %swap3A_345 = arith.constant 0 : index
    %swap3A_346 = arith.constant 0 : index
    %swap3A_347 = arith.constant 13 : index
    %swap3A_348 = vector.load %arg5[%swap3A_345, %swap3A_346, %swap3A_347] : memref<1x512x20xi32, #tpu.memory_space<vmem>>, vector<1x512x1xi32>
    %swap3A_349 = vector.shape_cast %swap3A_348 : vector<1x512x1xi32> to vector<512x1xi32>
    %swap3A_350 = vector.shape_cast %add3A_344 : vector<512x1xi32> to vector<1x512x1xi32>
    tpu.vector_store %arg5[%swap3A_345, %swap3A_346, %swap3A_347], %swap3A_350 {strides = array<i32>} : memref<1x512x20xi32, #tpu.memory_space<vmem>>, vector<1x512x1xi32>,
    %eq3A_351 = vector.broadcast %broadcast_in_dim3A_335 : vector<512x1xf32> to vector<512x2048xf32>
    %eq3A_352 = arith.cmpf oeq, %select_n3A_332, %eq3A_351 : vector<512x2048xf32>
    %jit3A_353 = arith.constant 0xFF800000 : f32
    %broadcast_in_dim3A_354 = vector.broadcast %jit3A_353 : f32 to vector<512x2048xf32>
    %select_n3A_355 = arith.select %eq3A_352, %broadcast_in_dim3A_354, %select_n3A_332 : vector<512x2048xi1>, vector<512x2048xf32>
    %reduce_max3A_356 = arith.constant dense<0xFF800000> : vector<512xf32>
    %reduce_max3A_357 = vector.multi_reduction <maximumf>, %select_n3A_355, %reduce_max3A_356 [1] : vector<512x2048xf32> to vector<512xf32>
    %broadcast_in_dim3A_358 = vector.shape_cast %reduce_max3A_357 : vector<512xf32> to vector<512x1xf32>
    %bitcast_convert_type3A_359 = tpu.bitcast %broadcast_in_dim3A_358 : vector<512x1xf32> -> vector<512x1xi32>
    %and3A_360 = arith.constant 2047 : i32
    %and3A_361 = vector.broadcast %and3A_360 : i32 to vector<512x1xi32>
    %and3A_362 = arith.andi %bitcast_convert_type3A_359, %and3A_361 : vector<512x1xi32>
    %sub3A_363 = arith.constant 2047 : i32
    %sub3A_364 = vector.broadcast %sub3A_363 : i32 to vector<512x1xi32>
    %sub3A_365 = arith.subi %sub3A_364, %and3A_362 : vector<512x1xi32>
    %add3A_366 = vector.broadcast %mul3A_37 : i32 to vector<512x1xi32>
    %add3A_367 = arith.addi %sub3A_365, %add3A_366 : vector<512x1xi32>
    %swap3A_368 = arith.constant 0 : index
    %swap3A_369 = arith.constant 0 : index
    %swap3A_370 = arith.constant 14 : index
    %swap3A_371 = vector.load %arg5[%swap3A_368, %swap3A_369, %swap3A_370] : memref<1x512x20xi32, #tpu.memory_space<vmem>>, vector<1x512x1xi32>
    %swap3A_372 = vector.shape_cast %swap3A_371 : vector<1x512x1xi32> to vector<512x1xi32>
    %swap3A_373 = vector.shape_cast %add3A_367 : vector<512x1xi32> to vector<1x512x1xi32>
    tpu.vector_store %arg5[%swap3A_368, %swap3A_369, %swap3A_370], %swap3A_373 {strides = array<i32>} : memref<1x512x20xi32, #tpu.memory_space<vmem>>, vector<1x512x1xi32>,
    %eq3A_374 = vector.broadcast %broadcast_in_dim3A_358 : vector<512x1xf32> to vector<512x2048xf32>
    %eq3A_375 = arith.cmpf oeq, %select_n3A_355, %eq3A_374 : vector<512x2048xf32>
    %jit3A_376 = arith.constant 0xFF800000 : f32
    %broadcast_in_dim3A_377 = vector.broadcast %jit3A_376 : f32 to vector<512x2048xf32>
    %select_n3A_378 = arith.select %eq3A_375, %broadcast_in_dim3A_377, %select_n3A_355 : vector<512x2048xi1>, vector<512x2048xf32>
    %reduce_max3A_379 = arith.constant dense<0xFF800000> : vector<512xf32>
    %reduce_max3A_380 = vector.multi_reduction <maximumf>, %select_n3A_378, %reduce_max3A_379 [1] : vector<512x2048xf32> to vector<512xf32>
    %broadcast_in_dim3A_381 = vector.shape_cast %reduce_max3A_380 : vector<512xf32> to vector<512x1xf32>
    %bitcast_convert_type3A_382 = tpu.bitcast %broadcast_in_dim3A_381 : vector<512x1xf32> -> vector<512x1xi32>
    %and3A_383 = arith.constant 2047 : i32
    %and3A_384 = vector.broadcast %and3A_383 : i32 to vector<512x1xi32>
    %and3A_385 = arith.andi %bitcast_convert_type3A_382, %and3A_384 : vector<512x1xi32>
    %sub3A_386 = arith.constant 2047 : i32
    %sub3A_387 = vector.broadcast %sub3A_386 : i32 to vector<512x1xi32>
    %sub3A_388 = arith.subi %sub3A_387, %and3A_385 : vector<512x1xi32>
    %add3A_389 = vector.broadcast %mul3A_37 : i32 to vector<512x1xi32>
    %add3A_390 = arith.addi %sub3A_388, %add3A_389 : vector<512x1xi32>
    %swap3A_391 = arith.constant 0 : index
    %swap3A_392 = arith.constant 0 : index
    %swap3A_393 = arith.constant 15 : index
    %swap3A_394 = vector.load %arg5[%swap3A_391, %swap3A_392, %swap3A_393] : memref<1x512x20xi32, #tpu.memory_space<vmem>>, vector<1x512x1xi32>
    %swap3A_395 = vector.shape_cast %swap3A_394 : vector<1x512x1xi32> to vector<512x1xi32>
    %swap3A_396 = vector.shape_cast %add3A_390 : vector<512x1xi32> to vector<1x512x1xi32>
    tpu.vector_store %arg5[%swap3A_391, %swap3A_392, %swap3A_393], %swap3A_396 {strides = array<i32>} : memref<1x512x20xi32, #tpu.memory_space<vmem>>, vector<1x512x1xi32>,
    %eq3A_397 = vector.broadcast %broadcast_in_dim3A_381 : vector<512x1xf32> to vector<512x2048xf32>
    %eq3A_398 = arith.cmpf oeq, %select_n3A_378, %eq3A_397 : vector<512x2048xf32>
    %jit3A_399 = arith.constant 0xFF800000 : f32
    %broadcast_in_dim3A_400 = vector.broadcast %jit3A_399 : f32 to vector<512x2048xf32>
    %select_n3A_401 = arith.select %eq3A_398, %broadcast_in_dim3A_400, %select_n3A_378 : vector<512x2048xi1>, vector<512x2048xf32>
    %reduce_max3A_402 = arith.constant dense<0xFF800000> : vector<512xf32>
    %reduce_max3A_403 = vector.multi_reduction <maximumf>, %select_n3A_401, %reduce_max3A_402 [1] : vector<512x2048xf32> to vector<512xf32>
    %broadcast_in_dim3A_404 = vector.shape_cast %reduce_max3A_403 : vector<512xf32> to vector<512x1xf32>
    %bitcast_convert_type3A_405 = tpu.bitcast %broadcast_in_dim3A_404 : vector<512x1xf32> -> vector<512x1xi32>
    %and3A_406 = arith.constant 2047 : i32
    %and3A_407 = vector.broadcast %and3A_406 : i32 to vector<512x1xi32>
    %and3A_408 = arith.andi %bitcast_convert_type3A_405, %and3A_407 : vector<512x1xi32>
    %sub3A_409 = arith.constant 2047 : i32
    %sub3A_410 = vector.broadcast %sub3A_409 : i32 to vector<512x1xi32>
    %sub3A_411 = arith.subi %sub3A_410, %and3A_408 : vector<512x1xi32>
    %add3A_412 = vector.broadcast %mul3A_37 : i32 to vector<512x1xi32>
    %add3A_413 = arith.addi %sub3A_411, %add3A_412 : vector<512x1xi32>
    %swap3A_414 = arith.constant 0 : index
    %swap3A_415 = arith.constant 0 : index
    %swap3A_416 = arith.constant 16 : index
    %swap3A_417 = vector.load %arg5[%swap3A_414, %swap3A_415, %swap3A_416] : memref<1x512x20xi32, #tpu.memory_space<vmem>>, vector<1x512x1xi32>
    %swap3A_418 = vector.shape_cast %swap3A_417 : vector<1x512x1xi32> to vector<512x1xi32>
    %swap3A_419 = vector.shape_cast %add3A_413 : vector<512x1xi32> to vector<1x512x1xi32>
    tpu.vector_store %arg5[%swap3A_414, %swap3A_415, %swap3A_416], %swap3A_419 {strides = array<i32>} : memref<1x512x20xi32, #tpu.memory_space<vmem>>, vector<1x512x1xi32>,
    %eq3A_420 = vector.broadcast %broadcast_in_dim3A_404 : vector<512x1xf32> to vector<512x2048xf32>
    %eq3A_421 = arith.cmpf oeq, %select_n3A_401, %eq3A_420 : vector<512x2048xf32>
    %jit3A_422 = arith.constant 0xFF800000 : f32
    %broadcast_in_dim3A_423 = vector.broadcast %jit3A_422 : f32 to vector<512x2048xf32>
    %select_n3A_424 = arith.select %eq3A_421, %broadcast_in_dim3A_423, %select_n3A_401 : vector<512x2048xi1>, vector<512x2048xf32>
    %reduce_max3A_425 = arith.constant dense<0xFF800000> : vector<512xf32>
    %reduce_max3A_426 = vector.multi_reduction <maximumf>, %select_n3A_424, %reduce_max3A_425 [1] : vector<512x2048xf32> to vector<512xf32>
    %broadcast_in_dim3A_427 = vector.shape_cast %reduce_max3A_426 : vector<512xf32> to vector<512x1xf32>
    %bitcast_convert_type3A_428 = tpu.bitcast %broadcast_in_dim3A_427 : vector<512x1xf32> -> vector<512x1xi32>
    %and3A_429 = arith.constant 2047 : i32
    %and3A_430 = vector.broadcast %and3A_429 : i32 to vector<512x1xi32>
    %and3A_431 = arith.andi %bitcast_convert_type3A_428, %and3A_430 : vector<512x1xi32>
    %sub3A_432 = arith.constant 2047 : i32
    %sub3A_433 = vector.broadcast %sub3A_432 : i32 to vector<512x1xi32>
    %sub3A_434 = arith.subi %sub3A_433, %and3A_431 : vector<512x1xi32>
    %add3A_435 = vector.broadcast %mul3A_37 : i32 to vector<512x1xi32>
    %add3A_436 = arith.addi %sub3A_434, %add3A_435 : vector<512x1xi32>
    %swap3A_437 = arith.constant 0 : index
    %swap3A_438 = arith.constant 0 : index
    %swap3A_439 = arith.constant 17 : index
    %swap3A_440 = vector.load %arg5[%swap3A_437, %swap3A_438, %swap3A_439] : memref<1x512x20xi32, #tpu.memory_space<vmem>>, vector<1x512x1xi32>
    %swap3A_441 = vector.shape_cast %swap3A_440 : vector<1x512x1xi32> to vector<512x1xi32>
    %swap3A_442 = vector.shape_cast %add3A_436 : vector<512x1xi32> to vector<1x512x1xi32>
    tpu.vector_store %arg5[%swap3A_437, %swap3A_438, %swap3A_439], %swap3A_442 {strides = array<i32>} : memref<1x512x20xi32, #tpu.memory_space<vmem>>, vector<1x512x1xi32>,
    %eq3A_443 = vector.broadcast %broadcast_in_dim3A_427 : vector<512x1xf32> to vector<512x2048xf32>
    %eq3A_444 = arith.cmpf oeq, %select_n3A_424, %eq3A_443 : vector<512x2048xf32>
    %jit3A_445 = arith.constant 0xFF800000 : f32
    %broadcast_in_dim3A_446 = vector.broadcast %jit3A_445 : f32 to vector<512x2048xf32>
    %select_n3A_447 = arith.select %eq3A_444, %broadcast_in_dim3A_446, %select_n3A_424 : vector<512x2048xi1>, vector<512x2048xf32>
    %reduce_max3A_448 = arith.constant dense<0xFF800000> : vector<512xf32>
    %reduce_max3A_449 = vector.multi_reduction <maximumf>, %select_n3A_447, %reduce_max3A_448 [1] : vector<512x2048xf32> to vector<512xf32>
    %broadcast_in_dim3A_450 = vector.shape_cast %reduce_max3A_449 : vector<512xf32> to vector<512x1xf32>
    %bitcast_convert_type3A_451 = tpu.bitcast %broadcast_in_dim3A_450 : vector<512x1xf32> -> vector<512x1xi32>
    %and3A_452 = arith.constant 2047 : i32
    %and3A_453 = vector.broadcast %and3A_452 : i32 to vector<512x1xi32>
    %and3A_454 = arith.andi %bitcast_convert_type3A_451, %and3A_453 : vector<512x1xi32>
    %sub3A_455 = arith.constant 2047 : i32
    %sub3A_456 = vector.broadcast %sub3A_455 : i32 to vector<512x1xi32>
    %sub3A_457 = arith.subi %sub3A_456, %and3A_454 : vector<512x1xi32>
    %add3A_458 = vector.broadcast %mul3A_37 : i32 to vector<512x1xi32>
    %add3A_459 = arith.addi %sub3A_457, %add3A_458 : vector<512x1xi32>
    %swap3A_460 = arith.constant 0 : index
    %swap3A_461 = arith.constant 0 : index
    %swap3A_462 = arith.constant 18 : index
    %swap3A_463 = vector.load %arg5[%swap3A_460, %swap3A_461, %swap3A_462] : memref<1x512x20xi32, #tpu.memory_space<vmem>>, vector<1x512x1xi32>
    %swap3A_464 = vector.shape_cast %swap3A_463 : vector<1x512x1xi32> to vector<512x1xi32>
    %swap3A_465 = vector.shape_cast %add3A_459 : vector<512x1xi32> to vector<1x512x1xi32>
    tpu.vector_store %arg5[%swap3A_460, %swap3A_461, %swap3A_462], %swap3A_465 {strides = array<i32>} : memref<1x512x20xi32, #tpu.memory_space<vmem>>, vector<1x512x1xi32>,
    %eq3A_466 = vector.broadcast %broadcast_in_dim3A_450 : vector<512x1xf32> to vector<512x2048xf32>
    %eq3A_467 = arith.cmpf oeq, %select_n3A_447, %eq3A_466 : vector<512x2048xf32>
    %jit3A_468 = arith.constant 0xFF800000 : f32
    %broadcast_in_dim3A_469 = vector.broadcast %jit3A_468 : f32 to vector<512x2048xf32>
    %select_n3A_470 = arith.select %eq3A_467, %broadcast_in_dim3A_469, %select_n3A_447 : vector<512x2048xi1>, vector<512x2048xf32>
    %reduce_max3A_471 = arith.constant dense<0xFF800000> : vector<512xf32>
    %reduce_max3A_472 = vector.multi_reduction <maximumf>, %select_n3A_470, %reduce_max3A_471 [1] : vector<512x2048xf32> to vector<512xf32>
    %broadcast_in_dim3A_473 = vector.shape_cast %reduce_max3A_472 : vector<512xf32> to vector<512x1xf32>
    %bitcast_convert_type3A_474 = tpu.bitcast %broadcast_in_dim3A_473 : vector<512x1xf32> -> vector<512x1xi32>
    %and3A_475 = arith.constant 2047 : i32
    %and3A_476 = vector.broadcast %and3A_475 : i32 to vector<512x1xi32>
    %and3A_477 = arith.andi %bitcast_convert_type3A_474, %and3A_476 : vector<512x1xi32>
    %sub3A_478 = arith.constant 2047 : i32
    %sub3A_479 = vector.broadcast %sub3A_478 : i32 to vector<512x1xi32>
    %sub3A_480 = arith.subi %sub3A_479, %and3A_477 : vector<512x1xi32>
    %add3A_481 = vector.broadcast %mul3A_37 : i32 to vector<512x1xi32>
    %add3A_482 = arith.addi %sub3A_480, %add3A_481 : vector<512x1xi32>
    %swap3A_483 = arith.constant 0 : index
    %swap3A_484 = arith.constant 0 : index
    %swap3A_485 = arith.constant 19 : index
    %swap3A_486 = vector.load %arg5[%swap3A_483, %swap3A_484, %swap3A_485] : memref<1x512x20xi32, #tpu.memory_space<vmem>>, vector<1x512x1xi32>
    %swap3A_487 = vector.shape_cast %swap3A_486 : vector<1x512x1xi32> to vector<512x1xi32>
    %swap3A_488 = vector.shape_cast %add3A_482 : vector<512x1xi32> to vector<1x512x1xi32>
    tpu.vector_store %arg5[%swap3A_483, %swap3A_484, %swap3A_485], %swap3A_488 {strides = array<i32>} : memref<1x512x20xi32, #tpu.memory_space<vmem>>, vector<1x512x1xi32>,
    return
  }
  func.func @transform_0(%arg0: i32, %arg1: i32) -> (i32, i32, i32) {
    %add3A = arith.constant 0 : i32
    %add3A_0 = arith.addi %add3A, %arg0 : i32
    %c0_i32 = arith.constant 0 : i32
    %c0_i32_1 = arith.constant 0 : i32
    return %add3A_0, %c0_i32, %arg1 : i32, i32, i32
  }
  func.func @transform_1(%arg0: i32, %arg1: i32) -> (i32, i32, i32) {
    %add3A = arith.constant 0 : i32
    %add3A_0 = arith.addi %add3A, %arg0 : i32
    %c0_i32 = arith.constant 0 : i32
    %c0_i32_1 = arith.constant 0 : i32
    %c0_i32_2 = arith.constant 0 : i32
    return %add3A_0, %c0_i32, %c0_i32_1 : i32, i32, i32
  }
  func.func @transform_2(%arg0: i32, %arg1: i32) -> (i32, i32) {
    %c0_i32 = arith.constant 0 : i32
    %c0_i32_0 = arith.constant 0 : i32
    %c0_i32_1 = arith.constant 0 : i32
    return %c0_i32, %c0_i32_0 : i32, i32
  }
  func.func @transform_3(%arg0: i32, %arg1: i32) -> (i32, i32, i32) {
    %c0_i32 = arith.constant 0 : i32
    %c0_i32_0 = arith.constant 0 : i32
    return %arg0, %arg1, %c0_i32 : i32, i32, i32
  }
  func.func @transform_4(%arg0: i32, %arg1: i32) -> (i32, i32) {
    %mul3A = arith.constant 4 : i32
    %mul3A_0 = arith.muli %arg0, %mul3A : i32
    %add3A = arith.addi %mul3A_0, %arg1 : i32
    %c0_i32 = arith.constant 0 : i32
    %c0_i32_1 = arith.constant 0 : i32
    return %add3A, %c0_i32 : i32, i32
  }
  func.func @transform_5(%arg0: i32, %arg1: i32) -> (i32, i32) {
    %mul3A = arith.constant 4 : i32
    %mul3A_0 = arith.muli %arg0, %mul3A : i32
    %add3A = arith.addi %mul3A_0, %arg1 : i32
    %c0_i32 = arith.constant 0 : i32
    %c0_i32_1 = arith.constant 0 : i32
    return %add3A, %c0_i32 : i32, i32
  }
}

module attributes {stable_mosaic.version = 14 : i64} {
  func.func @_topk_kernel(%arg0: i32, %arg1: i32, %arg2: memref<1x64x512xf32, #tpu.memory_space<vmem>>, %arg3: memref<1x64x2048xf32, #tpu.memory_space<vmem>>, %arg4: memref<128x64xf32, #tpu.memory_space<vmem>>, %arg5: memref<1x512x20xi32, #tpu.memory_space<vmem>>, %arg6: memref<512x64xf32, #tpu.memory_space<vmem>>, %arg7: memref<512x64xf32, #tpu.memory_space<vmem>>) attributes {dimension_semantics = [#tpu.dimension_semantics<arbitrary>, #tpu.dimension_semantics<arbitrary>], iteration_bounds = array<i64: 4, 4>, scalar_prefetch = 0 : i64, scratch_operands = 0 : i64, tpu.core_type = #tpu.core_type<tc>, window_params = [{transform_indices = @transform_0, window_bounds = array<i64: 1, 64, 512>}, {transform_indices = @transform_1, window_bounds = array<i64: 1, 64, 2048>}, {pipeline_mode = #tpu.pipeline_mode<synchronous>, transform_indices = @transform_2, window_bounds = array<i64: 128, 64>}, {transform_indices = @transform_3, window_bounds = array<i64: 1, 512, 20>}, {transform_indices = @transform_4, window_bounds = array<i64: 512, 64>}, {transform_indices = @transform_5, window_bounds = array<i64: 512, 64>}]} {
    %get3A = arith.constant 0 : index
    %get3A_0 = arith.constant 0 : index
    %get3A_1 = arith.constant 0 : index
    %get3A_2 = vector.load %arg2[%get3A, %get3A_0, %get3A_1] : memref<1x64x512xf32, #tpu.memory_space<vmem>>, vector<1x64x512xf32>
    %get3A_3 = vector.shape_cast %get3A_2 : vector<1x64x512xf32> to vector<64x512xf32>
    %get3A_4 = arith.constant 0 : index
    %get3A_5 = arith.constant 0 : index
    %get3A_6 = arith.constant 0 : index
    %get3A_7 = vector.load %arg3[%get3A_4, %get3A_5, %get3A_6] : memref<1x64x2048xf32, #tpu.memory_space<vmem>>, vector<1x64x2048xf32>
    %get3A_8 = vector.shape_cast %get3A_7 : vector<1x64x2048xf32> to vector<64x2048xf32>
    %get3A_9 = arith.constant 0 : index
    %get3A_10 = arith.constant 0 : index
    %get3A_11 = vector.load %arg4[%get3A_9, %get3A_10] : memref<128x64xf32, #tpu.memory_space<vmem>>, vector<64x64xf32>
    %get3A_12 = arith.constant 64 : index
    %get3A_13 = arith.constant 0 : index
    %get3A_14 = vector.load %arg4[%get3A_12, %get3A_13] : memref<128x64xf32, #tpu.memory_space<vmem>>, vector<64x64xf32>
    %dot_general3A = arith.constant dense<0.000000e+00> : vector<512x64xf32>
    %dot_general3A_15 = tpu.matmul %get3A_3, %get3A_11, %dot_general3A {dimension_numbers = #tpu.dot_dimension_numbers<[0], [0], [1], [1], [0, 1, 1, 1], [], []>, transpose_lhs_hint = false} : vector<64x512xf32>, vector<64x64xf32>, vector<512x64xf32> -> vector<512x64xf32>
    %swap3A = arith.constant 0 : index
    %swap3A_16 = arith.constant 0 : index
    %swap3A_17 = vector.load %arg7[%swap3A, %swap3A_16] : memref<512x64xf32, #tpu.memory_space<vmem>>, vector<512x64xf32>
    tpu.vector_store %arg7[%swap3A, %swap3A_16], %dot_general3A_15 {strides = array<i32>} : memref<512x64xf32, #tpu.memory_space<vmem>>, vector<512x64xf32>,
    %add3A = arith.addf %get3A_11, %get3A_14 : vector<64x64xf32>
    %dot_general3A_18 = arith.constant dense<0.000000e+00> : vector<512x64xf32>
    %dot_general3A_19 = tpu.matmul %get3A_3, %add3A, %dot_general3A_18 {dimension_numbers = #tpu.dot_dimension_numbers<[0], [0], [1], [1], [0, 1, 1, 1], [], []>, transpose_lhs_hint = false} : vector<64x512xf32>, vector<64x64xf32>, vector<512x64xf32> -> vector<512x64xf32>
    %swap3A_20 = arith.constant 0 : index
    %swap3A_21 = arith.constant 0 : index
    %swap3A_22 = vector.load %arg6[%swap3A_20, %swap3A_21] : memref<512x64xf32, #tpu.memory_space<vmem>>, vector<512x64xf32>
    tpu.vector_store %arg6[%swap3A_20, %swap3A_21], %dot_general3A_19 {strides = array<i32>} : memref<512x64xf32, #tpu.memory_space<vmem>>, vector<512x64xf32>,
    %dot_general3A_23 = arith.constant dense<0.000000e+00> : vector<512x2048xf32>
    %dot_general3A_24 = tpu.matmul %get3A_3, %get3A_8, %dot_general3A_23 {dimension_numbers = #tpu.dot_dimension_numbers<[0], [0], [1], [1], [0, 1, 1, 1], [], []>, transpose_lhs_hint = false} : vector<64x512xf32>, vector<64x2048xf32>, vector<512x2048xf32> -> vector<512x2048xf32>
    %mul3A = arith.constant 2.000000e+00 : f32
    %mul3A_25 = vector.broadcast %mul3A : f32 to vector<512x2048xf32>
    %mul3A_26 = arith.mulf %mul3A_25, %dot_general3A_24 : vector<512x2048xf32>
    %mul3A_27 = arith.mulf %get3A_8, %get3A_8 : vector<64x2048xf32>
    %reduce_sum3A = arith.constant dense<0.000000e+00> : vector<2048xf32>
    %reduce_sum3A_28 = vector.multi_reduction <add>, %mul3A_27, %reduce_sum3A [0] : vector<64x2048xf32> to vector<2048xf32>
    %broadcast_in_dim3A = vector.shape_cast %reduce_sum3A_28 : vector<2048xf32> to vector<1x2048xf32>
    %sub3A = vector.broadcast %broadcast_in_dim3A : vector<1x2048xf32> to vector<512x2048xf32>
    %sub3A_29 = arith.subf %mul3A_26, %sub3A : vector<512x2048xf32>
    %bitcast_convert_type3A = tpu.bitcast %sub3A_29 : vector<512x2048xf32> -> vector<512x2048xi32>
    %iota3A = tpu.iota {dimensions = array<i32: 1>} : vector<512x2048xi32>
    %and3A = arith.constant -2048 : i32
    %and3A_30 = vector.broadcast %and3A : i32 to vector<512x2048xi32>
    %and3A_31 = arith.andi %bitcast_convert_type3A, %and3A_30 : vector<512x2048xi32>
    %sub3A_32 = arith.constant 2047 : i32
    %sub3A_33 = vector.broadcast %sub3A_32 : i32 to vector<512x2048xi32>
    %sub3A_34 = arith.subi %sub3A_33, %iota3A : vector<512x2048xi32>
    %or3A = arith.ori %and3A_31, %sub3A_34 : vector<512x2048xi32>
    %bitcast_convert_type3A_35 = tpu.bitcast %or3A : vector<512x2048xi32> -> vector<512x2048xf32>
    %mul3A_36 = arith.constant 2048 : i32
    %mul3A_37 = arith.muli %arg0, %mul3A_36 : i32
    %reduce_max3A = arith.constant dense<0xFF800000> : vector<512xf32>
    %reduce_max3A_38 = vector.multi_reduction <maximumf>, %bitcast_convert_type3A_35, %reduce_max3A [1] : vector<512x2048xf32> to vector<512xf32>
    %broadcast_in_dim3A_39 = vector.shape_cast %reduce_max3A_38 : vector<512xf32> to vector<512x1xf32>
    %bitcast_convert_type3A_40 = tpu.bitcast %broadcast_in_dim3A_39 : vector<512x1xf32> -> vector<512x1xi32>
    %and3A_41 = arith.constant 2047 : i32
    %and3A_42 = vector.broadcast %and3A_41 : i32 to vector<512x1xi32>
    %and3A_43 = arith.andi %bitcast_convert_type3A_40, %and3A_42 : vector<512x1xi32>
    %sub3A_44 = arith.constant 2047 : i32
    %sub3A_45 = vector.broadcast %sub3A_44 : i32 to vector<512x1xi32>
    %sub3A_46 = arith.subi %sub3A_45, %and3A_43 : vector<512x1xi32>
    %add3A_47 = vector.broadcast %mul3A_37 : i32 to vector<512x1xi32>
    %add3A_48 = arith.addi %sub3A_46, %add3A_47 : vector<512x1xi32>
    %swap3A_49 = arith.constant 0 : index
    %swap3A_50 = arith.constant 0 : index
    %swap3A_51 = arith.constant 0 : index
    %swap3A_52 = vector.load %arg5[%swap3A_49, %swap3A_50, %swap3A_51] : memref<1x512x20xi32, #tpu.memory_space<vmem>>, vector<1x512x1xi32>
    %swap3A_53 = vector.shape_cast %swap3A_52 : vector<1x512x1xi32> to vector<512x1xi32>
    %swap3A_54 = vector.shape_cast %add3A_48 : vector<512x1xi32> to vector<1x512x1xi32>
    tpu.vector_store %arg5[%swap3A_49, %swap3A_50, %swap3A_51], %swap3A_54 {strides = array<i32>} : memref<1x512x20xi32, #tpu.memory_space<vmem>>, vector<1x512x1xi32>,
    %eq3A = vector.broadcast %broadcast_in_dim3A_39 : vector<512x1xf32> to vector<512x2048xf32>
    %eq3A_55 = arith.cmpf oeq, %bitcast_convert_type3A_35, %eq3A : vector<512x2048xf32>
    %jit3A = arith.constant 0xFF800000 : f32
    %broadcast_in_dim3A_56 = vector.broadcast %jit3A : f32 to vector<512x2048xf32>
    %select_n3A = arith.select %eq3A_55, %broadcast_in_dim3A_56, %bitcast_convert_type3A_35 : vector<512x2048xi1>, vector<512x2048xf32>
    %reduce_max3A_57 = arith.constant dense<0xFF800000> : vector<512xf32>
    %reduce_max3A_58 = vector.multi_reduction <maximumf>, %select_n3A, %reduce_max3A_57 [1] : vector<512x2048xf32> to vector<512xf32>
    %broadcast_in_dim3A_59 = vector.shape_cast %reduce_max3A_58 : vector<512xf32> to vector<512x1xf32>
    %bitcast_convert_type3A_60 = tpu.bitcast %broadcast_in_dim3A_59 : vector<512x1xf32> -> vector<512x1xi32>
    %and3A_61 = arith.constant 2047 : i32
    %and3A_62 = vector.broadcast %and3A_61 : i32 to vector<512x1xi32>
    %and3A_63 = arith.andi %bitcast_convert_type3A_60, %and3A_62 : vector<512x1xi32>
    %sub3A_64 = arith.constant 2047 : i32
    %sub3A_65 = vector.broadcast %sub3A_64 : i32 to vector<512x1xi32>
    %sub3A_66 = arith.subi %sub3A_65, %and3A_63 : vector<512x1xi32>
    %add3A_67 = vector.broadcast %mul3A_37 : i32 to vector<512x1xi32>
    %add3A_68 = arith.addi %sub3A_66, %add3A_67 : vector<512x1xi32>
    %swap3A_69 = arith.constant 0 : index
    %swap3A_70 = arith.constant 0 : index
    %swap3A_71 = arith.constant 1 : index
    %swap3A_72 = vector.load %arg5[%swap3A_69, %swap3A_70, %swap3A_71] : memref<1x512x20xi32, #tpu.memory_space<vmem>>, vector<1x512x1xi32>
    %swap3A_73 = vector.shape_cast %swap3A_72 : vector<1x512x1xi32> to vector<512x1xi32>
    %swap3A_74 = vector.shape_cast %add3A_68 : vector<512x1xi32> to vector<1x512x1xi32>
    tpu.vector_store %arg5[%swap3A_69, %swap3A_70, %swap3A_71], %swap3A_74 {strides = array<i32>} : memref<1x512x20xi32, #tpu.memory_space<vmem>>, vector<1x512x1xi32>,
    %eq3A_75 = vector.broadcast %broadcast_in_dim3A_59 : vector<512x1xf32> to vector<512x2048xf32>
    %eq3A_76 = arith.cmpf oeq, %select_n3A, %eq3A_75 : vector<512x2048xf32>
    %jit3A_77 = arith.constant 0xFF800000 : f32
    %broadcast_in_dim3A_78 = vector.broadcast %jit3A_77 : f32 to vector<512x2048xf32>
    %select_n3A_79 = arith.select %eq3A_76, %broadcast_in_dim3A_78, %select_n3A : vector<512x2048xi1>, vector<512x2048xf32>
    %reduce_max3A_80 = arith.constant dense<0xFF800000> : vector<512xf32>
    %reduce_max3A_81 = vector.multi_reduction <maximumf>, %select_n3A_79, %reduce_max3A_80 [1] : vector<512x2048xf32> to vector<512xf32>
    %broadcast_in_dim3A_82 = vector.shape_cast %reduce_max3A_81 : vector<512xf32> to vector<512x1xf32>
    %bitcast_convert_type3A_83 = tpu.bitcast %broadcast_in_dim3A_82 : vector<512x1xf32> -> vector<512x1xi32>
    %and3A_84 = arith.constant 2047 : i32
    %and3A_85 = vector.broadcast %and3A_84 : i32 to vector<512x1xi32>
    %and3A_86 = arith.andi %bitcast_convert_type3A_83, %and3A_85 : vector<512x1xi32>
    %sub3A_87 = arith.constant 2047 : i32
    %sub3A_88 = vector.broadcast %sub3A_87 : i32 to vector<512x1xi32>
    %sub3A_89 = arith.subi %sub3A_88, %and3A_86 : vector<512x1xi32>
    %add3A_90 = vector.broadcast %mul3A_37 : i32 to vector<512x1xi32>
    %add3A_91 = arith.addi %sub3A_89, %add3A_90 : vector<512x1xi32>
    %swap3A_92 = arith.constant 0 : index
    %swap3A_93 = arith.constant 0 : index
    %swap3A_94 = arith.constant 2 : index
    %swap3A_95 = vector.load %arg5[%swap3A_92, %swap3A_93, %swap3A_94] : memref<1x512x20xi32, #tpu.memory_space<vmem>>, vector<1x512x1xi32>
    %swap3A_96 = vector.shape_cast %swap3A_95 : vector<1x512x1xi32> to vector<512x1xi32>
    %swap3A_97 = vector.shape_cast %add3A_91 : vector<512x1xi32> to vector<1x512x1xi32>
    tpu.vector_store %arg5[%swap3A_92, %swap3A_93, %swap3A_94], %swap3A_97 {strides = array<i32>} : memref<1x512x20xi32, #tpu.memory_space<vmem>>, vector<1x512x1xi32>,
    %eq3A_98 = vector.broadcast %broadcast_in_dim3A_82 : vector<512x1xf32> to vector<512x2048xf32>
    %eq3A_99 = arith.cmpf oeq, %select_n3A_79, %eq3A_98 : vector<512x2048xf32>
    %jit3A_100 = arith.constant 0xFF800000 : f32
    %broadcast_in_dim3A_101 = vector.broadcast %jit3A_100 : f32 to vector<512x2048xf32>
    %select_n3A_102 = arith.select %eq3A_99, %broadcast_in_dim3A_101, %select_n3A_79 : vector<512x2048xi1>, vector<512x2048xf32>
    %reduce_max3A_103 = arith.constant dense<0xFF800000> : vector<512xf32>
    %reduce_max3A_104 = vector.multi_reduction <maximumf>, %select_n3A_102, %reduce_max3A_103 [1] : vector<512x2048xf32> to vector<512xf32>
    %broadcast_in_dim3A_105 = vector.shape_cast %reduce_max3A_104 : vector<512xf32> to vector<512x1xf32>
    %bitcast_convert_type3A_106 = tpu.bitcast %broadcast_in_dim3A_105 : vector<512x1xf32> -> vector<512x1xi32>
    %and3A_107 = arith.constant 2047 : i32
    %and3A_108 = vector.broadcast %and3A_107 : i32 to vector<512x1xi32>
    %and3A_109 = arith.andi %bitcast_convert_type3A_106, %and3A_108 : vector<512x1xi32>
    %sub3A_110 = arith.constant 2047 : i32
    %sub3A_111 = vector.broadcast %sub3A_110 : i32 to vector<512x1xi32>
    %sub3A_112 = arith.subi %sub3A_111, %and3A_109 : vector<512x1xi32>
    %add3A_113 = vector.broadcast %mul3A_37 : i32 to vector<512x1xi32>
    %add3A_114 = arith.addi %sub3A_112, %add3A_113 : vector<512x1xi32>
    %swap3A_115 = arith.constant 0 : index
    %swap3A_116 = arith.constant 0 : index
    %swap3A_117 = arith.constant 3 : index
    %swap3A_118 = vector.load %arg5[%swap3A_115, %swap3A_116, %swap3A_117] : memref<1x512x20xi32, #tpu.memory_space<vmem>>, vector<1x512x1xi32>
    %swap3A_119 = vector.shape_cast %swap3A_118 : vector<1x512x1xi32> to vector<512x1xi32>
    %swap3A_120 = vector.shape_cast %add3A_114 : vector<512x1xi32> to vector<1x512x1xi32>
    tpu.vector_store %arg5[%swap3A_115, %swap3A_116, %swap3A_117], %swap3A_120 {strides = array<i32>} : memref<1x512x20xi32, #tpu.memory_space<vmem>>, vector<1x512x1xi32>,
    %eq3A_121 = vector.broadcast %broadcast_in_dim3A_105 : vector<512x1xf32> to vector<512x2048xf32>
    %eq3A_122 = arith.cmpf oeq, %select_n3A_102, %eq3A_121 : vector<512x2048xf32>
    %jit3A_123 = arith.constant 0xFF800000 : f32
    %broadcast_in_dim3A_124 = vector.broadcast %jit3A_123 : f32 to vector<512x2048xf32>
    %select_n3A_125 = arith.select %eq3A_122, %broadcast_in_dim3A_124, %select_n3A_102 : vector<512x2048xi1>, vector<512x2048xf32>
    %reduce_max3A_126 = arith.constant dense<0xFF800000> : vector<512xf32>
    %reduce_max3A_127 = vector.multi_reduction <maximumf>, %select_n3A_125, %reduce_max3A_126 [1] : vector<512x2048xf32> to vector<512xf32>
    %broadcast_in_dim3A_128 = vector.shape_cast %reduce_max3A_127 : vector<512xf32> to vector<512x1xf32>
    %bitcast_convert_type3A_129 = tpu.bitcast %broadcast_in_dim3A_128 : vector<512x1xf32> -> vector<512x1xi32>
    %and3A_130 = arith.constant 2047 : i32
    %and3A_131 = vector.broadcast %and3A_130 : i32 to vector<512x1xi32>
    %and3A_132 = arith.andi %bitcast_convert_type3A_129, %and3A_131 : vector<512x1xi32>
    %sub3A_133 = arith.constant 2047 : i32
    %sub3A_134 = vector.broadcast %sub3A_133 : i32 to vector<512x1xi32>
    %sub3A_135 = arith.subi %sub3A_134, %and3A_132 : vector<512x1xi32>
    %add3A_136 = vector.broadcast %mul3A_37 : i32 to vector<512x1xi32>
    %add3A_137 = arith.addi %sub3A_135, %add3A_136 : vector<512x1xi32>
    %swap3A_138 = arith.constant 0 : index
    %swap3A_139 = arith.constant 0 : index
    %swap3A_140 = arith.constant 4 : index
    %swap3A_141 = vector.load %arg5[%swap3A_138, %swap3A_139, %swap3A_140] : memref<1x512x20xi32, #tpu.memory_space<vmem>>, vector<1x512x1xi32>
    %swap3A_142 = vector.shape_cast %swap3A_141 : vector<1x512x1xi32> to vector<512x1xi32>
    %swap3A_143 = vector.shape_cast %add3A_137 : vector<512x1xi32> to vector<1x512x1xi32>
    tpu.vector_store %arg5[%swap3A_138, %swap3A_139, %swap3A_140], %swap3A_143 {strides = array<i32>} : memref<1x512x20xi32, #tpu.memory_space<vmem>>, vector<1x512x1xi32>,
    %eq3A_144 = vector.broadcast %broadcast_in_dim3A_128 : vector<512x1xf32> to vector<512x2048xf32>
    %eq3A_145 = arith.cmpf oeq, %select_n3A_125, %eq3A_144 : vector<512x2048xf32>
    %jit3A_146 = arith.constant 0xFF800000 : f32
    %broadcast_in_dim3A_147 = vector.broadcast %jit3A_146 : f32 to vector<512x2048xf32>
    %select_n3A_148 = arith.select %eq3A_145, %broadcast_in_dim3A_147, %select_n3A_125 : vector<512x2048xi1>, vector<512x2048xf32>
    %reduce_max3A_149 = arith.constant dense<0xFF800000> : vector<512xf32>
    %reduce_max3A_150 = vector.multi_reduction <maximumf>, %select_n3A_148, %reduce_max3A_149 [1] : vector<512x2048xf32> to vector<512xf32>
    %broadcast_in_dim3A_151 = vector.shape_cast %reduce_max3A_150 : vector<512xf32> to vector<512x1xf32>
    %bitcast_convert_type3A_152 = tpu.bitcast %broadcast_in_dim3A_151 : vector<512x1xf32> -> vector<512x1xi32>
    %and3A_153 = arith.constant 2047 : i32
    %and3A_154 = vector.broadcast %and3A_153 : i32 to vector<512x1xi32>
    %and3A_155 = arith.andi %bitcast_convert_type3A_152, %and3A_154 : vector<512x1xi32>
    %sub3A_156 = arith.constant 2047 : i32
    %sub3A_157 = vector.broadcast %sub3A_156 : i32 to vector<512x1xi32>
    %sub3A_158 = arith.subi %sub3A_157, %and3A_155 : vector<512x1xi32>
    %add3A_159 = vector.broadcast %mul3A_37 : i32 to vector<512x1xi32>
    %add3A_160 = arith.addi %sub3A_158, %add3A_159 : vector<512x1xi32>
    %swap3A_161 = arith.constant 0 : index
    %swap3A_162 = arith.constant 0 : index
    %swap3A_163 = arith.constant 5 : index
    %swap3A_164 = vector.load %arg5[%swap3A_161, %swap3A_162, %swap3A_163] : memref<1x512x20xi32, #tpu.memory_space<vmem>>, vector<1x512x1xi32>
    %swap3A_165 = vector.shape_cast %swap3A_164 : vector<1x512x1xi32> to vector<512x1xi32>
    %swap3A_166 = vector.shape_cast %add3A_160 : vector<512x1xi32> to vector<1x512x1xi32>
    tpu.vector_store %arg5[%swap3A_161, %swap3A_162, %swap3A_163], %swap3A_166 {strides = array<i32>} : memref<1x512x20xi32, #tpu.memory_space<vmem>>, vector<1x512x1xi32>,
    %eq3A_167 = vector.broadcast %broadcast_in_dim3A_151 : vector<512x1xf32> to vector<512x2048xf32>
    %eq3A_168 = arith.cmpf oeq, %select_n3A_148, %eq3A_167 : vector<512x2048xf32>
    %jit3A_169 = arith.constant 0xFF800000 : f32
    %broadcast_in_dim3A_170 = vector.broadcast %jit3A_169 : f32 to vector<512x2048xf32>
    %select_n3A_171 = arith.select %eq3A_168, %broadcast_in_dim3A_170, %select_n3A_148 : vector<512x2048xi1>, vector<512x2048xf32>
    %reduce_max3A_172 = arith.constant dense<0xFF800000> : vector<512xf32>
    %reduce_max3A_173 = vector.multi_reduction <maximumf>, %select_n3A_171, %reduce_max3A_172 [1] : vector<512x2048xf32> to vector<512xf32>
    %broadcast_in_dim3A_174 = vector.shape_cast %reduce_max3A_173 : vector<512xf32> to vector<512x1xf32>
    %bitcast_convert_type3A_175 = tpu.bitcast %broadcast_in_dim3A_174 : vector<512x1xf32> -> vector<512x1xi32>
    %and3A_176 = arith.constant 2047 : i32
    %and3A_177 = vector.broadcast %and3A_176 : i32 to vector<512x1xi32>
    %and3A_178 = arith.andi %bitcast_convert_type3A_175, %and3A_177 : vector<512x1xi32>
    %sub3A_179 = arith.constant 2047 : i32
    %sub3A_180 = vector.broadcast %sub3A_179 : i32 to vector<512x1xi32>
    %sub3A_181 = arith.subi %sub3A_180, %and3A_178 : vector<512x1xi32>
    %add3A_182 = vector.broadcast %mul3A_37 : i32 to vector<512x1xi32>
    %add3A_183 = arith.addi %sub3A_181, %add3A_182 : vector<512x1xi32>
    %swap3A_184 = arith.constant 0 : index
    %swap3A_185 = arith.constant 0 : index
    %swap3A_186 = arith.constant 6 : index
    %swap3A_187 = vector.load %arg5[%swap3A_184, %swap3A_185, %swap3A_186] : memref<1x512x20xi32, #tpu.memory_space<vmem>>, vector<1x512x1xi32>
    %swap3A_188 = vector.shape_cast %swap3A_187 : vector<1x512x1xi32> to vector<512x1xi32>
    %swap3A_189 = vector.shape_cast %add3A_183 : vector<512x1xi32> to vector<1x512x1xi32>
    tpu.vector_store %arg5[%swap3A_184, %swap3A_185, %swap3A_186], %swap3A_189 {strides = array<i32>} : memref<1x512x20xi32, #tpu.memory_space<vmem>>, vector<1x512x1xi32>,
    %eq3A_190 = vector.broadcast %broadcast_in_dim3A_174 : vector<512x1xf32> to vector<512x2048xf32>
    %eq3A_191 = arith.cmpf oeq, %select_n3A_171, %eq3A_190 : vector<512x2048xf32>
    %jit3A_192 = arith.constant 0xFF800000 : f32
    %broadcast_in_dim3A_193 = vector.broadcast %jit3A_192 : f32 to vector<512x2048xf32>
    %select_n3A_194 = arith.select %eq3A_191, %broadcast_in_dim3A_193, %select_n3A_171 : vector<512x2048xi1>, vector<512x2048xf32>
    %reduce_max3A_195 = arith.constant dense<0xFF800000> : vector<512xf32>
    %reduce_max3A_196 = vector.multi_reduction <maximumf>, %select_n3A_194, %reduce_max3A_195 [1] : vector<512x2048xf32> to vector<512xf32>
    %broadcast_in_dim3A_197 = vector.shape_cast %reduce_max3A_196 : vector<512xf32> to vector<512x1xf32>
    %bitcast_convert_type3A_198 = tpu.bitcast %broadcast_in_dim3A_197 : vector<512x1xf32> -> vector<512x1xi32>
    %and3A_199 = arith.constant 2047 : i32
    %and3A_200 = vector.broadcast %and3A_199 : i32 to vector<512x1xi32>
    %and3A_201 = arith.andi %bitcast_convert_type3A_198, %and3A_200 : vector<512x1xi32>
    %sub3A_202 = arith.constant 2047 : i32
    %sub3A_203 = vector.broadcast %sub3A_202 : i32 to vector<512x1xi32>
    %sub3A_204 = arith.subi %sub3A_203, %and3A_201 : vector<512x1xi32>
    %add3A_205 = vector.broadcast %mul3A_37 : i32 to vector<512x1xi32>
    %add3A_206 = arith.addi %sub3A_204, %add3A_205 : vector<512x1xi32>
    %swap3A_207 = arith.constant 0 : index
    %swap3A_208 = arith.constant 0 : index
    %swap3A_209 = arith.constant 7 : index
    %swap3A_210 = vector.load %arg5[%swap3A_207, %swap3A_208, %swap3A_209] : memref<1x512x20xi32, #tpu.memory_space<vmem>>, vector<1x512x1xi32>
    %swap3A_211 = vector.shape_cast %swap3A_210 : vector<1x512x1xi32> to vector<512x1xi32>
    %swap3A_212 = vector.shape_cast %add3A_206 : vector<512x1xi32> to vector<1x512x1xi32>
    tpu.vector_store %arg5[%swap3A_207, %swap3A_208, %swap3A_209], %swap3A_212 {strides = array<i32>} : memref<1x512x20xi32, #tpu.memory_space<vmem>>, vector<1x512x1xi32>,
    %eq3A_213 = vector.broadcast %broadcast_in_dim3A_197 : vector<512x1xf32> to vector<512x2048xf32>
    %eq3A_214 = arith.cmpf oeq, %select_n3A_194, %eq3A_213 : vector<512x2048xf32>
    %jit3A_215 = arith.constant 0xFF800000 : f32
    %broadcast_in_dim3A_216 = vector.broadcast %jit3A_215 : f32 to vector<512x2048xf32>
    %select_n3A_217 = arith.select %eq3A_214, %broadcast_in_dim3A_216, %select_n3A_194 : vector<512x2048xi1>, vector<512x2048xf32>
    %reduce_max3A_218 = arith.constant dense<0xFF800000> : vector<512xf32>
    %reduce_max3A_219 = vector.multi_reduction <maximumf>, %select_n3A_217, %reduce_max3A_218 [1] : vector<512x2048xf32> to vector<512xf32>
    %broadcast_in_dim3A_220 = vector.shape_cast %reduce_max3A_219 : vector<512xf32> to vector<512x1xf32>
    %bitcast_convert_type3A_221 = tpu.bitcast %broadcast_in_dim3A_220 : vector<512x1xf32> -> vector<512x1xi32>
    %and3A_222 = arith.constant 2047 : i32
    %and3A_223 = vector.broadcast %and3A_222 : i32 to vector<512x1xi32>
    %and3A_224 = arith.andi %bitcast_convert_type3A_221, %and3A_223 : vector<512x1xi32>
    %sub3A_225 = arith.constant 2047 : i32
    %sub3A_226 = vector.broadcast %sub3A_225 : i32 to vector<512x1xi32>
    %sub3A_227 = arith.subi %sub3A_226, %and3A_224 : vector<512x1xi32>
    %add3A_228 = vector.broadcast %mul3A_37 : i32 to vector<512x1xi32>
    %add3A_229 = arith.addi %sub3A_227, %add3A_228 : vector<512x1xi32>
    %swap3A_230 = arith.constant 0 : index
    %swap3A_231 = arith.constant 0 : index
    %swap3A_232 = arith.constant 8 : index
    %swap3A_233 = vector.load %arg5[%swap3A_230, %swap3A_231, %swap3A_232] : memref<1x512x20xi32, #tpu.memory_space<vmem>>, vector<1x512x1xi32>
    %swap3A_234 = vector.shape_cast %swap3A_233 : vector<1x512x1xi32> to vector<512x1xi32>
    %swap3A_235 = vector.shape_cast %add3A_229 : vector<512x1xi32> to vector<1x512x1xi32>
    tpu.vector_store %arg5[%swap3A_230, %swap3A_231, %swap3A_232], %swap3A_235 {strides = array<i32>} : memref<1x512x20xi32, #tpu.memory_space<vmem>>, vector<1x512x1xi32>,
    %eq3A_236 = vector.broadcast %broadcast_in_dim3A_220 : vector<512x1xf32> to vector<512x2048xf32>
    %eq3A_237 = arith.cmpf oeq, %select_n3A_217, %eq3A_236 : vector<512x2048xf32>
    %jit3A_238 = arith.constant 0xFF800000 : f32
    %broadcast_in_dim3A_239 = vector.broadcast %jit3A_238 : f32 to vector<512x2048xf32>
    %select_n3A_240 = arith.select %eq3A_237, %broadcast_in_dim3A_239, %select_n3A_217 : vector<512x2048xi1>, vector<512x2048xf32>
    %reduce_max3A_241 = arith.constant dense<0xFF800000> : vector<512xf32>
    %reduce_max3A_242 = vector.multi_reduction <maximumf>, %select_n3A_240, %reduce_max3A_241 [1] : vector<512x2048xf32> to vector<512xf32>
    %broadcast_in_dim3A_243 = vector.shape_cast %reduce_max3A_242 : vector<512xf32> to vector<512x1xf32>
    %bitcast_convert_type3A_244 = tpu.bitcast %broadcast_in_dim3A_243 : vector<512x1xf32> -> vector<512x1xi32>
    %and3A_245 = arith.constant 2047 : i32
    %and3A_246 = vector.broadcast %and3A_245 : i32 to vector<512x1xi32>
    %and3A_247 = arith.andi %bitcast_convert_type3A_244, %and3A_246 : vector<512x1xi32>
    %sub3A_248 = arith.constant 2047 : i32
    %sub3A_249 = vector.broadcast %sub3A_248 : i32 to vector<512x1xi32>
    %sub3A_250 = arith.subi %sub3A_249, %and3A_247 : vector<512x1xi32>
    %add3A_251 = vector.broadcast %mul3A_37 : i32 to vector<512x1xi32>
    %add3A_252 = arith.addi %sub3A_250, %add3A_251 : vector<512x1xi32>
    %swap3A_253 = arith.constant 0 : index
    %swap3A_254 = arith.constant 0 : index
    %swap3A_255 = arith.constant 9 : index
    %swap3A_256 = vector.load %arg5[%swap3A_253, %swap3A_254, %swap3A_255] : memref<1x512x20xi32, #tpu.memory_space<vmem>>, vector<1x512x1xi32>
    %swap3A_257 = vector.shape_cast %swap3A_256 : vector<1x512x1xi32> to vector<512x1xi32>
    %swap3A_258 = vector.shape_cast %add3A_252 : vector<512x1xi32> to vector<1x512x1xi32>
    tpu.vector_store %arg5[%swap3A_253, %swap3A_254, %swap3A_255], %swap3A_258 {strides = array<i32>} : memref<1x512x20xi32, #tpu.memory_space<vmem>>, vector<1x512x1xi32>,
    %eq3A_259 = vector.broadcast %broadcast_in_dim3A_243 : vector<512x1xf32> to vector<512x2048xf32>
    %eq3A_260 = arith.cmpf oeq, %select_n3A_240, %eq3A_259 : vector<512x2048xf32>
    %jit3A_261 = arith.constant 0xFF800000 : f32
    %broadcast_in_dim3A_262 = vector.broadcast %jit3A_261 : f32 to vector<512x2048xf32>
    %select_n3A_263 = arith.select %eq3A_260, %broadcast_in_dim3A_262, %select_n3A_240 : vector<512x2048xi1>, vector<512x2048xf32>
    %reduce_max3A_264 = arith.constant dense<0xFF800000> : vector<512xf32>
    %reduce_max3A_265 = vector.multi_reduction <maximumf>, %select_n3A_263, %reduce_max3A_264 [1] : vector<512x2048xf32> to vector<512xf32>
    %broadcast_in_dim3A_266 = vector.shape_cast %reduce_max3A_265 : vector<512xf32> to vector<512x1xf32>
    %bitcast_convert_type3A_267 = tpu.bitcast %broadcast_in_dim3A_266 : vector<512x1xf32> -> vector<512x1xi32>
    %and3A_268 = arith.constant 2047 : i32
    %and3A_269 = vector.broadcast %and3A_268 : i32 to vector<512x1xi32>
    %and3A_270 = arith.andi %bitcast_convert_type3A_267, %and3A_269 : vector<512x1xi32>
    %sub3A_271 = arith.constant 2047 : i32
    %sub3A_272 = vector.broadcast %sub3A_271 : i32 to vector<512x1xi32>
    %sub3A_273 = arith.subi %sub3A_272, %and3A_270 : vector<512x1xi32>
    %add3A_274 = vector.broadcast %mul3A_37 : i32 to vector<512x1xi32>
    %add3A_275 = arith.addi %sub3A_273, %add3A_274 : vector<512x1xi32>
    %swap3A_276 = arith.constant 0 : index
    %swap3A_277 = arith.constant 0 : index
    %swap3A_278 = arith.constant 10 : index
    %swap3A_279 = vector.load %arg5[%swap3A_276, %swap3A_277, %swap3A_278] : memref<1x512x20xi32, #tpu.memory_space<vmem>>, vector<1x512x1xi32>
    %swap3A_280 = vector.shape_cast %swap3A_279 : vector<1x512x1xi32> to vector<512x1xi32>
    %swap3A_281 = vector.shape_cast %add3A_275 : vector<512x1xi32> to vector<1x512x1xi32>
    tpu.vector_store %arg5[%swap3A_276, %swap3A_277, %swap3A_278], %swap3A_281 {strides = array<i32>} : memref<1x512x20xi32, #tpu.memory_space<vmem>>, vector<1x512x1xi32>,
    %eq3A_282 = vector.broadcast %broadcast_in_dim3A_266 : vector<512x1xf32> to vector<512x2048xf32>
    %eq3A_283 = arith.cmpf oeq, %select_n3A_263, %eq3A_282 : vector<512x2048xf32>
    %jit3A_284 = arith.constant 0xFF800000 : f32
    %broadcast_in_dim3A_285 = vector.broadcast %jit3A_284 : f32 to vector<512x2048xf32>
    %select_n3A_286 = arith.select %eq3A_283, %broadcast_in_dim3A_285, %select_n3A_263 : vector<512x2048xi1>, vector<512x2048xf32>
    %reduce_max3A_287 = arith.constant dense<0xFF800000> : vector<512xf32>
    %reduce_max3A_288 = vector.multi_reduction <maximumf>, %select_n3A_286, %reduce_max3A_287 [1] : vector<512x2048xf32> to vector<512xf32>
    %broadcast_in_dim3A_289 = vector.shape_cast %reduce_max3A_288 : vector<512xf32> to vector<512x1xf32>
    %bitcast_convert_type3A_290 = tpu.bitcast %broadcast_in_dim3A_289 : vector<512x1xf32> -> vector<512x1xi32>
    %and3A_291 = arith.constant 2047 : i32
    %and3A_292 = vector.broadcast %and3A_291 : i32 to vector<512x1xi32>
    %and3A_293 = arith.andi %bitcast_convert_type3A_290, %and3A_292 : vector<512x1xi32>
    %sub3A_294 = arith.constant 2047 : i32
    %sub3A_295 = vector.broadcast %sub3A_294 : i32 to vector<512x1xi32>
    %sub3A_296 = arith.subi %sub3A_295, %and3A_293 : vector<512x1xi32>
    %add3A_297 = vector.broadcast %mul3A_37 : i32 to vector<512x1xi32>
    %add3A_298 = arith.addi %sub3A_296, %add3A_297 : vector<512x1xi32>
    %swap3A_299 = arith.constant 0 : index
    %swap3A_300 = arith.constant 0 : index
    %swap3A_301 = arith.constant 11 : index
    %swap3A_302 = vector.load %arg5[%swap3A_299, %swap3A_300, %swap3A_301] : memref<1x512x20xi32, #tpu.memory_space<vmem>>, vector<1x512x1xi32>
    %swap3A_303 = vector.shape_cast %swap3A_302 : vector<1x512x1xi32> to vector<512x1xi32>
    %swap3A_304 = vector.shape_cast %add3A_298 : vector<512x1xi32> to vector<1x512x1xi32>
    tpu.vector_store %arg5[%swap3A_299, %swap3A_300, %swap3A_301], %swap3A_304 {strides = array<i32>} : memref<1x512x20xi32, #tpu.memory_space<vmem>>, vector<1x512x1xi32>,
    %eq3A_305 = vector.broadcast %broadcast_in_dim3A_289 : vector<512x1xf32> to vector<512x2048xf32>
    %eq3A_306 = arith.cmpf oeq, %select_n3A_286, %eq3A_305 : vector<512x2048xf32>
    %jit3A_307 = arith.constant 0xFF800000 : f32
    %broadcast_in_dim3A_308 = vector.broadcast %jit3A_307 : f32 to vector<512x2048xf32>
    %select_n3A_309 = arith.select %eq3A_306, %broadcast_in_dim3A_308, %select_n3A_286 : vector<512x2048xi1>, vector<512x2048xf32>
    %reduce_max3A_310 = arith.constant dense<0xFF800000> : vector<512xf32>
    %reduce_max3A_311 = vector.multi_reduction <maximumf>, %select_n3A_309, %reduce_max3A_310 [1] : vector<512x2048xf32> to vector<512xf32>
    %broadcast_in_dim3A_312 = vector.shape_cast %reduce_max3A_311 : vector<512xf32> to vector<512x1xf32>
    %bitcast_convert_type3A_313 = tpu.bitcast %broadcast_in_dim3A_312 : vector<512x1xf32> -> vector<512x1xi32>
    %and3A_314 = arith.constant 2047 : i32
    %and3A_315 = vector.broadcast %and3A_314 : i32 to vector<512x1xi32>
    %and3A_316 = arith.andi %bitcast_convert_type3A_313, %and3A_315 : vector<512x1xi32>
    %sub3A_317 = arith.constant 2047 : i32
    %sub3A_318 = vector.broadcast %sub3A_317 : i32 to vector<512x1xi32>
    %sub3A_319 = arith.subi %sub3A_318, %and3A_316 : vector<512x1xi32>
    %add3A_320 = vector.broadcast %mul3A_37 : i32 to vector<512x1xi32>
    %add3A_321 = arith.addi %sub3A_319, %add3A_320 : vector<512x1xi32>
    %swap3A_322 = arith.constant 0 : index
    %swap3A_323 = arith.constant 0 : index
    %swap3A_324 = arith.constant 12 : index
    %swap3A_325 = vector.load %arg5[%swap3A_322, %swap3A_323, %swap3A_324] : memref<1x512x20xi32, #tpu.memory_space<vmem>>, vector<1x512x1xi32>
    %swap3A_326 = vector.shape_cast %swap3A_325 : vector<1x512x1xi32> to vector<512x1xi32>
    %swap3A_327 = vector.shape_cast %add3A_321 : vector<512x1xi32> to vector<1x512x1xi32>
    tpu.vector_store %arg5[%swap3A_322, %swap3A_323, %swap3A_324], %swap3A_327 {strides = array<i32>} : memref<1x512x20xi32, #tpu.memory_space<vmem>>, vector<1x512x1xi32>,
    %eq3A_328 = vector.broadcast %broadcast_in_dim3A_312 : vector<512x1xf32> to vector<512x2048xf32>
    %eq3A_329 = arith.cmpf oeq, %select_n3A_309, %eq3A_328 : vector<512x2048xf32>
    %jit3A_330 = arith.constant 0xFF800000 : f32
    %broadcast_in_dim3A_331 = vector.broadcast %jit3A_330 : f32 to vector<512x2048xf32>
    %select_n3A_332 = arith.select %eq3A_329, %broadcast_in_dim3A_331, %select_n3A_309 : vector<512x2048xi1>, vector<512x2048xf32>
    %reduce_max3A_333 = arith.constant dense<0xFF800000> : vector<512xf32>
    %reduce_max3A_334 = vector.multi_reduction <maximumf>, %select_n3A_332, %reduce_max3A_333 [1] : vector<512x2048xf32> to vector<512xf32>
    %broadcast_in_dim3A_335 = vector.shape_cast %reduce_max3A_334 : vector<512xf32> to vector<512x1xf32>
    %bitcast_convert_type3A_336 = tpu.bitcast %broadcast_in_dim3A_335 : vector<512x1xf32> -> vector<512x1xi32>
    %and3A_337 = arith.constant 2047 : i32
    %and3A_338 = vector.broadcast %and3A_337 : i32 to vector<512x1xi32>
    %and3A_339 = arith.andi %bitcast_convert_type3A_336, %and3A_338 : vector<512x1xi32>
    %sub3A_340 = arith.constant 2047 : i32
    %sub3A_341 = vector.broadcast %sub3A_340 : i32 to vector<512x1xi32>
    %sub3A_342 = arith.subi %sub3A_341, %and3A_339 : vector<512x1xi32>
    %add3A_343 = vector.broadcast %mul3A_37 : i32 to vector<512x1xi32>
    %add3A_344 = arith.addi %sub3A_342, %add3A_343 : vector<512x1xi32>
    %swap3A_345 = arith.constant 0 : index
    %swap3A_346 = arith.constant 0 : index
    %swap3A_347 = arith.constant 13 : index
    %swap3A_348 = vector.load %arg5[%swap3A_345, %swap3A_346, %swap3A_347] : memref<1x512x20xi32, #tpu.memory_space<vmem>>, vector<1x512x1xi32>
    %swap3A_349 = vector.shape_cast %swap3A_348 : vector<1x512x1xi32> to vector<512x1xi32>
    %swap3A_350 = vector.shape_cast %add3A_344 : vector<512x1xi32> to vector<1x512x1xi32>
    tpu.vector_store %arg5[%swap3A_345, %swap3A_346, %swap3A_347], %swap3A_350 {strides = array<i32>} : memref<1x512x20xi32, #tpu.memory_space<vmem>>, vector<1x512x1xi32>,
    %eq3A_351 = vector.broadcast %broadcast_in_dim3A_335 : vector<512x1xf32> to vector<512x2048xf32>
    %eq3A_352 = arith.cmpf oeq, %select_n3A_332, %eq3A_351 : vector<512x2048xf32>
    %jit3A_353 = arith.constant 0xFF800000 : f32
    %broadcast_in_dim3A_354 = vector.broadcast %jit3A_353 : f32 to vector<512x2048xf32>
    %select_n3A_355 = arith.select %eq3A_352, %broadcast_in_dim3A_354, %select_n3A_332 : vector<512x2048xi1>, vector<512x2048xf32>
    %reduce_max3A_356 = arith.constant dense<0xFF800000> : vector<512xf32>
    %reduce_max3A_357 = vector.multi_reduction <maximumf>, %select_n3A_355, %reduce_max3A_356 [1] : vector<512x2048xf32> to vector<512xf32>
    %broadcast_in_dim3A_358 = vector.shape_cast %reduce_max3A_357 : vector<512xf32> to vector<512x1xf32>
    %bitcast_convert_type3A_359 = tpu.bitcast %broadcast_in_dim3A_358 : vector<512x1xf32> -> vector<512x1xi32>
    %and3A_360 = arith.constant 2047 : i32
    %and3A_361 = vector.broadcast %and3A_360 : i32 to vector<512x1xi32>
    %and3A_362 = arith.andi %bitcast_convert_type3A_359, %and3A_361 : vector<512x1xi32>
    %sub3A_363 = arith.constant 2047 : i32
    %sub3A_364 = vector.broadcast %sub3A_363 : i32 to vector<512x1xi32>
    %sub3A_365 = arith.subi %sub3A_364, %and3A_362 : vector<512x1xi32>
    %add3A_366 = vector.broadcast %mul3A_37 : i32 to vector<512x1xi32>
    %add3A_367 = arith.addi %sub3A_365, %add3A_366 : vector<512x1xi32>
    %swap3A_368 = arith.constant 0 : index
    %swap3A_369 = arith.constant 0 : index
    %swap3A_370 = arith.constant 14 : index
    %swap3A_371 = vector.load %arg5[%swap3A_368, %swap3A_369, %swap3A_370] : memref<1x512x20xi32, #tpu.memory_space<vmem>>, vector<1x512x1xi32>
    %swap3A_372 = vector.shape_cast %swap3A_371 : vector<1x512x1xi32> to vector<512x1xi32>
    %swap3A_373 = vector.shape_cast %add3A_367 : vector<512x1xi32> to vector<1x512x1xi32>
    tpu.vector_store %arg5[%swap3A_368, %swap3A_369, %swap3A_370], %swap3A_373 {strides = array<i32>} : memref<1x512x20xi32, #tpu.memory_space<vmem>>, vector<1x512x1xi32>,
    %eq3A_374 = vector.broadcast %broadcast_in_dim3A_358 : vector<512x1xf32> to vector<512x2048xf32>
    %eq3A_375 = arith.cmpf oeq, %select_n3A_355, %eq3A_374 : vector<512x2048xf32>
    %jit3A_376 = arith.constant 0xFF800000 : f32
    %broadcast_in_dim3A_377 = vector.broadcast %jit3A_376 : f32 to vector<512x2048xf32>
    %select_n3A_378 = arith.select %eq3A_375, %broadcast_in_dim3A_377, %select_n3A_355 : vector<512x2048xi1>, vector<512x2048xf32>
    %reduce_max3A_379 = arith.constant dense<0xFF800000> : vector<512xf32>
    %reduce_max3A_380 = vector.multi_reduction <maximumf>, %select_n3A_378, %reduce_max3A_379 [1] : vector<512x2048xf32> to vector<512xf32>
    %broadcast_in_dim3A_381 = vector.shape_cast %reduce_max3A_380 : vector<512xf32> to vector<512x1xf32>
    %bitcast_convert_type3A_382 = tpu.bitcast %broadcast_in_dim3A_381 : vector<512x1xf32> -> vector<512x1xi32>
    %and3A_383 = arith.constant 2047 : i32
    %and3A_384 = vector.broadcast %and3A_383 : i32 to vector<512x1xi32>
    %and3A_385 = arith.andi %bitcast_convert_type3A_382, %and3A_384 : vector<512x1xi32>
    %sub3A_386 = arith.constant 2047 : i32
    %sub3A_387 = vector.broadcast %sub3A_386 : i32 to vector<512x1xi32>
    %sub3A_388 = arith.subi %sub3A_387, %and3A_385 : vector<512x1xi32>
    %add3A_389 = vector.broadcast %mul3A_37 : i32 to vector<512x1xi32>
    %add3A_390 = arith.addi %sub3A_388, %add3A_389 : vector<512x1xi32>
    %swap3A_391 = arith.constant 0 : index
    %swap3A_392 = arith.constant 0 : index
    %swap3A_393 = arith.constant 15 : index
    %swap3A_394 = vector.load %arg5[%swap3A_391, %swap3A_392, %swap3A_393] : memref<1x512x20xi32, #tpu.memory_space<vmem>>, vector<1x512x1xi32>
    %swap3A_395 = vector.shape_cast %swap3A_394 : vector<1x512x1xi32> to vector<512x1xi32>
    %swap3A_396 = vector.shape_cast %add3A_390 : vector<512x1xi32> to vector<1x512x1xi32>
    tpu.vector_store %arg5[%swap3A_391, %swap3A_392, %swap3A_393], %swap3A_396 {strides = array<i32>} : memref<1x512x20xi32, #tpu.memory_space<vmem>>, vector<1x512x1xi32>,
    %eq3A_397 = vector.broadcast %broadcast_in_dim3A_381 : vector<512x1xf32> to vector<512x2048xf32>
    %eq3A_398 = arith.cmpf oeq, %select_n3A_378, %eq3A_397 : vector<512x2048xf32>
    %jit3A_399 = arith.constant 0xFF800000 : f32
    %broadcast_in_dim3A_400 = vector.broadcast %jit3A_399 : f32 to vector<512x2048xf32>
    %select_n3A_401 = arith.select %eq3A_398, %broadcast_in_dim3A_400, %select_n3A_378 : vector<512x2048xi1>, vector<512x2048xf32>
    %reduce_max3A_402 = arith.constant dense<0xFF800000> : vector<512xf32>
    %reduce_max3A_403 = vector.multi_reduction <maximumf>, %select_n3A_401, %reduce_max3A_402 [1] : vector<512x2048xf32> to vector<512xf32>
    %broadcast_in_dim3A_404 = vector.shape_cast %reduce_max3A_403 : vector<512xf32> to vector<512x1xf32>
    %bitcast_convert_type3A_405 = tpu.bitcast %broadcast_in_dim3A_404 : vector<512x1xf32> -> vector<512x1xi32>
    %and3A_406 = arith.constant 2047 : i32
    %and3A_407 = vector.broadcast %and3A_406 : i32 to vector<512x1xi32>
    %and3A_408 = arith.andi %bitcast_convert_type3A_405, %and3A_407 : vector<512x1xi32>
    %sub3A_409 = arith.constant 2047 : i32
    %sub3A_410 = vector.broadcast %sub3A_409 : i32 to vector<512x1xi32>
    %sub3A_411 = arith.subi %sub3A_410, %and3A_408 : vector<512x1xi32>
    %add3A_412 = vector.broadcast %mul3A_37 : i32 to vector<512x1xi32>
    %add3A_413 = arith.addi %sub3A_411, %add3A_412 : vector<512x1xi32>
    %swap3A_414 = arith.constant 0 : index
    %swap3A_415 = arith.constant 0 : index
    %swap3A_416 = arith.constant 16 : index
    %swap3A_417 = vector.load %arg5[%swap3A_414, %swap3A_415, %swap3A_416] : memref<1x512x20xi32, #tpu.memory_space<vmem>>, vector<1x512x1xi32>
    %swap3A_418 = vector.shape_cast %swap3A_417 : vector<1x512x1xi32> to vector<512x1xi32>
    %swap3A_419 = vector.shape_cast %add3A_413 : vector<512x1xi32> to vector<1x512x1xi32>
    tpu.vector_store %arg5[%swap3A_414, %swap3A_415, %swap3A_416], %swap3A_419 {strides = array<i32>} : memref<1x512x20xi32, #tpu.memory_space<vmem>>, vector<1x512x1xi32>,
    %eq3A_420 = vector.broadcast %broadcast_in_dim3A_404 : vector<512x1xf32> to vector<512x2048xf32>
    %eq3A_421 = arith.cmpf oeq, %select_n3A_401, %eq3A_420 : vector<512x2048xf32>
    %jit3A_422 = arith.constant 0xFF800000 : f32
    %broadcast_in_dim3A_423 = vector.broadcast %jit3A_422 : f32 to vector<512x2048xf32>
    %select_n3A_424 = arith.select %eq3A_421, %broadcast_in_dim3A_423, %select_n3A_401 : vector<512x2048xi1>, vector<512x2048xf32>
    %reduce_max3A_425 = arith.constant dense<0xFF800000> : vector<512xf32>
    %reduce_max3A_426 = vector.multi_reduction <maximumf>, %select_n3A_424, %reduce_max3A_425 [1] : vector<512x2048xf32> to vector<512xf32>
    %broadcast_in_dim3A_427 = vector.shape_cast %reduce_max3A_426 : vector<512xf32> to vector<512x1xf32>
    %bitcast_convert_type3A_428 = tpu.bitcast %broadcast_in_dim3A_427 : vector<512x1xf32> -> vector<512x1xi32>
    %and3A_429 = arith.constant 2047 : i32
    %and3A_430 = vector.broadcast %and3A_429 : i32 to vector<512x1xi32>
    %and3A_431 = arith.andi %bitcast_convert_type3A_428, %and3A_430 : vector<512x1xi32>
    %sub3A_432 = arith.constant 2047 : i32
    %sub3A_433 = vector.broadcast %sub3A_432 : i32 to vector<512x1xi32>
    %sub3A_434 = arith.subi %sub3A_433, %and3A_431 : vector<512x1xi32>
    %add3A_435 = vector.broadcast %mul3A_37 : i32 to vector<512x1xi32>
    %add3A_436 = arith.addi %sub3A_434, %add3A_435 : vector<512x1xi32>
    %swap3A_437 = arith.constant 0 : index
    %swap3A_438 = arith.constant 0 : index
    %swap3A_439 = arith.constant 17 : index
    %swap3A_440 = vector.load %arg5[%swap3A_437, %swap3A_438, %swap3A_439] : memref<1x512x20xi32, #tpu.memory_space<vmem>>, vector<1x512x1xi32>
    %swap3A_441 = vector.shape_cast %swap3A_440 : vector<1x512x1xi32> to vector<512x1xi32>
    %swap3A_442 = vector.shape_cast %add3A_436 : vector<512x1xi32> to vector<1x512x1xi32>
    tpu.vector_store %arg5[%swap3A_437, %swap3A_438, %swap3A_439], %swap3A_442 {strides = array<i32>} : memref<1x512x20xi32, #tpu.memory_space<vmem>>, vector<1x512x1xi32>,
    %eq3A_443 = vector.broadcast %broadcast_in_dim3A_427 : vector<512x1xf32> to vector<512x2048xf32>
    %eq3A_444 = arith.cmpf oeq, %select_n3A_424, %eq3A_443 : vector<512x2048xf32>
    %jit3A_445 = arith.constant 0xFF800000 : f32
    %broadcast_in_dim3A_446 = vector.broadcast %jit3A_445 : f32 to vector<512x2048xf32>
    %select_n3A_447 = arith.select %eq3A_444, %broadcast_in_dim3A_446, %select_n3A_424 : vector<512x2048xi1>, vector<512x2048xf32>
    %reduce_max3A_448 = arith.constant dense<0xFF800000> : vector<512xf32>
    %reduce_max3A_449 = vector.multi_reduction <maximumf>, %select_n3A_447, %reduce_max3A_448 [1] : vector<512x2048xf32> to vector<512xf32>
    %broadcast_in_dim3A_450 = vector.shape_cast %reduce_max3A_449 : vector<512xf32> to vector<512x1xf32>
    %bitcast_convert_type3A_451 = tpu.bitcast %broadcast_in_dim3A_450 : vector<512x1xf32> -> vector<512x1xi32>
    %and3A_452 = arith.constant 2047 : i32
    %and3A_453 = vector.broadcast %and3A_452 : i32 to vector<512x1xi32>
    %and3A_454 = arith.andi %bitcast_convert_type3A_451, %and3A_453 : vector<512x1xi32>
    %sub3A_455 = arith.constant 2047 : i32
    %sub3A_456 = vector.broadcast %sub3A_455 : i32 to vector<512x1xi32>
    %sub3A_457 = arith.subi %sub3A_456, %and3A_454 : vector<512x1xi32>
    %add3A_458 = vector.broadcast %mul3A_37 : i32 to vector<512x1xi32>
    %add3A_459 = arith.addi %sub3A_457, %add3A_458 : vector<512x1xi32>
    %swap3A_460 = arith.constant 0 : index
    %swap3A_461 = arith.constant 0 : index
    %swap3A_462 = arith.constant 18 : index
    %swap3A_463 = vector.load %arg5[%swap3A_460, %swap3A_461, %swap3A_462] : memref<1x512x20xi32, #tpu.memory_space<vmem>>, vector<1x512x1xi32>
    %swap3A_464 = vector.shape_cast %swap3A_463 : vector<1x512x1xi32> to vector<512x1xi32>
    %swap3A_465 = vector.shape_cast %add3A_459 : vector<512x1xi32> to vector<1x512x1xi32>
    tpu.vector_store %arg5[%swap3A_460, %swap3A_461, %swap3A_462], %swap3A_465 {strides = array<i32>} : memref<1x512x20xi32, #tpu.memory_space<vmem>>, vector<1x512x1xi32>,
    %eq3A_466 = vector.broadcast %broadcast_in_dim3A_450 : vector<512x1xf32> to vector<512x2048xf32>
    %eq3A_467 = arith.cmpf oeq, %select_n3A_447, %eq3A_466 : vector<512x2048xf32>
    %jit3A_468 = arith.constant 0xFF800000 : f32
    %broadcast_in_dim3A_469 = vector.broadcast %jit3A_468 : f32 to vector<512x2048xf32>
    %select_n3A_470 = arith.select %eq3A_467, %broadcast_in_dim3A_469, %select_n3A_447 : vector<512x2048xi1>, vector<512x2048xf32>
    %reduce_max3A_471 = arith.constant dense<0xFF800000> : vector<512xf32>
    %reduce_max3A_472 = vector.multi_reduction <maximumf>, %select_n3A_470, %reduce_max3A_471 [1] : vector<512x2048xf32> to vector<512xf32>
    %broadcast_in_dim3A_473 = vector.shape_cast %reduce_max3A_472 : vector<512xf32> to vector<512x1xf32>
    %bitcast_convert_type3A_474 = tpu.bitcast %broadcast_in_dim3A_473 : vector<512x1xf32> -> vector<512x1xi32>
    %and3A_475 = arith.constant 2047 : i32
    %and3A_476 = vector.broadcast %and3A_475 : i32 to vector<512x1xi32>
    %and3A_477 = arith.andi %bitcast_convert_type3A_474, %and3A_476 : vector<512x1xi32>
    %sub3A_478 = arith.constant 2047 : i32
    %sub3A_479 = vector.broadcast %sub3A_478 : i32 to vector<512x1xi32>
    %sub3A_480 = arith.subi %sub3A_479, %and3A_477 : vector<512x1xi32>
    %add3A_481 = vector.broadcast %mul3A_37 : i32 to vector<512x1xi32>
    %add3A_482 = arith.addi %sub3A_480, %add3A_481 : vector<512x1xi32>
    %swap3A_483 = arith.constant 0 : index
    %swap3A_484 = arith.constant 0 : index
    %swap3A_485 = arith.constant 19 : index
    %swap3A_486 = vector.load %arg5[%swap3A_483, %swap3A_484, %swap3A_485] : memref<1x512x20xi32, #tpu.memory_space<vmem>>, vector<1x512x1xi32>
    %swap3A_487 = vector.shape_cast %swap3A_486 : vector<1x512x1xi32> to vector<512x1xi32>
    %swap3A_488 = vector.shape_cast %add3A_482 : vector<512x1xi32> to vector<1x512x1xi32>
    tpu.vector_store %arg5[%swap3A_483, %swap3A_484, %swap3A_485], %swap3A_488 {strides = array<i32>} : memref<1x512x20xi32, #tpu.memory_space<vmem>>, vector<1x512x1xi32>,
    return
  }
  func.func @transform_0(%arg0: i32, %arg1: i32) -> (i32, i32, i32) {
    %add3A = arith.constant 4 : i32
    %add3A_0 = arith.addi %add3A, %arg0 : i32
    %c0_i32 = arith.constant 0 : i32
    %c0_i32_1 = arith.constant 0 : i32
    return %add3A_0, %c0_i32, %arg1 : i32, i32, i32
  }
  func.func @transform_1(%arg0: i32, %arg1: i32) -> (i32, i32, i32) {
    %add3A = arith.constant 4 : i32
    %add3A_0 = arith.addi %add3A, %arg0 : i32
    %c0_i32 = arith.constant 0 : i32
    %c0_i32_1 = arith.constant 0 : i32
    %c0_i32_2 = arith.constant 0 : i32
    return %add3A_0, %c0_i32, %c0_i32_1 : i32, i32, i32
  }
  func.func @transform_2(%arg0: i32, %arg1: i32) -> (i32, i32) {
    %c0_i32 = arith.constant 0 : i32
    %c0_i32_0 = arith.constant 0 : i32
    %c0_i32_1 = arith.constant 0 : i32
    return %c0_i32, %c0_i32_0 : i32, i32
  }
  func.func @transform_3(%arg0: i32, %arg1: i32) -> (i32, i32, i32) {
    %c0_i32 = arith.constant 0 : i32
    %c0_i32_0 = arith.constant 0 : i32
    return %arg0, %arg1, %c0_i32 : i32, i32, i32
  }
  func.func @transform_4(%arg0: i32, %arg1: i32) -> (i32, i32) {
    %mul3A = arith.constant 4 : i32
    %mul3A_0 = arith.muli %arg0, %mul3A : i32
    %add3A = arith.addi %mul3A_0, %arg1 : i32
    %c0_i32 = arith.constant 0 : i32
    %c0_i32_1 = arith.constant 0 : i32
    return %add3A, %c0_i32 : i32, i32
  }
  func.func @transform_5(%arg0: i32, %arg1: i32) -> (i32, i32) {
    %mul3A = arith.constant 4 : i32
    %mul3A_0 = arith.muli %arg0, %mul3A : i32
    %add3A = arith.addi %mul3A_0, %arg1 : i32
    %c0_i32 = arith.constant 0 : i32
    %c0_i32_1 = arith.constant 0 : i32
    return %add3A, %c0_i32 : i32, i32
  }
}

module attributes {stable_mosaic.version = 14 : i64} {
  func.func @_final_kernel(%arg0: i32, %arg1: memref<2048x64xf32, #tpu.memory_space<vmem>>, %arg2: memref<2048x64xf32, #tpu.memory_space<vmem>>, %arg3: memref<2048x64xf32, #tpu.memory_space<vmem>>, %arg4: memref<64x128xf32, #tpu.memory_space<vmem>>, %arg5: memref<1x64xf32, #tpu.memory_space<vmem>>, %arg6: memref<1x64xf32, #tpu.memory_space<vmem>>, %arg7: memref<1x64x2048xf32, #tpu.memory_space<vmem>>) attributes {dimension_semantics = [#tpu.dimension_semantics<arbitrary>], iteration_bounds = array<i64: 4>, scalar_prefetch = 0 : i64, scratch_operands = 0 : i64, tpu.core_type = #tpu.core_type<tc>, window_params = [{transform_indices = @transform_0, window_bounds = array<i64: 2048, 64>}, {transform_indices = @transform_1, window_bounds = array<i64: 2048, 64>}, {transform_indices = @transform_2, window_bounds = array<i64: 2048, 64>}, {pipeline_mode = #tpu.pipeline_mode<synchronous>, transform_indices = @transform_3, window_bounds = array<i64: 64, 128>}, {pipeline_mode = #tpu.pipeline_mode<synchronous>, transform_indices = @transform_4, window_bounds = array<i64: 1, 64>}, {pipeline_mode = #tpu.pipeline_mode<synchronous>, transform_indices = @transform_5, window_bounds = array<i64: 1, 64>}, {transform_indices = @transform_6, window_bounds = array<i64: 1, 64, 2048>}]} {
    %get3A = arith.constant 0 : index
    %get3A_0 = arith.constant 0 : index
    %get3A_1 = vector.load %arg4[%get3A, %get3A_0] : memref<64x128xf32, #tpu.memory_space<vmem>>, vector<64x128xf32>
    %slice3A = vector.extract_strided_slice %get3A_1 {offsets = [0, 0], sizes = [64, 64], strides = [1, 1]} : vector<64x128xf32> to vector<64x64xf32>
    %reduce_sum3A = arith.constant dense<0.000000e+00> : vector<64xf32>
    %reduce_sum3A_2 = vector.multi_reduction <add>, %slice3A, %reduce_sum3A [0] : vector<64x64xf32> to vector<64xf32>
    %broadcast_in_dim3A = vector.shape_cast %reduce_sum3A_2 : vector<64xf32> to vector<1x64xf32>
    %slice3A_3 = vector.extract_strided_slice %get3A_1 {offsets = [0, 64], sizes = [64, 64], strides = [1, 1]} : vector<64x128xf32> to vector<64x64xf32>
    %reduce_sum3A_4 = arith.constant dense<0.000000e+00> : vector<64xf32>
    %reduce_sum3A_5 = vector.multi_reduction <add>, %slice3A_3, %reduce_sum3A_4 [0] : vector<64x64xf32> to vector<64xf32>
    %broadcast_in_dim3A_6 = vector.shape_cast %reduce_sum3A_5 : vector<64xf32> to vector<1x64xf32>
    %div3A = arith.constant 3.276800e+05 : f32
    %div3A_7 = vector.broadcast %div3A : f32 to vector<1x64xf32>
    %div3A_8 = arith.divf %broadcast_in_dim3A, %div3A_7 : vector<1x64xf32>
    %div3A_9 = arith.constant 3.276800e+05 : f32
    %div3A_10 = vector.broadcast %div3A_9 : f32 to vector<1x64xf32>
    %div3A_11 = arith.divf %broadcast_in_dim3A_6, %div3A_10 : vector<1x64xf32>
    %mul3A = arith.mulf %div3A_8, %div3A_8 : vector<1x64xf32>
    %sub3A = arith.subf %div3A_11, %mul3A : vector<1x64xf32>
    %add3A = arith.constant 9.99999974E-6 : f32
    %add3A_12 = vector.broadcast %add3A : f32 to vector<1x64xf32>
    %add3A_13 = arith.addf %sub3A, %add3A_12 : vector<1x64xf32>
    %rsqrt3A = math.rsqrt %add3A_13 : vector<1x64xf32>
    %get3A_14 = arith.constant 0 : index
    %get3A_15 = arith.constant 0 : index
    %get3A_16 = vector.load %arg5[%get3A_14, %get3A_15] : memref<1x64xf32, #tpu.memory_space<vmem>>, vector<1x64xf32>
    %mul3A_17 = arith.mulf %get3A_16, %rsqrt3A : vector<1x64xf32>
    %get3A_18 = arith.constant 0 : index
    %get3A_19 = arith.constant 0 : index
    %get3A_20 = vector.load %arg6[%get3A_18, %get3A_19] : memref<1x64xf32, #tpu.memory_space<vmem>>, vector<1x64xf32>
    %mul3A_21 = arith.mulf %div3A_8, %mul3A_17 : vector<1x64xf32>
    %sub3A_22 = arith.subf %get3A_20, %mul3A_21 : vector<1x64xf32>
    %get3A_23 = arith.constant 0 : index
    %get3A_24 = arith.constant 0 : index
    %get3A_25 = vector.load %arg1[%get3A_23, %get3A_24] : memref<2048x64xf32, #tpu.memory_space<vmem>>, vector<2048x64xf32>
    %ge3A = arith.constant 0.000000e+00 : f32
    %ge3A_26 = vector.broadcast %ge3A : f32 to vector<1x64xf32>
    %ge3A_27 = arith.cmpf oge, %mul3A_17, %ge3A_26 : vector<1x64xf32>
    %get3A_28 = arith.constant 0 : index
    %get3A_29 = arith.constant 0 : index
    %get3A_30 = vector.load %arg2[%get3A_28, %get3A_29] : memref<2048x64xf32, #tpu.memory_space<vmem>>, vector<2048x64xf32>
    %sub3A_31 = arith.subf %get3A_25, %get3A_30 : vector<2048x64xf32>
    %get3A_32 = arith.constant 0 : index
    %get3A_33 = arith.constant 0 : index
    %get3A_34 = vector.load %arg3[%get3A_32, %get3A_33] : memref<2048x64xf32, #tpu.memory_space<vmem>>, vector<2048x64xf32>
    %sub3A_35 = arith.subf %get3A_25, %get3A_34 : vector<2048x64xf32>
    %broadcast_in_dim3A_36 = vector.shape_cast %ge3A_27 : vector<1x64xi1> to vector<1x64xi1>
    %broadcast_in_dim3A_37 = vector.broadcast %broadcast_in_dim3A_36 : vector<1x64xi1> to vector<2048x64xi1>
    %select_n3A = arith.select %broadcast_in_dim3A_37, %sub3A_31, %sub3A_35 : vector<2048x64xi1>, vector<2048x64xf32>
    %mul3A_38 = vector.broadcast %mul3A_17 : vector<1x64xf32> to vector<2048x64xf32>
    %mul3A_39 = arith.mulf %select_n3A, %mul3A_38 : vector<2048x64xf32>
    %add3A_40 = vector.broadcast %sub3A_22 : vector<1x64xf32> to vector<2048x64xf32>
    %add3A_41 = arith.addf %mul3A_39, %add3A_40 : vector<2048x64xf32>
    %gt3A = arith.constant 0.000000e+00 : f32
    %gt3A_42 = vector.broadcast %gt3A : f32 to vector<2048x64xf32>
    %gt3A_43 = arith.cmpf ogt, %add3A_41, %gt3A_42 : vector<2048x64xf32>
    %mul3A_44 = arith.constant 2.000000e-01 : f32
    %mul3A_45 = vector.broadcast %mul3A_44 : f32 to vector<2048x64xf32>
    %mul3A_46 = arith.mulf %mul3A_45, %add3A_41 : vector<2048x64xf32>
    %select_n3A_47 = arith.select %gt3A_43, %add3A_41, %mul3A_46 : vector<2048x64xi1>, vector<2048x64xf32>
    %transpose3A = tpu.transpose %select_n3A_47, [1, 0] : vector<2048x64xf32> -> vector<64x2048xf32>
    %swap3A = arith.constant 0 : index
    %swap3A_48 = arith.constant 0 : index
    %swap3A_49 = arith.constant 0 : index
    %swap3A_50 = vector.load %arg7[%swap3A, %swap3A_48, %swap3A_49] : memref<1x64x2048xf32, #tpu.memory_space<vmem>>, vector<1x64x2048xf32>
    %swap3A_51 = vector.shape_cast %swap3A_50 : vector<1x64x2048xf32> to vector<64x2048xf32>
    %swap3A_52 = vector.shape_cast %transpose3A : vector<64x2048xf32> to vector<1x64x2048xf32>
    tpu.vector_store %arg7[%swap3A, %swap3A_48, %swap3A_49], %swap3A_52 {strides = array<i32>} : memref<1x64x2048xf32, #tpu.memory_space<vmem>>, vector<1x64x2048xf32>,
    return
  }
  func.func @transform_0(%arg0: i32) -> (i32, i32) {
    %c0_i32 = arith.constant 0 : i32
    %c0_i32_0 = arith.constant 0 : i32
    return %arg0, %c0_i32 : i32, i32
  }
  func.func @transform_1(%arg0: i32) -> (i32, i32) {
    %c0_i32 = arith.constant 0 : i32
    %c0_i32_0 = arith.constant 0 : i32
    return %arg0, %c0_i32 : i32, i32
  }
  func.func @transform_2(%arg0: i32) -> (i32, i32) {
    %c0_i32 = arith.constant 0 : i32
    %c0_i32_0 = arith.constant 0 : i32
    return %arg0, %c0_i32 : i32, i32
  }
  func.func @transform_3(%arg0: i32) -> (i32, i32) {
    %c0_i32 = arith.constant 0 : i32
    %c0_i32_0 = arith.constant 0 : i32
    %c0_i32_1 = arith.constant 0 : i32
    return %c0_i32, %c0_i32_0 : i32, i32
  }
  func.func @transform_4(%arg0: i32) -> (i32, i32) {
    %c0_i32 = arith.constant 0 : i32
    %c0_i32_0 = arith.constant 0 : i32
    %c0_i32_1 = arith.constant 0 : i32
    return %c0_i32, %c0_i32_0 : i32, i32
  }
  func.func @transform_5(%arg0: i32) -> (i32, i32) {
    %c0_i32 = arith.constant 0 : i32
    %c0_i32_0 = arith.constant 0 : i32
    %c0_i32_1 = arith.constant 0 : i32
    return %c0_i32, %c0_i32_0 : i32, i32
  }
  func.func @transform_6(%arg0: i32) -> (i32, i32, i32) {
    %c0_i32 = arith.constant 0 : i32
    %c0_i32_0 = arith.constant 0 : i32
    %c0_i32_1 = arith.constant 0 : i32
    return %arg0, %c0_i32, %c0_i32_0 : i32, i32, i32
  }
}

</mosaic_0001>

<sc_bundles>
// kernel: kernel.11.cloned.1.call-start
scs
__scs_entry_jumppad:
0x0: {  	(pc) =	sbr.rel $0x88, $3  }
0x1: {  	(tag) =	ssettag $0x0;
	lr =	simm.s32 $0x1  }
0x2: {  	[smem:$0x3F9D] =	sst lr;
	_ =	strace $0xD0000000  }
0x3: {  	_ = 	snop  }
0x4: {  	_ = 	snop  }
0x5: {  	_ = 	snop  }
0x6: {  	_ = 	snop  }
0x7: {  	_ = 	snop  }
__scs_overlays_trampoline_lowered:
0x8: {  	[smem:$0x3FAC] =	sst s0  }
0x9: {  	[smem:$0x3FAD] =	sst s1  }
0xa: {  	[smem:$0x3FAE] =	sst s2  }
0xb: {  	[smem:$0x3FAF] =	sst s3  }
0xc: {  	[smem:$0x3FB0] =	sst s4  }
0xd: {  	[smem:$0x3FB1] =	sst s5  }
0xe: {  	[smem:$0x3FB2] =	sst s6  }
0xf: {  	[smem:$0x3FB3] =	sst s7  }
0x10: {  	[smem:$0x3FB4] =	sst s8  }
0x11: {  	[smem:$0x3FB5] =	sst s9;
	s0 =	simm.s32 @!p0 $0x0  }
0x12: {  	s1 =	sld [smem:$0x3F9B];
	s0 =	simm.s32 @p0 $0x1  }
0x13: {  	[smem:$0x3FB6] =	sst s0;
	s0 =	simm.s32 @!p1 $0x0  }
0x14: {  	s2 =	sld [smem:$0x3F9A];
	s0 =	simm.s32 @p1 $0x1  }
0x15: {  	[smem:$0x3FB7] =	sst s0;
	s0 =	simm.s32 @!p2 $0x0  }
0x16: {  	s3 =	sld [smem:$0x3FDB];
	s0 =	simm.s32 @p2 $0x1  }
0x17: {  	s4 =	simm.s32 $0x1BF5;
	[smem:$0x3FB9] =	sst s0  }
0x18: {  	s0 =	sld [smem:$0x3F9C];
	_ =	swait.ge [sflag:s4], $0x0  }
0x19: {  	s7 =	sld [smem:$0x3F9D]  }
0x1a: {  	s8 =	sadd.s32 $0xFFFFE003, lr  }
0x1b: {  	s9 =	sadd.s32 $0xFFFFFEF7, lr;
	s5 =	simm.s32 $0xFFFFFFFF;
	p2 =	slt.u32 s8, $0xFFFFF086  }
0x1c: {  	p1 =	slt.u32 s9, $0xF7A;
	s5 =	simm.s32 @!p2 $0x0  }
0x1d: {  	s5 =	simm.s32 @p1 $0x1;
	p0 =	seq.s32 s7, s2  }
0x1e: {  	s7 =	smul.u32 @!p0 $0xF7A, s2;
	p2 =	seq.s32 @!p0 s5, $0x0  }
0x1f: {  	s9 =	smul.u32 $0xF7A, s1;
	s8 =	simm.s32 @!p0 $0x1BF5;
	p2 =	por !p2, p0  }
0x20: {  	[sflag:s8] =	ssyncset.s32 @!p0 $0xFFFFF086;
	s6 =	sadd.s32 @!p0 s3, s7;
	s7 =	simm.s32 @!p0 $0x108  }
0x21: {  	s3 =	sadd.s32 s3, s9;
	s6 =	sadd.s32 @!p0 $0x88, s6;
	s7 =	simm.s32 @p2 $0x1082  }
0x22: {  	[simem:s7], [sflag:s8] =	dma.local @!p0 [hbm:s6], $0xF7A  }
0x23: {  	s9 =	sor.u32 $0xD0000000, s2;
	s6 =	simm.s32 $0x108;
	_ =	swait.ge @!p0 [sflag:s8], $0x0  }
0x24: {  	s3 =	sadd.s32 $0x88, s3;
	s6 =	simm.s32 @!p1 $0x1082;
	[sflag:s4] =	ssyncset.s32 $0xFFFFF086  }
0x25: {  	[simem:s6], [sflag:s4] =	dma.local [hbm:s3], $0xF7A  }
0x26: {  	[smem:$0x3F9D] =	sst s1;
	(tag) =	ssettag s2;
	_ =	strace s9  }
0x27: {  	s1 =	sld [smem:$0x3FAD]  }
0x28: {  	s2 =	sld [smem:$0x3FAE]  }
0x29: {  	s4 =	sld [smem:$0x3FB0]  }
0x2a: {  	p0 =	seq.s32 s5, $0x0;
	s5 =	sld [smem:$0x3FB1]  }
0x2b: {  	s6 =	sld [smem:$0x3FB2]  }
0x2c: {  	s7 =	sld [smem:$0x3FB3]  }
0x2d: {  	s3 =	simm.s32 $0x108;
	s8 =	sld [smem:$0x3FB4]  }
0x2e: {  	s3 =	simm.s32 @!p0 $0x1082;
	s9 =	sld [smem:$0x3FB5]  }
0x2f: {  	lr =	sadd.s32 s0, s3;
	s0 =	sld [smem:$0x3FAC]  }
0x30: {  	s3 =	sld [smem:$0x3FAF]  }
0x31: {  	[smem:$0x3FB8] =	sst s10  }
0x32: {  	s10 =	sld [smem:$0x3FB6];
	_ =	sdelay $0x3  }
0x33: {  	p0 =	seq.s32 s10, $0x1;
	s10 =	sld [smem:$0x3FB8];
	_ =	sdelay $0x3  }
0x34: {  	[smem:$0x3FB8] =	sst s10  }
0x35: {  	s10 =	sld [smem:$0x3FB7];
	_ =	sdelay $0x3  }
0x36: {  	p1 =	seq.s32 s10, $0x1;
	s10 =	sld [smem:$0x3FB8];
	_ =	sdelay $0x3  }
0x37: {  	[smem:$0x3FB8] =	sst s10  }
0x38: {  	s10 =	sld [smem:$0x3FB9]  }
0x39: {  	_ = 	snop;
	(pc) =	sbr.ind lr, $3  }
0x3a: {  	_ = 	snop  }
0x3b: {  	_ = 	snop  }
0x3c: {  	p2 =	seq.s32 s10, $0x1;
	s10 =	sld [smem:$0x3FB8]  }
0x3d: {  	_ =	shalt  }
0x3e: {  	_ =	shalt  }
0x3f: {  	_ =	shalt  }
0x40: {  	_ =	shalt  }
0x41: {  	_ =	shalt  }
0x42: {  	_ =	shalt  }
0x43: {  	_ =	shalt  }
0x44: {  	_ =	shalt  }
0x45: {  	_ =	shalt  }
0x46: {  	_ =	shalt  }
0x47: {  	_ =	shalt  }
0x48: {  	_ =	shalt  }
0x49: {  	_ =	shalt  }
0x4a: {  	_ =	shalt  }
0x4b: {  	_ =	shalt  }
0x4c: {  	_ =	shalt  }
0x4d: {  	_ =	shalt  }
0x4e: {  	_ =	shalt  }
0x4f: {  	_ =	shalt  }
0x50: {  	_ =	shalt  }
0x51: {  	_ =	shalt  }
0x52: {  	_ =	shalt  }
0x53: {  	_ =	shalt  }
0x54: {  	_ =	shalt  }
0x55: {  	_ =	shalt  }
0x56: {  	_ =	shalt  }
0x57: {  	_ =	shalt  }
0x58: {  	_ =	shalt  }
0x59: {  	_ =	shalt  }
0x5a: {  	_ =	shalt  }
0x5b: {  	_ =	shalt  }
0x5c: {  	_ =	shalt  }
0x5d: {  	_ =	shalt  }
0x5e: {  	_ =	shalt  }
0x5f: {  	_ =	shalt  }
0x60: {  	_ =	shalt  }
0x61: {  	_ =	shalt  }
0x62: {  	_ =	shalt  }
0x63: {  	_ =	shalt  }
0x64: {  	_ =	shalt  }
0x65: {  	_ =	shalt  }
0x66: {  	_ =	shalt  }
0x67: {  	_ =	shalt  }
0x68: {  	_ =	shalt  }
0x69: {  	_ =	shalt  }
0x6a: {  	_ =	shalt  }
0x6b: {  	_ =	shalt  }
0x6c: {  	_ =	shalt  }
0x6d: {  	_ =	shalt  }
0x6e: {  	_ =	shalt  }
0x6f: {  	_ =	shalt  }
0x70: {  	_ =	shalt  }
0x71: {  	_ =	shalt  }
0x72: {  	_ =	shalt  }
0x73: {  	_ =	shalt  }
0x74: {  	_ =	shalt  }
0x75: {  	_ =	shalt  }
0x76: {  	_ =	shalt  }
0x77: {  	_ =	shalt  }
0x78: {  	_ =	shalt  }
0x79: {  	_ =	shalt  }
0x7a: {  	_ =	shalt  }
0x7b: {  	_ =	shalt  }
0x7c: {  	_ =	shalt  }
0x7d: {  	_ =	shalt  }
0x7e: {  	_ =	shalt  }
0x7f: {  	_ =	shalt  }
0x80: {  	_ =	shalt  }
0x81: {  	_ =	shalt  }
0x82: {  	_ =	shalt  }
0x83: {  	_ =	shalt  }
0x84: {  	_ =	shalt  }
0x85: {  	_ =	shalt  }
0x86: {  	_ =	shalt  }
0x87: {  	_ =	shalt  }
.Lfunc_end0:
.L_simem_size_0:
called_computation.1_lowered:
.L_overlay_start_0:
0x88: {  	s2 =	sld [smem:$0x3FD9]  }
0x89: {  	s3 =	sld [smem:$0x3FFE];
	_ =	sdelay $0x1  }
0x8a: {  	s1 =	srdreg.scid  }
0x8b: {  	s0 =	sand.u32 $0x1, s1  }
0x8c: {  	s17 =	sshll.u32 s0, $0xA;
	s2 =	sadd.s32 s3, s2  }
0x8d: {  	s2 =	sadd.s32 s2, s17  }
0x8e: {  	[smem:$0x3FC4] =	sst s2  }
0x8f: {  	_ = 	snop  }
0x90: {  	s18 =	sld [smem:$0x3FD0];
	(tm) =	ssettm $0x1  }
0x91: {  	s19 =	sld [smem:$0x3FFB];
	_ =	sdelay $0x3  }
0x92: {  	_ =	strace s19  }
0x93: {  	s2 =	sld [smem:$0x3FFC];
	_ =	sdelay $0x3  }
0x94: {  	_ =	strace s2  }
0x95: {  	s2 =	sld [smem:$0x3FFD];
	_ =	sdelay $0x3  }
0x96: {  	_ =	strace s2  }
0x97: {  	_ =	strace $0x8FFFFFFF  }
0x98: {  	s20 =	sld [smem:$0x3FDB];
	_ =	sdelay $0x1  }
0x99: {  	s4 =	simm.s32 $_scs_section_size  }
0x9a: {  	s5 =	simm.s32 $_size__tile_overlayer_lowered;
	s6 =	simm.s32 $_tile_overlayer_lowered  }
0x9b: {  	s7 =	simm.s32 $0x1BFF;
	s21 =	sshll.u32 s6, $0x1;
	s4 =	sadd.s32 s4, s20  }
0x9c: {  	s22 =	simm.s32 $0x0;
	s5 =	sshll.u32 s5, $0x1;
	s6 =	sadd.s32 s21, s4  }
0x9d: {  	[timem:s22], [sflag:s7] =	dma.local [hbm:s6], s5  }
0x9e: {  	_ =	swait.ge [sflag:s7], s5  }
0x9f: {  	s5 =	ssub.s32 $0x0, s5;
	[sflag:s7] =	ssyncset.done $0x0  }
0xa0: {  	[sflag:s7] =	ssyncadd.s32 s5;
	_ =	sdelay $0x1  }
0xa1: {  	s23 =	simm.s32 $0x1B8B  }
0xa2: {  	_ =	swait.ge [sflag:s23], $0x1  }
0xa3: {  	[sflag:s23] =	ssyncset.done $0x0  }
0xa4: {  	[sflag:s23] =	ssyncadd.s32 $0xFFFFFFFF  }
0xa5: {  	s5 =	sld [smem:$0x0]  }
0xa6: {  	s6 =	sand.u32 $0xFFFFFFFE, s1  }
0xa7: {  	p0 =	sne.s32 s1, s6  }
0xa8: {  	s6 =	sshll.u32 @p0 s6, $0xE  }
0xa9: {  	s6 =	sadd.s32 @p0 $0x11B8D, s6;
	s7 =	sshll.u32 @p0 s5, $0x11  }
0xaa: {  	s6 =	sor.u32 @p0 s7, s6  }
0xab: {  	[sflag:s6] =	ssyncadd.remote.s32 @p0 $0x1;
	_ =	sdelay $0x1  }
0xac: {  	s6 =	simm.s32 @p0 $0x1B8D  }
0xad: {  	_ =	swait.eq @p0 [sflag:s6], $0x1  }
0xae: {  	[sflag:s6] =	ssyncadd.s32 @p0 $0xFFFFFFFF  }
0xaf: {  	s7 =	sshll.u32 @!p0 s1, $0xE  }
0xb0: {  	s7 =	sor.u32 @!p0 $0x4000, s7;
	s6 =	simm.s32 @!p0 $0x1B8D  }
0xb1: {  	s5 =	sshll.u32 @!p0 s5, $0x11;
	s7 =	sadd.s32 @!p0 $0x11B8D, s7;
	_ =	swait.eq @!p0 [sflag:s6], $0x1  }
0xb2: {  	s5 =	sor.u32 @!p0 s5, s7;
	[sflag:s6] =	ssyncadd.s32 @!p0 $0xFFFFFFFF  }
0xb3: {  	s25 =	simm.s32 $0x1B8E;
	s24 =	sld [smem:$0x3FFE];
	[sflag:s5] =	ssyncadd.remote.s32 @!p0 $0x1  }
0xb4: {  	s26 =	simm.s32 $execute0_lowered;
	[smem:$0x3FD2] =	sst s25  }
0xb5: {  	s6 =	sshll.u32 s26, $0x1;
	_ =	strace $0x80000049;
	[dreg:$0x1] =	wrdreg $0xFFFFFFFF  }
0xb6: {  	s28 =	simm.s32 $_size_execute0_lowered;
	s4 =	sadd.s32 s4, s6;
	[dreg:$0x0] =	wrdreg $0x0  }
0xb7: {  	s6 =	sshll.u32 s28, $0x1;
	[dreg:$0x2] =	wrdreg s4  }
0xb8: {  	[dreg:$0x3] =	wrdreg s6  }
0xb9: {  	[dreg:$0x4] =	wrdreg $0xC0  }
0xba: {  	_ =	task [dreg:s22], $0x5FFFF  }
0xbb: {  	[dreg:$0x1] =	wrdreg $0xFFFFFFFF  }
0xbc: {  	[dreg:$0x0] =	wrdreg $0x60  }
0xbd: {  	[dreg:$0x2] =	wrdreg s24  }
0xbe: {  	[dreg:$0x3] =	wrdreg s18  }
0xbf: {  	[dreg:$0x4] =	wrdreg $0xA  }
0xc0: {  	_ =	task.clear_ibuf [dreg:s22], $0x5FFFF;
	_ =	strace $0x90000049  }
0xc1: {  	s29 =	simm.s32 $0xA;
	_ =	strace $0x8000004B  }
0xc2: {  	_ =	swait.ge [sflag:s29], $0x1  }
0xc3: {  	[sflag:s29] =	ssyncadd.s32 $0xFFFFFFFF  }
0xc4: {  	_ =	strace $0x9000004B  }
0xc5: {  	_ =	sfence  }
0xc6: {  	s30 =	sld [smem:$0x0];
	_ =	sdelay $0x2  }
0xc7: {  	s31 =	sshll.u32 s1, $0xD;
	s1 =	sshrl.u32 s1, $0x2  }
0xc8: {  	s4 =	sand.u32 $0x4000, s31;
	s1 =	sadd.s32 s1, s30  }
0xc9: {  	s0 =	sor.u32 s4, s0;
	s1 =	sshll.u32 s1, $0x11  }
0xca: {  	s0 =	sor.u32 s1, s0  }
0xcb: {  	s0 =	sadd.s32 $0x8F2B, s0  }
0xcc: {  	[sflag:s0] =	ssyncadd.remote.s32 $0x1  }
0xcd: {  	_ =	sfence.sel $0xFFFF  }
0xce: {  	[dreg:$0x0] =	wrdreg $0xFFFFFFFF;
	(pc) =	sbr.abs _section_cstart, $3  }
0xcf: {  	[dreg:$0x1] =	wrdreg $0xFFFFFFFF  }
0xd0: {  	_ =	task.clear_ibuf [dreg:s22], $0x2FFFF;
	_ =	strace $0x9FFFFFFF  }
0xd1: {  	(tm) =	ssettm $0x7FFFFFFF  }
tec
execute0_lowered:
.L_overlay_start_1:
0x0: {  	(tag) =	ssettag $0x1  }
0x1: {  	s0 =	rddreg [dreg:$0x0]  }
0x2: {  	s2 =	rddreg [dreg:$0x1];
	s1 =	srdreg.scid  }
0x3: {  	s4 =	stileid.u32;
	s3 =	simm.s32 $0x0;
	s14 =	simm.s32 $0x1  }
0x4: {  	s15 =	simm.s32 $0x80;
	s24 =	simm.s32 $0x280;
	s25 =	simm.s32 $0x14500  }
0x5: {  	s28 =	simm.s32 $0x2;
	s29 =	simm.s32 $0x4;
	s30 =	simm.s32 $0x5  }
0x6: {  	s31 =	simm.s32 $0x17500;
	s1 =	sand.u32 $0x1, s1;
	s4 =	sshll.u32 s4, $0x1  }
0x7: {  	[smem:$0x7FF] =	sst s3;
	s6 =	sadd.s32 $0x5C600, s0;
	s8 =	sor.u32 s1, s4  }
0x8: {  	_ =	strace $0x8000004A;
	s4 =	sadd.s32 $0x57600, s0;
	s1 =	ssub.s32 $0x2, s1  }
0x9: {  	s5 =	sshll.u32 s8, $0xB;
	s7 =	sshll.u32 s8, $0x4;
	s9 =	smul.u32 $0x280, s8  }
0xa: {  	s26 =	sshrl.u32 s1, $0x1;
	s8 =	sshll.u32 s8, $0x8;
	s10 =	sadd.s32 s5, s0  }
0xb: {  	s5 =	sadd.s32 $0x6C600, s0;
	s0 =	sadd.s32 s7, s0;
	s1 =	ssub.s32 s1, s26  }
0xc: {  	s11 =	sor.u32 $0x40, s8;
	s26 =	simm.s32 $0x3;
	s7 =	sadd.s32 s4, s9  }
0xd: {  	s10 =	sadd.s32 $0x47600, s10;
	s12 =	sadd.s32 $0x7C600, s0;
	s13 =	smax.u32 s1, $0x1  }
0xe: {  	v0 =	vimm.f32 $0.0e+00;
	s0 =	simm.s32 $0x6;
	s1 =	simm.s32 $0x0;
	s9 =	sadd.s32 $0x50, s7  }
.LBB2_1:
0xf: {  	[tilespmem:$0x17500] =	vst v0  }
0x10: {  	[tilespmem:$0x17510] =	vst v0  }
0x11: {  	[tilespmem:$0x17520] =	vst v0  }
0x12: {  	[tilespmem:$0x17530] =	vst v0  }
0x13: {  	[tilespmem:$0x17540] =	vst v0  }
0x14: {  	[tilespmem:$0x17550] =	vst v0  }
0x15: {  	[tilespmem:$0x17560] =	vst v0  }
0x16: {  	[tilespmem:$0x17570] =	vst v0  }
0x17: {  	[tilespmem:s3], [sflag:$0x1] =	stream.linear.gather [hbm4b:s7+s3], $0x280, $0x38;
	[tilespmem:$0x17580] =	vst v63  }
0x18: {  	_ =	swait.ge [sflag:s14], $0x280  }
0x19: {  	[sflag:s14] =	ssyncset.done $0x0  }
0x1a: {  	s16 =	simm.s32 $0x500;
	[sflag:s14] =	ssyncadd.s32 $0xFFFFFD80  }
0x1b: {  	[tilespmem:s16], [sflag:$0x3] =	stream.indirect.gather [hbm4b:s2+s15], $0x40, s3, s15, $0xb8;
	[tilespmem:$0x17580] =	vst v63  }
0x1c: {  	s18 =	simm.s32 $0x2500  }
0x1d: {  	[tilespmem:s18], [sflag:$0x3] =	stream.indirect.gather [hbm4b:s2+s15], $0x40, s15, s15, $0xb8;
	[tilespmem:$0x17580] =	vst v63  }
0x1e: {  	s19 =	simm.s32 $0x100;
	s17 =	simm.s32 $0x4500  }
0x1f: {  	[tilespmem:s17], [sflag:$0x3] =	stream.indirect.gather [hbm4b:s2+s15], $0x40, s19, s15, $0xb8;
	[tilespmem:$0x17580] =	vst v63  }
0x20: {  	s20 =	simm.s32 $0x180;
	s21 =	simm.s32 $0x6500  }
0x21: {  	[tilespmem:s21], [sflag:$0x3] =	stream.indirect.gather [hbm4b:s2+s15], $0x40, s20, s15, $0xb8;
	[tilespmem:$0x17580] =	vst v63  }
0x22: {  	s22 =	simm.s32 $0x200;
	s23 =	simm.s32 $0x8500  }
0x23: {  	[tilespmem:s23], [sflag:$0x3] =	stream.indirect.gather [hbm4b:s2+s15], $0x40, s22, s15, $0xb8;
	[tilespmem:$0x17580] =	vst v63  }
0x24: {  	_ = 	snop  }
0x25: {  	[tilespmem:s24], [sflag:$0x1] =	stream.linear.gather [hbm4b:s9+s3], $0x280, $0x38;
	[tilespmem:$0x17580] =	vst v63  }
0x26: {  	p0 =	por $0x0, $0x0;
	s18 =	simm.s32 $0x0  }
0x27: {  	[tilespmem:s25], [sflag:$0x2] =	stream.linear.gather [hbm4b:s10+s3], $0x800, $0x38;
	[tilespmem:$0x17580] =	vst v63  }
.LBB2_2:
0x28: {  	_ =	swait.ge [sflag:s26], $0xA000;
	p1 =	seq.s32 s18, $0x7  }
.Ltmp0:
0x29: {  	[sflag:s26] =	ssyncset.done $0x0;
	(pc) =	sbr.rel @!p1 .LBB2_3-.Ltmp0, $4  }
0x2a: {  	[sflag:s26] =	ssyncadd.s32 $0xFFFF6000  }
0x2b: {  	_ =	swait.ge [sflag:s28], $0x800  }
0x2c: {  	s17 =	sand.u32 $0x1, s18;
	[sflag:s28] =	ssyncset.done $0x0  }
0x2d: {  	s19 =	sshll.u32 s18, $0x5;
	s16 =	sadd.s32 $0x1, s18;
	[sflag:s28] =	ssyncadd.s32 $0xFFFFF800  }
.LBB2_6:
.Ltmp1:
0x2e: {  	(pc) =	sbr.rel .LBB2_7-.Ltmp1, $2  }
0x2f: {  	_ =	sdelay $0x2  }
0x30: {  	s20 =	simm.s32 $0x5  }
.LBB2_3:
0x31: {  	s20 =	sand.u32 $0x1, s16  }
0x32: {  	s21 =	smul.u32 $0x28000, s20  }
0x33: {  	_ =	swait.ge [sflag:s14], $0x280;
	s22 =	smul.u32 $0xA00, s20  }
0x34: {  	s23 =	smul.u32 $0x280, s20;
	[sflag:s14] =	ssyncset.done $0x0;
	s21 =	sshrl.u32 s21, $0x2  }
0x35: {  	[sflag:s14] =	ssyncadd.s32 $0xFFFFFD80;
	s22 =	sshrl.u32 s22, $0x2;
	s21 =	sor.u32 $0x500, s21  }
0x36: {  	[tilespmem:s21], [sflag:$0x3] =	stream.indirect.gather [hbm4b:s2+s15], $0x40, s22, s15, $0xb8;
	[tilespmem:$0x17580] =	vst v63  }
0x37: {  	s21 =	sadd.s32 $0x80, s23  }
0x38: {  	s22 =	sshll.u32 s21, $0x6  }
0x39: {  	s22 =	sor.u32 $0x500, s22  }
0x3a: {  	[tilespmem:s22], [sflag:$0x3] =	stream.indirect.gather [hbm4b:s2+s15], $0x40, s21, s15, $0xb8;
	[tilespmem:$0x17580] =	vst v63  }
0x3b: {  	s21 =	sadd.s32 $0x100, s23  }
0x3c: {  	s22 =	sshll.u32 s21, $0x6  }
0x3d: {  	s22 =	sor.u32 $0x500, s22  }
0x3e: {  	[tilespmem:s22], [sflag:$0x3] =	stream.indirect.gather [hbm4b:s2+s15], $0x40, s21, s15, $0xb8;
	[tilespmem:$0x17580] =	vst v63  }
0x3f: {  	s21 =	sadd.s32 $0x180, s23  }
0x40: {  	s22 =	sshll.u32 s21, $0x6  }
0x41: {  	s22 =	sor.u32 $0x500, s22  }
0x42: {  	[tilespmem:s22], [sflag:$0x3] =	stream.indirect.gather [hbm4b:s2+s15], $0x40, s21, s15, $0xb8;
	[tilespmem:$0x17580] =	vst v63  }
0x43: {  	s21 =	sadd.s32 $0x200, s23  }
0x44: {  	p1 =	sgt.u32 s18, $0x5;
	s20 =	sshll.u32 s20, $0xB;
	s23 =	sshll.u32 s21, $0x6  }
.Ltmp2:
0x45: {  	s22 =	sor.u32 $0x500, s23;
	s23 =	sshll.u32 s16, $0x8;
	(pc) =	sbr.rel @p1 .LBB2_7-.Ltmp2, $4  }
0x46: {  	[tilespmem:s22], [sflag:$0x3] =	stream.indirect.gather [hbm4b:s2+s15], $0x40, s21, s15, $0xb8;
	[tilespmem:$0x17580] =	vst v63  }
0x47: {  	s20 =	sor.u32 $0x14500, s20;
	s21 =	sadd.s32 s23, s10  }
0x48: {  	[tilespmem:s20], [sflag:$0x2] =	stream.linear.gather [hbm4b:s21+s3], $0x800, $0x38;
	[tilespmem:$0x17580] =	vst v63  }
0x49: {  	s20 =	simm.s32 $0x4  }
0x4a: {  	s21 =	sadd.s32 s19, s11  }
0x4b: {  	p2 =	slt.u32 s18, $0x2;
	s21 =	smul.u32 $0x14, s21  }
.Ltmp3:
0x4c: {  	_ = 	snop;
	(pc) =	sbr.rel @p2 .LBB2_8-.Ltmp3, $4  }
0x4d: {  	_ = 	snop  }
0x4e: {  	p1 =	seq.s32 s17, $0x1;
	s22 =	simm.s32 $0x280;
	s21 =	sshrl.u32 s21, $0x3  }
0x4f: {  	s22 =	simm.s32 @!p1 $0x0;
	s21 =	sadd.s32 s4, s21  }
0x50: {  	[tilespmem:s22], [sflag:$0x1] =	stream.linear.gather [hbm4b:s21+s3], $0x280, $0x38;
	[tilespmem:$0x17580] =	vst v63  }
.Ltmp4:
0x51: {  	(pc) =	sbr.rel @p1 .LBB2_6-.Ltmp4, $1  }
0x52: {  	_ =	sdelay $0x3  }
.LBB2_7:
0x53: {  	_ =	swait.ge [sflag:s20], $0x800  }
0x54: {  	[sflag:s20] =	ssyncset.done $0x0  }
0x55: {  	[sflag:s20] =	ssyncadd.s32 $0xFFFFF800  }
0x56: {  	_ =	swait.ge [sflag:s20], $0x800  }
0x57: {  	[sflag:s20] =	ssyncset.done $0x0  }
0x58: {  	[sflag:s20] =	ssyncadd.s32 $0xFFFFF800  }
.LBB2_8:
0x59: {  	s20 =	simm.s32 $0x1  }
0x5a: {  	s20 =	simm.s32 @!p0 $0x0  }
0x5b: {  	s18 =	smul.u32 $0x28000, s20;
	_ =	sdelay $0x1  }
0x5c: {  	s18 =	sshrl.u32 s18, $0x2  }
0x5d: {  	s18 =	sor.u32 $0x780, s18  }
0x5e: {  	v4 =	vld [tilespmem:s18+$0xFFFFFD80]  }
0x5f: {  	v5 =	vld [tilespmem:s18+$0xFFFFFDC0]  }
0x60: {  	v6 =	vld [tilespmem:s18+$0xFFFFFE00]  }
0x61: {  	v7 =	vld [tilespmem:s18+$0xFFFFFE40]  }
0x62: {  	v10 =	vld [tilespmem:s18+$0xFFFFFE80]  }
0x63: {  	v12 =	vld [tilespmem:s18+$0xFFFFFEC0]  }
0x64: {  	s20 =	sshll.u32 s20, $0xB;
	v58 =	vld [tilespmem:s18+$0xFFFFFF00];
	v3 =	vadd.f32 v5, v4  }
0x65: {  	s21 =	sor.u32 $0x16520, s20;
	s22 =	sor.u32 $0x15520, s20;
	v14 =	vld [tilespmem:s18+$0xFFFFFFC0];
	v8 =	vmul.f32 v4, v4;
	v9 =	vmul.f32 v5, v5  }
0x66: {  	v1 =	vmov s22;
	v2 =	vmov s21;
	v11 =	vadd.f32 v6, v3  }
0x67: {  	v62 =	vld [tilespmem:s18+$0x140];
	v13 =	vmin.f32 v4, v5;
	v8 =	vadd.f32 v9, v8;
	v9 =	vmul.f32 v6, v6  }
0x68: {  	v4 =	vmax.f32 v4, v5;
	v15 =	vmul.f32 v12, v12;
	v5 =	vadd.f32 v7, v11  }
0x69: {  	v16 =	vmul.f32 v58, v58;
	v8 =	vadd.f32 v9, v8;
	v9 =	vmul.f32 v7, v7  }
0x6a: {  	v63 =	vmul.f32 v14, v14;
	v4 =	vmax.f32 v4, v6;
	v5 =	vadd.f32 v10, v5  }
0x6b: {  	s20 =	sor.u32 $0x14530, s20;
	v11 =	vmin.f32 v13, v6;
	v6 =	vld [tilespmem:s18+$0xFFFFFF40];
	v8 =	vadd.f32 v9, v8;
	v9 =	vmul.f32 v10, v10  }
0x6c: {  	v24 =	vmul.f32 v62, v62;
	v3 =	vmov s20;
	v5 =	vadd.f32 v12, v5  }
0x6d: {  	v4 =	vmax.f32 v4, v7;
	v11 =	vmin.f32 v11, v7;
	v7 =	vld [tilespmem:s18+$0xFFFFFF80];
	v8 =	vadd.f32 v9, v8  }
0x6e: {  	v4 =	vmax.f32 v4, v10;
	v11 =	vmin.f32 v11, v10;
	v5 =	vadd.f32 v58, v5  }
0x6f: {  	v4 =	vmax.f32 v4, v12;
	v10 =	vmin.f32 v11, v12;
	v8 =	vadd.f32 v15, v8  }
0x70: {  	v4 =	vmax.f32 v4, v58;
	v11 =	vld [tilespmem:s18+$0x0];
	v9 =	vmin.f32 v10, v58;
	v5 =	vadd.f32 v6, v5  }
0x71: {  	v10 =	vld [tilespmem:s18+$0x40];
	v9 =	vmin.f32 v9, v6;
	v17 =	vmul.f32 v6, v6;
	v8 =	vadd.f32 v16, v8  }
0x72: {  	v4 =	vmax.f32 v4, v6;
	v9 =	vmin.f32 v9, v7;
	v5 =	vadd.f32 v7, v5  }
0x73: {  	v59 =	vld [tilespmem:s18+$0x80];
	v18 =	vmul.f32 v7, v7;
	v4 =	vmax.f32 v4, v7;
	v8 =	vadd.f32 v17, v8  }
0x74: {  	v60 =	vld [tilespmem:s18+$0xC0];
	v9 =	vmin.f32 v9, v14;
	v4 =	vmax.f32 v4, v14;
	v5 =	vadd.f32 v14, v5  }
0x75: {  	v61 =	vld [tilespmem:s18+$0x100];
	v9 =	vmin.f32 v9, v11;
	v22 =	vmul.f32 v11, v11;
	v8 =	vadd.f32 v18, v8  }
0x76: {  	v4 =	vmax.f32 v4, v11;
	v6 =	vmin.f32 v9, v10;
	v5 =	vadd.f32 v11, v5  }
0x77: {  	v9 =	vld [tilespmem:s18+$0x180];
	v23 =	vmul.f32 v10, v10;
	v4 =	vmax.f32 v4, v10;
	v8 =	vadd.f32 v63, v8  }
0x78: {  	v6 =	vmin.f32 v6, v59;
	v4 =	vmax.f32 v4, v59;
	v5 =	vadd.f32 v10, v5  }
0x79: {  	v7 =	vld [tilespmem:s18+$0x1C0];
	v6 =	vmin.f32 v6, v60;
	v4 =	vmax.f32 v4, v60;
	v8 =	vadd.f32 v22, v8  }
0x7a: {  	v21 =	vld [tilespmem:s18+$0x200];
	v6 =	vmin.f32 v6, v61;
	v4 =	vmax.f32 v4, v61;
	v5 =	vadd.f32 v59, v5  }
0x7b: {  	v6 =	vmin.f32 v6, v62;
	v11 =	vld [tilespmem:s18+$0x240];
	v10 =	vmul.f32 v59, v59;
	v8 =	vadd.f32 v23, v8  }
0x7c: {  	v4 =	vmax.f32 v4, v62;
	v6 =	vmin.f32 v6, v9;
	v5 =	vadd.f32 v60, v5  }
0x7d: {  	v4 =	vmax.f32 v4, v9;
	v8 =	vadd.f32 v10, v8;
	v10 =	vmul.f32 v60, v60  }
0x7e: {  	v6 =	vmin.f32 v6, v7;
	v4 =	vmax.f32 v4, v7;
	v5 =	vadd.f32 v61, v5  }
0x7f: {  	v6 =	vmin.f32 v6, v21;
	v8 =	vadd.f32 v10, v8;
	v10 =	vmul.f32 v61, v61  }
0x80: {  	s23 =	simm.s32 $0x0;
	v4 =	vmax.f32 v4, v21;
	v6 =	vmin.f32 v6, v11;
	v5 =	vadd.f32 v62, v5  }
0x81: {  	v4 =	vmax.f32 v4, v11;
	[tilespmem:v1+s23+$0xFFFFFFE0 ss:$0x1] =	vst.idx.msk $0xffff, v6;
	v8 =	vadd.f32 v10, v8  }
0x82: {  	[tilespmem:v2+s23+$0xFFFFFFE0 ss:$0x1] =	vst.idx.msk $0xffff, v4;
	v5 =	vadd.f32 v9, v5  }
0x83: {  	v6 =	vmul.f32 v9, v9;
	v4 =	vadd.f32 v24, v8;
	v8 =	vld.idx.msk [tilespmem:v3+s23+$0xFFFFFFD0 ss:$0x1], $0xffff  }
0x84: {  	v5 =	vadd.f32 v7, v5  }
0x85: {  	v4 =	vadd.f32 v6, v4;
	v6 =	vmul.f32 v7, v7  }
0x86: {  	v5 =	vadd.f32 v21, v5  }
0x87: {  	v4 =	vadd.f32 v6, v4;
	v6 =	vmul.f32 v21, v21  }
0x88: {  	v7 =	vmul.f32 $2.000000000e+01, v8;
	v9 =	vadd.f32 v8, v8;
	v5 =	vadd.f32 v11, v5  }
0x89: {  	v10 =	vmul.f32 v11, v11  }
0x8a: {  	v11 =	vld [tilespmem:$0x17500];
	v4 =	vadd.f32 v6, v4;
	v6 =	vmul.f32 v7, v8;
	v8 =	vmul.f32 v9, v5  }
0x8b: {  	v9 =	vld [tilespmem:$0x17540]  }
0x8c: {  	v4 =	vadd.f32 v10, v4;
	v6 =	vsub.f32 v6, v8  }
0x8d: {  	v5 =	vsub.f32 v7, v5  }
0x8e: {  	v4 =	vadd.f32 v6, v4  }
0x8f: {  	v5 =	vadd.f32 v5, v11  }
0x90: {  	v4 =	vadd.f32 v4, v9  }
0x91: {  	[tilespmem:$0x17500] =	vst v5  }
0x92: {  	[tilespmem:$0x17540] =	vst v4  }
0x93: {  	v4 =	vld [tilespmem:s18+$0xFFFFFD90]  }
0x94: {  	v5 =	vld [tilespmem:s18+$0xFFFFFDD0];
	_ =	sdelay $0x1  }
0x95: {  	v6 =	vld [tilespmem:s18+$0xFFFFFE10];
	_ =	sdelay $0x1  }
0x96: {  	v7 =	vld [tilespmem:s18+$0xFFFFFE50]  }
0x97: {  	v8 =	vadd.f32 v5, v4  }
0x98: {  	v11 =	vld [tilespmem:s18+$0xFFFFFE90];
	v9 =	vmul.f32 v4, v4;
	v10 =	vmul.f32 v5, v5  }
0x99: {  	v25 =	vld [tilespmem:s18+$0xFFFFFED0];
	v8 =	vadd.f32 v6, v8  }
0x9a: {  	v27 =	vld [tilespmem:s18+$0xFFFFFF10];
	v9 =	vadd.f32 v10, v9;
	v10 =	vmul.f32 v6, v6  }
0x9b: {  	v26 =	vmin.f32 v4, v5;
	v4 =	vmax.f32 v4, v5;
	v5 =	vadd.f32 v7, v8  }
0x9c: {  	v31 =	vld [tilespmem:s18+$0x90];
	v4 =	vmax.f32 v4, v6;
	v9 =	vadd.f32 v10, v9;
	v10 =	vmul.f32 v7, v7  }
0x9d: {  	v4 =	vmax.f32 v4, v7;
	v8 =	vmin.f32 v26, v6;
	v5 =	vadd.f32 v11, v5  }
0x9e: {  	v6 =	vmin.f32 v8, v7;
	v8 =	vld [tilespmem:s18+$0xFFFFFF50];
	v7 =	vadd.f32 v10, v9;
	v9 =	vmul.f32 v11, v11  }
0x9f: {  	v29 =	vmul.f32 v27, v27;
	v4 =	vmax.f32 v4, v11;
	v5 =	vadd.f32 v25, v5  }
0xa0: {  	v10 =	vld [tilespmem:s18+$0xFFFFFF90];
	v6 =	vmin.f32 v6, v11;
	v11 =	vmul.f32 v25, v25;
	v7 =	vadd.f32 v9, v7  }
0xa1: {  	v16 =	vmul.f32 v31, v31;
	v6 =	vmin.f32 v6, v25;
	v9 =	vld [tilespmem:s18+$0xFFFFFFD0];
	v5 =	vadd.f32 v27, v5  }
0xa2: {  	v28 =	vld [tilespmem:s18+$0x10];
	v4 =	vmax.f32 v4, v25;
	v6 =	vmin.f32 v6, v27;
	v7 =	vadd.f32 v11, v7  }
0xa3: {  	v30 =	vld [tilespmem:s18+$0x50];
	v4 =	vmax.f32 v4, v27;
	v6 =	vmin.f32 v6, v8;
	v5 =	vadd.f32 v8, v5  }
0xa4: {  	v32 =	vmul.f32 v8, v8;
	v4 =	vmax.f32 v4, v8;
	v7 =	vadd.f32 v29, v7  }
0xa5: {  	v6 =	vmin.f32 v6, v10;
	v11 =	vmul.f32 v10, v10;
	v5 =	vadd.f32 v10, v5  }
0xa6: {  	v4 =	vmax.f32 v4, v10;
	v6 =	vmin.f32 v6, v9;
	v7 =	vadd.f32 v32, v7  }
0xa7: {  	v33 =	vld [tilespmem:s18+$0xD0];
	v8 =	vmul.f32 v9, v9;
	v4 =	vmax.f32 v4, v9;
	v5 =	vadd.f32 v9, v5  }
0xa8: {  	v34 =	vld [tilespmem:s18+$0x110];
	v6 =	vmin.f32 v6, v28;
	v10 =	vmul.f32 v30, v30;
	v7 =	vadd.f32 v11, v7  }
0xa9: {  	v35 =	vld [tilespmem:s18+$0x150];
	v4 =	vmax.f32 v4, v28;
	v6 =	vmin.f32 v6, v30;
	v5 =	vadd.f32 v28, v5  }
0xaa: {  	v4 =	vmax.f32 v4, v30;
	v9 =	vld [tilespmem:s18+$0x190];
	v11 =	vmul.f32 v28, v28;
	v7 =	vadd.f32 v8, v7  }
0xab: {  	v6 =	vmin.f32 v6, v31;
	v4 =	vmax.f32 v4, v31;
	v5 =	vadd.f32 v30, v5  }
0xac: {  	v36 =	vld [tilespmem:s18+$0x1D0];
	v6 =	vmin.f32 v6, v33;
	v4 =	vmax.f32 v4, v33;
	v7 =	vadd.f32 v11, v7  }
0xad: {  	v37 =	vld [tilespmem:s18+$0x210];
	v6 =	vmin.f32 v6, v34;
	v8 =	vmul.f32 v34, v34;
	v5 =	vadd.f32 v31, v5  }
0xae: {  	v4 =	vmax.f32 v4, v34;
	v6 =	vmin.f32 v6, v35;
	v11 =	vld [tilespmem:s18+$0x250];
	v7 =	vadd.f32 v10, v7  }
0xaf: {  	v4 =	vmax.f32 v4, v35;
	v6 =	vmin.f32 v6, v9;
	v5 =	vadd.f32 v33, v5  }
0xb0: {  	v4 =	vmax.f32 v4, v9;
	v10 =	vmul.f32 v33, v33;
	v7 =	vadd.f32 v16, v7  }
0xb1: {  	v6 =	vmin.f32 v6, v36;
	v4 =	vmax.f32 v4, v36;
	v5 =	vadd.f32 v34, v5  }
0xb2: {  	v6 =	vmin.f32 v6, v37;
	v4 =	vmax.f32 v4, v37;
	v7 =	vadd.f32 v10, v7  }
0xb3: {  	v6 =	vmin.f32 v6, v11;
	v4 =	vmax.f32 v4, v11;
	v5 =	vadd.f32 v35, v5  }
0xb4: {  	[tilespmem:v1+s23+$0xFFFFFFF0 ss:$0x1] =	vst.idx.msk $0xffff, v6;
	v6 =	vadd.f32 v8, v7;
	v7 =	vmul.f32 v35, v35  }
0xb5: {  	[tilespmem:v2+s23+$0xFFFFFFF0 ss:$0x1] =	vst.idx.msk $0xffff, v4;
	v4 =	vadd.f32 v9, v5  }
0xb6: {  	v5 =	vld.idx.msk [tilespmem:v3+s23+$0xFFFFFFE0 ss:$0x1], $0xffff;
	v6 =	vadd.f32 v7, v6;
	v7 =	vmul.f32 v9, v9  }
0xb7: {  	v4 =	vadd.f32 v36, v4  }
0xb8: {  	v6 =	vadd.f32 v7, v6;
	v7 =	vmul.f32 v36, v36  }
0xb9: {  	v4 =	vadd.f32 v37, v4  }
0xba: {  	v6 =	vadd.f32 v7, v6;
	v7 =	vmul.f32 v37, v37  }
0xbb: {  	v8 =	vmul.f32 $2.000000000e+01, v5;
	v9 =	vadd.f32 v5, v5;
	v4 =	vadd.f32 v11, v4  }
0xbc: {  	v10 =	vmul.f32 v11, v11  }
0xbd: {  	v11 =	vld [tilespmem:$0x17510];
	v6 =	vadd.f32 v7, v6;
	v5 =	vmul.f32 v8, v5;
	v7 =	vmul.f32 v9, v4  }
0xbe: {  	v9 =	vld [tilespmem:$0x17550]  }
0xbf: {  	v6 =	vadd.f32 v10, v6;
	v5 =	vsub.f32 v5, v7  }
0xc0: {  	v4 =	vsub.f32 v8, v4  }
0xc1: {  	v5 =	vadd.f32 v5, v6  }
0xc2: {  	v4 =	vadd.f32 v4, v11  }
0xc3: {  	v5 =	vadd.f32 v5, v9  }
0xc4: {  	[tilespmem:$0x17510] =	vst v4  }
0xc5: {  	[tilespmem:$0x17550] =	vst v5  }
0xc6: {  	v4 =	vld [tilespmem:s18+$0xFFFFFDA0]  }
0xc7: {  	v5 =	vld [tilespmem:s18+$0xFFFFFDE0];
	_ =	sdelay $0x1  }
0xc8: {  	v6 =	vld [tilespmem:s18+$0xFFFFFE20]  }
0xc9: {  	v7 =	vld [tilespmem:s18+$0xFFFFFE60]  }
0xca: {  	v9 =	vld [tilespmem:s18+$0xFFFFFEA0]  }
0xcb: {  	v38 =	vld [tilespmem:s18+$0xFFFFFEE0];
	v8 =	vadd.f32 v5, v4  }
0xcc: {  	v40 =	vld [tilespmem:s18+$0xFFFFFF20];
	v10 =	vmul.f32 v4, v4;
	v11 =	vmul.f32 v5, v5  }
0xcd: {  	v42 =	vld [tilespmem:s18+$0xFFFFFFA0];
	v8 =	vadd.f32 v6, v8  }
0xce: {  	v39 =	vmul.f32 v6, v6;
	v10 =	vadd.f32 v11, v10  }
0xcf: {  	v11 =	vmax.f32 v4, v5;
	v4 =	vmin.f32 v4, v5;
	v5 =	vadd.f32 v7, v8  }
0xd0: {  	v41 =	vmul.f32 v7, v7;
	v43 =	vmul.f32 v9, v9;
	v10 =	vadd.f32 v39, v10  }
0xd1: {  	v44 =	vmul.f32 v38, v38;
	v45 =	vmul.f32 v40, v40;
	v5 =	vadd.f32 v9, v5  }
0xd2: {  	v13 =	vmul.f32 v42, v42;
	v8 =	vmax.f32 v11, v6;
	v11 =	vld [tilespmem:s18+$0xFFFFFF60];
	v10 =	vadd.f32 v41, v10  }
0xd3: {  	v4 =	vmin.f32 v4, v6;
	v8 =	vmax.f32 v8, v7;
	v5 =	vadd.f32 v38, v5  }
0xd4: {  	v4 =	vmin.f32 v4, v7;
	v6 =	vmax.f32 v8, v9;
	v10 =	vadd.f32 v43, v10  }
0xd5: {  	v4 =	vmin.f32 v4, v9;
	v8 =	vld [tilespmem:s18+$0xFFFFFFE0];
	v6 =	vmax.f32 v6, v38;
	v5 =	vadd.f32 v40, v5  }
0xd6: {  	v7 =	vld [tilespmem:s18+$0x20];
	v4 =	vmin.f32 v4, v38;
	v6 =	vmax.f32 v6, v40;
	v10 =	vadd.f32 v44, v10  }
0xd7: {  	v9 =	vld [tilespmem:s18+$0x60];
	v4 =	vmin.f32 v4, v40;
	v6 =	vmax.f32 v6, v11;
	v5 =	vadd.f32 v11, v5  }
0xd8: {  	v46 =	vld [tilespmem:s18+$0xA0];
	v47 =	vmul.f32 v11, v11;
	v4 =	vmin.f32 v4, v11;
	v10 =	vadd.f32 v45, v10  }
0xd9: {  	v6 =	vmax.f32 v6, v42;
	v4 =	vmin.f32 v4, v42;
	v5 =	vadd.f32 v42, v5  }
0xda: {  	v6 =	vmax.f32 v6, v8;
	v4 =	vmin.f32 v4, v8;
	v11 =	vld [tilespmem:s18+$0xE0];
	v10 =	vadd.f32 v47, v10  }
0xdb: {  	v48 =	vld [tilespmem:s18+$0x120];
	v6 =	vmax.f32 v6, v7;
	v4 =	vmin.f32 v4, v7;
	v5 =	vadd.f32 v8, v5  }
0xdc: {  	v49 =	vld [tilespmem:s18+$0x160];
	v6 =	vmax.f32 v6, v9;
	v8 =	vmul.f32 v8, v8;
	v10 =	vadd.f32 v13, v10  }
0xdd: {  	v4 =	vmin.f32 v4, v9;
	v6 =	vmax.f32 v6, v46;
	v5 =	vadd.f32 v7, v5  }
0xde: {  	v50 =	vld [tilespmem:s18+$0x1A0];
	v4 =	vmin.f32 v4, v46;
	v7 =	vmul.f32 v7, v7;
	v8 =	vadd.f32 v8, v10  }
0xdf: {  	v51 =	vld [tilespmem:s18+$0x1E0];
	v4 =	vmin.f32 v4, v11;
	v6 =	vmax.f32 v6, v11;
	v5 =	vadd.f32 v9, v5  }
0xe0: {  	v10 =	vld [tilespmem:s18+$0x220];
	v4 =	vmin.f32 v4, v48;
	v9 =	vmul.f32 v9, v9;
	v7 =	vadd.f32 v7, v8  }
0xe1: {  	v52 =	vld [tilespmem:s18+$0x260];
	v6 =	vmax.f32 v6, v48;
	v4 =	vmin.f32 v4, v49;
	v5 =	vadd.f32 v46, v5  }
0xe2: {  	v6 =	vmax.f32 v6, v49;
	v8 =	vmul.f32 v46, v46;
	v7 =	vadd.f32 v9, v7  }
0xe3: {  	v4 =	vmin.f32 v4, v50;
	v6 =	vmax.f32 v6, v50;
	v5 =	vadd.f32 v11, v5  }
0xe4: {  	v4 =	vmin.f32 v4, v51;
	v9 =	vmul.f32 v11, v11;
	v7 =	vadd.f32 v8, v7  }
0xe5: {  	v6 =	vmax.f32 v6, v51;
	v4 =	vmin.f32 v4, v10;
	v5 =	vadd.f32 v48, v5  }
0xe6: {  	v4 =	vmin.f32 v4, v52;
	v8 =	vmul.f32 v48, v48;
	v7 =	vadd.f32 v9, v7  }
0xe7: {  	v6 =	vmax.f32 v6, v10;
	[tilespmem:v1+s23+$0x0 ss:$0x1] =	vst.idx.msk $0xffff, v4;
	v4 =	vadd.f32 v49, v5  }
0xe8: {  	v5 =	vmax.f32 v6, v52;
	v6 =	vadd.f32 v8, v7;
	v7 =	vmul.f32 v49, v49  }
0xe9: {  	[tilespmem:v2+s23+$0x0 ss:$0x1] =	vst.idx.msk $0xffff, v5;
	v4 =	vadd.f32 v50, v4  }
0xea: {  	v5 =	vld.idx.msk [tilespmem:v3+s23+$0xFFFFFFF0 ss:$0x1], $0xffff;
	v6 =	vadd.f32 v7, v6;
	v7 =	vmul.f32 v50, v50  }
0xeb: {  	v4 =	vadd.f32 v51, v4  }
0xec: {  	v6 =	vadd.f32 v7, v6;
	v7 =	vmul.f32 v51, v51  }
0xed: {  	v4 =	vadd.f32 v10, v4  }
0xee: {  	v6 =	vadd.f32 v7, v6;
	v7 =	vmul.f32 v10, v10  }
0xef: {  	v8 =	vadd.f32 v5, v5;
	v9 =	vmul.f32 $2.000000000e+01, v5;
	v4 =	vadd.f32 v52, v4  }
0xf0: {  	v10 =	vmul.f32 v52, v52  }
0xf1: {  	v11 =	vld [tilespmem:$0x17520];
	v6 =	vadd.f32 v7, v6;
	v5 =	vmul.f32 v9, v5;
	v7 =	vmul.f32 v8, v4  }
0xf2: {  	v8 =	vld [tilespmem:$0x17560]  }
0xf3: {  	v6 =	vadd.f32 v10, v6;
	v5 =	vsub.f32 v5, v7  }
0xf4: {  	v4 =	vsub.f32 v9, v4  }
0xf5: {  	v5 =	vadd.f32 v5, v6  }
0xf6: {  	v4 =	vadd.f32 v4, v11  }
0xf7: {  	v5 =	vadd.f32 v5, v8  }
0xf8: {  	[tilespmem:$0x17520] =	vst v4  }
0xf9: {  	[tilespmem:$0x17560] =	vst v5  }
0xfa: {  	v4 =	vld [tilespmem:s18+$0xFFFFFDB0]  }
0xfb: {  	v5 =	vld [tilespmem:s18+$0xFFFFFDF0];
	_ =	sdelay $0x1  }
0xfc: {  	v6 =	vld [tilespmem:s18+$0xFFFFFE30];
	_ =	sdelay $0x1  }
0xfd: {  	v7 =	vld [tilespmem:s18+$0xFFFFFE70]  }
0xfe: {  	v9 =	vld [tilespmem:s18+$0xFFFFFEB0];
	v8 =	vadd.f32 v5, v4  }
0xff: {  	v53 =	vld [tilespmem:s18+$0xFFFFFEF0]  }
0x100: {  	v57 =	vld [tilespmem:s18+$0x30];
	v10 =	vmul.f32 v4, v4;
	v11 =	vmul.f32 v5, v5;
	v8 =	vadd.f32 v6, v8  }
0x101: {  	v54 =	vmin.f32 v4, v5;
	v4 =	vmax.f32 v4, v5  }
0x102: {  	v58 =	vld [tilespmem:s18+$0xB0];
	v5 =	vadd.f32 v11, v10;
	v10 =	vmul.f32 v6, v6;
	v8 =	vadd.f32 v7, v8  }
0x103: {  	v13 =	vmin.f32 v54, v6;
	v4 =	vmax.f32 v4, v6;
	v11 =	vld [tilespmem:s18+$0xFFFFFF30]  }
0x104: {  	v55 =	vld [tilespmem:s18+$0xFFFFFFF0];
	v6 =	vmul.f32 v7, v7;
	v5 =	vadd.f32 v10, v5;
	v8 =	vadd.f32 v9, v8  }
0x105: {  	v56 =	vmul.f32 v53, v53;
	v12 =	vmul.f32 v57, v57;
	v10 =	vld [tilespmem:s18+$0xFFFFFF70]  }
0x106: {  	v4 =	vmax.f32 v4, v7;
	v5 =	vadd.f32 v6, v5;
	v6 =	vadd.f32 v53, v8  }
0x107: {  	v13 =	vmin.f32 v13, v7;
	v4 =	vmax.f32 v4, v9;
	v7 =	vmul.f32 v9, v9;
	v8 =	vld [tilespmem:s18+$0xFFFFFFB0]  }
0x108: {  	v63 =	vmul.f32 v58, v58;
	v4 =	vmax.f32 v4, v53;
	v6 =	vadd.f32 v11, v6  }
0x109: {  	v9 =	vmin.f32 v13, v9;
	v13 =	vmul.f32 v55, v55;
	v5 =	vadd.f32 v7, v5  }
0x10a: {  	v4 =	vmax.f32 v4, v11;
	v7 =	vmin.f32 v9, v53;
	v6 =	vadd.f32 v10, v6  }
0x10b: {  	v9 =	vmul.f32 v11, v11;
	v7 =	vmin.f32 v7, v11;
	v5 =	vadd.f32 v56, v5  }
0x10c: {  	v4 =	vmax.f32 v4, v10;
	v11 =	vld [tilespmem:s18+$0x70];
	v7 =	vmin.f32 v7, v10;
	v6 =	vadd.f32 v8, v6  }
0x10d: {  	v10 =	vmul.f32 v10, v10;
	v5 =	vadd.f32 v9, v5;
	v7 =	vmin.f32 v7, v8  }
0x10e: {  	v9 =	vld [tilespmem:s18+$0xF0];
	v4 =	vmax.f32 v4, v8;
	v8 =	vmul.f32 v8, v8;
	v6 =	vadd.f32 v55, v6  }
0x10f: {  	v59 =	vld [tilespmem:s18+$0x130];
	v7 =	vmin.f32 v7, v55;
	v4 =	vmax.f32 v4, v55;
	v5 =	vadd.f32 v10, v5  }
0x110: {  	v10 =	vld [tilespmem:s18+$0x170];
	v7 =	vmin.f32 v7, v57;
	v4 =	vmax.f32 v4, v57;
	v6 =	vadd.f32 v57, v6  }
0x111: {  	v60 =	vld [tilespmem:s18+$0x1B0];
	v7 =	vmin.f32 v7, v11;
	v5 =	vadd.f32 v8, v5;
	v4 =	vmax.f32 v4, v11  }
0x112: {  	v8 =	vld [tilespmem:s18+$0x1F0];
	v7 =	vmin.f32 v7, v58;
	v4 =	vmax.f32 v4, v58;
	v6 =	vadd.f32 v11, v6  }
0x113: {  	v7 =	vmin.f32 v7, v9;
	v5 =	vadd.f32 v13, v5;
	v4 =	vmax.f32 v4, v9  }
0x114: {  	v61 =	vld [tilespmem:s18+$0x230];
	v7 =	vmin.f32 v7, v59;
	v4 =	vmax.f32 v4, v59;
	v6 =	vadd.f32 v58, v6  }
0x115: {  	v62 =	vld [tilespmem:s18+$0x270];
	v11 =	vmul.f32 v11, v11;
	v7 =	vmin.f32 v7, v10;
	v5 =	vadd.f32 v12, v5  }
0x116: {  	v4 =	vmax.f32 v4, v10;
	v7 =	vmin.f32 v7, v60;
	v6 =	vadd.f32 v9, v6  }
0x117: {  	v4 =	vmax.f32 v4, v60;
	v7 =	vmin.f32 v7, v8;
	v5 =	vadd.f32 v11, v5  }
0x118: {  	v4 =	vmax.f32 v4, v8;
	v11 =	vmul.f32 v59, v59;
	v6 =	vadd.f32 v59, v6  }
0x119: {  	v7 =	vmin.f32 v7, v61;
	v9 =	vmul.f32 v9, v9;
	v5 =	vadd.f32 v63, v5  }
0x11a: {  	v4 =	vmax.f32 v4, v61;
	v7 =	vmin.f32 v7, v62;
	v6 =	vadd.f32 v10, v6  }
0x11b: {  	v4 =	vmax.f32 v4, v62;
	[tilespmem:v1+s23+$0x10 ss:$0x1] =	vst.idx.msk $0xffff, v7;
	v5 =	vadd.f32 v9, v5  }
0x11c: {  	[tilespmem:v2+s23+$0x10 ss:$0x1] =	vst.idx.msk $0xffff, v4;
	v4 =	vadd.f32 v60, v6  }
0x11d: {  	v7 =	vld.idx.msk [tilespmem:v3+s23+$0x0 ss:$0x1], $0xffff;
	v5 =	vadd.f32 v11, v5;
	v6 =	vmul.f32 v10, v10  }
0x11e: {  	v4 =	vadd.f32 v8, v4  }
0x11f: {  	v5 =	vadd.f32 v6, v5;
	v6 =	vmul.f32 v60, v60  }
0x120: {  	v4 =	vadd.f32 v61, v4  }
0x121: {  	v9 =	vld [tilespmem:$0x17530];
	v5 =	vadd.f32 v6, v5;
	v6 =	vmul.f32 v8, v8  }
0x122: {  	v10 =	vadd.f32 v7, v7;
	v8 =	vmul.f32 $2.000000000e+01, v7;
	v4 =	vadd.f32 v62, v4  }
0x123: {  	v5 =	vadd.f32 v6, v5;
	v6 =	vmul.f32 v61, v61  }
0x124: {  	v7 =	vmul.f32 v8, v7;
	v11 =	vsub.f32 v8, v4;
	v8 =	vmul.f32 v10, v4  }
0x125: {  	v6 =	vadd.f32 v6, v5  }
0x126: {  	s21 =	simm.s32 $0x100;
	s20 =	sor.u32 s8, s19;
	s19 =	sshll.u32 s17, $0xB;
	v4 =	vld [tilespmem:$0x17570];
	v5 =	vadd.f32 v11, v9;
	v7 =	vsub.f32 v7, v8;
	v8 =	vmul.f32 v62, v62  }
.LBB2_9:
0x127: {  	p1 =	sne.s32 s21, $0x1F00  }
0x128: {  	s18 =	sadd.s32 $0x500, s18;
	s22 =	smov.u32 s21;
	s21 =	sadd.s32 $0x100, s21  }
0x129: {  	v6 =	vadd.f32 v8, v6;
	_ =	sdelay $0x1  }
0x12a: {  	v6 =	vadd.f32 v7, v6;
	_ =	sdelay $0x1  }
0x12b: {  	v4 =	vadd.f32 v6, v4  }
0x12c: {  	[tilespmem:$0x17530] =	vst v5  }
0x12d: {  	[tilespmem:$0x17570] =	vst v4  }
0x12e: {  	v4 =	vld [tilespmem:s18+$0xFFFFFD80]  }
0x12f: {  	v5 =	vld [tilespmem:s18+$0xFFFFFDC0];
	_ =	sdelay $0x1  }
0x130: {  	v6 =	vld [tilespmem:s18+$0xFFFFFE00];
	_ =	sdelay $0x1  }
0x131: {  	v7 =	vld [tilespmem:s18+$0xFFFFFE40]  }
0x132: {  	v8 =	vmul.f32 v4, v4;
	v9 =	vadd.f32 v5, v4;
	v10 =	vmul.f32 v5, v5  }
0x133: {  	v11 =	vmin.f32 v4, v5;
	v4 =	vmax.f32 v4, v5;
	v5 =	vld [tilespmem:s18+$0xFFFFFE80]  }
0x134: {  	v8 =	vadd.f32 v10, v8;
	v9 =	vadd.f32 v6, v9;
	v10 =	vmul.f32 v6, v6;
	v12 =	vld [tilespmem:s18+$0xFFFFFEC0]  }
0x135: {  	v11 =	vmin.f32 v11, v6;
	v4 =	vmax.f32 v4, v6;
	v6 =	vld [tilespmem:s18+$0xFFFFFF00]  }
0x136: {  	v8 =	vadd.f32 v10, v8;
	v9 =	vadd.f32 v7, v9;
	v10 =	vmul.f32 v7, v7;
	v13 =	vld [tilespmem:s18+$0xFFFFFF40]  }
0x137: {  	v11 =	vmin.f32 v11, v7;
	v4 =	vmax.f32 v4, v7;
	v7 =	vld [tilespmem:s18+$0xFFFFFF80]  }
0x138: {  	v8 =	vadd.f32 v10, v8;
	v10 =	vmin.f32 v11, v5;
	v9 =	vadd.f32 v5, v9;
	v11 =	vld [tilespmem:s18+$0xFFFFFFC0]  }
0x139: {  	v4 =	vmax.f32 v4, v5;
	v5 =	vmul.f32 v5, v5;
	v10 =	vmin.f32 v10, v12;
	v14 =	vld [tilespmem:s18+$0x0]  }
0x13a: {  	v15 =	vmul.f32 v12, v12;
	v9 =	vadd.f32 v12, v9;
	v10 =	vmin.f32 v10, v6;
	v16 =	vld [tilespmem:s18+$0x40]  }
0x13b: {  	v4 =	vmax.f32 v4, v12;
	v5 =	vadd.f32 v5, v8;
	v8 =	vmin.f32 v10, v13;
	v10 =	vld [tilespmem:s18+$0x80]  }
0x13c: {  	v12 =	vmul.f32 v6, v6;
	v9 =	vadd.f32 v6, v9;
	v8 =	vmin.f32 v8, v7;
	v17 =	vld [tilespmem:s18+$0xC0]  }
0x13d: {  	v4 =	vmax.f32 v4, v6;
	v5 =	vadd.f32 v15, v5;
	v6 =	vmin.f32 v8, v11;
	v8 =	vld [tilespmem:s18+$0x100]  }
0x13e: {  	v15 =	vmul.f32 v13, v13;
	v9 =	vadd.f32 v13, v9;
	v6 =	vmin.f32 v6, v14;
	v18 =	vld [tilespmem:s18+$0x140]  }
0x13f: {  	v4 =	vmax.f32 v4, v13;
	v5 =	vadd.f32 v12, v5;
	v6 =	vmin.f32 v6, v16;
	v12 =	vld [tilespmem:s18+$0x180]  }
0x140: {  	v13 =	vmul.f32 v7, v7;
	v9 =	vadd.f32 v7, v9;
	v6 =	vmin.f32 v6, v10;
	v19 =	vld [tilespmem:s18+$0x1C0]  }
0x141: {  	v4 =	vmax.f32 v4, v7;
	v5 =	vadd.f32 v15, v5;
	v6 =	vmin.f32 v6, v17;
	v7 =	vld [tilespmem:s18+$0x200]  }
0x142: {  	v15 =	vmul.f32 v11, v11;
	v9 =	vadd.f32 v11, v9;
	v6 =	vmin.f32 v6, v8;
	v20 =	vld [tilespmem:s18+$0x240]  }
0x143: {  	v4 =	vmax.f32 v4, v11;
	v5 =	vadd.f32 v13, v5;
	v6 =	vmin.f32 v6, v18  }
0x144: {  	v11 =	vmul.f32 v14, v14;
	v9 =	vadd.f32 v14, v9;
	v6 =	vmin.f32 v6, v12  }
0x145: {  	v4 =	vmax.f32 v4, v14;
	v5 =	vadd.f32 v15, v5;
	v6 =	vmin.f32 v6, v19  }
0x146: {  	v13 =	vmul.f32 v16, v16;
	v9 =	vadd.f32 v16, v9;
	v6 =	vmin.f32 v6, v7  }
0x147: {  	v4 =	vmax.f32 v4, v16;
	v5 =	vadd.f32 v11, v5;
	v6 =	vmin.f32 v6, v20  }
0x148: {  	v4 =	vmax.f32 v4, v10;
	v9 =	vadd.f32 v10, v9  }
0x149: {  	v4 =	vmax.f32 v4, v17;
	v5 =	vadd.f32 v13, v5;
	v10 =	vmul.f32 v10, v10  }
0x14a: {  	v4 =	vmax.f32 v4, v8;
	v9 =	vadd.f32 v17, v9  }
0x14b: {  	v4 =	vmax.f32 v4, v18;
	v5 =	vadd.f32 v10, v5;
	v10 =	vmul.f32 v17, v17  }
0x14c: {  	v4 =	vmax.f32 v4, v12;
	v9 =	vadd.f32 v8, v9  }
0x14d: {  	v4 =	vmax.f32 v4, v19;
	v5 =	vadd.f32 v10, v5;
	v8 =	vmul.f32 v8, v8  }
0x14e: {  	s22 =	sshra.s32 s22, $0x2;
	v4 =	vmax.f32 v4, v7;
	v10 =	vmul.f32 v18, v18;
	v9 =	vadd.f32 v18, v9  }
0x14f: {  	v4 =	vmax.f32 v4, v20;
	v5 =	vadd.f32 v8, v5;
	[tilespmem:v1+s22+$0xFFFFFFE0 ss:$0x1] =	vst.idx.msk $0xffff, v6  }
0x150: {  	v6 =	vadd.f32 v12, v9;
	[tilespmem:v2+s22+$0xFFFFFFE0 ss:$0x1] =	vst.idx.msk $0xffff, v4  }
0x151: {  	v4 =	vadd.f32 v10, v5;
	v5 =	vmul.f32 v12, v12;
	v8 =	vld.idx.msk [tilespmem:v3+s22+$0xFFFFFFD0 ss:$0x1], $0xffff  }
0x152: {  	v6 =	vadd.f32 v19, v6  }
0x153: {  	v4 =	vadd.f32 v5, v4;
	v5 =	vmul.f32 v19, v19;
	_ =	sdelay $0x1  }
0x154: {  	v4 =	vadd.f32 v5, v4;
	v5 =	vadd.f32 v7, v6  }
0x155: {  	v6 =	vmul.f32 v7, v7  }
0x156: {  	v5 =	vadd.f32 v20, v5;
	v9 =	vmul.f32 $2.000000000e+01, v8;
	v10 =	vadd.f32 v8, v8;
	v7 =	vld [tilespmem:$0x17500]  }
0x157: {  	v11 =	vmul.f32 v20, v20  }
0x158: {  	v4 =	vadd.f32 v6, v4;
	v6 =	vmul.f32 v9, v8;
	v8 =	vmul.f32 v10, v5  }
0x159: {  	v5 =	vsub.f32 v9, v5;
	v9 =	vld [tilespmem:$0x17540]  }
0x15a: {  	v4 =	vadd.f32 v11, v4;
	v6 =	vsub.f32 v6, v8  }
0x15b: {  	v5 =	vadd.f32 v5, v7  }
0x15c: {  	v4 =	vadd.f32 v6, v4  }
0x15d: {  	[tilespmem:$0x17500] =	vst v5  }
0x15e: {  	v4 =	vadd.f32 v4, v9;
	_ =	sdelay $0x1  }
0x15f: {  	[tilespmem:$0x17540] =	vst v4  }
0x160: {  	v4 =	vld [tilespmem:s18+$0xFFFFFD90]  }
0x161: {  	v5 =	vld [tilespmem:s18+$0xFFFFFDD0];
	_ =	sdelay $0x1  }
0x162: {  	v6 =	vld [tilespmem:s18+$0xFFFFFE10];
	_ =	sdelay $0x1  }
0x163: {  	v7 =	vmul.f32 v4, v4;
	v8 =	vld [tilespmem:s18+$0xFFFFFE50]  }
0x164: {  	v9 =	vmin.f32 v4, v5;
	v10 =	vadd.f32 v5, v4;
	v11 =	vmul.f32 v5, v5  }
0x165: {  	v4 =	vmax.f32 v4, v5;
	v5 =	vld [tilespmem:s18+$0xFFFFFE90]  }
0x166: {  	v7 =	vadd.f32 v11, v7;
	v10 =	vadd.f32 v6, v10;
	v11 =	vmul.f32 v6, v6  }
0x167: {  	v9 =	vmin.f32 v9, v6;
	v4 =	vmax.f32 v4, v6;
	v6 =	vld [tilespmem:s18+$0xFFFFFED0]  }
0x168: {  	v7 =	vadd.f32 v11, v7;
	v10 =	vadd.f32 v8, v10;
	v11 =	vmul.f32 v8, v8;
	v12 =	vld [tilespmem:s18+$0xFFFFFF10]  }
0x169: {  	v9 =	vmin.f32 v9, v8;
	v4 =	vmax.f32 v4, v8;
	v8 =	vld [tilespmem:s18+$0xFFFFFF50]  }
0x16a: {  	v7 =	vadd.f32 v11, v7;
	v10 =	vadd.f32 v5, v10;
	v11 =	vmul.f32 v5, v5;
	v13 =	vld [tilespmem:s18+$0xFFFFFF90]  }
0x16b: {  	v9 =	vmin.f32 v9, v5;
	v4 =	vmax.f32 v4, v5  }
0x16c: {  	v5 =	vadd.f32 v11, v7;
	v7 =	vmin.f32 v9, v6;
	v9 =	vadd.f32 v6, v10;
	v10 =	vld [tilespmem:s18+$0xFFFFFFD0]  }
0x16d: {  	v4 =	vmax.f32 v4, v6;
	v6 =	vmul.f32 v6, v6;
	v7 =	vmin.f32 v7, v12;
	v11 =	vld [tilespmem:s18+$0x10]  }
0x16e: {  	v14 =	vmul.f32 v12, v12;
	v9 =	vadd.f32 v12, v9;
	v7 =	vmin.f32 v7, v8;
	v15 =	vld [tilespmem:s18+$0x50]  }
0x16f: {  	v5 =	vadd.f32 v6, v5;
	v6 =	vmin.f32 v7, v13;
	v7 =	vmul.f32 v13, v13;
	v16 =	vld [tilespmem:s18+$0x90]  }
0x170: {  	v4 =	vmax.f32 v4, v12;
	v12 =	vmul.f32 v8, v8;
	v9 =	vadd.f32 v8, v9;
	v17 =	vld [tilespmem:s18+$0xD0]  }
0x171: {  	v4 =	vmax.f32 v4, v8;
	v5 =	vadd.f32 v14, v5;
	v6 =	vmin.f32 v6, v10  }
0x172: {  	v8 =	vadd.f32 v13, v9;
	v9 =	vmul.f32 v10, v10;
	v6 =	vmin.f32 v6, v11;
	v14 =	vld [tilespmem:s18+$0x110]  }
0x173: {  	v4 =	vmax.f32 v4, v13;
	v5 =	vadd.f32 v12, v5;
	v6 =	vmin.f32 v6, v15  }
0x174: {  	v12 =	vmul.f32 v15, v15;
	v8 =	vadd.f32 v10, v8;
	v6 =	vmin.f32 v6, v16;
	v13 =	vld [tilespmem:s18+$0x150]  }
0x175: {  	v4 =	vmax.f32 v4, v10;
	v5 =	vadd.f32 v7, v5;
	v6 =	vmin.f32 v6, v17;
	v7 =	vld [tilespmem:s18+$0x190]  }
0x176: {  	v4 =	vmax.f32 v4, v11;
	v10 =	vmul.f32 v11, v11;
	v8 =	vadd.f32 v11, v8;
	v11 =	vld [tilespmem:s18+$0x1D0]  }
0x177: {  	v4 =	vmax.f32 v4, v15;
	v5 =	vadd.f32 v9, v5;
	v6 =	vmin.f32 v6, v14  }
0x178: {  	v4 =	vmax.f32 v4, v16;
	v9 =	vmul.f32 v14, v14;
	v8 =	vadd.f32 v15, v8;
	v15 =	vld [tilespmem:s18+$0x210]  }
0x179: {  	v4 =	vmax.f32 v4, v17;
	v5 =	vadd.f32 v10, v5;
	v6 =	vmin.f32 v6, v13;
	v10 =	vld [tilespmem:s18+$0x250]  }
0x17a: {  	v8 =	vadd.f32 v16, v8;
	v16 =	vmul.f32 v16, v16;
	v6 =	vmin.f32 v6, v7  }
0x17b: {  	v4 =	vmax.f32 v4, v14;
	v5 =	vadd.f32 v12, v5;
	v6 =	vmin.f32 v6, v11  }
0x17c: {  	v4 =	vmax.f32 v4, v13;
	v12 =	vmul.f32 v17, v17;
	v8 =	vadd.f32 v17, v8  }
0x17d: {  	v4 =	vmax.f32 v4, v7;
	v5 =	vadd.f32 v16, v5;
	v6 =	vmin.f32 v6, v15  }
0x17e: {  	v4 =	vmax.f32 v4, v11;
	v8 =	vadd.f32 v14, v8;
	v6 =	vmin.f32 v6, v10  }
0x17f: {  	v4 =	vmax.f32 v4, v15;
	v5 =	vadd.f32 v12, v5;
	[tilespmem:v1+s22+$0xFFFFFFF0 ss:$0x1] =	vst.idx.msk $0xffff, v6  }
0x180: {  	v4 =	vmax.f32 v4, v10;
	v6 =	vadd.f32 v13, v8  }
0x181: {  	v5 =	vadd.f32 v9, v5;
	v8 =	vmul.f32 v13, v13;
	[tilespmem:v2+s22+$0xFFFFFFF0 ss:$0x1] =	vst.idx.msk $0xffff, v4  }
0x182: {  	v4 =	vadd.f32 v7, v6;
	v6 =	vld.idx.msk [tilespmem:v3+s22+$0xFFFFFFE0 ss:$0x1], $0xffff  }
0x183: {  	v5 =	vadd.f32 v8, v5;
	v7 =	vmul.f32 v7, v7;
	v8 =	vld [tilespmem:$0x17510]  }
0x184: {  	v4 =	vadd.f32 v11, v4;
	v9 =	vld [tilespmem:$0x17550]  }
0x185: {  	v5 =	vadd.f32 v7, v5;
	v7 =	vmul.f32 v11, v11  }
0x186: {  	v4 =	vadd.f32 v15, v4  }
0x187: {  	v5 =	vadd.f32 v7, v5;
	v7 =	vmul.f32 v15, v15  }
0x188: {  	v11 =	vmul.f32 $2.000000000e+01, v6;
	v12 =	vadd.f32 v6, v6;
	v4 =	vadd.f32 v10, v4  }
0x189: {  	v5 =	vadd.f32 v7, v5;
	v7 =	vmul.f32 v10, v10  }
0x18a: {  	v6 =	vmul.f32 v11, v6;
	v10 =	vsub.f32 v11, v4;
	v4 =	vmul.f32 v12, v4;
	_ =	sdelay $0x1  }
0x18b: {  	v5 =	vadd.f32 v7, v5;
	v4 =	vsub.f32 v6, v4  }
0x18c: {  	v6 =	vadd.f32 v10, v8  }
0x18d: {  	v4 =	vadd.f32 v4, v5  }
0x18e: {  	[tilespmem:$0x17510] =	vst v6  }
0x18f: {  	v4 =	vadd.f32 v4, v9;
	_ =	sdelay $0x1  }
0x190: {  	[tilespmem:$0x17550] =	vst v4  }
0x191: {  	v4 =	vld [tilespmem:s18+$0xFFFFFDA0]  }
0x192: {  	v5 =	vld [tilespmem:s18+$0xFFFFFDE0]  }
0x193: {  	v6 =	vld [tilespmem:s18+$0xFFFFFE20]  }
0x194: {  	v7 =	vld [tilespmem:s18+$0xFFFFFE60]  }
0x195: {  	v8 =	vld [tilespmem:s18+$0xFFFFFEA0]  }
0x196: {  	v9 =	vmul.f32 v4, v4;
	v10 =	vld [tilespmem:s18+$0xFFFFFEE0]  }
0x197: {  	v11 =	vmax.f32 v4, v5;
	v12 =	vadd.f32 v5, v4;
	v13 =	vmul.f32 v5, v5;
	v14 =	vld [tilespmem:s18+$0xFFFFFF20]  }
0x198: {  	v4 =	vmin.f32 v4, v5;
	v5 =	vmax.f32 v11, v6;
	v11 =	vmul.f32 v6, v6;
	v15 =	vld [tilespmem:s18+$0xFFFFFF60]  }
0x199: {  	v9 =	vadd.f32 v13, v9;
	v12 =	vadd.f32 v6, v12;
	v5 =	vmax.f32 v5, v7;
	v13 =	vld [tilespmem:s18+$0xFFFFFFA0]  }
0x19a: {  	v4 =	vmin.f32 v4, v6;
	v6 =	vmul.f32 v7, v7;
	v5 =	vmax.f32 v5, v8  }
0x19b: {  	v9 =	vadd.f32 v11, v9;
	v11 =	vadd.f32 v7, v12;
	v5 =	vmax.f32 v5, v10;
	v12 =	vld [tilespmem:s18+$0xFFFFFFE0]  }
0x19c: {  	v4 =	vmin.f32 v4, v7;
	v7 =	vmul.f32 v8, v8;
	v5 =	vmax.f32 v5, v14  }
0x19d: {  	v6 =	vadd.f32 v6, v9;
	v9 =	vadd.f32 v8, v11;
	v5 =	vmax.f32 v5, v15;
	v11 =	vld [tilespmem:s18+$0x20]  }
0x19e: {  	v4 =	vmin.f32 v4, v8;
	v5 =	vmax.f32 v5, v13  }
0x19f: {  	v8 =	vmul.f32 v10, v10;
	v6 =	vadd.f32 v7, v6;
	v7 =	vadd.f32 v10, v9;
	v9 =	vld [tilespmem:s18+$0x60]  }
0x1a0: {  	v4 =	vmin.f32 v4, v10;
	v10 =	vmul.f32 v14, v14;
	v5 =	vmax.f32 v5, v12  }
0x1a1: {  	v4 =	vmin.f32 v4, v14;
	v6 =	vadd.f32 v8, v6;
	v7 =	vadd.f32 v14, v7;
	v8 =	vld [tilespmem:s18+$0xA0]  }
0x1a2: {  	v4 =	vmin.f32 v4, v15;
	v14 =	vmul.f32 v15, v15;
	v5 =	vmax.f32 v5, v11  }
0x1a3: {  	v4 =	vmin.f32 v4, v13;
	v6 =	vadd.f32 v10, v6;
	v7 =	vadd.f32 v15, v7;
	v10 =	vld [tilespmem:s18+$0xE0]  }
0x1a4: {  	v4 =	vmin.f32 v4, v12;
	v15 =	vmul.f32 v13, v13;
	v5 =	vmax.f32 v5, v9;
	v16 =	vld [tilespmem:s18+$0x120]  }
0x1a5: {  	v4 =	vmin.f32 v4, v11;
	v6 =	vadd.f32 v14, v6;
	v7 =	vadd.f32 v13, v7;
	v13 =	vld [tilespmem:s18+$0x160]  }
0x1a6: {  	v4 =	vmin.f32 v4, v9;
	v14 =	vmul.f32 v12, v12;
	v5 =	vmax.f32 v5, v8;
	v17 =	vld [tilespmem:s18+$0x1A0]  }
0x1a7: {  	v4 =	vmin.f32 v4, v8;
	v6 =	vadd.f32 v15, v6;
	v7 =	vadd.f32 v12, v7;
	v12 =	vld [tilespmem:s18+$0x1E0]  }
0x1a8: {  	v15 =	vmul.f32 v11, v11;
	v4 =	vmin.f32 v4, v10;
	v5 =	vmax.f32 v5, v10;
	v18 =	vld [tilespmem:s18+$0x220]  }
0x1a9: {  	v6 =	vadd.f32 v14, v6;
	v7 =	vadd.f32 v11, v7;
	v4 =	vmin.f32 v4, v16;
	v11 =	vld [tilespmem:s18+$0x260]  }
0x1aa: {  	v14 =	vmul.f32 v9, v9;
	v5 =	vmax.f32 v5, v16;
	v4 =	vmin.f32 v4, v13  }
0x1ab: {  	v6 =	vadd.f32 v15, v6;
	v7 =	vadd.f32 v9, v7;
	v4 =	vmin.f32 v4, v17  }
0x1ac: {  	v5 =	vmax.f32 v5, v13;
	v9 =	vmul.f32 v8, v8;
	v4 =	vmin.f32 v4, v12  }
0x1ad: {  	v6 =	vadd.f32 v14, v6;
	v7 =	vadd.f32 v8, v7;
	v4 =	vmin.f32 v4, v18  }
0x1ae: {  	v5 =	vmax.f32 v5, v17;
	v8 =	vmul.f32 v10, v10;
	v4 =	vmin.f32 v4, v11  }
0x1af: {  	v5 =	vmax.f32 v5, v12;
	v6 =	vadd.f32 v9, v6;
	v7 =	vadd.f32 v10, v7  }
0x1b0: {  	v5 =	vmax.f32 v5, v18;
	v9 =	vmul.f32 v16, v16;
	[tilespmem:v1+s22+$0x0 ss:$0x1] =	vst.idx.msk $0xffff, v4  }
0x1b1: {  	v5 =	vmax.f32 v5, v11;
	v4 =	vadd.f32 v8, v6;
	v6 =	vadd.f32 v16, v7  }
0x1b2: {  	[tilespmem:v2+s22+$0x0 ss:$0x1] =	vst.idx.msk $0xffff, v5  }
0x1b3: {  	v4 =	vadd.f32 v9, v4;
	v5 =	vadd.f32 v13, v6;
	v6 =	vmul.f32 v13, v13;
	v7 =	vld.idx.msk [tilespmem:v3+s22+$0xFFFFFFF0 ss:$0x1], $0xffff  }
0x1b4: {  	v8 =	vld [tilespmem:$0x17520]  }
0x1b5: {  	v4 =	vadd.f32 v6, v4;
	v5 =	vadd.f32 v17, v5;
	v6 =	vmul.f32 v17, v17;
	v9 =	vld [tilespmem:$0x17560];
	_ =	sdelay $0x1  }
0x1b6: {  	v4 =	vadd.f32 v6, v4;
	v5 =	vadd.f32 v12, v5;
	v6 =	vmul.f32 v12, v12;
	_ =	sdelay $0x1  }
0x1b7: {  	v4 =	vadd.f32 v6, v4;
	v5 =	vadd.f32 v18, v5;
	v6 =	vmul.f32 v18, v18  }
0x1b8: {  	v10 =	vadd.f32 v7, v7  }
0x1b9: {  	v4 =	vadd.f32 v6, v4;
	v5 =	vadd.f32 v11, v5;
	v6 =	vmul.f32 $2.000000000e+01, v7  }
0x1ba: {  	v11 =	vmul.f32 v11, v11  }
0x1bb: {  	v12 =	vsub.f32 v6, v5;
	v6 =	vmul.f32 v6, v7;
	v5 =	vmul.f32 v10, v5;
	_ =	sdelay $0x1  }
0x1bc: {  	v4 =	vadd.f32 v11, v4;
	v5 =	vsub.f32 v6, v5  }
0x1bd: {  	v6 =	vadd.f32 v12, v8  }
0x1be: {  	v4 =	vadd.f32 v5, v4  }
0x1bf: {  	[tilespmem:$0x17520] =	vst v6  }
0x1c0: {  	v4 =	vadd.f32 v4, v9;
	_ =	sdelay $0x1  }
0x1c1: {  	[tilespmem:$0x17560] =	vst v4  }
0x1c2: {  	v4 =	vld [tilespmem:s18+$0xFFFFFDB0]  }
0x1c3: {  	v5 =	vld [tilespmem:s18+$0xFFFFFDF0]  }
0x1c4: {  	v6 =	vld [tilespmem:s18+$0xFFFFFE30]  }
0x1c5: {  	v7 =	vld [tilespmem:s18+$0xFFFFFE70]  }
0x1c6: {  	v8 =	vld [tilespmem:s18+$0xFFFFFEB0]  }
0x1c7: {  	v9 =	vld [tilespmem:s18+$0xFFFFFEF0]  }
0x1c8: {  	v10 =	vmul.f32 v4, v4;
	v11 =	vadd.f32 v5, v4;
	v12 =	vmul.f32 v5, v5;
	v13 =	vld [tilespmem:s18+$0xFFFFFF30]  }
0x1c9: {  	v14 =	vmin.f32 v4, v5;
	v4 =	vmax.f32 v4, v5;
	v5 =	vld [tilespmem:s18+$0xFFFFFF70]  }
0x1ca: {  	v10 =	vadd.f32 v12, v10;
	v11 =	vadd.f32 v6, v11;
	v12 =	vmul.f32 v6, v6;
	v15 =	vld [tilespmem:s18+$0xFFFFFFB0]  }
0x1cb: {  	v14 =	vmin.f32 v14, v6;
	v4 =	vmax.f32 v4, v6;
	v6 =	vld [tilespmem:s18+$0xFFFFFFF0]  }
0x1cc: {  	v10 =	vadd.f32 v12, v10;
	v11 =	vadd.f32 v7, v11;
	v12 =	vmul.f32 v7, v7;
	v16 =	vld [tilespmem:s18+$0x30]  }
0x1cd: {  	v14 =	vmin.f32 v14, v7;
	v4 =	vmax.f32 v4, v7;
	v7 =	vmul.f32 v8, v8;
	v17 =	vld [tilespmem:s18+$0x70]  }
0x1ce: {  	v4 =	vmax.f32 v4, v8;
	v10 =	vadd.f32 v12, v10;
	v11 =	vadd.f32 v8, v11;
	v12 =	vld [tilespmem:s18+$0xB0]  }
0x1cf: {  	v4 =	vmax.f32 v4, v9;
	v8 =	vmin.f32 v14, v8;
	v14 =	vmul.f32 v9, v9;
	v18 =	vld [tilespmem:s18+$0xF0]  }
0x1d0: {  	v4 =	vmax.f32 v4, v13;
	v7 =	vadd.f32 v7, v10;
	v10 =	vadd.f32 v9, v11;
	v11 =	vld [tilespmem:s18+$0x130]  }
0x1d1: {  	v4 =	vmax.f32 v4, v5;
	v8 =	vmin.f32 v8, v9;
	v9 =	vmul.f32 v13, v13;
	v19 =	vld [tilespmem:s18+$0x170]  }
0x1d2: {  	v8 =	vmin.f32 v8, v13;
	v7 =	vadd.f32 v14, v7;
	v10 =	vadd.f32 v13, v10;
	v13 =	vld [tilespmem:s18+$0x1B0]  }
0x1d3: {  	v4 =	vmax.f32 v4, v15;
	v8 =	vmin.f32 v8, v5;
	v14 =	vmul.f32 v5, v5;
	v20 =	vld [tilespmem:s18+$0x1F0]  }
0x1d4: {  	v8 =	vmin.f32 v8, v15;
	v7 =	vadd.f32 v9, v7;
	v5 =	vadd.f32 v5, v10;
	v9 =	vld [tilespmem:s18+$0x230]  }
0x1d5: {  	v4 =	vmax.f32 v4, v6;
	v8 =	vmin.f32 v8, v6;
	v10 =	vmul.f32 v15, v15;
	v21 =	vld [tilespmem:s18+$0x270]  }
0x1d6: {  	v8 =	vmin.f32 v8, v16;
	v7 =	vadd.f32 v14, v7;
	v5 =	vadd.f32 v15, v5  }
0x1d7: {  	v4 =	vmax.f32 v4, v16;
	v8 =	vmin.f32 v8, v17;
	v14 =	vmul.f32 v6, v6  }
0x1d8: {  	v7 =	vadd.f32 v10, v7;
	v5 =	vadd.f32 v6, v5;
	v6 =	vmin.f32 v8, v12  }
0x1d9: {  	v4 =	vmax.f32 v4, v17;
	v8 =	vmul.f32 v16, v16;
	v6 =	vmin.f32 v6, v18  }
0x1da: {  	v7 =	vadd.f32 v14, v7;
	v5 =	vadd.f32 v16, v5;
	v6 =	vmin.f32 v6, v11  }
0x1db: {  	v4 =	vmax.f32 v4, v12;
	v10 =	vmul.f32 v17, v17;
	v6 =	vmin.f32 v6, v19  }
0x1dc: {  	v7 =	vadd.f32 v8, v7;
	v5 =	vadd.f32 v17, v5;
	v6 =	vmin.f32 v6, v13  }
0x1dd: {  	v4 =	vmax.f32 v4, v18;
	v8 =	vmul.f32 v12, v12;
	v6 =	vmin.f32 v6, v20  }
0x1de: {  	v7 =	vadd.f32 v10, v7;
	v5 =	vadd.f32 v12, v5;
	v6 =	vmin.f32 v6, v9  }
0x1df: {  	v4 =	vmax.f32 v4, v11;
	v10 =	vmul.f32 v18, v18;
	v6 =	vmin.f32 v6, v21  }
0x1e0: {  	v4 =	vmax.f32 v4, v19;
	v7 =	vadd.f32 v8, v7;
	v5 =	vadd.f32 v18, v5  }
0x1e1: {  	v4 =	vmax.f32 v4, v13;
	v8 =	vmul.f32 v11, v11;
	[tilespmem:v1+s22+$0x10 ss:$0x1] =	vst.idx.msk $0xffff, v6  }
0x1e2: {  	v4 =	vmax.f32 v4, v20;
	v6 =	vadd.f32 v10, v7;
	v5 =	vadd.f32 v11, v5  }
0x1e3: {  	v4 =	vmax.f32 v4, v9;
	v7 =	vmul.f32 v19, v19  }
0x1e4: {  	v4 =	vmax.f32 v4, v21;
	v6 =	vadd.f32 v8, v6;
	v5 =	vadd.f32 v19, v5  }
0x1e5: {  	[tilespmem:v2+s22+$0x10 ss:$0x1] =	vst.idx.msk $0xffff, v4  }
0x1e6: {  	v4 =	vadd.f32 v7, v6;
	v5 =	vadd.f32 v13, v5;
	v6 =	vmul.f32 v13, v13;
	v7 =	vld.idx.msk [tilespmem:v3+s22+$0x0 ss:$0x1], $0xffff  }
0x1e7: {  	v8 =	vld [tilespmem:$0x17530]  }
0x1e8: {  	v10 =	vmul.f32 v20, v20;
	v6 =	vadd.f32 v6, v4;
	v5 =	vadd.f32 v20, v5;
	v4 =	vld [tilespmem:$0x17570];
	_ =	sdelay $0x1  }
0x1e9: {  	v6 =	vadd.f32 v10, v6;
	v5 =	vadd.f32 v9, v5  }
0x1ea: {  	v9 =	vmul.f32 v9, v9  }
0x1eb: {  	v10 =	vmul.f32 $2.000000000e+01, v7;
	v11 =	vadd.f32 v7, v7;
	v5 =	vadd.f32 v21, v5  }
.Ltmp5:
0x1ec: {  	v6 =	vadd.f32 v9, v6;
	(pc) =	sbr.rel @p1 .LBB2_9-.Ltmp5, $3  }
0x1ed: {  	v7 =	vmul.f32 v10, v7;
	v9 =	vsub.f32 v10, v5;
	v10 =	vmul.f32 v11, v5;
	_ =	sdelay $0x1  }
0x1ee: {  	v5 =	vadd.f32 v9, v8;
	v7 =	vsub.f32 v7, v10  }
0x1ef: {  	v8 =	vmul.f32 v21, v21  }
0x1f0: {  	_ = 	snop  }
0x1f1: {  	v1 =	vadd.f32 v8, v6;
	_ =	sdelay $0x1  }
0x1f2: {  	v1 =	vadd.f32 v7, v1;
	_ =	sdelay $0x1  }
0x1f3: {  	p1 =	seq.s32 s17, $0x1;
	s18 =	sshll.u32 s20, $0x3;
	v1 =	vadd.f32 v1, v4  }
0x1f4: {  	[tilespmem:$0x17530] =	vst v5;
	s20 =	sand.u32 @!p1 $0x1FFFFE00, s18  }
0x1f5: {  	s22 =	simm.s32 @!p1 $0x0;
	s23 =	simm.s32 @!p1 $0x15500;
	s21 =	sadd.s32 @!p1 s5, s20;
	[tilespmem:$0x17570] =	vst v1  }
0x1f6: {  	[hbm4b:s21+s22] =	stream.linear.scatter @!p1 [tilespmem:s23], [sflag:$0x4], $0x800, $0x38;
	[tilespmem:$0x17580] =	vst v63  }
0x1f7: {  	p2 =	seq.s32 @!p1 s17, $0x0;
	s20 =	sadd.s32 @!p1 s6, s20;
	s21 =	simm.s32 @!p1 $0x16500  }
0x1f8: {  	[hbm4b:s20+s22] =	stream.linear.scatter @!p1 [tilespmem:s21], [sflag:$0x4], $0x800, $0x38;
	[tilespmem:$0x17580] =	vst v63  }
0x1f9: {  	p1 =	por p1, !p2  }
0x1fa: {  	s17 =	sadd.s32 @p1 s5, s18;
	s20 =	sadd.s32 @p1 $0x15500, s19  }
0x1fb: {  	[hbm4b:s17+s3] =	stream.linear.scatter @p1 [tilespmem:s20], [sflag:$0x5], $0x800, $0x38;
	[tilespmem:$0x17580] =	vst v63  }
0x1fc: {  	s17 =	sadd.s32 @p1 s6, s18;
	s18 =	sadd.s32 @p1 $0x16500, s19  }
0x1fd: {  	[hbm4b:s17+s3] =	stream.linear.scatter @p1 [tilespmem:s18], [sflag:$0x5], $0x800, $0x38;
	[tilespmem:$0x17580] =	vst v63  }
0x1fe: {  	p1 =	sne.s32 s16, $0x8  }
.Ltmp6:
0x1ff: {  	_ = 	snop;
	(pc) =	sbr.rel @p1 .LBB2_2-.Ltmp6, $2  }
0x200: {  	_ =	sdelay $0x2  }
0x201: {  	p0 =	por !p0, !p0;
	s18 =	smov.u32 s16  }
0x202: {  	_ =	swait.ge [sflag:s29], $0x800  }
0x203: {  	[sflag:s29] =	ssyncset.done $0x0  }
0x204: {  	[sflag:s29] =	ssyncadd.s32 $0xFFFFF800  }
0x205: {  	_ =	swait.ge [sflag:s29], $0x800  }
0x206: {  	[sflag:s29] =	ssyncset.done $0x0  }
0x207: {  	[sflag:s29] =	ssyncadd.s32 $0xFFFFF800  }
0x208: {  	_ =	swait.ge [sflag:s30], $0x800  }
0x209: {  	[sflag:s30] =	ssyncset.done $0x0  }
0x20a: {  	[sflag:s30] =	ssyncadd.s32 $0xFFFFF800  }
0x20b: {  	s1 =	sadd.s32 $0x1, s1;
	_ =	swait.ge [sflag:s30], $0x800  }
0x20c: {  	p0 =	sne.s32 s1, s13;
	[sflag:s30] =	ssyncset.done $0x0  }
.Ltmp7:
0x20d: {  	[sflag:s30] =	ssyncadd.s32 $0xFFFFF800;
	(pc) =	sbr.rel @p0 .LBB2_1-.Ltmp7, $4  }
0x20e: {  	[hbm4b:s12+s3] =	stream.linear.scatter [tilespmem:s31], [sflag:$0x6], $0x80, $0x38;
	[tilespmem:$0x17580] =	vst v63  }
0x20f: {  	_ =	swait.ge [sflag:s0], $0x80  }
0x210: {  	[sflag:s0] =	ssyncset.done $0x0  }
0x211: {  	[sflag:s0] =	ssyncadd.s32 $0xFFFFFF80  }
0x212: {  	_ =	sfence.sel $0x180000  }
0x213: {  	[bflag:$0x0] =	sbarrier.arrive $0xFFFF  }
0x214: {  	_ =	strace $0x9000004A  }
0x215: {  	s0 =	stileid.u32;
	[bflag:$0x2] =	sbarrier.arrive $0xFFFF  }
0x216: {  	p0 =	sne.s32 s0, $0x0;
	s0 =	rddreg [dreg:$0x2]  }
0x217: {  	s0 =	sadd.s32 @!p0 $0x100000, s0  }
0x218: {  	[sflag:s0] =	ssyncadd.tile.s32 @!p0 $0x1;
	_ =	shalt  }
.Lfunc_end2:
_tile_overlayer_lowered:
.L_overlay_start_2:
0x219: {  	(tag) =	ssettag $0x2  }
0x21a: {  	s0 =	rddreg [dreg:$0x0];
	s2 =	stileid.u32  }
0x21b: {  	s1 =	rddreg [dreg:$0x1];
	p0 =	sne.s32 s2, $0x0  }
0x21c: {  	s3 =	rddreg [dreg:$0x2];
	[bflag:$0x3] =	sbarrier.arrive $0xFFFF;
	s2 =	simm.s32 @!p0 $0x1C06  }
0x21d: {  	[timem:s3], [sflag:s2] =	dma.local @!p0 [hbm:s0], s1  }
0x21e: {  	s0 =	simm.s32 @!p0 $0x6  }
0x21f: {  	_ =	swait.ge @!p0 [sflag:s0], s1  }
0x220: {  	s1 =	ssub.s32 @!p0 $0x0, s1;
	[sflag:s0] =	ssyncset.done @!p0 $0x0  }
0x221: {  	[sflag:s0] =	ssyncadd.s32 @!p0 s1  }
0x222: {  	[bflag:$0x3] =	sbarrier.arrive $0xFFFF  }
0x223: {  	_ =	shalt  }

// kernel: kernel.8.cloned.1.call-start
scs
__scs_entry_jumppad:
0x0: {  	(pc) =	sbr.rel $0x88, $3  }
0x1: {  	(tag) =	ssettag $0x0;
	lr =	simm.s32 $0x1  }
0x2: {  	[smem:$0x3F9D] =	sst lr;
	_ =	strace $0xD0000000  }
0x3: {  	_ = 	snop  }
0x4: {  	_ = 	snop  }
0x5: {  	_ = 	snop  }
0x6: {  	_ = 	snop  }
0x7: {  	_ = 	snop  }
__scs_overlays_trampoline_lowered:
0x8: {  	[smem:$0x3FAC] =	sst s0  }
0x9: {  	[smem:$0x3FAD] =	sst s1  }
0xa: {  	[smem:$0x3FAE] =	sst s2  }
0xb: {  	[smem:$0x3FAF] =	sst s3  }
0xc: {  	[smem:$0x3FB0] =	sst s4  }
0xd: {  	[smem:$0x3FB1] =	sst s5  }
0xe: {  	[smem:$0x3FB2] =	sst s6  }
0xf: {  	[smem:$0x3FB3] =	sst s7  }
0x10: {  	[smem:$0x3FB4] =	sst s8  }
0x11: {  	[smem:$0x3FB5] =	sst s9;
	s0 =	simm.s32 @!p0 $0x0  }
0x12: {  	s1 =	sld [smem:$0x3F9B];
	s0 =	simm.s32 @p0 $0x1  }
0x13: {  	[smem:$0x3FB6] =	sst s0;
	s0 =	simm.s32 @!p1 $0x0  }
0x14: {  	s2 =	sld [smem:$0x3F9A];
	s0 =	simm.s32 @p1 $0x1  }
0x15: {  	[smem:$0x3FB7] =	sst s0;
	s0 =	simm.s32 @!p2 $0x0  }
0x16: {  	s3 =	sld [smem:$0x3FDB];
	s0 =	simm.s32 @p2 $0x1  }
0x17: {  	s4 =	simm.s32 $0x1BF5;
	[smem:$0x3FB9] =	sst s0  }
0x18: {  	s0 =	sld [smem:$0x3F9C];
	_ =	swait.ge [sflag:s4], $0x0  }
0x19: {  	s7 =	sld [smem:$0x3F9D]  }
0x1a: {  	s8 =	sadd.s32 $0xFFFFE003, lr  }
0x1b: {  	s9 =	sadd.s32 $0xFFFFFEF7, lr;
	s5 =	simm.s32 $0xFFFFFFFF;
	p2 =	slt.u32 s8, $0xFFFFF086  }
0x1c: {  	p1 =	slt.u32 s9, $0xF7A;
	s5 =	simm.s32 @!p2 $0x0  }
0x1d: {  	s5 =	simm.s32 @p1 $0x1;
	p0 =	seq.s32 s7, s2  }
0x1e: {  	s7 =	smul.u32 @!p0 $0xF7A, s2;
	p2 =	seq.s32 @!p0 s5, $0x0  }
0x1f: {  	s9 =	smul.u32 $0xF7A, s1;
	s8 =	simm.s32 @!p0 $0x1BF5;
	p2 =	por !p2, p0  }
0x20: {  	[sflag:s8] =	ssyncset.s32 @!p0 $0xFFFFF086;
	s6 =	sadd.s32 @!p0 s3, s7;
	s7 =	simm.s32 @!p0 $0x108  }
0x21: {  	s3 =	sadd.s32 s3, s9;
	s6 =	sadd.s32 @!p0 $0x88, s6;
	s7 =	simm.s32 @p2 $0x1082  }
0x22: {  	[simem:s7], [sflag:s8] =	dma.local @!p0 [hbm:s6], $0xF7A  }
0x23: {  	s9 =	sor.u32 $0xD0000000, s2;
	s6 =	simm.s32 $0x108;
	_ =	swait.ge @!p0 [sflag:s8], $0x0  }
0x24: {  	s3 =	sadd.s32 $0x88, s3;
	s6 =	simm.s32 @!p1 $0x1082;
	[sflag:s4] =	ssyncset.s32 $0xFFFFF086  }
0x25: {  	[simem:s6], [sflag:s4] =	dma.local [hbm:s3], $0xF7A  }
0x26: {  	[smem:$0x3F9D] =	sst s1;
	(tag) =	ssettag s2;
	_ =	strace s9  }
0x27: {  	s1 =	sld [smem:$0x3FAD]  }
0x28: {  	s2 =	sld [smem:$0x3FAE]  }
0x29: {  	s4 =	sld [smem:$0x3FB0]  }
0x2a: {  	p0 =	seq.s32 s5, $0x0;
	s5 =	sld [smem:$0x3FB1]  }
0x2b: {  	s6 =	sld [smem:$0x3FB2]  }
0x2c: {  	s7 =	sld [smem:$0x3FB3]  }
0x2d: {  	s3 =	simm.s32 $0x108;
	s8 =	sld [smem:$0x3FB4]  }
0x2e: {  	s3 =	simm.s32 @!p0 $0x1082;
	s9 =	sld [smem:$0x3FB5]  }
0x2f: {  	lr =	sadd.s32 s0, s3;
	s0 =	sld [smem:$0x3FAC]  }
0x30: {  	s3 =	sld [smem:$0x3FAF]  }
0x31: {  	[smem:$0x3FB8] =	sst s10  }
0x32: {  	s10 =	sld [smem:$0x3FB6];
	_ =	sdelay $0x3  }
0x33: {  	p0 =	seq.s32 s10, $0x1;
	s10 =	sld [smem:$0x3FB8];
	_ =	sdelay $0x3  }
0x34: {  	[smem:$0x3FB8] =	sst s10  }
0x35: {  	s10 =	sld [smem:$0x3FB7];
	_ =	sdelay $0x3  }
0x36: {  	p1 =	seq.s32 s10, $0x1;
	s10 =	sld [smem:$0x3FB8];
	_ =	sdelay $0x3  }
0x37: {  	[smem:$0x3FB8] =	sst s10  }
0x38: {  	s10 =	sld [smem:$0x3FB9]  }
0x39: {  	_ = 	snop;
	(pc) =	sbr.ind lr, $3  }
0x3a: {  	_ = 	snop  }
0x3b: {  	_ = 	snop  }
0x3c: {  	p2 =	seq.s32 s10, $0x1;
	s10 =	sld [smem:$0x3FB8]  }
0x3d: {  	_ =	shalt  }
0x3e: {  	_ =	shalt  }
0x3f: {  	_ =	shalt  }
0x40: {  	_ =	shalt  }
0x41: {  	_ =	shalt  }
0x42: {  	_ =	shalt  }
0x43: {  	_ =	shalt  }
0x44: {  	_ =	shalt  }
0x45: {  	_ =	shalt  }
0x46: {  	_ =	shalt  }
0x47: {  	_ =	shalt  }
0x48: {  	_ =	shalt  }
0x49: {  	_ =	shalt  }
0x4a: {  	_ =	shalt  }
0x4b: {  	_ =	shalt  }
0x4c: {  	_ =	shalt  }
0x4d: {  	_ =	shalt  }
0x4e: {  	_ =	shalt  }
0x4f: {  	_ =	shalt  }
0x50: {  	_ =	shalt  }
0x51: {  	_ =	shalt  }
0x52: {  	_ =	shalt  }
0x53: {  	_ =	shalt  }
0x54: {  	_ =	shalt  }
0x55: {  	_ =	shalt  }
0x56: {  	_ =	shalt  }
0x57: {  	_ =	shalt  }
0x58: {  	_ =	shalt  }
0x59: {  	_ =	shalt  }
0x5a: {  	_ =	shalt  }
0x5b: {  	_ =	shalt  }
0x5c: {  	_ =	shalt  }
0x5d: {  	_ =	shalt  }
0x5e: {  	_ =	shalt  }
0x5f: {  	_ =	shalt  }
0x60: {  	_ =	shalt  }
0x61: {  	_ =	shalt  }
0x62: {  	_ =	shalt  }
0x63: {  	_ =	shalt  }
0x64: {  	_ =	shalt  }
0x65: {  	_ =	shalt  }
0x66: {  	_ =	shalt  }
0x67: {  	_ =	shalt  }
0x68: {  	_ =	shalt  }
0x69: {  	_ =	shalt  }
0x6a: {  	_ =	shalt  }
0x6b: {  	_ =	shalt  }
0x6c: {  	_ =	shalt  }
0x6d: {  	_ =	shalt  }
0x6e: {  	_ =	shalt  }
0x6f: {  	_ =	shalt  }
0x70: {  	_ =	shalt  }
0x71: {  	_ =	shalt  }
0x72: {  	_ =	shalt  }
0x73: {  	_ =	shalt  }
0x74: {  	_ =	shalt  }
0x75: {  	_ =	shalt  }
0x76: {  	_ =	shalt  }
0x77: {  	_ =	shalt  }
0x78: {  	_ =	shalt  }
0x79: {  	_ =	shalt  }
0x7a: {  	_ =	shalt  }
0x7b: {  	_ =	shalt  }
0x7c: {  	_ =	shalt  }
0x7d: {  	_ =	shalt  }
0x7e: {  	_ =	shalt  }
0x7f: {  	_ =	shalt  }
0x80: {  	_ =	shalt  }
0x81: {  	_ =	shalt  }
0x82: {  	_ =	shalt  }
0x83: {  	_ =	shalt  }
0x84: {  	_ =	shalt  }
0x85: {  	_ =	shalt  }
0x86: {  	_ =	shalt  }
0x87: {  	_ =	shalt  }
.Lfunc_end0:
.L_simem_size_0:
called_computation_lowered:
.L_overlay_start_0:
0x88: {  	s2 =	sld [smem:$0x3FD9]  }
0x89: {  	s3 =	sld [smem:$0x3FFE];
	_ =	sdelay $0x1  }
0x8a: {  	s1 =	srdreg.scid  }
0x8b: {  	s0 =	sand.u32 $0x1, s1  }
0x8c: {  	s16 =	sshll.u32 s0, $0xA;
	s2 =	sadd.s32 s3, s2  }
0x8d: {  	s2 =	sadd.s32 s2, s16  }
0x8e: {  	[smem:$0x3FC4] =	sst s2  }
0x8f: {  	_ = 	snop  }
0x90: {  	(tm) =	ssettm $0x1  }
0x91: {  	s17 =	sld [smem:$0x3FFB];
	_ =	sdelay $0x3  }
0x92: {  	_ =	strace s17  }
0x93: {  	s2 =	sld [smem:$0x3FFC];
	_ =	sdelay $0x3  }
0x94: {  	_ =	strace s2  }
0x95: {  	s2 =	sld [smem:$0x3FFD];
	_ =	sdelay $0x3  }
0x96: {  	_ =	strace s2  }
0x97: {  	_ =	strace $0x8FFFFFFF  }
0x98: {  	s18 =	sld [smem:$0x3FDB];
	_ =	sdelay $0x1  }
0x99: {  	s19 =	simm.s32 $_scs_section_size  }
0x9a: {  	s4 =	simm.s32 $_size__tile_overlayer_lowered;
	s5 =	simm.s32 $_tile_overlayer_lowered  }
0x9b: {  	s22 =	simm.s32 $0x1BFF;
	s21 =	sshll.u32 s5, $0x1;
	s2 =	sadd.s32 s19, s18  }
0x9c: {  	s6 =	simm.s32 $0x0;
	s20 =	sshll.u32 s4, $0x1;
	s4 =	sadd.s32 s21, s2  }
0x9d: {  	[timem:s6], [sflag:s22] =	dma.local [hbm:s4], s20  }
0x9e: {  	_ =	swait.ge [sflag:s22], s20  }
0x9f: {  	s3 =	ssub.s32 $0x0, s20;
	[sflag:s22] =	ssyncset.done $0x0  }
0xa0: {  	[sflag:s22] =	ssyncadd.s32 s3;
	_ =	sdelay $0x1  }
0xa1: {  	s23 =	simm.s32 $0x1B8B  }
0xa2: {  	_ =	swait.ge [sflag:s23], $0x1  }
0xa3: {  	[sflag:s23] =	ssyncset.done $0x0  }
0xa4: {  	s25 =	simm.s32 $0x1B8E;
	s24 =	sld [smem:$0x3FFE];
	[sflag:s23] =	ssyncadd.s32 $0xFFFFFFFF  }
0xa5: {  	s26 =	simm.s32 $execute0_lowered;
	[smem:$0x3FD2] =	sst s25  }
0xa6: {  	s4 =	sshll.u32 s26, $0x1;
	_ =	strace $0x80000046;
	[dreg:$0x1] =	wrdreg $0xFFFFFFFF  }
0xa7: {  	s28 =	simm.s32 $_size_execute0_lowered;
	s2 =	sadd.s32 s2, s4;
	[dreg:$0x0] =	wrdreg $0x0  }
0xa8: {  	s4 =	sshll.u32 s28, $0x1;
	[dreg:$0x2] =	wrdreg s2  }
0xa9: {  	[dreg:$0x3] =	wrdreg s4  }
0xaa: {  	[dreg:$0x4] =	wrdreg $0xC0  }
0xab: {  	_ =	task [dreg:s6], $0x5FFFF  }
0xac: {  	[dreg:$0x1] =	wrdreg $0xFFFFFFFF  }
0xad: {  	[dreg:$0x0] =	wrdreg $0x60  }
0xae: {  	[dreg:$0x2] =	wrdreg s24  }
0xaf: {  	[dreg:$0x3] =	wrdreg $0x9  }
0xb0: {  	_ =	task.clear_ibuf [dreg:s6], $0x4FFFF;
	_ =	strace $0x90000046  }
0xb1: {  	s29 =	simm.s32 $0x9;
	_ =	strace $0x80000048  }
0xb2: {  	_ =	swait.ge [sflag:s29], $0x1  }
0xb3: {  	[sflag:s29] =	ssyncadd.s32 $0xFFFFFFFF  }
0xb4: {  	_ =	strace $0x90000048  }
0xb5: {  	_ =	sfence  }
0xb6: {  	s30 =	sld [smem:$0x0];
	_ =	sdelay $0x2  }
0xb7: {  	s31 =	sshll.u32 s1, $0xD;
	s1 =	sshrl.u32 s1, $0x2  }
0xb8: {  	s3 =	sand.u32 $0x4000, s31;
	s1 =	sadd.s32 s1, s30  }
0xb9: {  	s0 =	sor.u32 s3, s0;
	s1 =	sshll.u32 s1, $0x11  }
0xba: {  	s0 =	sor.u32 s1, s0  }
0xbb: {  	s0 =	sadd.s32 $0x8F2B, s0  }
0xbc: {  	[sflag:s0] =	ssyncadd.remote.s32 $0x1  }
0xbd: {  	_ =	sfence.sel $0xFFFF  }
0xbe: {  	[dreg:$0x0] =	wrdreg $0xFFFFFFFF;
	(pc) =	sbr.abs _section_cstart, $3  }
0xbf: {  	[dreg:$0x1] =	wrdreg $0xFFFFFFFF  }
0xc0: {  	_ =	task.clear_ibuf [dreg:s6], $0x2FFFF;
	_ =	strace $0x9FFFFFFF  }
0xc1: {  	(tm) =	ssettm $0x7FFFFFFF  }
tec
execute0_lowered:
.L_overlay_start_1:
0x0: {  	(tag) =	ssettag $0x1  }
0x1: {  	s0 =	rddreg [dreg:$0x0]  }
0x2: {  	s1 =	srdreg.scid;
	s3 =	stileid.u32  }
0x3: {  	s2 =	simm.s32 $0x0;
	s14 =	simm.s32 $0x1;
	s15 =	simm.s32 $0x80  }
0x4: {  	s24 =	simm.s32 $0x280;
	s25 =	simm.s32 $0x14500;
	s28 =	simm.s32 $0x2  }
0x5: {  	s29 =	simm.s32 $0x4;
	s30 =	simm.s32 $0x5;
	s31 =	simm.s32 $0x17500  }
0x6: {  	s1 =	sand.u32 $0x1, s1;
	s3 =	sshll.u32 s3, $0x1;
	[smem:$0x7FF] =	sst s2  }
0x7: {  	s4 =	sadd.s32 $0x12400, s0;
	s6 =	sadd.s32 $0x27400, s0;
	s8 =	sor.u32 s1, s3  }
0x8: {  	_ =	strace $0x80000047;
	s3 =	sadd.s32 $0x22400, s0;
	s1 =	ssub.s32 $0x2, s1  }
0x9: {  	s5 =	sshll.u32 s8, $0xB;
	s7 =	sshll.u32 s8, $0x4;
	s9 =	smul.u32 $0x280, s8  }
0xa: {  	s26 =	sshrl.u32 s1, $0x1;
	s8 =	sshll.u32 s8, $0x8;
	s10 =	sadd.s32 s5, s0  }
0xb: {  	s5 =	sadd.s32 $0x37400, s0;
	s0 =	sadd.s32 s7, s0;
	s1 =	ssub.s32 s1, s26  }
0xc: {  	s11 =	sor.u32 $0x40, s8;
	s26 =	simm.s32 $0x3;
	s7 =	sadd.s32 s3, s9  }
0xd: {  	s10 =	sadd.s32 $0x2400, s10;
	s12 =	sadd.s32 $0x47400, s0;
	s13 =	smax.u32 s1, $0x1  }
0xe: {  	v0 =	vimm.f32 $0.0e+00;
	s0 =	simm.s32 $0x6;
	s1 =	simm.s32 $0x0;
	s9 =	sadd.s32 $0x50, s7  }
.LBB2_1:
0xf: {  	[tilespmem:$0x17500] =	vst v0  }
0x10: {  	[tilespmem:$0x17510] =	vst v0  }
0x11: {  	[tilespmem:$0x17520] =	vst v0  }
0x12: {  	[tilespmem:$0x17530] =	vst v0  }
0x13: {  	[tilespmem:$0x17540] =	vst v0  }
0x14: {  	[tilespmem:$0x17550] =	vst v0  }
0x15: {  	[tilespmem:$0x17560] =	vst v0  }
0x16: {  	[tilespmem:$0x17570] =	vst v0  }
0x17: {  	[tilespmem:s2], [sflag:$0x1] =	stream.linear.gather [hbm4b:s7+s2], $0x280, $0x38;
	[tilespmem:$0x17580] =	vst v63  }
0x18: {  	_ =	swait.ge [sflag:s14], $0x280  }
0x19: {  	[sflag:s14] =	ssyncset.done $0x0  }
0x1a: {  	s16 =	simm.s32 $0x500;
	[sflag:s14] =	ssyncadd.s32 $0xFFFFFD80  }
0x1b: {  	[tilespmem:s16], [sflag:$0x3] =	stream.indirect.gather [hbm4b:s4+s15], $0x40, s2, s15, $0xb8;
	[tilespmem:$0x17580] =	vst v63  }
0x1c: {  	s18 =	simm.s32 $0x2500  }
0x1d: {  	[tilespmem:s18], [sflag:$0x3] =	stream.indirect.gather [hbm4b:s4+s15], $0x40, s15, s15, $0xb8;
	[tilespmem:$0x17580] =	vst v63  }
0x1e: {  	s19 =	simm.s32 $0x100;
	s17 =	simm.s32 $0x4500  }
0x1f: {  	[tilespmem:s17], [sflag:$0x3] =	stream.indirect.gather [hbm4b:s4+s15], $0x40, s19, s15, $0xb8;
	[tilespmem:$0x17580] =	vst v63  }
0x20: {  	s20 =	simm.s32 $0x180;
	s21 =	simm.s32 $0x6500  }
0x21: {  	[tilespmem:s21], [sflag:$0x3] =	stream.indirect.gather [hbm4b:s4+s15], $0x40, s20, s15, $0xb8;
	[tilespmem:$0x17580] =	vst v63  }
0x22: {  	s22 =	simm.s32 $0x200;
	s23 =	simm.s32 $0x8500  }
0x23: {  	[tilespmem:s23], [sflag:$0x3] =	stream.indirect.gather [hbm4b:s4+s15], $0x40, s22, s15, $0xb8;
	[tilespmem:$0x17580] =	vst v63  }
0x24: {  	_ = 	snop  }
0x25: {  	[tilespmem:s24], [sflag:$0x1] =	stream.linear.gather [hbm4b:s9+s2], $0x280, $0x38;
	[tilespmem:$0x17580] =	vst v63  }
0x26: {  	p0 =	por $0x0, $0x0;
	s18 =	simm.s32 $0x0  }
0x27: {  	[tilespmem:s25], [sflag:$0x2] =	stream.linear.gather [hbm4b:s10+s2], $0x800, $0x38;
	[tilespmem:$0x17580] =	vst v63  }
.LBB2_2:
0x28: {  	_ =	swait.ge [sflag:s26], $0xA000;
	p1 =	seq.s32 s18, $0x7  }
.Ltmp0:
0x29: {  	[sflag:s26] =	ssyncset.done $0x0;
	(pc) =	sbr.rel @!p1 .LBB2_3-.Ltmp0, $4  }
0x2a: {  	[sflag:s26] =	ssyncadd.s32 $0xFFFF6000  }
0x2b: {  	_ =	swait.ge [sflag:s28], $0x800  }
0x2c: {  	s17 =	sand.u32 $0x1, s18;
	[sflag:s28] =	ssyncset.done $0x0  }
0x2d: {  	s19 =	sshll.u32 s18, $0x5;
	s16 =	sadd.s32 $0x1, s18;
	[sflag:s28] =	ssyncadd.s32 $0xFFFFF800  }
.LBB2_6:
.Ltmp1:
0x2e: {  	(pc) =	sbr.rel .LBB2_7-.Ltmp1, $2  }
0x2f: {  	_ =	sdelay $0x2  }
0x30: {  	s20 =	simm.s32 $0x5  }
.LBB2_3:
0x31: {  	s20 =	sand.u32 $0x1, s16  }
0x32: {  	s21 =	smul.u32 $0x28000, s20  }
0x33: {  	_ =	swait.ge [sflag:s14], $0x280;
	s22 =	smul.u32 $0xA00, s20  }
0x34: {  	s23 =	smul.u32 $0x280, s20;
	[sflag:s14] =	ssyncset.done $0x0;
	s21 =	sshrl.u32 s21, $0x2  }
0x35: {  	[sflag:s14] =	ssyncadd.s32 $0xFFFFFD80;
	s22 =	sshrl.u32 s22, $0x2;
	s21 =	sor.u32 $0x500, s21  }
0x36: {  	[tilespmem:s21], [sflag:$0x3] =	stream.indirect.gather [hbm4b:s4+s15], $0x40, s22, s15, $0xb8;
	[tilespmem:$0x17580] =	vst v63  }
0x37: {  	s21 =	sadd.s32 $0x80, s23  }
0x38: {  	s22 =	sshll.u32 s21, $0x6  }
0x39: {  	s22 =	sor.u32 $0x500, s22  }
0x3a: {  	[tilespmem:s22], [sflag:$0x3] =	stream.indirect.gather [hbm4b:s4+s15], $0x40, s21, s15, $0xb8;
	[tilespmem:$0x17580] =	vst v63  }
0x3b: {  	s21 =	sadd.s32 $0x100, s23  }
0x3c: {  	s22 =	sshll.u32 s21, $0x6  }
0x3d: {  	s22 =	sor.u32 $0x500, s22  }
0x3e: {  	[tilespmem:s22], [sflag:$0x3] =	stream.indirect.gather [hbm4b:s4+s15], $0x40, s21, s15, $0xb8;
	[tilespmem:$0x17580] =	vst v63  }
0x3f: {  	s21 =	sadd.s32 $0x180, s23  }
0x40: {  	s22 =	sshll.u32 s21, $0x6  }
0x41: {  	s22 =	sor.u32 $0x500, s22  }
0x42: {  	[tilespmem:s22], [sflag:$0x3] =	stream.indirect.gather [hbm4b:s4+s15], $0x40, s21, s15, $0xb8;
	[tilespmem:$0x17580] =	vst v63  }
0x43: {  	s21 =	sadd.s32 $0x200, s23  }
0x44: {  	p1 =	sgt.u32 s18, $0x5;
	s20 =	sshll.u32 s20, $0xB;
	s23 =	sshll.u32 s21, $0x6  }
.Ltmp2:
0x45: {  	s22 =	sor.u32 $0x500, s23;
	s23 =	sshll.u32 s16, $0x8;
	(pc) =	sbr.rel @p1 .LBB2_7-.Ltmp2, $4  }
0x46: {  	[tilespmem:s22], [sflag:$0x3] =	stream.indirect.gather [hbm4b:s4+s15], $0x40, s21, s15, $0xb8;
	[tilespmem:$0x17580] =	vst v63  }
0x47: {  	s20 =	sor.u32 $0x14500, s20;
	s21 =	sadd.s32 s23, s10  }
0x48: {  	[tilespmem:s20], [sflag:$0x2] =	stream.linear.gather [hbm4b:s21+s2], $0x800, $0x38;
	[tilespmem:$0x17580] =	vst v63  }
0x49: {  	s20 =	simm.s32 $0x4  }
0x4a: {  	s21 =	sadd.s32 s19, s11  }
0x4b: {  	p2 =	slt.u32 s18, $0x2;
	s21 =	smul.u32 $0x14, s21  }
.Ltmp3:
0x4c: {  	_ = 	snop;
	(pc) =	sbr.rel @p2 .LBB2_8-.Ltmp3, $4  }
0x4d: {  	_ = 	snop  }
0x4e: {  	p1 =	seq.s32 s17, $0x1;
	s22 =	simm.s32 $0x280;
	s21 =	sshrl.u32 s21, $0x3  }
0x4f: {  	s22 =	simm.s32 @!p1 $0x0;
	s21 =	sadd.s32 s3, s21  }
0x50: {  	[tilespmem:s22], [sflag:$0x1] =	stream.linear.gather [hbm4b:s21+s2], $0x280, $0x38;
	[tilespmem:$0x17580] =	vst v63  }
.Ltmp4:
0x51: {  	(pc) =	sbr.rel @p1 .LBB2_6-.Ltmp4, $1  }
0x52: {  	_ =	sdelay $0x3  }
.LBB2_7:
0x53: {  	_ =	swait.ge [sflag:s20], $0x800  }
0x54: {  	[sflag:s20] =	ssyncset.done $0x0  }
0x55: {  	[sflag:s20] =	ssyncadd.s32 $0xFFFFF800  }
0x56: {  	_ =	swait.ge [sflag:s20], $0x800  }
0x57: {  	[sflag:s20] =	ssyncset.done $0x0  }
0x58: {  	[sflag:s20] =	ssyncadd.s32 $0xFFFFF800  }
.LBB2_8:
0x59: {  	s20 =	simm.s32 $0x1  }
0x5a: {  	s20 =	simm.s32 @!p0 $0x0  }
0x5b: {  	s18 =	smul.u32 $0x28000, s20;
	_ =	sdelay $0x1  }
0x5c: {  	s18 =	sshrl.u32 s18, $0x2  }
0x5d: {  	s18 =	sor.u32 $0x780, s18  }
0x5e: {  	v4 =	vld [tilespmem:s18+$0xFFFFFD80]  }
0x5f: {  	v5 =	vld [tilespmem:s18+$0xFFFFFDC0]  }
0x60: {  	v6 =	vld [tilespmem:s18+$0xFFFFFE00]  }
0x61: {  	v7 =	vld [tilespmem:s18+$0xFFFFFE40]  }
0x62: {  	v10 =	vld [tilespmem:s18+$0xFFFFFE80]  }
0x63: {  	v12 =	vld [tilespmem:s18+$0xFFFFFEC0]  }
0x64: {  	s20 =	sshll.u32 s20, $0xB;
	v58 =	vld [tilespmem:s18+$0xFFFFFF00];
	v3 =	vadd.f32 v5, v4  }
0x65: {  	s21 =	sor.u32 $0x16520, s20;
	s22 =	sor.u32 $0x15520, s20;
	v14 =	vld [tilespmem:s18+$0xFFFFFFC0];
	v8 =	vmul.f32 v4, v4;
	v9 =	vmul.f32 v5, v5  }
0x66: {  	v1 =	vmov s22;
	v2 =	vmov s21;
	v11 =	vadd.f32 v6, v3  }
0x67: {  	v62 =	vld [tilespmem:s18+$0x140];
	v13 =	vmin.f32 v4, v5;
	v8 =	vadd.f32 v9, v8;
	v9 =	vmul.f32 v6, v6  }
0x68: {  	v4 =	vmax.f32 v4, v5;
	v15 =	vmul.f32 v12, v12;
	v5 =	vadd.f32 v7, v11  }
0x69: {  	v16 =	vmul.f32 v58, v58;
	v8 =	vadd.f32 v9, v8;
	v9 =	vmul.f32 v7, v7  }
0x6a: {  	v63 =	vmul.f32 v14, v14;
	v4 =	vmax.f32 v4, v6;
	v5 =	vadd.f32 v10, v5  }
0x6b: {  	s20 =	sor.u32 $0x14530, s20;
	v11 =	vmin.f32 v13, v6;
	v6 =	vld [tilespmem:s18+$0xFFFFFF40];
	v8 =	vadd.f32 v9, v8;
	v9 =	vmul.f32 v10, v10  }
0x6c: {  	v24 =	vmul.f32 v62, v62;
	v3 =	vmov s20;
	v5 =	vadd.f32 v12, v5  }
0x6d: {  	v4 =	vmax.f32 v4, v7;
	v11 =	vmin.f32 v11, v7;
	v7 =	vld [tilespmem:s18+$0xFFFFFF80];
	v8 =	vadd.f32 v9, v8  }
0x6e: {  	v4 =	vmax.f32 v4, v10;
	v11 =	vmin.f32 v11, v10;
	v5 =	vadd.f32 v58, v5  }
0x6f: {  	v4 =	vmax.f32 v4, v12;
	v10 =	vmin.f32 v11, v12;
	v8 =	vadd.f32 v15, v8  }
0x70: {  	v4 =	vmax.f32 v4, v58;
	v11 =	vld [tilespmem:s18+$0x0];
	v9 =	vmin.f32 v10, v58;
	v5 =	vadd.f32 v6, v5  }
0x71: {  	v10 =	vld [tilespmem:s18+$0x40];
	v9 =	vmin.f32 v9, v6;
	v17 =	vmul.f32 v6, v6;
	v8 =	vadd.f32 v16, v8  }
0x72: {  	v4 =	vmax.f32 v4, v6;
	v9 =	vmin.f32 v9, v7;
	v5 =	vadd.f32 v7, v5  }
0x73: {  	v59 =	vld [tilespmem:s18+$0x80];
	v18 =	vmul.f32 v7, v7;
	v4 =	vmax.f32 v4, v7;
	v8 =	vadd.f32 v17, v8  }
0x74: {  	v60 =	vld [tilespmem:s18+$0xC0];
	v9 =	vmin.f32 v9, v14;
	v4 =	vmax.f32 v4, v14;
	v5 =	vadd.f32 v14, v5  }
0x75: {  	v61 =	vld [tilespmem:s18+$0x100];
	v9 =	vmin.f32 v9, v11;
	v22 =	vmul.f32 v11, v11;
	v8 =	vadd.f32 v18, v8  }
0x76: {  	v4 =	vmax.f32 v4, v11;
	v6 =	vmin.f32 v9, v10;
	v5 =	vadd.f32 v11, v5  }
0x77: {  	v9 =	vld [tilespmem:s18+$0x180];
	v23 =	vmul.f32 v10, v10;
	v4 =	vmax.f32 v4, v10;
	v8 =	vadd.f32 v63, v8  }
0x78: {  	v6 =	vmin.f32 v6, v59;
	v4 =	vmax.f32 v4, v59;
	v5 =	vadd.f32 v10, v5  }
0x79: {  	v7 =	vld [tilespmem:s18+$0x1C0];
	v6 =	vmin.f32 v6, v60;
	v4 =	vmax.f32 v4, v60;
	v8 =	vadd.f32 v22, v8  }
0x7a: {  	v21 =	vld [tilespmem:s18+$0x200];
	v6 =	vmin.f32 v6, v61;
	v4 =	vmax.f32 v4, v61;
	v5 =	vadd.f32 v59, v5  }
0x7b: {  	v6 =	vmin.f32 v6, v62;
	v11 =	vld [tilespmem:s18+$0x240];
	v10 =	vmul.f32 v59, v59;
	v8 =	vadd.f32 v23, v8  }
0x7c: {  	v4 =	vmax.f32 v4, v62;
	v6 =	vmin.f32 v6, v9;
	v5 =	vadd.f32 v60, v5  }
0x7d: {  	v4 =	vmax.f32 v4, v9;
	v8 =	vadd.f32 v10, v8;
	v10 =	vmul.f32 v60, v60  }
0x7e: {  	v6 =	vmin.f32 v6, v7;
	v4 =	vmax.f32 v4, v7;
	v5 =	vadd.f32 v61, v5  }
0x7f: {  	v6 =	vmin.f32 v6, v21;
	v8 =	vadd.f32 v10, v8;
	v10 =	vmul.f32 v61, v61  }
0x80: {  	s23 =	simm.s32 $0x0;
	v4 =	vmax.f32 v4, v21;
	v6 =	vmin.f32 v6, v11;
	v5 =	vadd.f32 v62, v5  }
0x81: {  	v4 =	vmax.f32 v4, v11;
	[tilespmem:v1+s23+$0xFFFFFFE0 ss:$0x1] =	vst.idx.msk $0xffff, v6;
	v8 =	vadd.f32 v10, v8  }
0x82: {  	[tilespmem:v2+s23+$0xFFFFFFE0 ss:$0x1] =	vst.idx.msk $0xffff, v4;
	v5 =	vadd.f32 v9, v5  }
0x83: {  	v6 =	vmul.f32 v9, v9;
	v4 =	vadd.f32 v24, v8;
	v8 =	vld.idx.msk [tilespmem:v3+s23+$0xFFFFFFD0 ss:$0x1], $0xffff  }
0x84: {  	v5 =	vadd.f32 v7, v5  }
0x85: {  	v4 =	vadd.f32 v6, v4;
	v6 =	vmul.f32 v7, v7  }
0x86: {  	v5 =	vadd.f32 v21, v5  }
0x87: {  	v4 =	vadd.f32 v6, v4;
	v6 =	vmul.f32 v21, v21  }
0x88: {  	v7 =	vmul.f32 $2.000000000e+01, v8;
	v9 =	vadd.f32 v8, v8;
	v5 =	vadd.f32 v11, v5  }
0x89: {  	v10 =	vmul.f32 v11, v11  }
0x8a: {  	v11 =	vld [tilespmem:$0x17500];
	v4 =	vadd.f32 v6, v4;
	v6 =	vmul.f32 v7, v8;
	v8 =	vmul.f32 v9, v5  }
0x8b: {  	v9 =	vld [tilespmem:$0x17540]  }
0x8c: {  	v4 =	vadd.f32 v10, v4;
	v6 =	vsub.f32 v6, v8  }
0x8d: {  	v5 =	vsub.f32 v7, v5  }
0x8e: {  	v4 =	vadd.f32 v6, v4  }
0x8f: {  	v5 =	vadd.f32 v5, v11  }
0x90: {  	v4 =	vadd.f32 v4, v9  }
0x91: {  	[tilespmem:$0x17500] =	vst v5  }
0x92: {  	[tilespmem:$0x17540] =	vst v4  }
0x93: {  	v4 =	vld [tilespmem:s18+$0xFFFFFD90]  }
0x94: {  	v5 =	vld [tilespmem:s18+$0xFFFFFDD0];
	_ =	sdelay $0x1  }
0x95: {  	v6 =	vld [tilespmem:s18+$0xFFFFFE10];
	_ =	sdelay $0x1  }
0x96: {  	v7 =	vld [tilespmem:s18+$0xFFFFFE50]  }
0x97: {  	v8 =	vadd.f32 v5, v4  }
0x98: {  	v11 =	vld [tilespmem:s18+$0xFFFFFE90];
	v9 =	vmul.f32 v4, v4;
	v10 =	vmul.f32 v5, v5  }
0x99: {  	v25 =	vld [tilespmem:s18+$0xFFFFFED0];
	v8 =	vadd.f32 v6, v8  }
0x9a: {  	v27 =	vld [tilespmem:s18+$0xFFFFFF10];
	v9 =	vadd.f32 v10, v9;
	v10 =	vmul.f32 v6, v6  }
0x9b: {  	v26 =	vmin.f32 v4, v5;
	v4 =	vmax.f32 v4, v5;
	v5 =	vadd.f32 v7, v8  }
0x9c: {  	v31 =	vld [tilespmem:s18+$0x90];
	v4 =	vmax.f32 v4, v6;
	v9 =	vadd.f32 v10, v9;
	v10 =	vmul.f32 v7, v7  }
0x9d: {  	v4 =	vmax.f32 v4, v7;
	v8 =	vmin.f32 v26, v6;
	v5 =	vadd.f32 v11, v5  }
0x9e: {  	v6 =	vmin.f32 v8, v7;
	v8 =	vld [tilespmem:s18+$0xFFFFFF50];
	v7 =	vadd.f32 v10, v9;
	v9 =	vmul.f32 v11, v11  }
0x9f: {  	v29 =	vmul.f32 v27, v27;
	v4 =	vmax.f32 v4, v11;
	v5 =	vadd.f32 v25, v5  }
0xa0: {  	v10 =	vld [tilespmem:s18+$0xFFFFFF90];
	v6 =	vmin.f32 v6, v11;
	v11 =	vmul.f32 v25, v25;
	v7 =	vadd.f32 v9, v7  }
0xa1: {  	v16 =	vmul.f32 v31, v31;
	v6 =	vmin.f32 v6, v25;
	v9 =	vld [tilespmem:s18+$0xFFFFFFD0];
	v5 =	vadd.f32 v27, v5  }
0xa2: {  	v28 =	vld [tilespmem:s18+$0x10];
	v4 =	vmax.f32 v4, v25;
	v6 =	vmin.f32 v6, v27;
	v7 =	vadd.f32 v11, v7  }
0xa3: {  	v30 =	vld [tilespmem:s18+$0x50];
	v4 =	vmax.f32 v4, v27;
	v6 =	vmin.f32 v6, v8;
	v5 =	vadd.f32 v8, v5  }
0xa4: {  	v32 =	vmul.f32 v8, v8;
	v4 =	vmax.f32 v4, v8;
	v7 =	vadd.f32 v29, v7  }
0xa5: {  	v6 =	vmin.f32 v6, v10;
	v11 =	vmul.f32 v10, v10;
	v5 =	vadd.f32 v10, v5  }
0xa6: {  	v4 =	vmax.f32 v4, v10;
	v6 =	vmin.f32 v6, v9;
	v7 =	vadd.f32 v32, v7  }
0xa7: {  	v33 =	vld [tilespmem:s18+$0xD0];
	v8 =	vmul.f32 v9, v9;
	v4 =	vmax.f32 v4, v9;
	v5 =	vadd.f32 v9, v5  }
0xa8: {  	v34 =	vld [tilespmem:s18+$0x110];
	v6 =	vmin.f32 v6, v28;
	v10 =	vmul.f32 v30, v30;
	v7 =	vadd.f32 v11, v7  }
0xa9: {  	v35 =	vld [tilespmem:s18+$0x150];
	v4 =	vmax.f32 v4, v28;
	v6 =	vmin.f32 v6, v30;
	v5 =	vadd.f32 v28, v5  }
0xaa: {  	v4 =	vmax.f32 v4, v30;
	v9 =	vld [tilespmem:s18+$0x190];
	v11 =	vmul.f32 v28, v28;
	v7 =	vadd.f32 v8, v7  }
0xab: {  	v6 =	vmin.f32 v6, v31;
	v4 =	vmax.f32 v4, v31;
	v5 =	vadd.f32 v30, v5  }
0xac: {  	v36 =	vld [tilespmem:s18+$0x1D0];
	v6 =	vmin.f32 v6, v33;
	v4 =	vmax.f32 v4, v33;
	v7 =	vadd.f32 v11, v7  }
0xad: {  	v37 =	vld [tilespmem:s18+$0x210];
	v6 =	vmin.f32 v6, v34;
	v8 =	vmul.f32 v34, v34;
	v5 =	vadd.f32 v31, v5  }
0xae: {  	v4 =	vmax.f32 v4, v34;
	v6 =	vmin.f32 v6, v35;
	v11 =	vld [tilespmem:s18+$0x250];
	v7 =	vadd.f32 v10, v7  }
0xaf: {  	v4 =	vmax.f32 v4, v35;
	v6 =	vmin.f32 v6, v9;
	v5 =	vadd.f32 v33, v5  }
0xb0: {  	v4 =	vmax.f32 v4, v9;
	v10 =	vmul.f32 v33, v33;
	v7 =	vadd.f32 v16, v7  }
0xb1: {  	v6 =	vmin.f32 v6, v36;
	v4 =	vmax.f32 v4, v36;
	v5 =	vadd.f32 v34, v5  }
0xb2: {  	v6 =	vmin.f32 v6, v37;
	v4 =	vmax.f32 v4, v37;
	v7 =	vadd.f32 v10, v7  }
0xb3: {  	v6 =	vmin.f32 v6, v11;
	v4 =	vmax.f32 v4, v11;
	v5 =	vadd.f32 v35, v5  }
0xb4: {  	[tilespmem:v1+s23+$0xFFFFFFF0 ss:$0x1] =	vst.idx.msk $0xffff, v6;
	v6 =	vadd.f32 v8, v7;
	v7 =	vmul.f32 v35, v35  }
0xb5: {  	[tilespmem:v2+s23+$0xFFFFFFF0 ss:$0x1] =	vst.idx.msk $0xffff, v4;
	v4 =	vadd.f32 v9, v5  }
0xb6: {  	v5 =	vld.idx.msk [tilespmem:v3+s23+$0xFFFFFFE0 ss:$0x1], $0xffff;
	v6 =	vadd.f32 v7, v6;
	v7 =	vmul.f32 v9, v9  }
0xb7: {  	v4 =	vadd.f32 v36, v4  }
0xb8: {  	v6 =	vadd.f32 v7, v6;
	v7 =	vmul.f32 v36, v36  }
0xb9: {  	v4 =	vadd.f32 v37, v4  }
0xba: {  	v6 =	vadd.f32 v7, v6;
	v7 =	vmul.f32 v37, v37  }
0xbb: {  	v8 =	vmul.f32 $2.000000000e+01, v5;
	v9 =	vadd.f32 v5, v5;
	v4 =	vadd.f32 v11, v4  }
0xbc: {  	v10 =	vmul.f32 v11, v11  }
0xbd: {  	v11 =	vld [tilespmem:$0x17510];
	v6 =	vadd.f32 v7, v6;
	v5 =	vmul.f32 v8, v5;
	v7 =	vmul.f32 v9, v4  }
0xbe: {  	v9 =	vld [tilespmem:$0x17550]  }
0xbf: {  	v6 =	vadd.f32 v10, v6;
	v5 =	vsub.f32 v5, v7  }
0xc0: {  	v4 =	vsub.f32 v8, v4  }
0xc1: {  	v5 =	vadd.f32 v5, v6  }
0xc2: {  	v4 =	vadd.f32 v4, v11  }
0xc3: {  	v5 =	vadd.f32 v5, v9  }
0xc4: {  	[tilespmem:$0x17510] =	vst v4  }
0xc5: {  	[tilespmem:$0x17550] =	vst v5  }
0xc6: {  	v4 =	vld [tilespmem:s18+$0xFFFFFDA0]  }
0xc7: {  	v5 =	vld [tilespmem:s18+$0xFFFFFDE0];
	_ =	sdelay $0x1  }
0xc8: {  	v6 =	vld [tilespmem:s18+$0xFFFFFE20]  }
0xc9: {  	v7 =	vld [tilespmem:s18+$0xFFFFFE60]  }
0xca: {  	v9 =	vld [tilespmem:s18+$0xFFFFFEA0]  }
0xcb: {  	v38 =	vld [tilespmem:s18+$0xFFFFFEE0];
	v8 =	vadd.f32 v5, v4  }
0xcc: {  	v40 =	vld [tilespmem:s18+$0xFFFFFF20];
	v10 =	vmul.f32 v4, v4;
	v11 =	vmul.f32 v5, v5  }
0xcd: {  	v42 =	vld [tilespmem:s18+$0xFFFFFFA0];
	v8 =	vadd.f32 v6, v8  }
0xce: {  	v39 =	vmul.f32 v6, v6;
	v10 =	vadd.f32 v11, v10  }
0xcf: {  	v11 =	vmax.f32 v4, v5;
	v4 =	vmin.f32 v4, v5;
	v5 =	vadd.f32 v7, v8  }
0xd0: {  	v41 =	vmul.f32 v7, v7;
	v43 =	vmul.f32 v9, v9;
	v10 =	vadd.f32 v39, v10  }
0xd1: {  	v44 =	vmul.f32 v38, v38;
	v45 =	vmul.f32 v40, v40;
	v5 =	vadd.f32 v9, v5  }
0xd2: {  	v13 =	vmul.f32 v42, v42;
	v8 =	vmax.f32 v11, v6;
	v11 =	vld [tilespmem:s18+$0xFFFFFF60];
	v10 =	vadd.f32 v41, v10  }
0xd3: {  	v4 =	vmin.f32 v4, v6;
	v8 =	vmax.f32 v8, v7;
	v5 =	vadd.f32 v38, v5  }
0xd4: {  	v4 =	vmin.f32 v4, v7;
	v6 =	vmax.f32 v8, v9;
	v10 =	vadd.f32 v43, v10  }
0xd5: {  	v4 =	vmin.f32 v4, v9;
	v8 =	vld [tilespmem:s18+$0xFFFFFFE0];
	v6 =	vmax.f32 v6, v38;
	v5 =	vadd.f32 v40, v5  }
0xd6: {  	v7 =	vld [tilespmem:s18+$0x20];
	v4 =	vmin.f32 v4, v38;
	v6 =	vmax.f32 v6, v40;
	v10 =	vadd.f32 v44, v10  }
0xd7: {  	v9 =	vld [tilespmem:s18+$0x60];
	v4 =	vmin.f32 v4, v40;
	v6 =	vmax.f32 v6, v11;
	v5 =	vadd.f32 v11, v5  }
0xd8: {  	v46 =	vld [tilespmem:s18+$0xA0];
	v47 =	vmul.f32 v11, v11;
	v4 =	vmin.f32 v4, v11;
	v10 =	vadd.f32 v45, v10  }
0xd9: {  	v6 =	vmax.f32 v6, v42;
	v4 =	vmin.f32 v4, v42;
	v5 =	vadd.f32 v42, v5  }
0xda: {  	v6 =	vmax.f32 v6, v8;
	v4 =	vmin.f32 v4, v8;
	v11 =	vld [tilespmem:s18+$0xE0];
	v10 =	vadd.f32 v47, v10  }
0xdb: {  	v48 =	vld [tilespmem:s18+$0x120];
	v6 =	vmax.f32 v6, v7;
	v4 =	vmin.f32 v4, v7;
	v5 =	vadd.f32 v8, v5  }
0xdc: {  	v49 =	vld [tilespmem:s18+$0x160];
	v6 =	vmax.f32 v6, v9;
	v8 =	vmul.f32 v8, v8;
	v10 =	vadd.f32 v13, v10  }
0xdd: {  	v4 =	vmin.f32 v4, v9;
	v6 =	vmax.f32 v6, v46;
	v5 =	vadd.f32 v7, v5  }
0xde: {  	v50 =	vld [tilespmem:s18+$0x1A0];
	v4 =	vmin.f32 v4, v46;
	v7 =	vmul.f32 v7, v7;
	v8 =	vadd.f32 v8, v10  }
0xdf: {  	v51 =	vld [tilespmem:s18+$0x1E0];
	v4 =	vmin.f32 v4, v11;
	v6 =	vmax.f32 v6, v11;
	v5 =	vadd.f32 v9, v5  }
0xe0: {  	v10 =	vld [tilespmem:s18+$0x220];
	v4 =	vmin.f32 v4, v48;
	v9 =	vmul.f32 v9, v9;
	v7 =	vadd.f32 v7, v8  }
0xe1: {  	v52 =	vld [tilespmem:s18+$0x260];
	v6 =	vmax.f32 v6, v48;
	v4 =	vmin.f32 v4, v49;
	v5 =	vadd.f32 v46, v5  }
0xe2: {  	v6 =	vmax.f32 v6, v49;
	v8 =	vmul.f32 v46, v46;
	v7 =	vadd.f32 v9, v7  }
0xe3: {  	v4 =	vmin.f32 v4, v50;
	v6 =	vmax.f32 v6, v50;
	v5 =	vadd.f32 v11, v5  }
0xe4: {  	v4 =	vmin.f32 v4, v51;
	v9 =	vmul.f32 v11, v11;
	v7 =	vadd.f32 v8, v7  }
0xe5: {  	v6 =	vmax.f32 v6, v51;
	v4 =	vmin.f32 v4, v10;
	v5 =	vadd.f32 v48, v5  }
0xe6: {  	v4 =	vmin.f32 v4, v52;
	v8 =	vmul.f32 v48, v48;
	v7 =	vadd.f32 v9, v7  }
0xe7: {  	v6 =	vmax.f32 v6, v10;
	[tilespmem:v1+s23+$0x0 ss:$0x1] =	vst.idx.msk $0xffff, v4;
	v4 =	vadd.f32 v49, v5  }
0xe8: {  	v5 =	vmax.f32 v6, v52;
	v6 =	vadd.f32 v8, v7;
	v7 =	vmul.f32 v49, v49  }
0xe9: {  	[tilespmem:v2+s23+$0x0 ss:$0x1] =	vst.idx.msk $0xffff, v5;
	v4 =	vadd.f32 v50, v4  }
0xea: {  	v5 =	vld.idx.msk [tilespmem:v3+s23+$0xFFFFFFF0 ss:$0x1], $0xffff;
	v6 =	vadd.f32 v7, v6;
	v7 =	vmul.f32 v50, v50  }
0xeb: {  	v4 =	vadd.f32 v51, v4  }
0xec: {  	v6 =	vadd.f32 v7, v6;
	v7 =	vmul.f32 v51, v51  }
0xed: {  	v4 =	vadd.f32 v10, v4  }
0xee: {  	v6 =	vadd.f32 v7, v6;
	v7 =	vmul.f32 v10, v10  }
0xef: {  	v8 =	vadd.f32 v5, v5;
	v9 =	vmul.f32 $2.000000000e+01, v5;
	v4 =	vadd.f32 v52, v4  }
0xf0: {  	v10 =	vmul.f32 v52, v52  }
0xf1: {  	v11 =	vld [tilespmem:$0x17520];
	v6 =	vadd.f32 v7, v6;
	v5 =	vmul.f32 v9, v5;
	v7 =	vmul.f32 v8, v4  }
0xf2: {  	v8 =	vld [tilespmem:$0x17560]  }
0xf3: {  	v6 =	vadd.f32 v10, v6;
	v5 =	vsub.f32 v5, v7  }
0xf4: {  	v4 =	vsub.f32 v9, v4  }
0xf5: {  	v5 =	vadd.f32 v5, v6  }
0xf6: {  	v4 =	vadd.f32 v4, v11  }
0xf7: {  	v5 =	vadd.f32 v5, v8  }
0xf8: {  	[tilespmem:$0x17520] =	vst v4  }
0xf9: {  	[tilespmem:$0x17560] =	vst v5  }
0xfa: {  	v4 =	vld [tilespmem:s18+$0xFFFFFDB0]  }
0xfb: {  	v5 =	vld [tilespmem:s18+$0xFFFFFDF0];
	_ =	sdelay $0x1  }
0xfc: {  	v6 =	vld [tilespmem:s18+$0xFFFFFE30];
	_ =	sdelay $0x1  }
0xfd: {  	v7 =	vld [tilespmem:s18+$0xFFFFFE70]  }
0xfe: {  	v9 =	vld [tilespmem:s18+$0xFFFFFEB0];
	v8 =	vadd.f32 v5, v4  }
0xff: {  	v53 =	vld [tilespmem:s18+$0xFFFFFEF0]  }
0x100: {  	v57 =	vld [tilespmem:s18+$0x30];
	v10 =	vmul.f32 v4, v4;
	v11 =	vmul.f32 v5, v5;
	v8 =	vadd.f32 v6, v8  }
0x101: {  	v54 =	vmin.f32 v4, v5;
	v4 =	vmax.f32 v4, v5  }
0x102: {  	v58 =	vld [tilespmem:s18+$0xB0];
	v5 =	vadd.f32 v11, v10;
	v10 =	vmul.f32 v6, v6;
	v8 =	vadd.f32 v7, v8  }
0x103: {  	v13 =	vmin.f32 v54, v6;
	v4 =	vmax.f32 v4, v6;
	v11 =	vld [tilespmem:s18+$0xFFFFFF30]  }
0x104: {  	v55 =	vld [tilespmem:s18+$0xFFFFFFF0];
	v6 =	vmul.f32 v7, v7;
	v5 =	vadd.f32 v10, v5;
	v8 =	vadd.f32 v9, v8  }
0x105: {  	v56 =	vmul.f32 v53, v53;
	v12 =	vmul.f32 v57, v57;
	v10 =	vld [tilespmem:s18+$0xFFFFFF70]  }
0x106: {  	v4 =	vmax.f32 v4, v7;
	v5 =	vadd.f32 v6, v5;
	v6 =	vadd.f32 v53, v8  }
0x107: {  	v13 =	vmin.f32 v13, v7;
	v4 =	vmax.f32 v4, v9;
	v7 =	vmul.f32 v9, v9;
	v8 =	vld [tilespmem:s18+$0xFFFFFFB0]  }
0x108: {  	v63 =	vmul.f32 v58, v58;
	v4 =	vmax.f32 v4, v53;
	v6 =	vadd.f32 v11, v6  }
0x109: {  	v9 =	vmin.f32 v13, v9;
	v13 =	vmul.f32 v55, v55;
	v5 =	vadd.f32 v7, v5  }
0x10a: {  	v4 =	vmax.f32 v4, v11;
	v7 =	vmin.f32 v9, v53;
	v6 =	vadd.f32 v10, v6  }
0x10b: {  	v9 =	vmul.f32 v11, v11;
	v7 =	vmin.f32 v7, v11;
	v5 =	vadd.f32 v56, v5  }
0x10c: {  	v4 =	vmax.f32 v4, v10;
	v11 =	vld [tilespmem:s18+$0x70];
	v7 =	vmin.f32 v7, v10;
	v6 =	vadd.f32 v8, v6  }
0x10d: {  	v10 =	vmul.f32 v10, v10;
	v5 =	vadd.f32 v9, v5;
	v7 =	vmin.f32 v7, v8  }
0x10e: {  	v9 =	vld [tilespmem:s18+$0xF0];
	v4 =	vmax.f32 v4, v8;
	v8 =	vmul.f32 v8, v8;
	v6 =	vadd.f32 v55, v6  }
0x10f: {  	v59 =	vld [tilespmem:s18+$0x130];
	v7 =	vmin.f32 v7, v55;
	v4 =	vmax.f32 v4, v55;
	v5 =	vadd.f32 v10, v5  }
0x110: {  	v10 =	vld [tilespmem:s18+$0x170];
	v7 =	vmin.f32 v7, v57;
	v4 =	vmax.f32 v4, v57;
	v6 =	vadd.f32 v57, v6  }
0x111: {  	v60 =	vld [tilespmem:s18+$0x1B0];
	v7 =	vmin.f32 v7, v11;
	v5 =	vadd.f32 v8, v5;
	v4 =	vmax.f32 v4, v11  }
0x112: {  	v8 =	vld [tilespmem:s18+$0x1F0];
	v7 =	vmin.f32 v7, v58;
	v4 =	vmax.f32 v4, v58;
	v6 =	vadd.f32 v11, v6  }
0x113: {  	v7 =	vmin.f32 v7, v9;
	v5 =	vadd.f32 v13, v5;
	v4 =	vmax.f32 v4, v9  }
0x114: {  	v61 =	vld [tilespmem:s18+$0x230];
	v7 =	vmin.f32 v7, v59;
	v4 =	vmax.f32 v4, v59;
	v6 =	vadd.f32 v58, v6  }
0x115: {  	v62 =	vld [tilespmem:s18+$0x270];
	v11 =	vmul.f32 v11, v11;
	v7 =	vmin.f32 v7, v10;
	v5 =	vadd.f32 v12, v5  }
0x116: {  	v4 =	vmax.f32 v4, v10;
	v7 =	vmin.f32 v7, v60;
	v6 =	vadd.f32 v9, v6  }
0x117: {  	v4 =	vmax.f32 v4, v60;
	v7 =	vmin.f32 v7, v8;
	v5 =	vadd.f32 v11, v5  }
0x118: {  	v4 =	vmax.f32 v4, v8;
	v11 =	vmul.f32 v59, v59;
	v6 =	vadd.f32 v59, v6  }
0x119: {  	v7 =	vmin.f32 v7, v61;
	v9 =	vmul.f32 v9, v9;
	v5 =	vadd.f32 v63, v5  }
0x11a: {  	v4 =	vmax.f32 v4, v61;
	v7 =	vmin.f32 v7, v62;
	v6 =	vadd.f32 v10, v6  }
0x11b: {  	v4 =	vmax.f32 v4, v62;
	[tilespmem:v1+s23+$0x10 ss:$0x1] =	vst.idx.msk $0xffff, v7;
	v5 =	vadd.f32 v9, v5  }
0x11c: {  	[tilespmem:v2+s23+$0x10 ss:$0x1] =	vst.idx.msk $0xffff, v4;
	v4 =	vadd.f32 v60, v6  }
0x11d: {  	v7 =	vld.idx.msk [tilespmem:v3+s23+$0x0 ss:$0x1], $0xffff;
	v5 =	vadd.f32 v11, v5;
	v6 =	vmul.f32 v10, v10  }
0x11e: {  	v4 =	vadd.f32 v8, v4  }
0x11f: {  	v5 =	vadd.f32 v6, v5;
	v6 =	vmul.f32 v60, v60  }
0x120: {  	v4 =	vadd.f32 v61, v4  }
0x121: {  	v9 =	vld [tilespmem:$0x17530];
	v5 =	vadd.f32 v6, v5;
	v6 =	vmul.f32 v8, v8  }
0x122: {  	v10 =	vadd.f32 v7, v7;
	v8 =	vmul.f32 $2.000000000e+01, v7;
	v4 =	vadd.f32 v62, v4  }
0x123: {  	v5 =	vadd.f32 v6, v5;
	v6 =	vmul.f32 v61, v61  }
0x124: {  	v7 =	vmul.f32 v8, v7;
	v11 =	vsub.f32 v8, v4;
	v8 =	vmul.f32 v10, v4  }
0x125: {  	v6 =	vadd.f32 v6, v5  }
0x126: {  	s21 =	simm.s32 $0x100;
	s20 =	sor.u32 s8, s19;
	s19 =	sshll.u32 s17, $0xB;
	v4 =	vld [tilespmem:$0x17570];
	v5 =	vadd.f32 v11, v9;
	v7 =	vsub.f32 v7, v8;
	v8 =	vmul.f32 v62, v62  }
.LBB2_9:
0x127: {  	p1 =	sne.s32 s21, $0x1F00  }
0x128: {  	s18 =	sadd.s32 $0x500, s18;
	s22 =	smov.u32 s21;
	s21 =	sadd.s32 $0x100, s21  }
0x129: {  	v6 =	vadd.f32 v8, v6;
	_ =	sdelay $0x1  }
0x12a: {  	v6 =	vadd.f32 v7, v6;
	_ =	sdelay $0x1  }
0x12b: {  	v4 =	vadd.f32 v6, v4  }
0x12c: {  	[tilespmem:$0x17530] =	vst v5  }
0x12d: {  	[tilespmem:$0x17570] =	vst v4  }
0x12e: {  	v4 =	vld [tilespmem:s18+$0xFFFFFD80]  }
0x12f: {  	v5 =	vld [tilespmem:s18+$0xFFFFFDC0];
	_ =	sdelay $0x1  }
0x130: {  	v6 =	vld [tilespmem:s18+$0xFFFFFE00];
	_ =	sdelay $0x1  }
0x131: {  	v7 =	vld [tilespmem:s18+$0xFFFFFE40]  }
0x132: {  	v8 =	vmul.f32 v4, v4;
	v9 =	vadd.f32 v5, v4;
	v10 =	vmul.f32 v5, v5  }
0x133: {  	v11 =	vmin.f32 v4, v5;
	v4 =	vmax.f32 v4, v5;
	v5 =	vld [tilespmem:s18+$0xFFFFFE80]  }
0x134: {  	v8 =	vadd.f32 v10, v8;
	v9 =	vadd.f32 v6, v9;
	v10 =	vmul.f32 v6, v6;
	v12 =	vld [tilespmem:s18+$0xFFFFFEC0]  }
0x135: {  	v11 =	vmin.f32 v11, v6;
	v4 =	vmax.f32 v4, v6;
	v6 =	vld [tilespmem:s18+$0xFFFFFF00]  }
0x136: {  	v8 =	vadd.f32 v10, v8;
	v9 =	vadd.f32 v7, v9;
	v10 =	vmul.f32 v7, v7;
	v13 =	vld [tilespmem:s18+$0xFFFFFF40]  }
0x137: {  	v11 =	vmin.f32 v11, v7;
	v4 =	vmax.f32 v4, v7;
	v7 =	vld [tilespmem:s18+$0xFFFFFF80]  }
0x138: {  	v8 =	vadd.f32 v10, v8;
	v10 =	vmin.f32 v11, v5;
	v9 =	vadd.f32 v5, v9;
	v11 =	vld [tilespmem:s18+$0xFFFFFFC0]  }
0x139: {  	v4 =	vmax.f32 v4, v5;
	v5 =	vmul.f32 v5, v5;
	v10 =	vmin.f32 v10, v12;
	v14 =	vld [tilespmem:s18+$0x0]  }
0x13a: {  	v15 =	vmul.f32 v12, v12;
	v9 =	vadd.f32 v12, v9;
	v10 =	vmin.f32 v10, v6;
	v16 =	vld [tilespmem:s18+$0x40]  }
0x13b: {  	v4 =	vmax.f32 v4, v12;
	v5 =	vadd.f32 v5, v8;
	v8 =	vmin.f32 v10, v13;
	v10 =	vld [tilespmem:s18+$0x80]  }
0x13c: {  	v12 =	vmul.f32 v6, v6;
	v9 =	vadd.f32 v6, v9;
	v8 =	vmin.f32 v8, v7;
	v17 =	vld [tilespmem:s18+$0xC0]  }
0x13d: {  	v4 =	vmax.f32 v4, v6;
	v5 =	vadd.f32 v15, v5;
	v6 =	vmin.f32 v8, v11;
	v8 =	vld [tilespmem:s18+$0x100]  }
0x13e: {  	v15 =	vmul.f32 v13, v13;
	v9 =	vadd.f32 v13, v9;
	v6 =	vmin.f32 v6, v14;
	v18 =	vld [tilespmem:s18+$0x140]  }
0x13f: {  	v4 =	vmax.f32 v4, v13;
	v5 =	vadd.f32 v12, v5;
	v6 =	vmin.f32 v6, v16;
	v12 =	vld [tilespmem:s18+$0x180]  }
0x140: {  	v13 =	vmul.f32 v7, v7;
	v9 =	vadd.f32 v7, v9;
	v6 =	vmin.f32 v6, v10;
	v19 =	vld [tilespmem:s18+$0x1C0]  }
0x141: {  	v4 =	vmax.f32 v4, v7;
	v5 =	vadd.f32 v15, v5;
	v6 =	vmin.f32 v6, v17;
	v7 =	vld [tilespmem:s18+$0x200]  }
0x142: {  	v15 =	vmul.f32 v11, v11;
	v9 =	vadd.f32 v11, v9;
	v6 =	vmin.f32 v6, v8;
	v20 =	vld [tilespmem:s18+$0x240]  }
0x143: {  	v4 =	vmax.f32 v4, v11;
	v5 =	vadd.f32 v13, v5;
	v6 =	vmin.f32 v6, v18  }
0x144: {  	v11 =	vmul.f32 v14, v14;
	v9 =	vadd.f32 v14, v9;
	v6 =	vmin.f32 v6, v12  }
0x145: {  	v4 =	vmax.f32 v4, v14;
	v5 =	vadd.f32 v15, v5;
	v6 =	vmin.f32 v6, v19  }
0x146: {  	v13 =	vmul.f32 v16, v16;
	v9 =	vadd.f32 v16, v9;
	v6 =	vmin.f32 v6, v7  }
0x147: {  	v4 =	vmax.f32 v4, v16;
	v5 =	vadd.f32 v11, v5;
	v6 =	vmin.f32 v6, v20  }
0x148: {  	v4 =	vmax.f32 v4, v10;
	v9 =	vadd.f32 v10, v9  }
0x149: {  	v4 =	vmax.f32 v4, v17;
	v5 =	vadd.f32 v13, v5;
	v10 =	vmul.f32 v10, v10  }
0x14a: {  	v4 =	vmax.f32 v4, v8;
	v9 =	vadd.f32 v17, v9  }
0x14b: {  	v4 =	vmax.f32 v4, v18;
	v5 =	vadd.f32 v10, v5;
	v10 =	vmul.f32 v17, v17  }
0x14c: {  	v4 =	vmax.f32 v4, v12;
	v9 =	vadd.f32 v8, v9  }
0x14d: {  	v4 =	vmax.f32 v4, v19;
	v5 =	vadd.f32 v10, v5;
	v8 =	vmul.f32 v8, v8  }
0x14e: {  	s22 =	sshra.s32 s22, $0x2;
	v4 =	vmax.f32 v4, v7;
	v10 =	vmul.f32 v18, v18;
	v9 =	vadd.f32 v18, v9  }
0x14f: {  	v4 =	vmax.f32 v4, v20;
	v5 =	vadd.f32 v8, v5;
	[tilespmem:v1+s22+$0xFFFFFFE0 ss:$0x1] =	vst.idx.msk $0xffff, v6  }
0x150: {  	v6 =	vadd.f32 v12, v9;
	[tilespmem:v2+s22+$0xFFFFFFE0 ss:$0x1] =	vst.idx.msk $0xffff, v4  }
0x151: {  	v4 =	vadd.f32 v10, v5;
	v5 =	vmul.f32 v12, v12;
	v8 =	vld.idx.msk [tilespmem:v3+s22+$0xFFFFFFD0 ss:$0x1], $0xffff  }
0x152: {  	v6 =	vadd.f32 v19, v6  }
0x153: {  	v4 =	vadd.f32 v5, v4;
	v5 =	vmul.f32 v19, v19;
	_ =	sdelay $0x1  }
0x154: {  	v4 =	vadd.f32 v5, v4;
	v5 =	vadd.f32 v7, v6  }
0x155: {  	v6 =	vmul.f32 v7, v7  }
0x156: {  	v5 =	vadd.f32 v20, v5;
	v9 =	vmul.f32 $2.000000000e+01, v8;
	v10 =	vadd.f32 v8, v8;
	v7 =	vld [tilespmem:$0x17500]  }
0x157: {  	v11 =	vmul.f32 v20, v20  }
0x158: {  	v4 =	vadd.f32 v6, v4;
	v6 =	vmul.f32 v9, v8;
	v8 =	vmul.f32 v10, v5  }
0x159: {  	v5 =	vsub.f32 v9, v5;
	v9 =	vld [tilespmem:$0x17540]  }
0x15a: {  	v4 =	vadd.f32 v11, v4;
	v6 =	vsub.f32 v6, v8  }
0x15b: {  	v5 =	vadd.f32 v5, v7  }
0x15c: {  	v4 =	vadd.f32 v6, v4  }
0x15d: {  	[tilespmem:$0x17500] =	vst v5  }
0x15e: {  	v4 =	vadd.f32 v4, v9;
	_ =	sdelay $0x1  }
0x15f: {  	[tilespmem:$0x17540] =	vst v4  }
0x160: {  	v4 =	vld [tilespmem:s18+$0xFFFFFD90]  }
0x161: {  	v5 =	vld [tilespmem:s18+$0xFFFFFDD0];
	_ =	sdelay $0x1  }
0x162: {  	v6 =	vld [tilespmem:s18+$0xFFFFFE10];
	_ =	sdelay $0x1  }
0x163: {  	v7 =	vmul.f32 v4, v4;
	v8 =	vld [tilespmem:s18+$0xFFFFFE50]  }
0x164: {  	v9 =	vmin.f32 v4, v5;
	v10 =	vadd.f32 v5, v4;
	v11 =	vmul.f32 v5, v5  }
0x165: {  	v4 =	vmax.f32 v4, v5;
	v5 =	vld [tilespmem:s18+$0xFFFFFE90]  }
0x166: {  	v7 =	vadd.f32 v11, v7;
	v10 =	vadd.f32 v6, v10;
	v11 =	vmul.f32 v6, v6  }
0x167: {  	v9 =	vmin.f32 v9, v6;
	v4 =	vmax.f32 v4, v6;
	v6 =	vld [tilespmem:s18+$0xFFFFFED0]  }
0x168: {  	v7 =	vadd.f32 v11, v7;
	v10 =	vadd.f32 v8, v10;
	v11 =	vmul.f32 v8, v8;
	v12 =	vld [tilespmem:s18+$0xFFFFFF10]  }
0x169: {  	v9 =	vmin.f32 v9, v8;
	v4 =	vmax.f32 v4, v8;
	v8 =	vld [tilespmem:s18+$0xFFFFFF50]  }
0x16a: {  	v7 =	vadd.f32 v11, v7;
	v10 =	vadd.f32 v5, v10;
	v11 =	vmul.f32 v5, v5;
	v13 =	vld [tilespmem:s18+$0xFFFFFF90]  }
0x16b: {  	v9 =	vmin.f32 v9, v5;
	v4 =	vmax.f32 v4, v5  }
0x16c: {  	v5 =	vadd.f32 v11, v7;
	v7 =	vmin.f32 v9, v6;
	v9 =	vadd.f32 v6, v10;
	v10 =	vld [tilespmem:s18+$0xFFFFFFD0]  }
0x16d: {  	v4 =	vmax.f32 v4, v6;
	v6 =	vmul.f32 v6, v6;
	v7 =	vmin.f32 v7, v12;
	v11 =	vld [tilespmem:s18+$0x10]  }
0x16e: {  	v14 =	vmul.f32 v12, v12;
	v9 =	vadd.f32 v12, v9;
	v7 =	vmin.f32 v7, v8;
	v15 =	vld [tilespmem:s18+$0x50]  }
0x16f: {  	v5 =	vadd.f32 v6, v5;
	v6 =	vmin.f32 v7, v13;
	v7 =	vmul.f32 v13, v13;
	v16 =	vld [tilespmem:s18+$0x90]  }
0x170: {  	v4 =	vmax.f32 v4, v12;
	v12 =	vmul.f32 v8, v8;
	v9 =	vadd.f32 v8, v9;
	v17 =	vld [tilespmem:s18+$0xD0]  }
0x171: {  	v4 =	vmax.f32 v4, v8;
	v5 =	vadd.f32 v14, v5;
	v6 =	vmin.f32 v6, v10  }
0x172: {  	v8 =	vadd.f32 v13, v9;
	v9 =	vmul.f32 v10, v10;
	v6 =	vmin.f32 v6, v11;
	v14 =	vld [tilespmem:s18+$0x110]  }
0x173: {  	v4 =	vmax.f32 v4, v13;
	v5 =	vadd.f32 v12, v5;
	v6 =	vmin.f32 v6, v15  }
0x174: {  	v12 =	vmul.f32 v15, v15;
	v8 =	vadd.f32 v10, v8;
	v6 =	vmin.f32 v6, v16;
	v13 =	vld [tilespmem:s18+$0x150]  }
0x175: {  	v4 =	vmax.f32 v4, v10;
	v5 =	vadd.f32 v7, v5;
	v6 =	vmin.f32 v6, v17;
	v7 =	vld [tilespmem:s18+$0x190]  }
0x176: {  	v4 =	vmax.f32 v4, v11;
	v10 =	vmul.f32 v11, v11;
	v8 =	vadd.f32 v11, v8;
	v11 =	vld [tilespmem:s18+$0x1D0]  }
0x177: {  	v4 =	vmax.f32 v4, v15;
	v5 =	vadd.f32 v9, v5;
	v6 =	vmin.f32 v6, v14  }
0x178: {  	v4 =	vmax.f32 v4, v16;
	v9 =	vmul.f32 v14, v14;
	v8 =	vadd.f32 v15, v8;
	v15 =	vld [tilespmem:s18+$0x210]  }
0x179: {  	v4 =	vmax.f32 v4, v17;
	v5 =	vadd.f32 v10, v5;
	v6 =	vmin.f32 v6, v13;
	v10 =	vld [tilespmem:s18+$0x250]  }
0x17a: {  	v8 =	vadd.f32 v16, v8;
	v16 =	vmul.f32 v16, v16;
	v6 =	vmin.f32 v6, v7  }
0x17b: {  	v4 =	vmax.f32 v4, v14;
	v5 =	vadd.f32 v12, v5;
	v6 =	vmin.f32 v6, v11  }
0x17c: {  	v4 =	vmax.f32 v4, v13;
	v12 =	vmul.f32 v17, v17;
	v8 =	vadd.f32 v17, v8  }
0x17d: {  	v4 =	vmax.f32 v4, v7;
	v5 =	vadd.f32 v16, v5;
	v6 =	vmin.f32 v6, v15  }
0x17e: {  	v4 =	vmax.f32 v4, v11;
	v8 =	vadd.f32 v14, v8;
	v6 =	vmin.f32 v6, v10  }
0x17f: {  	v4 =	vmax.f32 v4, v15;
	v5 =	vadd.f32 v12, v5;
	[tilespmem:v1+s22+$0xFFFFFFF0 ss:$0x1] =	vst.idx.msk $0xffff, v6  }
0x180: {  	v4 =	vmax.f32 v4, v10;
	v6 =	vadd.f32 v13, v8  }
0x181: {  	v5 =	vadd.f32 v9, v5;
	v8 =	vmul.f32 v13, v13;
	[tilespmem:v2+s22+$0xFFFFFFF0 ss:$0x1] =	vst.idx.msk $0xffff, v4  }
0x182: {  	v4 =	vadd.f32 v7, v6;
	v6 =	vld.idx.msk [tilespmem:v3+s22+$0xFFFFFFE0 ss:$0x1], $0xffff  }
0x183: {  	v5 =	vadd.f32 v8, v5;
	v7 =	vmul.f32 v7, v7;
	v8 =	vld [tilespmem:$0x17510]  }
0x184: {  	v4 =	vadd.f32 v11, v4;
	v9 =	vld [tilespmem:$0x17550]  }
0x185: {  	v5 =	vadd.f32 v7, v5;
	v7 =	vmul.f32 v11, v11  }
0x186: {  	v4 =	vadd.f32 v15, v4  }
0x187: {  	v5 =	vadd.f32 v7, v5;
	v7 =	vmul.f32 v15, v15  }
0x188: {  	v11 =	vmul.f32 $2.000000000e+01, v6;
	v12 =	vadd.f32 v6, v6;
	v4 =	vadd.f32 v10, v4  }
0x189: {  	v5 =	vadd.f32 v7, v5;
	v7 =	vmul.f32 v10, v10  }
0x18a: {  	v6 =	vmul.f32 v11, v6;
	v10 =	vsub.f32 v11, v4;
	v4 =	vmul.f32 v12, v4;
	_ =	sdelay $0x1  }
0x18b: {  	v5 =	vadd.f32 v7, v5;
	v4 =	vsub.f32 v6, v4  }
0x18c: {  	v6 =	vadd.f32 v10, v8  }
0x18d: {  	v4 =	vadd.f32 v4, v5  }
0x18e: {  	[tilespmem:$0x17510] =	vst v6  }
0x18f: {  	v4 =	vadd.f32 v4, v9;
	_ =	sdelay $0x1  }
0x190: {  	[tilespmem:$0x17550] =	vst v4  }
0x191: {  	v4 =	vld [tilespmem:s18+$0xFFFFFDA0]  }
0x192: {  	v5 =	vld [tilespmem:s18+$0xFFFFFDE0]  }
0x193: {  	v6 =	vld [tilespmem:s18+$0xFFFFFE20]  }
0x194: {  	v7 =	vld [tilespmem:s18+$0xFFFFFE60]  }
0x195: {  	v8 =	vld [tilespmem:s18+$0xFFFFFEA0]  }
0x196: {  	v9 =	vmul.f32 v4, v4;
	v10 =	vld [tilespmem:s18+$0xFFFFFEE0]  }
0x197: {  	v11 =	vmax.f32 v4, v5;
	v12 =	vadd.f32 v5, v4;
	v13 =	vmul.f32 v5, v5;
	v14 =	vld [tilespmem:s18+$0xFFFFFF20]  }
0x198: {  	v4 =	vmin.f32 v4, v5;
	v5 =	vmax.f32 v11, v6;
	v11 =	vmul.f32 v6, v6;
	v15 =	vld [tilespmem:s18+$0xFFFFFF60]  }
0x199: {  	v9 =	vadd.f32 v13, v9;
	v12 =	vadd.f32 v6, v12;
	v5 =	vmax.f32 v5, v7;
	v13 =	vld [tilespmem:s18+$0xFFFFFFA0]  }
0x19a: {  	v4 =	vmin.f32 v4, v6;
	v6 =	vmul.f32 v7, v7;
	v5 =	vmax.f32 v5, v8  }
0x19b: {  	v9 =	vadd.f32 v11, v9;
	v11 =	vadd.f32 v7, v12;
	v5 =	vmax.f32 v5, v10;
	v12 =	vld [tilespmem:s18+$0xFFFFFFE0]  }
0x19c: {  	v4 =	vmin.f32 v4, v7;
	v7 =	vmul.f32 v8, v8;
	v5 =	vmax.f32 v5, v14  }
0x19d: {  	v6 =	vadd.f32 v6, v9;
	v9 =	vadd.f32 v8, v11;
	v5 =	vmax.f32 v5, v15;
	v11 =	vld [tilespmem:s18+$0x20]  }
0x19e: {  	v4 =	vmin.f32 v4, v8;
	v5 =	vmax.f32 v5, v13  }
0x19f: {  	v8 =	vmul.f32 v10, v10;
	v6 =	vadd.f32 v7, v6;
	v7 =	vadd.f32 v10, v9;
	v9 =	vld [tilespmem:s18+$0x60]  }
0x1a0: {  	v4 =	vmin.f32 v4, v10;
	v10 =	vmul.f32 v14, v14;
	v5 =	vmax.f32 v5, v12  }
0x1a1: {  	v4 =	vmin.f32 v4, v14;
	v6 =	vadd.f32 v8, v6;
	v7 =	vadd.f32 v14, v7;
	v8 =	vld [tilespmem:s18+$0xA0]  }
0x1a2: {  	v4 =	vmin.f32 v4, v15;
	v14 =	vmul.f32 v15, v15;
	v5 =	vmax.f32 v5, v11  }
0x1a3: {  	v4 =	vmin.f32 v4, v13;
	v6 =	vadd.f32 v10, v6;
	v7 =	vadd.f32 v15, v7;
	v10 =	vld [tilespmem:s18+$0xE0]  }
0x1a4: {  	v4 =	vmin.f32 v4, v12;
	v15 =	vmul.f32 v13, v13;
	v5 =	vmax.f32 v5, v9;
	v16 =	vld [tilespmem:s18+$0x120]  }
0x1a5: {  	v4 =	vmin.f32 v4, v11;
	v6 =	vadd.f32 v14, v6;
	v7 =	vadd.f32 v13, v7;
	v13 =	vld [tilespmem:s18+$0x160]  }
0x1a6: {  	v4 =	vmin.f32 v4, v9;
	v14 =	vmul.f32 v12, v12;
	v5 =	vmax.f32 v5, v8;
	v17 =	vld [tilespmem:s18+$0x1A0]  }
0x1a7: {  	v4 =	vmin.f32 v4, v8;
	v6 =	vadd.f32 v15, v6;
	v7 =	vadd.f32 v12, v7;
	v12 =	vld [tilespmem:s18+$0x1E0]  }
0x1a8: {  	v15 =	vmul.f32 v11, v11;
	v4 =	vmin.f32 v4, v10;
	v5 =	vmax.f32 v5, v10;
	v18 =	vld [tilespmem:s18+$0x220]  }
0x1a9: {  	v6 =	vadd.f32 v14, v6;
	v7 =	vadd.f32 v11, v7;
	v4 =	vmin.f32 v4, v16;
	v11 =	vld [tilespmem:s18+$0x260]  }
0x1aa: {  	v14 =	vmul.f32 v9, v9;
	v5 =	vmax.f32 v5, v16;
	v4 =	vmin.f32 v4, v13  }
0x1ab: {  	v6 =	vadd.f32 v15, v6;
	v7 =	vadd.f32 v9, v7;
	v4 =	vmin.f32 v4, v17  }
0x1ac: {  	v5 =	vmax.f32 v5, v13;
	v9 =	vmul.f32 v8, v8;
	v4 =	vmin.f32 v4, v12  }
0x1ad: {  	v6 =	vadd.f32 v14, v6;
	v7 =	vadd.f32 v8, v7;
	v4 =	vmin.f32 v4, v18  }
0x1ae: {  	v5 =	vmax.f32 v5, v17;
	v8 =	vmul.f32 v10, v10;
	v4 =	vmin.f32 v4, v11  }
0x1af: {  	v5 =	vmax.f32 v5, v12;
	v6 =	vadd.f32 v9, v6;
	v7 =	vadd.f32 v10, v7  }
0x1b0: {  	v5 =	vmax.f32 v5, v18;
	v9 =	vmul.f32 v16, v16;
	[tilespmem:v1+s22+$0x0 ss:$0x1] =	vst.idx.msk $0xffff, v4  }
0x1b1: {  	v5 =	vmax.f32 v5, v11;
	v4 =	vadd.f32 v8, v6;
	v6 =	vadd.f32 v16, v7  }
0x1b2: {  	[tilespmem:v2+s22+$0x0 ss:$0x1] =	vst.idx.msk $0xffff, v5  }
0x1b3: {  	v4 =	vadd.f32 v9, v4;
	v5 =	vadd.f32 v13, v6;
	v6 =	vmul.f32 v13, v13;
	v7 =	vld.idx.msk [tilespmem:v3+s22+$0xFFFFFFF0 ss:$0x1], $0xffff  }
0x1b4: {  	v8 =	vld [tilespmem:$0x17520]  }
0x1b5: {  	v4 =	vadd.f32 v6, v4;
	v5 =	vadd.f32 v17, v5;
	v6 =	vmul.f32 v17, v17;
	v9 =	vld [tilespmem:$0x17560];
	_ =	sdelay $0x1  }
0x1b6: {  	v4 =	vadd.f32 v6, v4;
	v5 =	vadd.f32 v12, v5;
	v6 =	vmul.f32 v12, v12;
	_ =	sdelay $0x1  }
0x1b7: {  	v4 =	vadd.f32 v6, v4;
	v5 =	vadd.f32 v18, v5;
	v6 =	vmul.f32 v18, v18  }
0x1b8: {  	v10 =	vadd.f32 v7, v7  }
0x1b9: {  	v4 =	vadd.f32 v6, v4;
	v5 =	vadd.f32 v11, v5;
	v6 =	vmul.f32 $2.000000000e+01, v7  }
0x1ba: {  	v11 =	vmul.f32 v11, v11  }
0x1bb: {  	v12 =	vsub.f32 v6, v5;
	v6 =	vmul.f32 v6, v7;
	v5 =	vmul.f32 v10, v5;
	_ =	sdelay $0x1  }
0x1bc: {  	v4 =	vadd.f32 v11, v4;
	v5 =	vsub.f32 v6, v5  }
0x1bd: {  	v6 =	vadd.f32 v12, v8  }
0x1be: {  	v4 =	vadd.f32 v5, v4  }
0x1bf: {  	[tilespmem:$0x17520] =	vst v6  }
0x1c0: {  	v4 =	vadd.f32 v4, v9;
	_ =	sdelay $0x1  }
0x1c1: {  	[tilespmem:$0x17560] =	vst v4  }
0x1c2: {  	v4 =	vld [tilespmem:s18+$0xFFFFFDB0]  }
0x1c3: {  	v5 =	vld [tilespmem:s18+$0xFFFFFDF0]  }
0x1c4: {  	v6 =	vld [tilespmem:s18+$0xFFFFFE30]  }
0x1c5: {  	v7 =	vld [tilespmem:s18+$0xFFFFFE70]  }
0x1c6: {  	v8 =	vld [tilespmem:s18+$0xFFFFFEB0]  }
0x1c7: {  	v9 =	vld [tilespmem:s18+$0xFFFFFEF0]  }
0x1c8: {  	v10 =	vmul.f32 v4, v4;
	v11 =	vadd.f32 v5, v4;
	v12 =	vmul.f32 v5, v5;
	v13 =	vld [tilespmem:s18+$0xFFFFFF30]  }
0x1c9: {  	v14 =	vmin.f32 v4, v5;
	v4 =	vmax.f32 v4, v5;
	v5 =	vld [tilespmem:s18+$0xFFFFFF70]  }
0x1ca: {  	v10 =	vadd.f32 v12, v10;
	v11 =	vadd.f32 v6, v11;
	v12 =	vmul.f32 v6, v6;
	v15 =	vld [tilespmem:s18+$0xFFFFFFB0]  }
0x1cb: {  	v14 =	vmin.f32 v14, v6;
	v4 =	vmax.f32 v4, v6;
	v6 =	vld [tilespmem:s18+$0xFFFFFFF0]  }
0x1cc: {  	v10 =	vadd.f32 v12, v10;
	v11 =	vadd.f32 v7, v11;
	v12 =	vmul.f32 v7, v7;
	v16 =	vld [tilespmem:s18+$0x30]  }
0x1cd: {  	v14 =	vmin.f32 v14, v7;
	v4 =	vmax.f32 v4, v7;
	v7 =	vmul.f32 v8, v8;
	v17 =	vld [tilespmem:s18+$0x70]  }
0x1ce: {  	v4 =	vmax.f32 v4, v8;
	v10 =	vadd.f32 v12, v10;
	v11 =	vadd.f32 v8, v11;
	v12 =	vld [tilespmem:s18+$0xB0]  }
0x1cf: {  	v4 =	vmax.f32 v4, v9;
	v8 =	vmin.f32 v14, v8;
	v14 =	vmul.f32 v9, v9;
	v18 =	vld [tilespmem:s18+$0xF0]  }
0x1d0: {  	v4 =	vmax.f32 v4, v13;
	v7 =	vadd.f32 v7, v10;
	v10 =	vadd.f32 v9, v11;
	v11 =	vld [tilespmem:s18+$0x130]  }
0x1d1: {  	v4 =	vmax.f32 v4, v5;
	v8 =	vmin.f32 v8, v9;
	v9 =	vmul.f32 v13, v13;
	v19 =	vld [tilespmem:s18+$0x170]  }
0x1d2: {  	v8 =	vmin.f32 v8, v13;
	v7 =	vadd.f32 v14, v7;
	v10 =	vadd.f32 v13, v10;
	v13 =	vld [tilespmem:s18+$0x1B0]  }
0x1d3: {  	v4 =	vmax.f32 v4, v15;
	v8 =	vmin.f32 v8, v5;
	v14 =	vmul.f32 v5, v5;
	v20 =	vld [tilespmem:s18+$0x1F0]  }
0x1d4: {  	v8 =	vmin.f32 v8, v15;
	v7 =	vadd.f32 v9, v7;
	v5 =	vadd.f32 v5, v10;
	v9 =	vld [tilespmem:s18+$0x230]  }
0x1d5: {  	v4 =	vmax.f32 v4, v6;
	v8 =	vmin.f32 v8, v6;
	v10 =	vmul.f32 v15, v15;
	v21 =	vld [tilespmem:s18+$0x270]  }
0x1d6: {  	v8 =	vmin.f32 v8, v16;
	v7 =	vadd.f32 v14, v7;
	v5 =	vadd.f32 v15, v5  }
0x1d7: {  	v4 =	vmax.f32 v4, v16;
	v8 =	vmin.f32 v8, v17;
	v14 =	vmul.f32 v6, v6  }
0x1d8: {  	v7 =	vadd.f32 v10, v7;
	v5 =	vadd.f32 v6, v5;
	v6 =	vmin.f32 v8, v12  }
0x1d9: {  	v4 =	vmax.f32 v4, v17;
	v8 =	vmul.f32 v16, v16;
	v6 =	vmin.f32 v6, v18  }
0x1da: {  	v7 =	vadd.f32 v14, v7;
	v5 =	vadd.f32 v16, v5;
	v6 =	vmin.f32 v6, v11  }
0x1db: {  	v4 =	vmax.f32 v4, v12;
	v10 =	vmul.f32 v17, v17;
	v6 =	vmin.f32 v6, v19  }
0x1dc: {  	v7 =	vadd.f32 v8, v7;
	v5 =	vadd.f32 v17, v5;
	v6 =	vmin.f32 v6, v13  }
0x1dd: {  	v4 =	vmax.f32 v4, v18;
	v8 =	vmul.f32 v12, v12;
	v6 =	vmin.f32 v6, v20  }
0x1de: {  	v7 =	vadd.f32 v10, v7;
	v5 =	vadd.f32 v12, v5;
	v6 =	vmin.f32 v6, v9  }
0x1df: {  	v4 =	vmax.f32 v4, v11;
	v10 =	vmul.f32 v18, v18;
	v6 =	vmin.f32 v6, v21  }
0x1e0: {  	v4 =	vmax.f32 v4, v19;
	v7 =	vadd.f32 v8, v7;
	v5 =	vadd.f32 v18, v5  }
0x1e1: {  	v4 =	vmax.f32 v4, v13;
	v8 =	vmul.f32 v11, v11;
	[tilespmem:v1+s22+$0x10 ss:$0x1] =	vst.idx.msk $0xffff, v6  }
0x1e2: {  	v4 =	vmax.f32 v4, v20;
	v6 =	vadd.f32 v10, v7;
	v5 =	vadd.f32 v11, v5  }
0x1e3: {  	v4 =	vmax.f32 v4, v9;
	v7 =	vmul.f32 v19, v19  }
0x1e4: {  	v4 =	vmax.f32 v4, v21;
	v6 =	vadd.f32 v8, v6;
	v5 =	vadd.f32 v19, v5  }
0x1e5: {  	[tilespmem:v2+s22+$0x10 ss:$0x1] =	vst.idx.msk $0xffff, v4  }
0x1e6: {  	v4 =	vadd.f32 v7, v6;
	v5 =	vadd.f32 v13, v5;
	v6 =	vmul.f32 v13, v13;
	v7 =	vld.idx.msk [tilespmem:v3+s22+$0x0 ss:$0x1], $0xffff  }
0x1e7: {  	v8 =	vld [tilespmem:$0x17530]  }
0x1e8: {  	v10 =	vmul.f32 v20, v20;
	v6 =	vadd.f32 v6, v4;
	v5 =	vadd.f32 v20, v5;
	v4 =	vld [tilespmem:$0x17570];
	_ =	sdelay $0x1  }
0x1e9: {  	v6 =	vadd.f32 v10, v6;
	v5 =	vadd.f32 v9, v5  }
0x1ea: {  	v9 =	vmul.f32 v9, v9  }
0x1eb: {  	v10 =	vmul.f32 $2.000000000e+01, v7;
	v11 =	vadd.f32 v7, v7;
	v5 =	vadd.f32 v21, v5  }
.Ltmp5:
0x1ec: {  	v6 =	vadd.f32 v9, v6;
	(pc) =	sbr.rel @p1 .LBB2_9-.Ltmp5, $3  }
0x1ed: {  	v7 =	vmul.f32 v10, v7;
	v9 =	vsub.f32 v10, v5;
	v10 =	vmul.f32 v11, v5;
	_ =	sdelay $0x1  }
0x1ee: {  	v5 =	vadd.f32 v9, v8;
	v7 =	vsub.f32 v7, v10  }
0x1ef: {  	v8 =	vmul.f32 v21, v21  }
0x1f0: {  	_ = 	snop  }
0x1f1: {  	v1 =	vadd.f32 v8, v6;
	_ =	sdelay $0x1  }
0x1f2: {  	v1 =	vadd.f32 v7, v1;
	_ =	sdelay $0x1  }
0x1f3: {  	p1 =	seq.s32 s17, $0x1;
	s18 =	sshll.u32 s20, $0x3;
	v1 =	vadd.f32 v1, v4  }
0x1f4: {  	[tilespmem:$0x17530] =	vst v5;
	s20 =	sand.u32 @!p1 $0x1FFFFE00, s18  }
0x1f5: {  	s22 =	simm.s32 @!p1 $0x0;
	s23 =	simm.s32 @!p1 $0x15500;
	s21 =	sadd.s32 @!p1 s5, s20;
	[tilespmem:$0x17570] =	vst v1  }
0x1f6: {  	[hbm4b:s21+s22] =	stream.linear.scatter @!p1 [tilespmem:s23], [sflag:$0x4], $0x800, $0x38;
	[tilespmem:$0x17580] =	vst v63  }
0x1f7: {  	p2 =	seq.s32 @!p1 s17, $0x0;
	s20 =	sadd.s32 @!p1 s6, s20;
	s21 =	simm.s32 @!p1 $0x16500  }
0x1f8: {  	[hbm4b:s20+s22] =	stream.linear.scatter @!p1 [tilespmem:s21], [sflag:$0x4], $0x800, $0x38;
	[tilespmem:$0x17580] =	vst v63  }
0x1f9: {  	p1 =	por p1, !p2  }
0x1fa: {  	s17 =	sadd.s32 @p1 s5, s18;
	s20 =	sadd.s32 @p1 $0x15500, s19  }
0x1fb: {  	[hbm4b:s17+s2] =	stream.linear.scatter @p1 [tilespmem:s20], [sflag:$0x5], $0x800, $0x38;
	[tilespmem:$0x17580] =	vst v63  }
0x1fc: {  	s17 =	sadd.s32 @p1 s6, s18;
	s18 =	sadd.s32 @p1 $0x16500, s19  }
0x1fd: {  	[hbm4b:s17+s2] =	stream.linear.scatter @p1 [tilespmem:s18], [sflag:$0x5], $0x800, $0x38;
	[tilespmem:$0x17580] =	vst v63  }
0x1fe: {  	p1 =	sne.s32 s16, $0x8  }
.Ltmp6:
0x1ff: {  	_ = 	snop;
	(pc) =	sbr.rel @p1 .LBB2_2-.Ltmp6, $2  }
0x200: {  	_ =	sdelay $0x2  }
0x201: {  	p0 =	por !p0, !p0;
	s18 =	smov.u32 s16  }
0x202: {  	_ =	swait.ge [sflag:s29], $0x800  }
0x203: {  	[sflag:s29] =	ssyncset.done $0x0  }
0x204: {  	[sflag:s29] =	ssyncadd.s32 $0xFFFFF800  }
0x205: {  	_ =	swait.ge [sflag:s29], $0x800  }
0x206: {  	[sflag:s29] =	ssyncset.done $0x0  }
0x207: {  	[sflag:s29] =	ssyncadd.s32 $0xFFFFF800  }
0x208: {  	_ =	swait.ge [sflag:s30], $0x800  }
0x209: {  	[sflag:s30] =	ssyncset.done $0x0  }
0x20a: {  	[sflag:s30] =	ssyncadd.s32 $0xFFFFF800  }
0x20b: {  	s1 =	sadd.s32 $0x1, s1;
	_ =	swait.ge [sflag:s30], $0x800  }
0x20c: {  	p0 =	sne.s32 s1, s13;
	[sflag:s30] =	ssyncset.done $0x0  }
.Ltmp7:
0x20d: {  	[sflag:s30] =	ssyncadd.s32 $0xFFFFF800;
	(pc) =	sbr.rel @p0 .LBB2_1-.Ltmp7, $4  }
0x20e: {  	[hbm4b:s12+s2] =	stream.linear.scatter [tilespmem:s31], [sflag:$0x6], $0x80, $0x38;
	[tilespmem:$0x17580] =	vst v63  }
0x20f: {  	_ =	swait.ge [sflag:s0], $0x80  }
0x210: {  	[sflag:s0] =	ssyncset.done $0x0  }
0x211: {  	[sflag:s0] =	ssyncadd.s32 $0xFFFFFF80  }
0x212: {  	_ =	sfence.sel $0x180000  }
0x213: {  	[bflag:$0x0] =	sbarrier.arrive $0xFFFF  }
0x214: {  	_ =	strace $0x90000047  }
0x215: {  	s0 =	stileid.u32;
	[bflag:$0x2] =	sbarrier.arrive $0xFFFF  }
0x216: {  	p0 =	sne.s32 s0, $0x0;
	s0 =	rddreg [dreg:$0x1]  }
0x217: {  	s0 =	sadd.s32 @!p0 $0x100000, s0  }
0x218: {  	[sflag:s0] =	ssyncadd.tile.s32 @!p0 $0x1;
	_ =	shalt  }
.Lfunc_end2:
_tile_overlayer_lowered:
.L_overlay_start_2:
0x219: {  	(tag) =	ssettag $0x2  }
0x21a: {  	s0 =	rddreg [dreg:$0x0];
	s2 =	stileid.u32  }
0x21b: {  	s1 =	rddreg [dreg:$0x1];
	p0 =	sne.s32 s2, $0x0  }
0x21c: {  	s3 =	rddreg [dreg:$0x2];
	[bflag:$0x3] =	sbarrier.arrive $0xFFFF;
	s2 =	simm.s32 @!p0 $0x1C06  }
0x21d: {  	[timem:s3], [sflag:s2] =	dma.local @!p0 [hbm:s0], s1  }
0x21e: {  	s0 =	simm.s32 @!p0 $0x6  }
0x21f: {  	_ =	swait.ge @!p0 [sflag:s0], s1  }
0x220: {  	s1 =	ssub.s32 @!p0 $0x0, s1;
	[sflag:s0] =	ssyncset.done @!p0 $0x0  }
0x221: {  	[sflag:s0] =	ssyncadd.s32 @!p0 s1  }
0x222: {  	[bflag:$0x3] =	sbarrier.arrive $0xFFFF  }
0x223: {  	_ =	shalt  }

</sc_bundles>
